<compile_context>
chip_gen: v7x
topology: tpu7x:2x2x1
jax: 0.10.2.dev20260603
libtpu: 0.0.44.dev20260713+nightly
codegen_flags: <defaults>
</compile_context>

<pallas_src>
import jax
import jax.numpy as jnp
from jax import lax
from jax.experimental import pallas as pl
from jax.experimental.pallas import tpu as pltpu
from jax.experimental.pallas import tpu_sc as plsc

NC = 2
NS = 16
NW = NC * NS

ROWS = 16384
COLS = 100
ROWS_W = ROWS // NW
CHUNK = 64
NCHUNK = ROWS_W // CHUNK


def _body(x_hbm, lookup_hbm, out_hbm, idx_v, vals_v, sem):
    wid = lax.axis_index("s") * NC + lax.axis_index("c")
    base = wid * ROWS_W
    pltpu.sync_copy(x_hbm.at[pl.ds(base, ROWS_W)], idx_v)

    def fire(c):
        for j in range(CHUNK):
            r = c * CHUNK + j
            pltpu.async_copy(lookup_hbm.at[idx_v.at[r]], vals_v.at[r], sem)

    def drain(c):
        for j in range(CHUNK):
            r = c * CHUNK + j
            pltpu.make_async_copy(lookup_hbm.at[idx_v.at[r]], vals_v.at[r],
                                  sem).wait()

    fire(0)

    def step(c, _):
        fire(c)
        drain(c - 1)
        return _

    lax.fori_loop(1, NCHUNK, step, 0)
    drain(NCHUNK - 1)
    pltpu.sync_copy(vals_v, out_hbm.at[pl.ds(base, ROWS_W)])


@jax.jit
def _gather(x, lookup):
    mesh = plsc.VectorSubcoreMesh(core_axis_name="c", subcore_axis_name="s")
    return pl.kernel(
        _body,
        mesh=mesh,
        out_type=jax.ShapeDtypeStruct((ROWS, COLS), jnp.int32),
        scratch_types=[
            pltpu.VMEM((ROWS_W, COLS), jnp.int32),
            pltpu.VMEM((ROWS_W, COLS), jnp.int32),
            pltpu.SemaphoreType.DMA,
        ],
    )(x, lookup)


def kernel(x, lookup):
    return _gather(x, lookup)

# --- scband reference (transcript-rebuilt; emitter-appended) ---
"""Pipeline reference for scband-int-count-lookup-29506425324229 (READ-ONLY COPY).

The authoritative reference and input builder live on the scoring server;
editing this copy changes nothing except your own understanding.
"""

import jax, jax.numpy as jnp
import numpy as np

VOCAB = 1000000
KEY_MIN = 0
KEY_MAX = VOCAB - 1
BATCH = 16384
FIELDS = 100


def setup_inputs(seed: int = 0) -> dict:
    key = jax.random.key(seed)
    k1, k2 = jax.random.split(key)
    # forward arg: integer keys to look up
    x = jax.random.randint(k1, (BATCH, FIELDS), 0, VOCAB)
    # module state: dense-ified count lookup table (built by apply_stats),
    # indexed by (key - key_min). Counts are nonnegative ints.
    lookup = jax.random.randint(k2, (VOCAB,), 0, 100000)
    return {"x": x, "lookup": lookup}


def reference(x, lookup):
    # out = zeros_like(x); out[mask] = lookup[x[mask] - key_min]
    mask = (x >= KEY_MIN) & (x <= KEY_MAX)
    idx = jnp.clip(x - KEY_MIN, 0, lookup.shape[0] - 1)
    vals = jnp.take(lookup, idx, axis=0)
    out = jnp.where(mask, vals, jnp.zeros((), dtype=lookup.dtype))
    return out

if __name__ == "__main__":
    import jax
    _d = setup_inputs()
    print(jax.jit(kernel)(*tuple(_d.values())))

</pallas_src>

<mosaic_0001>
#map = affine_map<(d0, d1) -> (0, 0)>
#map1 = affine_map<(d0, d1) -> (0)>
module attributes {stable_mosaic.version = 14 : i64} {
  func.func @_body(%arg0: i32, %arg1: i32, %arg2: memref<16384x100xi32, #tpu.memory_space<hbm>>, %arg3: memref<1000000xi32, #tpu.memory_space<hbm>>, %arg4: memref<16384x100xi32, #tpu.memory_space<hbm>>, %arg5: memref<512x100xi32, #tpu.memory_space<vmem>>, %arg6: memref<512x100xi32, #tpu.memory_space<vmem>>, %arg7: memref<!tpu.dma_semaphore, #tpu.memory_space<semaphore_mem>>) attributes {dimension_semantics = [#tpu.dimension_semantics<core_parallel>, #tpu.dimension_semantics<subcore_parallel>], iteration_bounds = array<i64: 2, 16>, scalar_prefetch = 0 : i64, scratch_operands = 3 : i64, tpu.core_type = #tpu.core_type<sc_vector_subcore>, window_params = [{transform_indices = #map}, {transform_indices = #map1}, {transform_indices = #map}]} {
    %mul3A = arith.constant 2 : i32
    %mul3A_0 = arith.muli %arg1, %mul3A : i32
    %add3A = arith.addi %mul3A_0, %arg0 : i32
    %mul3A_1 = arith.constant 512 : i32
    %mul3A_2 = arith.muli %add3A, %mul3A_1 : i32
    "tpu.region"() ({
      %run_scoped3A = tpu.sem_alloc : memref<!tpu.dma_semaphore, #tpu.memory_space<semaphore_mem>>
      %dma_start3A_1286 = arith.constant 0 : i32
      %dma_start3A_1287 = tpu.memref_slice %arg2[%mul3A_2, %dma_start3A_1286] : memref<16384x100xi32, #tpu.memory_space<hbm>> -> memref<512x100xi32, #tpu.memory_space<hbm>>
      %dma_start3A_1288 = arith.constant 0 : i32
      %dma_start3A_1289 = tpu.memref_slice %arg2[%mul3A_2, %dma_start3A_1288] : memref<16384x100xi32, #tpu.memory_space<hbm>> -> memref<512x100xi32, #tpu.memory_space<hbm>>
      tpu.enqueue_dma source(%dma_start3A_1289 : memref<512x100xi32, #tpu.memory_space<hbm>>) target(%arg5 : memref<512x100xi32, #tpu.memory_space<vmem>>) target_semaphore(%run_scoped3A : memref<!tpu.dma_semaphore, #tpu.memory_space<semaphore_mem>>)
      %dma_wait3A_1290 = arith.constant 0 : i32
      %dma_wait3A_1291 = tpu.memref_slice %arg2[%mul3A_2, %dma_wait3A_1290] : memref<16384x100xi32, #tpu.memory_space<hbm>> -> memref<512x100xi32, #tpu.memory_space<hbm>>
      %dma_wait3A_1292 = arith.constant 0 : i32
      %dma_wait3A_1293 = tpu.memref_slice %arg2[%mul3A_2, %dma_wait3A_1292] : memref<16384x100xi32, #tpu.memory_space<hbm>> -> memref<512x100xi32, #tpu.memory_space<hbm>>
      tpu.wait_dma2 semaphore(%run_scoped3A : memref<!tpu.dma_semaphore, #tpu.memory_space<semaphore_mem>>) src(%dma_wait3A_1293 : memref<512x100xi32, #tpu.memory_space<hbm>>) dst(%arg5 : memref<512x100xi32, #tpu.memory_space<vmem>>)
      tpu.yield
    }) : () -> ()
    %dma_start3A = arith.constant 0 : i32
    %dma_start3A_3 = arith.constant 0 : i32
    %dma_start3A_4 = arith.constant 0 : i32
    %dma_start3A_5 = tpu.memref_slice %arg6[%dma_start3A_3, %dma_start3A_4] : memref<512x100xi32, #tpu.memory_space<vmem>> -> memref<1x100xi32, #tpu.memory_space<vmem>>
    %dma_start3A_6 = tpu.memref_squeeze %dma_start3A_5 : memref<1x100xi32, #tpu.memory_space<vmem>> -> memref<100xi32, #tpu.memory_space<vmem>>
    %dma_start3A_7 = arith.constant 0 : i32
    %dma_start3A_8 = tpu.memref_slice %arg5[%dma_start3A, %dma_start3A_7] : memref<512x100xi32, #tpu.memory_space<vmem>> -> memref<1x100xi32, #tpu.memory_space<vmem>>
    %dma_start3A_9 = tpu.memref_squeeze %dma_start3A_8 : memref<1x100xi32, #tpu.memory_space<vmem>> -> memref<100xi32, #tpu.memory_space<vmem>>
    %dma_start3A_10 = arith.constant 0 : i32
    %dma_start3A_11 = tpu.memref_slice %arg3[%dma_start3A_10] : memref<1000000xi32, #tpu.memory_space<hbm>> -> memref<1000000xi32, #tpu.memory_space<hbm>>
    tpu.enqueue_indirect_dma source(%dma_start3A_11 : memref<1000000xi32, #tpu.memory_space<hbm>>) target(%dma_start3A_6 : memref<100xi32, #tpu.memory_space<vmem>>) offsets(%dma_start3A_9 : memref<100xi32, #tpu.memory_space<vmem>>) semaphore(%arg7 : memref<!tpu.dma_semaphore, #tpu.memory_space<semaphore_mem>>)
    %dma_start3A_12 = arith.constant 1 : i32
    %dma_start3A_13 = arith.constant 1 : i32
    %dma_start3A_14 = arith.constant 0 : i32
    %dma_start3A_15 = tpu.memref_slice %arg6[%dma_start3A_13, %dma_start3A_14] : memref<512x100xi32, #tpu.memory_space<vmem>> -> memref<1x100xi32, #tpu.memory_space<vmem>>
    %dma_start3A_16 = tpu.memref_squeeze %dma_start3A_15 : memref<1x100xi32, #tpu.memory_space<vmem>> -> memref<100xi32, #tpu.memory_space<vmem>>
    %dma_start3A_17 = arith.constant 0 : i32
    %dma_start3A_18 = tpu.memref_slice %arg5[%dma_start3A_12, %dma_start3A_17] : memref<512x100xi32, #tpu.memory_space<vmem>> -> memref<1x100xi32, #tpu.memory_space<vmem>>
    %dma_start3A_19 = tpu.memref_squeeze %dma_start3A_18 : memref<1x100xi32, #tpu.memory_space<vmem>> -> memref<100xi32, #tpu.memory_space<vmem>>
    %dma_start3A_20 = arith.constant 0 : i32
    %dma_start3A_21 = tpu.memref_slice %arg3[%dma_start3A_20] : memref<1000000xi32, #tpu.memory_space<hbm>> -> memref<1000000xi32, #tpu.memory_space<hbm>>
    tpu.enqueue_indirect_dma source(%dma_start3A_21 : memref<1000000xi32, #tpu.memory_space<hbm>>) target(%dma_start3A_16 : memref<100xi32, #tpu.memory_space<vmem>>) offsets(%dma_start3A_19 : memref<100xi32, #tpu.memory_space<vmem>>) semaphore(%arg7 : memref<!tpu.dma_semaphore, #tpu.memory_space<semaphore_mem>>)
    %dma_start3A_22 = arith.constant 2 : i32
    %dma_start3A_23 = arith.constant 2 : i32
    %dma_start3A_24 = arith.constant 0 : i32
    %dma_start3A_25 = tpu.memref_slice %arg6[%dma_start3A_23, %dma_start3A_24] : memref<512x100xi32, #tpu.memory_space<vmem>> -> memref<1x100xi32, #tpu.memory_space<vmem>>
    %dma_start3A_26 = tpu.memref_squeeze %dma_start3A_25 : memref<1x100xi32, #tpu.memory_space<vmem>> -> memref<100xi32, #tpu.memory_space<vmem>>
    %dma_start3A_27 = arith.constant 0 : i32
    %dma_start3A_28 = tpu.memref_slice %arg5[%dma_start3A_22, %dma_start3A_27] : memref<512x100xi32, #tpu.memory_space<vmem>> -> memref<1x100xi32, #tpu.memory_space<vmem>>
    %dma_start3A_29 = tpu.memref_squeeze %dma_start3A_28 : memref<1x100xi32, #tpu.memory_space<vmem>> -> memref<100xi32, #tpu.memory_space<vmem>>
    %dma_start3A_30 = arith.constant 0 : i32
    %dma_start3A_31 = tpu.memref_slice %arg3[%dma_start3A_30] : memref<1000000xi32, #tpu.memory_space<hbm>> -> memref<1000000xi32, #tpu.memory_space<hbm>>
    tpu.enqueue_indirect_dma source(%dma_start3A_31 : memref<1000000xi32, #tpu.memory_space<hbm>>) target(%dma_start3A_26 : memref<100xi32, #tpu.memory_space<vmem>>) offsets(%dma_start3A_29 : memref<100xi32, #tpu.memory_space<vmem>>) semaphore(%arg7 : memref<!tpu.dma_semaphore, #tpu.memory_space<semaphore_mem>>)
    %dma_start3A_32 = arith.constant 3 : i32
    %dma_start3A_33 = arith.constant 3 : i32
    %dma_start3A_34 = arith.constant 0 : i32
    %dma_start3A_35 = tpu.memref_slice %arg6[%dma_start3A_33, %dma_start3A_34] : memref<512x100xi32, #tpu.memory_space<vmem>> -> memref<1x100xi32, #tpu.memory_space<vmem>>
    %dma_start3A_36 = tpu.memref_squeeze %dma_start3A_35 : memref<1x100xi32, #tpu.memory_space<vmem>> -> memref<100xi32, #tpu.memory_space<vmem>>
    %dma_start3A_37 = arith.constant 0 : i32
    %dma_start3A_38 = tpu.memref_slice %arg5[%dma_start3A_32, %dma_start3A_37] : memref<512x100xi32, #tpu.memory_space<vmem>> -> memref<1x100xi32, #tpu.memory_space<vmem>>
    %dma_start3A_39 = tpu.memref_squeeze %dma_start3A_38 : memref<1x100xi32, #tpu.memory_space<vmem>> -> memref<100xi32, #tpu.memory_space<vmem>>
    %dma_start3A_40 = arith.constant 0 : i32
    %dma_start3A_41 = tpu.memref_slice %arg3[%dma_start3A_40] : memref<1000000xi32, #tpu.memory_space<hbm>> -> memref<1000000xi32, #tpu.memory_space<hbm>>
    tpu.enqueue_indirect_dma source(%dma_start3A_41 : memref<1000000xi32, #tpu.memory_space<hbm>>) target(%dma_start3A_36 : memref<100xi32, #tpu.memory_space<vmem>>) offsets(%dma_start3A_39 : memref<100xi32, #tpu.memory_space<vmem>>) semaphore(%arg7 : memref<!tpu.dma_semaphore, #tpu.memory_space<semaphore_mem>>)
    %dma_start3A_42 = arith.constant 4 : i32
    %dma_start3A_43 = arith.constant 4 : i32
    %dma_start3A_44 = arith.constant 0 : i32
    %dma_start3A_45 = tpu.memref_slice %arg6[%dma_start3A_43, %dma_start3A_44] : memref<512x100xi32, #tpu.memory_space<vmem>> -> memref<1x100xi32, #tpu.memory_space<vmem>>
    %dma_start3A_46 = tpu.memref_squeeze %dma_start3A_45 : memref<1x100xi32, #tpu.memory_space<vmem>> -> memref<100xi32, #tpu.memory_space<vmem>>
    %dma_start3A_47 = arith.constant 0 : i32
    %dma_start3A_48 = tpu.memref_slice %arg5[%dma_start3A_42, %dma_start3A_47] : memref<512x100xi32, #tpu.memory_space<vmem>> -> memref<1x100xi32, #tpu.memory_space<vmem>>
    %dma_start3A_49 = tpu.memref_squeeze %dma_start3A_48 : memref<1x100xi32, #tpu.memory_space<vmem>> -> memref<100xi32, #tpu.memory_space<vmem>>
    %dma_start3A_50 = arith.constant 0 : i32
    %dma_start3A_51 = tpu.memref_slice %arg3[%dma_start3A_50] : memref<1000000xi32, #tpu.memory_space<hbm>> -> memref<1000000xi32, #tpu.memory_space<hbm>>
    tpu.enqueue_indirect_dma source(%dma_start3A_51 : memref<1000000xi32, #tpu.memory_space<hbm>>) target(%dma_start3A_46 : memref<100xi32, #tpu.memory_space<vmem>>) offsets(%dma_start3A_49 : memref<100xi32, #tpu.memory_space<vmem>>) semaphore(%arg7 : memref<!tpu.dma_semaphore, #tpu.memory_space<semaphore_mem>>)
    %dma_start3A_52 = arith.constant 5 : i32
    %dma_start3A_53 = arith.constant 5 : i32
    %dma_start3A_54 = arith.constant 0 : i32
    %dma_start3A_55 = tpu.memref_slice %arg6[%dma_start3A_53, %dma_start3A_54] : memref<512x100xi32, #tpu.memory_space<vmem>> -> memref<1x100xi32, #tpu.memory_space<vmem>>
    %dma_start3A_56 = tpu.memref_squeeze %dma_start3A_55 : memref<1x100xi32, #tpu.memory_space<vmem>> -> memref<100xi32, #tpu.memory_space<vmem>>
    %dma_start3A_57 = arith.constant 0 : i32
    %dma_start3A_58 = tpu.memref_slice %arg5[%dma_start3A_52, %dma_start3A_57] : memref<512x100xi32, #tpu.memory_space<vmem>> -> memref<1x100xi32, #tpu.memory_space<vmem>>
    %dma_start3A_59 = tpu.memref_squeeze %dma_start3A_58 : memref<1x100xi32, #tpu.memory_space<vmem>> -> memref<100xi32, #tpu.memory_space<vmem>>
    %dma_start3A_60 = arith.constant 0 : i32
    %dma_start3A_61 = tpu.memref_slice %arg3[%dma_start3A_60] : memref<1000000xi32, #tpu.memory_space<hbm>> -> memref<1000000xi32, #tpu.memory_space<hbm>>
    tpu.enqueue_indirect_dma source(%dma_start3A_61 : memref<1000000xi32, #tpu.memory_space<hbm>>) target(%dma_start3A_56 : memref<100xi32, #tpu.memory_space<vmem>>) offsets(%dma_start3A_59 : memref<100xi32, #tpu.memory_space<vmem>>) semaphore(%arg7 : memref<!tpu.dma_semaphore, #tpu.memory_space<semaphore_mem>>)
    %dma_start3A_62 = arith.constant 6 : i32
    %dma_start3A_63 = arith.constant 6 : i32
    %dma_start3A_64 = arith.constant 0 : i32
    %dma_start3A_65 = tpu.memref_slice %arg6[%dma_start3A_63, %dma_start3A_64] : memref<512x100xi32, #tpu.memory_space<vmem>> -> memref<1x100xi32, #tpu.memory_space<vmem>>
    %dma_start3A_66 = tpu.memref_squeeze %dma_start3A_65 : memref<1x100xi32, #tpu.memory_space<vmem>> -> memref<100xi32, #tpu.memory_space<vmem>>
    %dma_start3A_67 = arith.constant 0 : i32
    %dma_start3A_68 = tpu.memref_slice %arg5[%dma_start3A_62, %dma_start3A_67] : memref<512x100xi32, #tpu.memory_space<vmem>> -> memref<1x100xi32, #tpu.memory_space<vmem>>
    %dma_start3A_69 = tpu.memref_squeeze %dma_start3A_68 : memref<1x100xi32, #tpu.memory_space<vmem>> -> memref<100xi32, #tpu.memory_space<vmem>>
    %dma_start3A_70 = arith.constant 0 : i32
    %dma_start3A_71 = tpu.memref_slice %arg3[%dma_start3A_70] : memref<1000000xi32, #tpu.memory_space<hbm>> -> memref<1000000xi32, #tpu.memory_space<hbm>>
    tpu.enqueue_indirect_dma source(%dma_start3A_71 : memref<1000000xi32, #tpu.memory_space<hbm>>) target(%dma_start3A_66 : memref<100xi32, #tpu.memory_space<vmem>>) offsets(%dma_start3A_69 : memref<100xi32, #tpu.memory_space<vmem>>) semaphore(%arg7 : memref<!tpu.dma_semaphore, #tpu.memory_space<semaphore_mem>>)
    %dma_start3A_72 = arith.constant 7 : i32
    %dma_start3A_73 = arith.constant 7 : i32
    %dma_start3A_74 = arith.constant 0 : i32
    %dma_start3A_75 = tpu.memref_slice %arg6[%dma_start3A_73, %dma_start3A_74] : memref<512x100xi32, #tpu.memory_space<vmem>> -> memref<1x100xi32, #tpu.memory_space<vmem>>
    %dma_start3A_76 = tpu.memref_squeeze %dma_start3A_75 : memref<1x100xi32, #tpu.memory_space<vmem>> -> memref<100xi32, #tpu.memory_space<vmem>>
    %dma_start3A_77 = arith.constant 0 : i32
    %dma_start3A_78 = tpu.memref_slice %arg5[%dma_start3A_72, %dma_start3A_77] : memref<512x100xi32, #tpu.memory_space<vmem>> -> memref<1x100xi32, #tpu.memory_space<vmem>>
    %dma_start3A_79 = tpu.memref_squeeze %dma_start3A_78 : memref<1x100xi32, #tpu.memory_space<vmem>> -> memref<100xi32, #tpu.memory_space<vmem>>
    %dma_start3A_80 = arith.constant 0 : i32
    %dma_start3A_81 = tpu.memref_slice %arg3[%dma_start3A_80] : memref<1000000xi32, #tpu.memory_space<hbm>> -> memref<1000000xi32, #tpu.memory_space<hbm>>
    tpu.enqueue_indirect_dma source(%dma_start3A_81 : memref<1000000xi32, #tpu.memory_space<hbm>>) target(%dma_start3A_76 : memref<100xi32, #tpu.memory_space<vmem>>) offsets(%dma_start3A_79 : memref<100xi32, #tpu.memory_space<vmem>>) semaphore(%arg7 : memref<!tpu.dma_semaphore, #tpu.memory_space<semaphore_mem>>)
    %dma_start3A_82 = arith.constant 8 : i32
    %dma_start3A_83 = arith.constant 8 : i32
    %dma_start3A_84 = arith.constant 0 : i32
    %dma_start3A_85 = tpu.memref_slice %arg6[%dma_start3A_83, %dma_start3A_84] : memref<512x100xi32, #tpu.memory_space<vmem>> -> memref<1x100xi32, #tpu.memory_space<vmem>>
    %dma_start3A_86 = tpu.memref_squeeze %dma_start3A_85 : memref<1x100xi32, #tpu.memory_space<vmem>> -> memref<100xi32, #tpu.memory_space<vmem>>
    %dma_start3A_87 = arith.constant 0 : i32
    %dma_start3A_88 = tpu.memref_slice %arg5[%dma_start3A_82, %dma_start3A_87] : memref<512x100xi32, #tpu.memory_space<vmem>> -> memref<1x100xi32, #tpu.memory_space<vmem>>
    %dma_start3A_89 = tpu.memref_squeeze %dma_start3A_88 : memref<1x100xi32, #tpu.memory_space<vmem>> -> memref<100xi32, #tpu.memory_space<vmem>>
    %dma_start3A_90 = arith.constant 0 : i32
    %dma_start3A_91 = tpu.memref_slice %arg3[%dma_start3A_90] : memref<1000000xi32, #tpu.memory_space<hbm>> -> memref<1000000xi32, #tpu.memory_space<hbm>>
    tpu.enqueue_indirect_dma source(%dma_start3A_91 : memref<1000000xi32, #tpu.memory_space<hbm>>) target(%dma_start3A_86 : memref<100xi32, #tpu.memory_space<vmem>>) offsets(%dma_start3A_89 : memref<100xi32, #tpu.memory_space<vmem>>) semaphore(%arg7 : memref<!tpu.dma_semaphore, #tpu.memory_space<semaphore_mem>>)
    %dma_start3A_92 = arith.constant 9 : i32
    %dma_start3A_93 = arith.constant 9 : i32
    %dma_start3A_94 = arith.constant 0 : i32
    %dma_start3A_95 = tpu.memref_slice %arg6[%dma_start3A_93, %dma_start3A_94] : memref<512x100xi32, #tpu.memory_space<vmem>> -> memref<1x100xi32, #tpu.memory_space<vmem>>
    %dma_start3A_96 = tpu.memref_squeeze %dma_start3A_95 : memref<1x100xi32, #tpu.memory_space<vmem>> -> memref<100xi32, #tpu.memory_space<vmem>>
    %dma_start3A_97 = arith.constant 0 : i32
    %dma_start3A_98 = tpu.memref_slice %arg5[%dma_start3A_92, %dma_start3A_97] : memref<512x100xi32, #tpu.memory_space<vmem>> -> memref<1x100xi32, #tpu.memory_space<vmem>>
    %dma_start3A_99 = tpu.memref_squeeze %dma_start3A_98 : memref<1x100xi32, #tpu.memory_space<vmem>> -> memref<100xi32, #tpu.memory_space<vmem>>
    %dma_start3A_100 = arith.constant 0 : i32
    %dma_start3A_101 = tpu.memref_slice %arg3[%dma_start3A_100] : memref<1000000xi32, #tpu.memory_space<hbm>> -> memref<1000000xi32, #tpu.memory_space<hbm>>
    tpu.enqueue_indirect_dma source(%dma_start3A_101 : memref<1000000xi32, #tpu.memory_space<hbm>>) target(%dma_start3A_96 : memref<100xi32, #tpu.memory_space<vmem>>) offsets(%dma_start3A_99 : memref<100xi32, #tpu.memory_space<vmem>>) semaphore(%arg7 : memref<!tpu.dma_semaphore, #tpu.memory_space<semaphore_mem>>)
    %dma_start3A_102 = arith.constant 10 : i32
    %dma_start3A_103 = arith.constant 10 : i32
    %dma_start3A_104 = arith.constant 0 : i32
    %dma_start3A_105 = tpu.memref_slice %arg6[%dma_start3A_103, %dma_start3A_104] : memref<512x100xi32, #tpu.memory_space<vmem>> -> memref<1x100xi32, #tpu.memory_space<vmem>>
    %dma_start3A_106 = tpu.memref_squeeze %dma_start3A_105 : memref<1x100xi32, #tpu.memory_space<vmem>> -> memref<100xi32, #tpu.memory_space<vmem>>
    %dma_start3A_107 = arith.constant 0 : i32
    %dma_start3A_108 = tpu.memref_slice %arg5[%dma_start3A_102, %dma_start3A_107] : memref<512x100xi32, #tpu.memory_space<vmem>> -> memref<1x100xi32, #tpu.memory_space<vmem>>
    %dma_start3A_109 = tpu.memref_squeeze %dma_start3A_108 : memref<1x100xi32, #tpu.memory_space<vmem>> -> memref<100xi32, #tpu.memory_space<vmem>>
    %dma_start3A_110 = arith.constant 0 : i32
    %dma_start3A_111 = tpu.memref_slice %arg3[%dma_start3A_110] : memref<1000000xi32, #tpu.memory_space<hbm>> -> memref<1000000xi32, #tpu.memory_space<hbm>>
    tpu.enqueue_indirect_dma source(%dma_start3A_111 : memref<1000000xi32, #tpu.memory_space<hbm>>) target(%dma_start3A_106 : memref<100xi32, #tpu.memory_space<vmem>>) offsets(%dma_start3A_109 : memref<100xi32, #tpu.memory_space<vmem>>) semaphore(%arg7 : memref<!tpu.dma_semaphore, #tpu.memory_space<semaphore_mem>>)
    %dma_start3A_112 = arith.constant 11 : i32
    %dma_start3A_113 = arith.constant 11 : i32
    %dma_start3A_114 = arith.constant 0 : i32
    %dma_start3A_115 = tpu.memref_slice %arg6[%dma_start3A_113, %dma_start3A_114] : memref<512x100xi32, #tpu.memory_space<vmem>> -> memref<1x100xi32, #tpu.memory_space<vmem>>
    %dma_start3A_116 = tpu.memref_squeeze %dma_start3A_115 : memref<1x100xi32, #tpu.memory_space<vmem>> -> memref<100xi32, #tpu.memory_space<vmem>>
    %dma_start3A_117 = arith.constant 0 : i32
    %dma_start3A_118 = tpu.memref_slice %arg5[%dma_start3A_112, %dma_start3A_117] : memref<512x100xi32, #tpu.memory_space<vmem>> -> memref<1x100xi32, #tpu.memory_space<vmem>>
    %dma_start3A_119 = tpu.memref_squeeze %dma_start3A_118 : memref<1x100xi32, #tpu.memory_space<vmem>> -> memref<100xi32, #tpu.memory_space<vmem>>
    %dma_start3A_120 = arith.constant 0 : i32
    %dma_start3A_121 = tpu.memref_slice %arg3[%dma_start3A_120] : memref<1000000xi32, #tpu.memory_space<hbm>> -> memref<1000000xi32, #tpu.memory_space<hbm>>
    tpu.enqueue_indirect_dma source(%dma_start3A_121 : memref<1000000xi32, #tpu.memory_space<hbm>>) target(%dma_start3A_116 : memref<100xi32, #tpu.memory_space<vmem>>) offsets(%dma_start3A_119 : memref<100xi32, #tpu.memory_space<vmem>>) semaphore(%arg7 : memref<!tpu.dma_semaphore, #tpu.memory_space<semaphore_mem>>)
    %dma_start3A_122 = arith.constant 12 : i32
    %dma_start3A_123 = arith.constant 12 : i32
    %dma_start3A_124 = arith.constant 0 : i32
    %dma_start3A_125 = tpu.memref_slice %arg6[%dma_start3A_123, %dma_start3A_124] : memref<512x100xi32, #tpu.memory_space<vmem>> -> memref<1x100xi32, #tpu.memory_space<vmem>>
    %dma_start3A_126 = tpu.memref_squeeze %dma_start3A_125 : memref<1x100xi32, #tpu.memory_space<vmem>> -> memref<100xi32, #tpu.memory_space<vmem>>
    %dma_start3A_127 = arith.constant 0 : i32
    %dma_start3A_128 = tpu.memref_slice %arg5[%dma_start3A_122, %dma_start3A_127] : memref<512x100xi32, #tpu.memory_space<vmem>> -> memref<1x100xi32, #tpu.memory_space<vmem>>
    %dma_start3A_129 = tpu.memref_squeeze %dma_start3A_128 : memref<1x100xi32, #tpu.memory_space<vmem>> -> memref<100xi32, #tpu.memory_space<vmem>>
    %dma_start3A_130 = arith.constant 0 : i32
    %dma_start3A_131 = tpu.memref_slice %arg3[%dma_start3A_130] : memref<1000000xi32, #tpu.memory_space<hbm>> -> memref<1000000xi32, #tpu.memory_space<hbm>>
    tpu.enqueue_indirect_dma source(%dma_start3A_131 : memref<1000000xi32, #tpu.memory_space<hbm>>) target(%dma_start3A_126 : memref<100xi32, #tpu.memory_space<vmem>>) offsets(%dma_start3A_129 : memref<100xi32, #tpu.memory_space<vmem>>) semaphore(%arg7 : memref<!tpu.dma_semaphore, #tpu.memory_space<semaphore_mem>>)
    %dma_start3A_132 = arith.constant 13 : i32
    %dma_start3A_133 = arith.constant 13 : i32
    %dma_start3A_134 = arith.constant 0 : i32
    %dma_start3A_135 = tpu.memref_slice %arg6[%dma_start3A_133, %dma_start3A_134] : memref<512x100xi32, #tpu.memory_space<vmem>> -> memref<1x100xi32, #tpu.memory_space<vmem>>
    %dma_start3A_136 = tpu.memref_squeeze %dma_start3A_135 : memref<1x100xi32, #tpu.memory_space<vmem>> -> memref<100xi32, #tpu.memory_space<vmem>>
    %dma_start3A_137 = arith.constant 0 : i32
    %dma_start3A_138 = tpu.memref_slice %arg5[%dma_start3A_132, %dma_start3A_137] : memref<512x100xi32, #tpu.memory_space<vmem>> -> memref<1x100xi32, #tpu.memory_space<vmem>>
    %dma_start3A_139 = tpu.memref_squeeze %dma_start3A_138 : memref<1x100xi32, #tpu.memory_space<vmem>> -> memref<100xi32, #tpu.memory_space<vmem>>
    %dma_start3A_140 = arith.constant 0 : i32
    %dma_start3A_141 = tpu.memref_slice %arg3[%dma_start3A_140] : memref<1000000xi32, #tpu.memory_space<hbm>> -> memref<1000000xi32, #tpu.memory_space<hbm>>
    tpu.enqueue_indirect_dma source(%dma_start3A_141 : memref<1000000xi32, #tpu.memory_space<hbm>>) target(%dma_start3A_136 : memref<100xi32, #tpu.memory_space<vmem>>) offsets(%dma_start3A_139 : memref<100xi32, #tpu.memory_space<vmem>>) semaphore(%arg7 : memref<!tpu.dma_semaphore, #tpu.memory_space<semaphore_mem>>)
    %dma_start3A_142 = arith.constant 14 : i32
    %dma_start3A_143 = arith.constant 14 : i32
    %dma_start3A_144 = arith.constant 0 : i32
    %dma_start3A_145 = tpu.memref_slice %arg6[%dma_start3A_143, %dma_start3A_144] : memref<512x100xi32, #tpu.memory_space<vmem>> -> memref<1x100xi32, #tpu.memory_space<vmem>>
    %dma_start3A_146 = tpu.memref_squeeze %dma_start3A_145 : memref<1x100xi32, #tpu.memory_space<vmem>> -> memref<100xi32, #tpu.memory_space<vmem>>
    %dma_start3A_147 = arith.constant 0 : i32
    %dma_start3A_148 = tpu.memref_slice %arg5[%dma_start3A_142, %dma_start3A_147] : memref<512x100xi32, #tpu.memory_space<vmem>> -> memref<1x100xi32, #tpu.memory_space<vmem>>
    %dma_start3A_149 = tpu.memref_squeeze %dma_start3A_148 : memref<1x100xi32, #tpu.memory_space<vmem>> -> memref<100xi32, #tpu.memory_space<vmem>>
    %dma_start3A_150 = arith.constant 0 : i32
    %dma_start3A_151 = tpu.memref_slice %arg3[%dma_start3A_150] : memref<1000000xi32, #tpu.memory_space<hbm>> -> memref<1000000xi32, #tpu.memory_space<hbm>>
    tpu.enqueue_indirect_dma source(%dma_start3A_151 : memref<1000000xi32, #tpu.memory_space<hbm>>) target(%dma_start3A_146 : memref<100xi32, #tpu.memory_space<vmem>>) offsets(%dma_start3A_149 : memref<100xi32, #tpu.memory_space<vmem>>) semaphore(%arg7 : memref<!tpu.dma_semaphore, #tpu.memory_space<semaphore_mem>>)
    %dma_start3A_152 = arith.constant 15 : i32
    %dma_start3A_153 = arith.constant 15 : i32
    %dma_start3A_154 = arith.constant 0 : i32
    %dma_start3A_155 = tpu.memref_slice %arg6[%dma_start3A_153, %dma_start3A_154] : memref<512x100xi32, #tpu.memory_space<vmem>> -> memref<1x100xi32, #tpu.memory_space<vmem>>
    %dma_start3A_156 = tpu.memref_squeeze %dma_start3A_155 : memref<1x100xi32, #tpu.memory_space<vmem>> -> memref<100xi32, #tpu.memory_space<vmem>>
    %dma_start3A_157 = arith.constant 0 : i32
    %dma_start3A_158 = tpu.memref_slice %arg5[%dma_start3A_152, %dma_start3A_157] : memref<512x100xi32, #tpu.memory_space<vmem>> -> memref<1x100xi32, #tpu.memory_space<vmem>>
    %dma_start3A_159 = tpu.memref_squeeze %dma_start3A_158 : memref<1x100xi32, #tpu.memory_space<vmem>> -> memref<100xi32, #tpu.memory_space<vmem>>
    %dma_start3A_160 = arith.constant 0 : i32
    %dma_start3A_161 = tpu.memref_slice %arg3[%dma_start3A_160] : memref<1000000xi32, #tpu.memory_space<hbm>> -> memref<1000000xi32, #tpu.memory_space<hbm>>
    tpu.enqueue_indirect_dma source(%dma_start3A_161 : memref<1000000xi32, #tpu.memory_space<hbm>>) target(%dma_start3A_156 : memref<100xi32, #tpu.memory_space<vmem>>) offsets(%dma_start3A_159 : memref<100xi32, #tpu.memory_space<vmem>>) semaphore(%arg7 : memref<!tpu.dma_semaphore, #tpu.memory_space<semaphore_mem>>)
    %dma_start3A_162 = arith.constant 16 : i32
    %dma_start3A_163 = arith.constant 16 : i32
    %dma_start3A_164 = arith.constant 0 : i32
    %dma_start3A_165 = tpu.memref_slice %arg6[%dma_start3A_163, %dma_start3A_164] : memref<512x100xi32, #tpu.memory_space<vmem>> -> memref<1x100xi32, #tpu.memory_space<vmem>>
    %dma_start3A_166 = tpu.memref_squeeze %dma_start3A_165 : memref<1x100xi32, #tpu.memory_space<vmem>> -> memref<100xi32, #tpu.memory_space<vmem>>
    %dma_start3A_167 = arith.constant 0 : i32
    %dma_start3A_168 = tpu.memref_slice %arg5[%dma_start3A_162, %dma_start3A_167] : memref<512x100xi32, #tpu.memory_space<vmem>> -> memref<1x100xi32, #tpu.memory_space<vmem>>
    %dma_start3A_169 = tpu.memref_squeeze %dma_start3A_168 : memref<1x100xi32, #tpu.memory_space<vmem>> -> memref<100xi32, #tpu.memory_space<vmem>>
    %dma_start3A_170 = arith.constant 0 : i32
    %dma_start3A_171 = tpu.memref_slice %arg3[%dma_start3A_170] : memref<1000000xi32, #tpu.memory_space<hbm>> -> memref<1000000xi32, #tpu.memory_space<hbm>>
    tpu.enqueue_indirect_dma source(%dma_start3A_171 : memref<1000000xi32, #tpu.memory_space<hbm>>) target(%dma_start3A_166 : memref<100xi32, #tpu.memory_space<vmem>>) offsets(%dma_start3A_169 : memref<100xi32, #tpu.memory_space<vmem>>) semaphore(%arg7 : memref<!tpu.dma_semaphore, #tpu.memory_space<semaphore_mem>>)
    %dma_start3A_172 = arith.constant 17 : i32
    %dma_start3A_173 = arith.constant 17 : i32
    %dma_start3A_174 = arith.constant 0 : i32
    %dma_start3A_175 = tpu.memref_slice %arg6[%dma_start3A_173, %dma_start3A_174] : memref<512x100xi32, #tpu.memory_space<vmem>> -> memref<1x100xi32, #tpu.memory_space<vmem>>
    %dma_start3A_176 = tpu.memref_squeeze %dma_start3A_175 : memref<1x100xi32, #tpu.memory_space<vmem>> -> memref<100xi32, #tpu.memory_space<vmem>>
    %dma_start3A_177 = arith.constant 0 : i32
    %dma_start3A_178 = tpu.memref_slice %arg5[%dma_start3A_172, %dma_start3A_177] : memref<512x100xi32, #tpu.memory_space<vmem>> -> memref<1x100xi32, #tpu.memory_space<vmem>>
    %dma_start3A_179 = tpu.memref_squeeze %dma_start3A_178 : memref<1x100xi32, #tpu.memory_space<vmem>> -> memref<100xi32, #tpu.memory_space<vmem>>
    %dma_start3A_180 = arith.constant 0 : i32
    %dma_start3A_181 = tpu.memref_slice %arg3[%dma_start3A_180] : memref<1000000xi32, #tpu.memory_space<hbm>> -> memref<1000000xi32, #tpu.memory_space<hbm>>
    tpu.enqueue_indirect_dma source(%dma_start3A_181 : memref<1000000xi32, #tpu.memory_space<hbm>>) target(%dma_start3A_176 : memref<100xi32, #tpu.memory_space<vmem>>) offsets(%dma_start3A_179 : memref<100xi32, #tpu.memory_space<vmem>>) semaphore(%arg7 : memref<!tpu.dma_semaphore, #tpu.memory_space<semaphore_mem>>)
    %dma_start3A_182 = arith.constant 18 : i32
    %dma_start3A_183 = arith.constant 18 : i32
    %dma_start3A_184 = arith.constant 0 : i32
    %dma_start3A_185 = tpu.memref_slice %arg6[%dma_start3A_183, %dma_start3A_184] : memref<512x100xi32, #tpu.memory_space<vmem>> -> memref<1x100xi32, #tpu.memory_space<vmem>>
    %dma_start3A_186 = tpu.memref_squeeze %dma_start3A_185 : memref<1x100xi32, #tpu.memory_space<vmem>> -> memref<100xi32, #tpu.memory_space<vmem>>
    %dma_start3A_187 = arith.constant 0 : i32
    %dma_start3A_188 = tpu.memref_slice %arg5[%dma_start3A_182, %dma_start3A_187] : memref<512x100xi32, #tpu.memory_space<vmem>> -> memref<1x100xi32, #tpu.memory_space<vmem>>
    %dma_start3A_189 = tpu.memref_squeeze %dma_start3A_188 : memref<1x100xi32, #tpu.memory_space<vmem>> -> memref<100xi32, #tpu.memory_space<vmem>>
    %dma_start3A_190 = arith.constant 0 : i32
    %dma_start3A_191 = tpu.memref_slice %arg3[%dma_start3A_190] : memref<1000000xi32, #tpu.memory_space<hbm>> -> memref<1000000xi32, #tpu.memory_space<hbm>>
    tpu.enqueue_indirect_dma source(%dma_start3A_191 : memref<1000000xi32, #tpu.memory_space<hbm>>) target(%dma_start3A_186 : memref<100xi32, #tpu.memory_space<vmem>>) offsets(%dma_start3A_189 : memref<100xi32, #tpu.memory_space<vmem>>) semaphore(%arg7 : memref<!tpu.dma_semaphore, #tpu.memory_space<semaphore_mem>>)
    %dma_start3A_192 = arith.constant 19 : i32
    %dma_start3A_193 = arith.constant 19 : i32
    %dma_start3A_194 = arith.constant 0 : i32
    %dma_start3A_195 = tpu.memref_slice %arg6[%dma_start3A_193, %dma_start3A_194] : memref<512x100xi32, #tpu.memory_space<vmem>> -> memref<1x100xi32, #tpu.memory_space<vmem>>
    %dma_start3A_196 = tpu.memref_squeeze %dma_start3A_195 : memref<1x100xi32, #tpu.memory_space<vmem>> -> memref<100xi32, #tpu.memory_space<vmem>>
    %dma_start3A_197 = arith.constant 0 : i32
    %dma_start3A_198 = tpu.memref_slice %arg5[%dma_start3A_192, %dma_start3A_197] : memref<512x100xi32, #tpu.memory_space<vmem>> -> memref<1x100xi32, #tpu.memory_space<vmem>>
    %dma_start3A_199 = tpu.memref_squeeze %dma_start3A_198 : memref<1x100xi32, #tpu.memory_space<vmem>> -> memref<100xi32, #tpu.memory_space<vmem>>
    %dma_start3A_200 = arith.constant 0 : i32
    %dma_start3A_201 = tpu.memref_slice %arg3[%dma_start3A_200] : memref<1000000xi32, #tpu.memory_space<hbm>> -> memref<1000000xi32, #tpu.memory_space<hbm>>
    tpu.enqueue_indirect_dma source(%dma_start3A_201 : memref<1000000xi32, #tpu.memory_space<hbm>>) target(%dma_start3A_196 : memref<100xi32, #tpu.memory_space<vmem>>) offsets(%dma_start3A_199 : memref<100xi32, #tpu.memory_space<vmem>>) semaphore(%arg7 : memref<!tpu.dma_semaphore, #tpu.memory_space<semaphore_mem>>)
    %dma_start3A_202 = arith.constant 20 : i32
    %dma_start3A_203 = arith.constant 20 : i32
    %dma_start3A_204 = arith.constant 0 : i32
    %dma_start3A_205 = tpu.memref_slice %arg6[%dma_start3A_203, %dma_start3A_204] : memref<512x100xi32, #tpu.memory_space<vmem>> -> memref<1x100xi32, #tpu.memory_space<vmem>>
    %dma_start3A_206 = tpu.memref_squeeze %dma_start3A_205 : memref<1x100xi32, #tpu.memory_space<vmem>> -> memref<100xi32, #tpu.memory_space<vmem>>
    %dma_start3A_207 = arith.constant 0 : i32
    %dma_start3A_208 = tpu.memref_slice %arg5[%dma_start3A_202, %dma_start3A_207] : memref<512x100xi32, #tpu.memory_space<vmem>> -> memref<1x100xi32, #tpu.memory_space<vmem>>
    %dma_start3A_209 = tpu.memref_squeeze %dma_start3A_208 : memref<1x100xi32, #tpu.memory_space<vmem>> -> memref<100xi32, #tpu.memory_space<vmem>>
    %dma_start3A_210 = arith.constant 0 : i32
    %dma_start3A_211 = tpu.memref_slice %arg3[%dma_start3A_210] : memref<1000000xi32, #tpu.memory_space<hbm>> -> memref<1000000xi32, #tpu.memory_space<hbm>>
    tpu.enqueue_indirect_dma source(%dma_start3A_211 : memref<1000000xi32, #tpu.memory_space<hbm>>) target(%dma_start3A_206 : memref<100xi32, #tpu.memory_space<vmem>>) offsets(%dma_start3A_209 : memref<100xi32, #tpu.memory_space<vmem>>) semaphore(%arg7 : memref<!tpu.dma_semaphore, #tpu.memory_space<semaphore_mem>>)
    %dma_start3A_212 = arith.constant 21 : i32
    %dma_start3A_213 = arith.constant 21 : i32
    %dma_start3A_214 = arith.constant 0 : i32
    %dma_start3A_215 = tpu.memref_slice %arg6[%dma_start3A_213, %dma_start3A_214] : memref<512x100xi32, #tpu.memory_space<vmem>> -> memref<1x100xi32, #tpu.memory_space<vmem>>
    %dma_start3A_216 = tpu.memref_squeeze %dma_start3A_215 : memref<1x100xi32, #tpu.memory_space<vmem>> -> memref<100xi32, #tpu.memory_space<vmem>>
    %dma_start3A_217 = arith.constant 0 : i32
    %dma_start3A_218 = tpu.memref_slice %arg5[%dma_start3A_212, %dma_start3A_217] : memref<512x100xi32, #tpu.memory_space<vmem>> -> memref<1x100xi32, #tpu.memory_space<vmem>>
    %dma_start3A_219 = tpu.memref_squeeze %dma_start3A_218 : memref<1x100xi32, #tpu.memory_space<vmem>> -> memref<100xi32, #tpu.memory_space<vmem>>
    %dma_start3A_220 = arith.constant 0 : i32
    %dma_start3A_221 = tpu.memref_slice %arg3[%dma_start3A_220] : memref<1000000xi32, #tpu.memory_space<hbm>> -> memref<1000000xi32, #tpu.memory_space<hbm>>
    tpu.enqueue_indirect_dma source(%dma_start3A_221 : memref<1000000xi32, #tpu.memory_space<hbm>>) target(%dma_start3A_216 : memref<100xi32, #tpu.memory_space<vmem>>) offsets(%dma_start3A_219 : memref<100xi32, #tpu.memory_space<vmem>>) semaphore(%arg7 : memref<!tpu.dma_semaphore, #tpu.memory_space<semaphore_mem>>)
    %dma_start3A_222 = arith.constant 22 : i32
    %dma_start3A_223 = arith.constant 22 : i32
    %dma_start3A_224 = arith.constant 0 : i32
    %dma_start3A_225 = tpu.memref_slice %arg6[%dma_start3A_223, %dma_start3A_224] : memref<512x100xi32, #tpu.memory_space<vmem>> -> memref<1x100xi32, #tpu.memory_space<vmem>>
    %dma_start3A_226 = tpu.memref_squeeze %dma_start3A_225 : memref<1x100xi32, #tpu.memory_space<vmem>> -> memref<100xi32, #tpu.memory_space<vmem>>
    %dma_start3A_227 = arith.constant 0 : i32
    %dma_start3A_228 = tpu.memref_slice %arg5[%dma_start3A_222, %dma_start3A_227] : memref<512x100xi32, #tpu.memory_space<vmem>> -> memref<1x100xi32, #tpu.memory_space<vmem>>
    %dma_start3A_229 = tpu.memref_squeeze %dma_start3A_228 : memref<1x100xi32, #tpu.memory_space<vmem>> -> memref<100xi32, #tpu.memory_space<vmem>>
    %dma_start3A_230 = arith.constant 0 : i32
    %dma_start3A_231 = tpu.memref_slice %arg3[%dma_start3A_230] : memref<1000000xi32, #tpu.memory_space<hbm>> -> memref<1000000xi32, #tpu.memory_space<hbm>>
    tpu.enqueue_indirect_dma source(%dma_start3A_231 : memref<1000000xi32, #tpu.memory_space<hbm>>) target(%dma_start3A_226 : memref<100xi32, #tpu.memory_space<vmem>>) offsets(%dma_start3A_229 : memref<100xi32, #tpu.memory_space<vmem>>) semaphore(%arg7 : memref<!tpu.dma_semaphore, #tpu.memory_space<semaphore_mem>>)
    %dma_start3A_232 = arith.constant 23 : i32
    %dma_start3A_233 = arith.constant 23 : i32
    %dma_start3A_234 = arith.constant 0 : i32
    %dma_start3A_235 = tpu.memref_slice %arg6[%dma_start3A_233, %dma_start3A_234] : memref<512x100xi32, #tpu.memory_space<vmem>> -> memref<1x100xi32, #tpu.memory_space<vmem>>
    %dma_start3A_236 = tpu.memref_squeeze %dma_start3A_235 : memref<1x100xi32, #tpu.memory_space<vmem>> -> memref<100xi32, #tpu.memory_space<vmem>>
    %dma_start3A_237 = arith.constant 0 : i32
    %dma_start3A_238 = tpu.memref_slice %arg5[%dma_start3A_232, %dma_start3A_237] : memref<512x100xi32, #tpu.memory_space<vmem>> -> memref<1x100xi32, #tpu.memory_space<vmem>>
    %dma_start3A_239 = tpu.memref_squeeze %dma_start3A_238 : memref<1x100xi32, #tpu.memory_space<vmem>> -> memref<100xi32, #tpu.memory_space<vmem>>
    %dma_start3A_240 = arith.constant 0 : i32
    %dma_start3A_241 = tpu.memref_slice %arg3[%dma_start3A_240] : memref<1000000xi32, #tpu.memory_space<hbm>> -> memref<1000000xi32, #tpu.memory_space<hbm>>
    tpu.enqueue_indirect_dma source(%dma_start3A_241 : memref<1000000xi32, #tpu.memory_space<hbm>>) target(%dma_start3A_236 : memref<100xi32, #tpu.memory_space<vmem>>) offsets(%dma_start3A_239 : memref<100xi32, #tpu.memory_space<vmem>>) semaphore(%arg7 : memref<!tpu.dma_semaphore, #tpu.memory_space<semaphore_mem>>)
    %dma_start3A_242 = arith.constant 24 : i32
    %dma_start3A_243 = arith.constant 24 : i32
    %dma_start3A_244 = arith.constant 0 : i32
    %dma_start3A_245 = tpu.memref_slice %arg6[%dma_start3A_243, %dma_start3A_244] : memref<512x100xi32, #tpu.memory_space<vmem>> -> memref<1x100xi32, #tpu.memory_space<vmem>>
    %dma_start3A_246 = tpu.memref_squeeze %dma_start3A_245 : memref<1x100xi32, #tpu.memory_space<vmem>> -> memref<100xi32, #tpu.memory_space<vmem>>
    %dma_start3A_247 = arith.constant 0 : i32
    %dma_start3A_248 = tpu.memref_slice %arg5[%dma_start3A_242, %dma_start3A_247] : memref<512x100xi32, #tpu.memory_space<vmem>> -> memref<1x100xi32, #tpu.memory_space<vmem>>
    %dma_start3A_249 = tpu.memref_squeeze %dma_start3A_248 : memref<1x100xi32, #tpu.memory_space<vmem>> -> memref<100xi32, #tpu.memory_space<vmem>>
    %dma_start3A_250 = arith.constant 0 : i32
    %dma_start3A_251 = tpu.memref_slice %arg3[%dma_start3A_250] : memref<1000000xi32, #tpu.memory_space<hbm>> -> memref<1000000xi32, #tpu.memory_space<hbm>>
    tpu.enqueue_indirect_dma source(%dma_start3A_251 : memref<1000000xi32, #tpu.memory_space<hbm>>) target(%dma_start3A_246 : memref<100xi32, #tpu.memory_space<vmem>>) offsets(%dma_start3A_249 : memref<100xi32, #tpu.memory_space<vmem>>) semaphore(%arg7 : memref<!tpu.dma_semaphore, #tpu.memory_space<semaphore_mem>>)
    %dma_start3A_252 = arith.constant 25 : i32
    %dma_start3A_253 = arith.constant 25 : i32
    %dma_start3A_254 = arith.constant 0 : i32
    %dma_start3A_255 = tpu.memref_slice %arg6[%dma_start3A_253, %dma_start3A_254] : memref<512x100xi32, #tpu.memory_space<vmem>> -> memref<1x100xi32, #tpu.memory_space<vmem>>
    %dma_start3A_256 = tpu.memref_squeeze %dma_start3A_255 : memref<1x100xi32, #tpu.memory_space<vmem>> -> memref<100xi32, #tpu.memory_space<vmem>>
    %dma_start3A_257 = arith.constant 0 : i32
    %dma_start3A_258 = tpu.memref_slice %arg5[%dma_start3A_252, %dma_start3A_257] : memref<512x100xi32, #tpu.memory_space<vmem>> -> memref<1x100xi32, #tpu.memory_space<vmem>>
    %dma_start3A_259 = tpu.memref_squeeze %dma_start3A_258 : memref<1x100xi32, #tpu.memory_space<vmem>> -> memref<100xi32, #tpu.memory_space<vmem>>
    %dma_start3A_260 = arith.constant 0 : i32
    %dma_start3A_261 = tpu.memref_slice %arg3[%dma_start3A_260] : memref<1000000xi32, #tpu.memory_space<hbm>> -> memref<1000000xi32, #tpu.memory_space<hbm>>
    tpu.enqueue_indirect_dma source(%dma_start3A_261 : memref<1000000xi32, #tpu.memory_space<hbm>>) target(%dma_start3A_256 : memref<100xi32, #tpu.memory_space<vmem>>) offsets(%dma_start3A_259 : memref<100xi32, #tpu.memory_space<vmem>>) semaphore(%arg7 : memref<!tpu.dma_semaphore, #tpu.memory_space<semaphore_mem>>)
    %dma_start3A_262 = arith.constant 26 : i32
    %dma_start3A_263 = arith.constant 26 : i32
    %dma_start3A_264 = arith.constant 0 : i32
    %dma_start3A_265 = tpu.memref_slice %arg6[%dma_start3A_263, %dma_start3A_264] : memref<512x100xi32, #tpu.memory_space<vmem>> -> memref<1x100xi32, #tpu.memory_space<vmem>>
    %dma_start3A_266 = tpu.memref_squeeze %dma_start3A_265 : memref<1x100xi32, #tpu.memory_space<vmem>> -> memref<100xi32, #tpu.memory_space<vmem>>
    %dma_start3A_267 = arith.constant 0 : i32
    %dma_start3A_268 = tpu.memref_slice %arg5[%dma_start3A_262, %dma_start3A_267] : memref<512x100xi32, #tpu.memory_space<vmem>> -> memref<1x100xi32, #tpu.memory_space<vmem>>
    %dma_start3A_269 = tpu.memref_squeeze %dma_start3A_268 : memref<1x100xi32, #tpu.memory_space<vmem>> -> memref<100xi32, #tpu.memory_space<vmem>>
    %dma_start3A_270 = arith.constant 0 : i32
    %dma_start3A_271 = tpu.memref_slice %arg3[%dma_start3A_270] : memref<1000000xi32, #tpu.memory_space<hbm>> -> memref<1000000xi32, #tpu.memory_space<hbm>>
    tpu.enqueue_indirect_dma source(%dma_start3A_271 : memref<1000000xi32, #tpu.memory_space<hbm>>) target(%dma_start3A_266 : memref<100xi32, #tpu.memory_space<vmem>>) offsets(%dma_start3A_269 : memref<100xi32, #tpu.memory_space<vmem>>) semaphore(%arg7 : memref<!tpu.dma_semaphore, #tpu.memory_space<semaphore_mem>>)
    %dma_start3A_272 = arith.constant 27 : i32
    %dma_start3A_273 = arith.constant 27 : i32
    %dma_start3A_274 = arith.constant 0 : i32
    %dma_start3A_275 = tpu.memref_slice %arg6[%dma_start3A_273, %dma_start3A_274] : memref<512x100xi32, #tpu.memory_space<vmem>> -> memref<1x100xi32, #tpu.memory_space<vmem>>
    %dma_start3A_276 = tpu.memref_squeeze %dma_start3A_275 : memref<1x100xi32, #tpu.memory_space<vmem>> -> memref<100xi32, #tpu.memory_space<vmem>>
    %dma_start3A_277 = arith.constant 0 : i32
    %dma_start3A_278 = tpu.memref_slice %arg5[%dma_start3A_272, %dma_start3A_277] : memref<512x100xi32, #tpu.memory_space<vmem>> -> memref<1x100xi32, #tpu.memory_space<vmem>>
    %dma_start3A_279 = tpu.memref_squeeze %dma_start3A_278 : memref<1x100xi32, #tpu.memory_space<vmem>> -> memref<100xi32, #tpu.memory_space<vmem>>
    %dma_start3A_280 = arith.constant 0 : i32
    %dma_start3A_281 = tpu.memref_slice %arg3[%dma_start3A_280] : memref<1000000xi32, #tpu.memory_space<hbm>> -> memref<1000000xi32, #tpu.memory_space<hbm>>
    tpu.enqueue_indirect_dma source(%dma_start3A_281 : memref<1000000xi32, #tpu.memory_space<hbm>>) target(%dma_start3A_276 : memref<100xi32, #tpu.memory_space<vmem>>) offsets(%dma_start3A_279 : memref<100xi32, #tpu.memory_space<vmem>>) semaphore(%arg7 : memref<!tpu.dma_semaphore, #tpu.memory_space<semaphore_mem>>)
    %dma_start3A_282 = arith.constant 28 : i32
    %dma_start3A_283 = arith.constant 28 : i32
    %dma_start3A_284 = arith.constant 0 : i32
    %dma_start3A_285 = tpu.memref_slice %arg6[%dma_start3A_283, %dma_start3A_284] : memref<512x100xi32, #tpu.memory_space<vmem>> -> memref<1x100xi32, #tpu.memory_space<vmem>>
    %dma_start3A_286 = tpu.memref_squeeze %dma_start3A_285 : memref<1x100xi32, #tpu.memory_space<vmem>> -> memref<100xi32, #tpu.memory_space<vmem>>
    %dma_start3A_287 = arith.constant 0 : i32
    %dma_start3A_288 = tpu.memref_slice %arg5[%dma_start3A_282, %dma_start3A_287] : memref<512x100xi32, #tpu.memory_space<vmem>> -> memref<1x100xi32, #tpu.memory_space<vmem>>
    %dma_start3A_289 = tpu.memref_squeeze %dma_start3A_288 : memref<1x100xi32, #tpu.memory_space<vmem>> -> memref<100xi32, #tpu.memory_space<vmem>>
    %dma_start3A_290 = arith.constant 0 : i32
    %dma_start3A_291 = tpu.memref_slice %arg3[%dma_start3A_290] : memref<1000000xi32, #tpu.memory_space<hbm>> -> memref<1000000xi32, #tpu.memory_space<hbm>>
    tpu.enqueue_indirect_dma source(%dma_start3A_291 : memref<1000000xi32, #tpu.memory_space<hbm>>) target(%dma_start3A_286 : memref<100xi32, #tpu.memory_space<vmem>>) offsets(%dma_start3A_289 : memref<100xi32, #tpu.memory_space<vmem>>) semaphore(%arg7 : memref<!tpu.dma_semaphore, #tpu.memory_space<semaphore_mem>>)
    %dma_start3A_292 = arith.constant 29 : i32
    %dma_start3A_293 = arith.constant 29 : i32
    %dma_start3A_294 = arith.constant 0 : i32
    %dma_start3A_295 = tpu.memref_slice %arg6[%dma_start3A_293, %dma_start3A_294] : memref<512x100xi32, #tpu.memory_space<vmem>> -> memref<1x100xi32, #tpu.memory_space<vmem>>
    %dma_start3A_296 = tpu.memref_squeeze %dma_start3A_295 : memref<1x100xi32, #tpu.memory_space<vmem>> -> memref<100xi32, #tpu.memory_space<vmem>>
    %dma_start3A_297 = arith.constant 0 : i32
    %dma_start3A_298 = tpu.memref_slice %arg5[%dma_start3A_292, %dma_start3A_297] : memref<512x100xi32, #tpu.memory_space<vmem>> -> memref<1x100xi32, #tpu.memory_space<vmem>>
    %dma_start3A_299 = tpu.memref_squeeze %dma_start3A_298 : memref<1x100xi32, #tpu.memory_space<vmem>> -> memref<100xi32, #tpu.memory_space<vmem>>
    %dma_start3A_300 = arith.constant 0 : i32
    %dma_start3A_301 = tpu.memref_slice %arg3[%dma_start3A_300] : memref<1000000xi32, #tpu.memory_space<hbm>> -> memref<1000000xi32, #tpu.memory_space<hbm>>
    tpu.enqueue_indirect_dma source(%dma_start3A_301 : memref<1000000xi32, #tpu.memory_space<hbm>>) target(%dma_start3A_296 : memref<100xi32, #tpu.memory_space<vmem>>) offsets(%dma_start3A_299 : memref<100xi32, #tpu.memory_space<vmem>>) semaphore(%arg7 : memref<!tpu.dma_semaphore, #tpu.memory_space<semaphore_mem>>)
    %dma_start3A_302 = arith.constant 30 : i32
    %dma_start3A_303 = arith.constant 30 : i32
    %dma_start3A_304 = arith.constant 0 : i32
    %dma_start3A_305 = tpu.memref_slice %arg6[%dma_start3A_303, %dma_start3A_304] : memref<512x100xi32, #tpu.memory_space<vmem>> -> memref<1x100xi32, #tpu.memory_space<vmem>>
    %dma_start3A_306 = tpu.memref_squeeze %dma_start3A_305 : memref<1x100xi32, #tpu.memory_space<vmem>> -> memref<100xi32, #tpu.memory_space<vmem>>
    %dma_start3A_307 = arith.constant 0 : i32
    %dma_start3A_308 = tpu.memref_slice %arg5[%dma_start3A_302, %dma_start3A_307] : memref<512x100xi32, #tpu.memory_space<vmem>> -> memref<1x100xi32, #tpu.memory_space<vmem>>
    %dma_start3A_309 = tpu.memref_squeeze %dma_start3A_308 : memref<1x100xi32, #tpu.memory_space<vmem>> -> memref<100xi32, #tpu.memory_space<vmem>>
    %dma_start3A_310 = arith.constant 0 : i32
    %dma_start3A_311 = tpu.memref_slice %arg3[%dma_start3A_310] : memref<1000000xi32, #tpu.memory_space<hbm>> -> memref<1000000xi32, #tpu.memory_space<hbm>>
    tpu.enqueue_indirect_dma source(%dma_start3A_311 : memref<1000000xi32, #tpu.memory_space<hbm>>) target(%dma_start3A_306 : memref<100xi32, #tpu.memory_space<vmem>>) offsets(%dma_start3A_309 : memref<100xi32, #tpu.memory_space<vmem>>) semaphore(%arg7 : memref<!tpu.dma_semaphore, #tpu.memory_space<semaphore_mem>>)
    %dma_start3A_312 = arith.constant 31 : i32
    %dma_start3A_313 = arith.constant 31 : i32
    %dma_start3A_314 = arith.constant 0 : i32
    %dma_start3A_315 = tpu.memref_slice %arg6[%dma_start3A_313, %dma_start3A_314] : memref<512x100xi32, #tpu.memory_space<vmem>> -> memref<1x100xi32, #tpu.memory_space<vmem>>
    %dma_start3A_316 = tpu.memref_squeeze %dma_start3A_315 : memref<1x100xi32, #tpu.memory_space<vmem>> -> memref<100xi32, #tpu.memory_space<vmem>>
    %dma_start3A_317 = arith.constant 0 : i32
    %dma_start3A_318 = tpu.memref_slice %arg5[%dma_start3A_312, %dma_start3A_317] : memref<512x100xi32, #tpu.memory_space<vmem>> -> memref<1x100xi32, #tpu.memory_space<vmem>>
    %dma_start3A_319 = tpu.memref_squeeze %dma_start3A_318 : memref<1x100xi32, #tpu.memory_space<vmem>> -> memref<100xi32, #tpu.memory_space<vmem>>
    %dma_start3A_320 = arith.constant 0 : i32
    %dma_start3A_321 = tpu.memref_slice %arg3[%dma_start3A_320] : memref<1000000xi32, #tpu.memory_space<hbm>> -> memref<1000000xi32, #tpu.memory_space<hbm>>
    tpu.enqueue_indirect_dma source(%dma_start3A_321 : memref<1000000xi32, #tpu.memory_space<hbm>>) target(%dma_start3A_316 : memref<100xi32, #tpu.memory_space<vmem>>) offsets(%dma_start3A_319 : memref<100xi32, #tpu.memory_space<vmem>>) semaphore(%arg7 : memref<!tpu.dma_semaphore, #tpu.memory_space<semaphore_mem>>)
    %dma_start3A_322 = arith.constant 32 : i32
    %dma_start3A_323 = arith.constant 32 : i32
    %dma_start3A_324 = arith.constant 0 : i32
    %dma_start3A_325 = tpu.memref_slice %arg6[%dma_start3A_323, %dma_start3A_324] : memref<512x100xi32, #tpu.memory_space<vmem>> -> memref<1x100xi32, #tpu.memory_space<vmem>>
    %dma_start3A_326 = tpu.memref_squeeze %dma_start3A_325 : memref<1x100xi32, #tpu.memory_space<vmem>> -> memref<100xi32, #tpu.memory_space<vmem>>
    %dma_start3A_327 = arith.constant 0 : i32
    %dma_start3A_328 = tpu.memref_slice %arg5[%dma_start3A_322, %dma_start3A_327] : memref<512x100xi32, #tpu.memory_space<vmem>> -> memref<1x100xi32, #tpu.memory_space<vmem>>
    %dma_start3A_329 = tpu.memref_squeeze %dma_start3A_328 : memref<1x100xi32, #tpu.memory_space<vmem>> -> memref<100xi32, #tpu.memory_space<vmem>>
    %dma_start3A_330 = arith.constant 0 : i32
    %dma_start3A_331 = tpu.memref_slice %arg3[%dma_start3A_330] : memref<1000000xi32, #tpu.memory_space<hbm>> -> memref<1000000xi32, #tpu.memory_space<hbm>>
    tpu.enqueue_indirect_dma source(%dma_start3A_331 : memref<1000000xi32, #tpu.memory_space<hbm>>) target(%dma_start3A_326 : memref<100xi32, #tpu.memory_space<vmem>>) offsets(%dma_start3A_329 : memref<100xi32, #tpu.memory_space<vmem>>) semaphore(%arg7 : memref<!tpu.dma_semaphore, #tpu.memory_space<semaphore_mem>>)
    %dma_start3A_332 = arith.constant 33 : i32
    %dma_start3A_333 = arith.constant 33 : i32
    %dma_start3A_334 = arith.constant 0 : i32
    %dma_start3A_335 = tpu.memref_slice %arg6[%dma_start3A_333, %dma_start3A_334] : memref<512x100xi32, #tpu.memory_space<vmem>> -> memref<1x100xi32, #tpu.memory_space<vmem>>
    %dma_start3A_336 = tpu.memref_squeeze %dma_start3A_335 : memref<1x100xi32, #tpu.memory_space<vmem>> -> memref<100xi32, #tpu.memory_space<vmem>>
    %dma_start3A_337 = arith.constant 0 : i32
    %dma_start3A_338 = tpu.memref_slice %arg5[%dma_start3A_332, %dma_start3A_337] : memref<512x100xi32, #tpu.memory_space<vmem>> -> memref<1x100xi32, #tpu.memory_space<vmem>>
    %dma_start3A_339 = tpu.memref_squeeze %dma_start3A_338 : memref<1x100xi32, #tpu.memory_space<vmem>> -> memref<100xi32, #tpu.memory_space<vmem>>
    %dma_start3A_340 = arith.constant 0 : i32
    %dma_start3A_341 = tpu.memref_slice %arg3[%dma_start3A_340] : memref<1000000xi32, #tpu.memory_space<hbm>> -> memref<1000000xi32, #tpu.memory_space<hbm>>
    tpu.enqueue_indirect_dma source(%dma_start3A_341 : memref<1000000xi32, #tpu.memory_space<hbm>>) target(%dma_start3A_336 : memref<100xi32, #tpu.memory_space<vmem>>) offsets(%dma_start3A_339 : memref<100xi32, #tpu.memory_space<vmem>>) semaphore(%arg7 : memref<!tpu.dma_semaphore, #tpu.memory_space<semaphore_mem>>)
    %dma_start3A_342 = arith.constant 34 : i32
    %dma_start3A_343 = arith.constant 34 : i32
    %dma_start3A_344 = arith.constant 0 : i32
    %dma_start3A_345 = tpu.memref_slice %arg6[%dma_start3A_343, %dma_start3A_344] : memref<512x100xi32, #tpu.memory_space<vmem>> -> memref<1x100xi32, #tpu.memory_space<vmem>>
    %dma_start3A_346 = tpu.memref_squeeze %dma_start3A_345 : memref<1x100xi32, #tpu.memory_space<vmem>> -> memref<100xi32, #tpu.memory_space<vmem>>
    %dma_start3A_347 = arith.constant 0 : i32
    %dma_start3A_348 = tpu.memref_slice %arg5[%dma_start3A_342, %dma_start3A_347] : memref<512x100xi32, #tpu.memory_space<vmem>> -> memref<1x100xi32, #tpu.memory_space<vmem>>
    %dma_start3A_349 = tpu.memref_squeeze %dma_start3A_348 : memref<1x100xi32, #tpu.memory_space<vmem>> -> memref<100xi32, #tpu.memory_space<vmem>>
    %dma_start3A_350 = arith.constant 0 : i32
    %dma_start3A_351 = tpu.memref_slice %arg3[%dma_start3A_350] : memref<1000000xi32, #tpu.memory_space<hbm>> -> memref<1000000xi32, #tpu.memory_space<hbm>>
    tpu.enqueue_indirect_dma source(%dma_start3A_351 : memref<1000000xi32, #tpu.memory_space<hbm>>) target(%dma_start3A_346 : memref<100xi32, #tpu.memory_space<vmem>>) offsets(%dma_start3A_349 : memref<100xi32, #tpu.memory_space<vmem>>) semaphore(%arg7 : memref<!tpu.dma_semaphore, #tpu.memory_space<semaphore_mem>>)
    %dma_start3A_352 = arith.constant 35 : i32
    %dma_start3A_353 = arith.constant 35 : i32
    %dma_start3A_354 = arith.constant 0 : i32
    %dma_start3A_355 = tpu.memref_slice %arg6[%dma_start3A_353, %dma_start3A_354] : memref<512x100xi32, #tpu.memory_space<vmem>> -> memref<1x100xi32, #tpu.memory_space<vmem>>
    %dma_start3A_356 = tpu.memref_squeeze %dma_start3A_355 : memref<1x100xi32, #tpu.memory_space<vmem>> -> memref<100xi32, #tpu.memory_space<vmem>>
    %dma_start3A_357 = arith.constant 0 : i32
    %dma_start3A_358 = tpu.memref_slice %arg5[%dma_start3A_352, %dma_start3A_357] : memref<512x100xi32, #tpu.memory_space<vmem>> -> memref<1x100xi32, #tpu.memory_space<vmem>>
    %dma_start3A_359 = tpu.memref_squeeze %dma_start3A_358 : memref<1x100xi32, #tpu.memory_space<vmem>> -> memref<100xi32, #tpu.memory_space<vmem>>
    %dma_start3A_360 = arith.constant 0 : i32
    %dma_start3A_361 = tpu.memref_slice %arg3[%dma_start3A_360] : memref<1000000xi32, #tpu.memory_space<hbm>> -> memref<1000000xi32, #tpu.memory_space<hbm>>
    tpu.enqueue_indirect_dma source(%dma_start3A_361 : memref<1000000xi32, #tpu.memory_space<hbm>>) target(%dma_start3A_356 : memref<100xi32, #tpu.memory_space<vmem>>) offsets(%dma_start3A_359 : memref<100xi32, #tpu.memory_space<vmem>>) semaphore(%arg7 : memref<!tpu.dma_semaphore, #tpu.memory_space<semaphore_mem>>)
    %dma_start3A_362 = arith.constant 36 : i32
    %dma_start3A_363 = arith.constant 36 : i32
    %dma_start3A_364 = arith.constant 0 : i32
    %dma_start3A_365 = tpu.memref_slice %arg6[%dma_start3A_363, %dma_start3A_364] : memref<512x100xi32, #tpu.memory_space<vmem>> -> memref<1x100xi32, #tpu.memory_space<vmem>>
    %dma_start3A_366 = tpu.memref_squeeze %dma_start3A_365 : memref<1x100xi32, #tpu.memory_space<vmem>> -> memref<100xi32, #tpu.memory_space<vmem>>
    %dma_start3A_367 = arith.constant 0 : i32
    %dma_start3A_368 = tpu.memref_slice %arg5[%dma_start3A_362, %dma_start3A_367] : memref<512x100xi32, #tpu.memory_space<vmem>> -> memref<1x100xi32, #tpu.memory_space<vmem>>
    %dma_start3A_369 = tpu.memref_squeeze %dma_start3A_368 : memref<1x100xi32, #tpu.memory_space<vmem>> -> memref<100xi32, #tpu.memory_space<vmem>>
    %dma_start3A_370 = arith.constant 0 : i32
    %dma_start3A_371 = tpu.memref_slice %arg3[%dma_start3A_370] : memref<1000000xi32, #tpu.memory_space<hbm>> -> memref<1000000xi32, #tpu.memory_space<hbm>>
    tpu.enqueue_indirect_dma source(%dma_start3A_371 : memref<1000000xi32, #tpu.memory_space<hbm>>) target(%dma_start3A_366 : memref<100xi32, #tpu.memory_space<vmem>>) offsets(%dma_start3A_369 : memref<100xi32, #tpu.memory_space<vmem>>) semaphore(%arg7 : memref<!tpu.dma_semaphore, #tpu.memory_space<semaphore_mem>>)
    %dma_start3A_372 = arith.constant 37 : i32
    %dma_start3A_373 = arith.constant 37 : i32
    %dma_start3A_374 = arith.constant 0 : i32
    %dma_start3A_375 = tpu.memref_slice %arg6[%dma_start3A_373, %dma_start3A_374] : memref<512x100xi32, #tpu.memory_space<vmem>> -> memref<1x100xi32, #tpu.memory_space<vmem>>
    %dma_start3A_376 = tpu.memref_squeeze %dma_start3A_375 : memref<1x100xi32, #tpu.memory_space<vmem>> -> memref<100xi32, #tpu.memory_space<vmem>>
    %dma_start3A_377 = arith.constant 0 : i32
    %dma_start3A_378 = tpu.memref_slice %arg5[%dma_start3A_372, %dma_start3A_377] : memref<512x100xi32, #tpu.memory_space<vmem>> -> memref<1x100xi32, #tpu.memory_space<vmem>>
    %dma_start3A_379 = tpu.memref_squeeze %dma_start3A_378 : memref<1x100xi32, #tpu.memory_space<vmem>> -> memref<100xi32, #tpu.memory_space<vmem>>
    %dma_start3A_380 = arith.constant 0 : i32
    %dma_start3A_381 = tpu.memref_slice %arg3[%dma_start3A_380] : memref<1000000xi32, #tpu.memory_space<hbm>> -> memref<1000000xi32, #tpu.memory_space<hbm>>
    tpu.enqueue_indirect_dma source(%dma_start3A_381 : memref<1000000xi32, #tpu.memory_space<hbm>>) target(%dma_start3A_376 : memref<100xi32, #tpu.memory_space<vmem>>) offsets(%dma_start3A_379 : memref<100xi32, #tpu.memory_space<vmem>>) semaphore(%arg7 : memref<!tpu.dma_semaphore, #tpu.memory_space<semaphore_mem>>)
    %dma_start3A_382 = arith.constant 38 : i32
    %dma_start3A_383 = arith.constant 38 : i32
    %dma_start3A_384 = arith.constant 0 : i32
    %dma_start3A_385 = tpu.memref_slice %arg6[%dma_start3A_383, %dma_start3A_384] : memref<512x100xi32, #tpu.memory_space<vmem>> -> memref<1x100xi32, #tpu.memory_space<vmem>>
    %dma_start3A_386 = tpu.memref_squeeze %dma_start3A_385 : memref<1x100xi32, #tpu.memory_space<vmem>> -> memref<100xi32, #tpu.memory_space<vmem>>
    %dma_start3A_387 = arith.constant 0 : i32
    %dma_start3A_388 = tpu.memref_slice %arg5[%dma_start3A_382, %dma_start3A_387] : memref<512x100xi32, #tpu.memory_space<vmem>> -> memref<1x100xi32, #tpu.memory_space<vmem>>
    %dma_start3A_389 = tpu.memref_squeeze %dma_start3A_388 : memref<1x100xi32, #tpu.memory_space<vmem>> -> memref<100xi32, #tpu.memory_space<vmem>>
    %dma_start3A_390 = arith.constant 0 : i32
    %dma_start3A_391 = tpu.memref_slice %arg3[%dma_start3A_390] : memref<1000000xi32, #tpu.memory_space<hbm>> -> memref<1000000xi32, #tpu.memory_space<hbm>>
    tpu.enqueue_indirect_dma source(%dma_start3A_391 : memref<1000000xi32, #tpu.memory_space<hbm>>) target(%dma_start3A_386 : memref<100xi32, #tpu.memory_space<vmem>>) offsets(%dma_start3A_389 : memref<100xi32, #tpu.memory_space<vmem>>) semaphore(%arg7 : memref<!tpu.dma_semaphore, #tpu.memory_space<semaphore_mem>>)
    %dma_start3A_392 = arith.constant 39 : i32
    %dma_start3A_393 = arith.constant 39 : i32
    %dma_start3A_394 = arith.constant 0 : i32
    %dma_start3A_395 = tpu.memref_slice %arg6[%dma_start3A_393, %dma_start3A_394] : memref<512x100xi32, #tpu.memory_space<vmem>> -> memref<1x100xi32, #tpu.memory_space<vmem>>
    %dma_start3A_396 = tpu.memref_squeeze %dma_start3A_395 : memref<1x100xi32, #tpu.memory_space<vmem>> -> memref<100xi32, #tpu.memory_space<vmem>>
    %dma_start3A_397 = arith.constant 0 : i32
    %dma_start3A_398 = tpu.memref_slice %arg5[%dma_start3A_392, %dma_start3A_397] : memref<512x100xi32, #tpu.memory_space<vmem>> -> memref<1x100xi32, #tpu.memory_space<vmem>>
    %dma_start3A_399 = tpu.memref_squeeze %dma_start3A_398 : memref<1x100xi32, #tpu.memory_space<vmem>> -> memref<100xi32, #tpu.memory_space<vmem>>
    %dma_start3A_400 = arith.constant 0 : i32
    %dma_start3A_401 = tpu.memref_slice %arg3[%dma_start3A_400] : memref<1000000xi32, #tpu.memory_space<hbm>> -> memref<1000000xi32, #tpu.memory_space<hbm>>
    tpu.enqueue_indirect_dma source(%dma_start3A_401 : memref<1000000xi32, #tpu.memory_space<hbm>>) target(%dma_start3A_396 : memref<100xi32, #tpu.memory_space<vmem>>) offsets(%dma_start3A_399 : memref<100xi32, #tpu.memory_space<vmem>>) semaphore(%arg7 : memref<!tpu.dma_semaphore, #tpu.memory_space<semaphore_mem>>)
    %dma_start3A_402 = arith.constant 40 : i32
    %dma_start3A_403 = arith.constant 40 : i32
    %dma_start3A_404 = arith.constant 0 : i32
    %dma_start3A_405 = tpu.memref_slice %arg6[%dma_start3A_403, %dma_start3A_404] : memref<512x100xi32, #tpu.memory_space<vmem>> -> memref<1x100xi32, #tpu.memory_space<vmem>>
    %dma_start3A_406 = tpu.memref_squeeze %dma_start3A_405 : memref<1x100xi32, #tpu.memory_space<vmem>> -> memref<100xi32, #tpu.memory_space<vmem>>
    %dma_start3A_407 = arith.constant 0 : i32
    %dma_start3A_408 = tpu.memref_slice %arg5[%dma_start3A_402, %dma_start3A_407] : memref<512x100xi32, #tpu.memory_space<vmem>> -> memref<1x100xi32, #tpu.memory_space<vmem>>
    %dma_start3A_409 = tpu.memref_squeeze %dma_start3A_408 : memref<1x100xi32, #tpu.memory_space<vmem>> -> memref<100xi32, #tpu.memory_space<vmem>>
    %dma_start3A_410 = arith.constant 0 : i32
    %dma_start3A_411 = tpu.memref_slice %arg3[%dma_start3A_410] : memref<1000000xi32, #tpu.memory_space<hbm>> -> memref<1000000xi32, #tpu.memory_space<hbm>>
    tpu.enqueue_indirect_dma source(%dma_start3A_411 : memref<1000000xi32, #tpu.memory_space<hbm>>) target(%dma_start3A_406 : memref<100xi32, #tpu.memory_space<vmem>>) offsets(%dma_start3A_409 : memref<100xi32, #tpu.memory_space<vmem>>) semaphore(%arg7 : memref<!tpu.dma_semaphore, #tpu.memory_space<semaphore_mem>>)
    %dma_start3A_412 = arith.constant 41 : i32
    %dma_start3A_413 = arith.constant 41 : i32
    %dma_start3A_414 = arith.constant 0 : i32
    %dma_start3A_415 = tpu.memref_slice %arg6[%dma_start3A_413, %dma_start3A_414] : memref<512x100xi32, #tpu.memory_space<vmem>> -> memref<1x100xi32, #tpu.memory_space<vmem>>
    %dma_start3A_416 = tpu.memref_squeeze %dma_start3A_415 : memref<1x100xi32, #tpu.memory_space<vmem>> -> memref<100xi32, #tpu.memory_space<vmem>>
    %dma_start3A_417 = arith.constant 0 : i32
    %dma_start3A_418 = tpu.memref_slice %arg5[%dma_start3A_412, %dma_start3A_417] : memref<512x100xi32, #tpu.memory_space<vmem>> -> memref<1x100xi32, #tpu.memory_space<vmem>>
    %dma_start3A_419 = tpu.memref_squeeze %dma_start3A_418 : memref<1x100xi32, #tpu.memory_space<vmem>> -> memref<100xi32, #tpu.memory_space<vmem>>
    %dma_start3A_420 = arith.constant 0 : i32
    %dma_start3A_421 = tpu.memref_slice %arg3[%dma_start3A_420] : memref<1000000xi32, #tpu.memory_space<hbm>> -> memref<1000000xi32, #tpu.memory_space<hbm>>
    tpu.enqueue_indirect_dma source(%dma_start3A_421 : memref<1000000xi32, #tpu.memory_space<hbm>>) target(%dma_start3A_416 : memref<100xi32, #tpu.memory_space<vmem>>) offsets(%dma_start3A_419 : memref<100xi32, #tpu.memory_space<vmem>>) semaphore(%arg7 : memref<!tpu.dma_semaphore, #tpu.memory_space<semaphore_mem>>)
    %dma_start3A_422 = arith.constant 42 : i32
    %dma_start3A_423 = arith.constant 42 : i32
    %dma_start3A_424 = arith.constant 0 : i32
    %dma_start3A_425 = tpu.memref_slice %arg6[%dma_start3A_423, %dma_start3A_424] : memref<512x100xi32, #tpu.memory_space<vmem>> -> memref<1x100xi32, #tpu.memory_space<vmem>>
    %dma_start3A_426 = tpu.memref_squeeze %dma_start3A_425 : memref<1x100xi32, #tpu.memory_space<vmem>> -> memref<100xi32, #tpu.memory_space<vmem>>
    %dma_start3A_427 = arith.constant 0 : i32
    %dma_start3A_428 = tpu.memref_slice %arg5[%dma_start3A_422, %dma_start3A_427] : memref<512x100xi32, #tpu.memory_space<vmem>> -> memref<1x100xi32, #tpu.memory_space<vmem>>
    %dma_start3A_429 = tpu.memref_squeeze %dma_start3A_428 : memref<1x100xi32, #tpu.memory_space<vmem>> -> memref<100xi32, #tpu.memory_space<vmem>>
    %dma_start3A_430 = arith.constant 0 : i32
    %dma_start3A_431 = tpu.memref_slice %arg3[%dma_start3A_430] : memref<1000000xi32, #tpu.memory_space<hbm>> -> memref<1000000xi32, #tpu.memory_space<hbm>>
    tpu.enqueue_indirect_dma source(%dma_start3A_431 : memref<1000000xi32, #tpu.memory_space<hbm>>) target(%dma_start3A_426 : memref<100xi32, #tpu.memory_space<vmem>>) offsets(%dma_start3A_429 : memref<100xi32, #tpu.memory_space<vmem>>) semaphore(%arg7 : memref<!tpu.dma_semaphore, #tpu.memory_space<semaphore_mem>>)
    %dma_start3A_432 = arith.constant 43 : i32
    %dma_start3A_433 = arith.constant 43 : i32
    %dma_start3A_434 = arith.constant 0 : i32
    %dma_start3A_435 = tpu.memref_slice %arg6[%dma_start3A_433, %dma_start3A_434] : memref<512x100xi32, #tpu.memory_space<vmem>> -> memref<1x100xi32, #tpu.memory_space<vmem>>
    %dma_start3A_436 = tpu.memref_squeeze %dma_start3A_435 : memref<1x100xi32, #tpu.memory_space<vmem>> -> memref<100xi32, #tpu.memory_space<vmem>>
    %dma_start3A_437 = arith.constant 0 : i32
    %dma_start3A_438 = tpu.memref_slice %arg5[%dma_start3A_432, %dma_start3A_437] : memref<512x100xi32, #tpu.memory_space<vmem>> -> memref<1x100xi32, #tpu.memory_space<vmem>>
    %dma_start3A_439 = tpu.memref_squeeze %dma_start3A_438 : memref<1x100xi32, #tpu.memory_space<vmem>> -> memref<100xi32, #tpu.memory_space<vmem>>
    %dma_start3A_440 = arith.constant 0 : i32
    %dma_start3A_441 = tpu.memref_slice %arg3[%dma_start3A_440] : memref<1000000xi32, #tpu.memory_space<hbm>> -> memref<1000000xi32, #tpu.memory_space<hbm>>
    tpu.enqueue_indirect_dma source(%dma_start3A_441 : memref<1000000xi32, #tpu.memory_space<hbm>>) target(%dma_start3A_436 : memref<100xi32, #tpu.memory_space<vmem>>) offsets(%dma_start3A_439 : memref<100xi32, #tpu.memory_space<vmem>>) semaphore(%arg7 : memref<!tpu.dma_semaphore, #tpu.memory_space<semaphore_mem>>)
    %dma_start3A_442 = arith.constant 44 : i32
    %dma_start3A_443 = arith.constant 44 : i32
    %dma_start3A_444 = arith.constant 0 : i32
    %dma_start3A_445 = tpu.memref_slice %arg6[%dma_start3A_443, %dma_start3A_444] : memref<512x100xi32, #tpu.memory_space<vmem>> -> memref<1x100xi32, #tpu.memory_space<vmem>>
    %dma_start3A_446 = tpu.memref_squeeze %dma_start3A_445 : memref<1x100xi32, #tpu.memory_space<vmem>> -> memref<100xi32, #tpu.memory_space<vmem>>
    %dma_start3A_447 = arith.constant 0 : i32
    %dma_start3A_448 = tpu.memref_slice %arg5[%dma_start3A_442, %dma_start3A_447] : memref<512x100xi32, #tpu.memory_space<vmem>> -> memref<1x100xi32, #tpu.memory_space<vmem>>
    %dma_start3A_449 = tpu.memref_squeeze %dma_start3A_448 : memref<1x100xi32, #tpu.memory_space<vmem>> -> memref<100xi32, #tpu.memory_space<vmem>>
    %dma_start3A_450 = arith.constant 0 : i32
    %dma_start3A_451 = tpu.memref_slice %arg3[%dma_start3A_450] : memref<1000000xi32, #tpu.memory_space<hbm>> -> memref<1000000xi32, #tpu.memory_space<hbm>>
    tpu.enqueue_indirect_dma source(%dma_start3A_451 : memref<1000000xi32, #tpu.memory_space<hbm>>) target(%dma_start3A_446 : memref<100xi32, #tpu.memory_space<vmem>>) offsets(%dma_start3A_449 : memref<100xi32, #tpu.memory_space<vmem>>) semaphore(%arg7 : memref<!tpu.dma_semaphore, #tpu.memory_space<semaphore_mem>>)
    %dma_start3A_452 = arith.constant 45 : i32
    %dma_start3A_453 = arith.constant 45 : i32
    %dma_start3A_454 = arith.constant 0 : i32
    %dma_start3A_455 = tpu.memref_slice %arg6[%dma_start3A_453, %dma_start3A_454] : memref<512x100xi32, #tpu.memory_space<vmem>> -> memref<1x100xi32, #tpu.memory_space<vmem>>
    %dma_start3A_456 = tpu.memref_squeeze %dma_start3A_455 : memref<1x100xi32, #tpu.memory_space<vmem>> -> memref<100xi32, #tpu.memory_space<vmem>>
    %dma_start3A_457 = arith.constant 0 : i32
    %dma_start3A_458 = tpu.memref_slice %arg5[%dma_start3A_452, %dma_start3A_457] : memref<512x100xi32, #tpu.memory_space<vmem>> -> memref<1x100xi32, #tpu.memory_space<vmem>>
    %dma_start3A_459 = tpu.memref_squeeze %dma_start3A_458 : memref<1x100xi32, #tpu.memory_space<vmem>> -> memref<100xi32, #tpu.memory_space<vmem>>
    %dma_start3A_460 = arith.constant 0 : i32
    %dma_start3A_461 = tpu.memref_slice %arg3[%dma_start3A_460] : memref<1000000xi32, #tpu.memory_space<hbm>> -> memref<1000000xi32, #tpu.memory_space<hbm>>
    tpu.enqueue_indirect_dma source(%dma_start3A_461 : memref<1000000xi32, #tpu.memory_space<hbm>>) target(%dma_start3A_456 : memref<100xi32, #tpu.memory_space<vmem>>) offsets(%dma_start3A_459 : memref<100xi32, #tpu.memory_space<vmem>>) semaphore(%arg7 : memref<!tpu.dma_semaphore, #tpu.memory_space<semaphore_mem>>)
    %dma_start3A_462 = arith.constant 46 : i32
    %dma_start3A_463 = arith.constant 46 : i32
    %dma_start3A_464 = arith.constant 0 : i32
    %dma_start3A_465 = tpu.memref_slice %arg6[%dma_start3A_463, %dma_start3A_464] : memref<512x100xi32, #tpu.memory_space<vmem>> -> memref<1x100xi32, #tpu.memory_space<vmem>>
    %dma_start3A_466 = tpu.memref_squeeze %dma_start3A_465 : memref<1x100xi32, #tpu.memory_space<vmem>> -> memref<100xi32, #tpu.memory_space<vmem>>
    %dma_start3A_467 = arith.constant 0 : i32
    %dma_start3A_468 = tpu.memref_slice %arg5[%dma_start3A_462, %dma_start3A_467] : memref<512x100xi32, #tpu.memory_space<vmem>> -> memref<1x100xi32, #tpu.memory_space<vmem>>
    %dma_start3A_469 = tpu.memref_squeeze %dma_start3A_468 : memref<1x100xi32, #tpu.memory_space<vmem>> -> memref<100xi32, #tpu.memory_space<vmem>>
    %dma_start3A_470 = arith.constant 0 : i32
    %dma_start3A_471 = tpu.memref_slice %arg3[%dma_start3A_470] : memref<1000000xi32, #tpu.memory_space<hbm>> -> memref<1000000xi32, #tpu.memory_space<hbm>>
    tpu.enqueue_indirect_dma source(%dma_start3A_471 : memref<1000000xi32, #tpu.memory_space<hbm>>) target(%dma_start3A_466 : memref<100xi32, #tpu.memory_space<vmem>>) offsets(%dma_start3A_469 : memref<100xi32, #tpu.memory_space<vmem>>) semaphore(%arg7 : memref<!tpu.dma_semaphore, #tpu.memory_space<semaphore_mem>>)
    %dma_start3A_472 = arith.constant 47 : i32
    %dma_start3A_473 = arith.constant 47 : i32
    %dma_start3A_474 = arith.constant 0 : i32
    %dma_start3A_475 = tpu.memref_slice %arg6[%dma_start3A_473, %dma_start3A_474] : memref<512x100xi32, #tpu.memory_space<vmem>> -> memref<1x100xi32, #tpu.memory_space<vmem>>
    %dma_start3A_476 = tpu.memref_squeeze %dma_start3A_475 : memref<1x100xi32, #tpu.memory_space<vmem>> -> memref<100xi32, #tpu.memory_space<vmem>>
    %dma_start3A_477 = arith.constant 0 : i32
    %dma_start3A_478 = tpu.memref_slice %arg5[%dma_start3A_472, %dma_start3A_477] : memref<512x100xi32, #tpu.memory_space<vmem>> -> memref<1x100xi32, #tpu.memory_space<vmem>>
    %dma_start3A_479 = tpu.memref_squeeze %dma_start3A_478 : memref<1x100xi32, #tpu.memory_space<vmem>> -> memref<100xi32, #tpu.memory_space<vmem>>
    %dma_start3A_480 = arith.constant 0 : i32
    %dma_start3A_481 = tpu.memref_slice %arg3[%dma_start3A_480] : memref<1000000xi32, #tpu.memory_space<hbm>> -> memref<1000000xi32, #tpu.memory_space<hbm>>
    tpu.enqueue_indirect_dma source(%dma_start3A_481 : memref<1000000xi32, #tpu.memory_space<hbm>>) target(%dma_start3A_476 : memref<100xi32, #tpu.memory_space<vmem>>) offsets(%dma_start3A_479 : memref<100xi32, #tpu.memory_space<vmem>>) semaphore(%arg7 : memref<!tpu.dma_semaphore, #tpu.memory_space<semaphore_mem>>)
    %dma_start3A_482 = arith.constant 48 : i32
    %dma_start3A_483 = arith.constant 48 : i32
    %dma_start3A_484 = arith.constant 0 : i32
    %dma_start3A_485 = tpu.memref_slice %arg6[%dma_start3A_483, %dma_start3A_484] : memref<512x100xi32, #tpu.memory_space<vmem>> -> memref<1x100xi32, #tpu.memory_space<vmem>>
    %dma_start3A_486 = tpu.memref_squeeze %dma_start3A_485 : memref<1x100xi32, #tpu.memory_space<vmem>> -> memref<100xi32, #tpu.memory_space<vmem>>
    %dma_start3A_487 = arith.constant 0 : i32
    %dma_start3A_488 = tpu.memref_slice %arg5[%dma_start3A_482, %dma_start3A_487] : memref<512x100xi32, #tpu.memory_space<vmem>> -> memref<1x100xi32, #tpu.memory_space<vmem>>
    %dma_start3A_489 = tpu.memref_squeeze %dma_start3A_488 : memref<1x100xi32, #tpu.memory_space<vmem>> -> memref<100xi32, #tpu.memory_space<vmem>>
    %dma_start3A_490 = arith.constant 0 : i32
    %dma_start3A_491 = tpu.memref_slice %arg3[%dma_start3A_490] : memref<1000000xi32, #tpu.memory_space<hbm>> -> memref<1000000xi32, #tpu.memory_space<hbm>>
    tpu.enqueue_indirect_dma source(%dma_start3A_491 : memref<1000000xi32, #tpu.memory_space<hbm>>) target(%dma_start3A_486 : memref<100xi32, #tpu.memory_space<vmem>>) offsets(%dma_start3A_489 : memref<100xi32, #tpu.memory_space<vmem>>) semaphore(%arg7 : memref<!tpu.dma_semaphore, #tpu.memory_space<semaphore_mem>>)
    %dma_start3A_492 = arith.constant 49 : i32
    %dma_start3A_493 = arith.constant 49 : i32
    %dma_start3A_494 = arith.constant 0 : i32
    %dma_start3A_495 = tpu.memref_slice %arg6[%dma_start3A_493, %dma_start3A_494] : memref<512x100xi32, #tpu.memory_space<vmem>> -> memref<1x100xi32, #tpu.memory_space<vmem>>
    %dma_start3A_496 = tpu.memref_squeeze %dma_start3A_495 : memref<1x100xi32, #tpu.memory_space<vmem>> -> memref<100xi32, #tpu.memory_space<vmem>>
    %dma_start3A_497 = arith.constant 0 : i32
    %dma_start3A_498 = tpu.memref_slice %arg5[%dma_start3A_492, %dma_start3A_497] : memref<512x100xi32, #tpu.memory_space<vmem>> -> memref<1x100xi32, #tpu.memory_space<vmem>>
    %dma_start3A_499 = tpu.memref_squeeze %dma_start3A_498 : memref<1x100xi32, #tpu.memory_space<vmem>> -> memref<100xi32, #tpu.memory_space<vmem>>
    %dma_start3A_500 = arith.constant 0 : i32
    %dma_start3A_501 = tpu.memref_slice %arg3[%dma_start3A_500] : memref<1000000xi32, #tpu.memory_space<hbm>> -> memref<1000000xi32, #tpu.memory_space<hbm>>
    tpu.enqueue_indirect_dma source(%dma_start3A_501 : memref<1000000xi32, #tpu.memory_space<hbm>>) target(%dma_start3A_496 : memref<100xi32, #tpu.memory_space<vmem>>) offsets(%dma_start3A_499 : memref<100xi32, #tpu.memory_space<vmem>>) semaphore(%arg7 : memref<!tpu.dma_semaphore, #tpu.memory_space<semaphore_mem>>)
    %dma_start3A_502 = arith.constant 50 : i32
    %dma_start3A_503 = arith.constant 50 : i32
    %dma_start3A_504 = arith.constant 0 : i32
    %dma_start3A_505 = tpu.memref_slice %arg6[%dma_start3A_503, %dma_start3A_504] : memref<512x100xi32, #tpu.memory_space<vmem>> -> memref<1x100xi32, #tpu.memory_space<vmem>>
    %dma_start3A_506 = tpu.memref_squeeze %dma_start3A_505 : memref<1x100xi32, #tpu.memory_space<vmem>> -> memref<100xi32, #tpu.memory_space<vmem>>
    %dma_start3A_507 = arith.constant 0 : i32
    %dma_start3A_508 = tpu.memref_slice %arg5[%dma_start3A_502, %dma_start3A_507] : memref<512x100xi32, #tpu.memory_space<vmem>> -> memref<1x100xi32, #tpu.memory_space<vmem>>
    %dma_start3A_509 = tpu.memref_squeeze %dma_start3A_508 : memref<1x100xi32, #tpu.memory_space<vmem>> -> memref<100xi32, #tpu.memory_space<vmem>>
    %dma_start3A_510 = arith.constant 0 : i32
    %dma_start3A_511 = tpu.memref_slice %arg3[%dma_start3A_510] : memref<1000000xi32, #tpu.memory_space<hbm>> -> memref<1000000xi32, #tpu.memory_space<hbm>>
    tpu.enqueue_indirect_dma source(%dma_start3A_511 : memref<1000000xi32, #tpu.memory_space<hbm>>) target(%dma_start3A_506 : memref<100xi32, #tpu.memory_space<vmem>>) offsets(%dma_start3A_509 : memref<100xi32, #tpu.memory_space<vmem>>) semaphore(%arg7 : memref<!tpu.dma_semaphore, #tpu.memory_space<semaphore_mem>>)
    %dma_start3A_512 = arith.constant 51 : i32
    %dma_start3A_513 = arith.constant 51 : i32
    %dma_start3A_514 = arith.constant 0 : i32
    %dma_start3A_515 = tpu.memref_slice %arg6[%dma_start3A_513, %dma_start3A_514] : memref<512x100xi32, #tpu.memory_space<vmem>> -> memref<1x100xi32, #tpu.memory_space<vmem>>
    %dma_start3A_516 = tpu.memref_squeeze %dma_start3A_515 : memref<1x100xi32, #tpu.memory_space<vmem>> -> memref<100xi32, #tpu.memory_space<vmem>>
    %dma_start3A_517 = arith.constant 0 : i32
    %dma_start3A_518 = tpu.memref_slice %arg5[%dma_start3A_512, %dma_start3A_517] : memref<512x100xi32, #tpu.memory_space<vmem>> -> memref<1x100xi32, #tpu.memory_space<vmem>>
    %dma_start3A_519 = tpu.memref_squeeze %dma_start3A_518 : memref<1x100xi32, #tpu.memory_space<vmem>> -> memref<100xi32, #tpu.memory_space<vmem>>
    %dma_start3A_520 = arith.constant 0 : i32
    %dma_start3A_521 = tpu.memref_slice %arg3[%dma_start3A_520] : memref<1000000xi32, #tpu.memory_space<hbm>> -> memref<1000000xi32, #tpu.memory_space<hbm>>
    tpu.enqueue_indirect_dma source(%dma_start3A_521 : memref<1000000xi32, #tpu.memory_space<hbm>>) target(%dma_start3A_516 : memref<100xi32, #tpu.memory_space<vmem>>) offsets(%dma_start3A_519 : memref<100xi32, #tpu.memory_space<vmem>>) semaphore(%arg7 : memref<!tpu.dma_semaphore, #tpu.memory_space<semaphore_mem>>)
    %dma_start3A_522 = arith.constant 52 : i32
    %dma_start3A_523 = arith.constant 52 : i32
    %dma_start3A_524 = arith.constant 0 : i32
    %dma_start3A_525 = tpu.memref_slice %arg6[%dma_start3A_523, %dma_start3A_524] : memref<512x100xi32, #tpu.memory_space<vmem>> -> memref<1x100xi32, #tpu.memory_space<vmem>>
    %dma_start3A_526 = tpu.memref_squeeze %dma_start3A_525 : memref<1x100xi32, #tpu.memory_space<vmem>> -> memref<100xi32, #tpu.memory_space<vmem>>
    %dma_start3A_527 = arith.constant 0 : i32
    %dma_start3A_528 = tpu.memref_slice %arg5[%dma_start3A_522, %dma_start3A_527] : memref<512x100xi32, #tpu.memory_space<vmem>> -> memref<1x100xi32, #tpu.memory_space<vmem>>
    %dma_start3A_529 = tpu.memref_squeeze %dma_start3A_528 : memref<1x100xi32, #tpu.memory_space<vmem>> -> memref<100xi32, #tpu.memory_space<vmem>>
    %dma_start3A_530 = arith.constant 0 : i32
    %dma_start3A_531 = tpu.memref_slice %arg3[%dma_start3A_530] : memref<1000000xi32, #tpu.memory_space<hbm>> -> memref<1000000xi32, #tpu.memory_space<hbm>>
    tpu.enqueue_indirect_dma source(%dma_start3A_531 : memref<1000000xi32, #tpu.memory_space<hbm>>) target(%dma_start3A_526 : memref<100xi32, #tpu.memory_space<vmem>>) offsets(%dma_start3A_529 : memref<100xi32, #tpu.memory_space<vmem>>) semaphore(%arg7 : memref<!tpu.dma_semaphore, #tpu.memory_space<semaphore_mem>>)
    %dma_start3A_532 = arith.constant 53 : i32
    %dma_start3A_533 = arith.constant 53 : i32
    %dma_start3A_534 = arith.constant 0 : i32
    %dma_start3A_535 = tpu.memref_slice %arg6[%dma_start3A_533, %dma_start3A_534] : memref<512x100xi32, #tpu.memory_space<vmem>> -> memref<1x100xi32, #tpu.memory_space<vmem>>
    %dma_start3A_536 = tpu.memref_squeeze %dma_start3A_535 : memref<1x100xi32, #tpu.memory_space<vmem>> -> memref<100xi32, #tpu.memory_space<vmem>>
    %dma_start3A_537 = arith.constant 0 : i32
    %dma_start3A_538 = tpu.memref_slice %arg5[%dma_start3A_532, %dma_start3A_537] : memref<512x100xi32, #tpu.memory_space<vmem>> -> memref<1x100xi32, #tpu.memory_space<vmem>>
    %dma_start3A_539 = tpu.memref_squeeze %dma_start3A_538 : memref<1x100xi32, #tpu.memory_space<vmem>> -> memref<100xi32, #tpu.memory_space<vmem>>
    %dma_start3A_540 = arith.constant 0 : i32
    %dma_start3A_541 = tpu.memref_slice %arg3[%dma_start3A_540] : memref<1000000xi32, #tpu.memory_space<hbm>> -> memref<1000000xi32, #tpu.memory_space<hbm>>
    tpu.enqueue_indirect_dma source(%dma_start3A_541 : memref<1000000xi32, #tpu.memory_space<hbm>>) target(%dma_start3A_536 : memref<100xi32, #tpu.memory_space<vmem>>) offsets(%dma_start3A_539 : memref<100xi32, #tpu.memory_space<vmem>>) semaphore(%arg7 : memref<!tpu.dma_semaphore, #tpu.memory_space<semaphore_mem>>)
    %dma_start3A_542 = arith.constant 54 : i32
    %dma_start3A_543 = arith.constant 54 : i32
    %dma_start3A_544 = arith.constant 0 : i32
    %dma_start3A_545 = tpu.memref_slice %arg6[%dma_start3A_543, %dma_start3A_544] : memref<512x100xi32, #tpu.memory_space<vmem>> -> memref<1x100xi32, #tpu.memory_space<vmem>>
    %dma_start3A_546 = tpu.memref_squeeze %dma_start3A_545 : memref<1x100xi32, #tpu.memory_space<vmem>> -> memref<100xi32, #tpu.memory_space<vmem>>
    %dma_start3A_547 = arith.constant 0 : i32
    %dma_start3A_548 = tpu.memref_slice %arg5[%dma_start3A_542, %dma_start3A_547] : memref<512x100xi32, #tpu.memory_space<vmem>> -> memref<1x100xi32, #tpu.memory_space<vmem>>
    %dma_start3A_549 = tpu.memref_squeeze %dma_start3A_548 : memref<1x100xi32, #tpu.memory_space<vmem>> -> memref<100xi32, #tpu.memory_space<vmem>>
    %dma_start3A_550 = arith.constant 0 : i32
    %dma_start3A_551 = tpu.memref_slice %arg3[%dma_start3A_550] : memref<1000000xi32, #tpu.memory_space<hbm>> -> memref<1000000xi32, #tpu.memory_space<hbm>>
    tpu.enqueue_indirect_dma source(%dma_start3A_551 : memref<1000000xi32, #tpu.memory_space<hbm>>) target(%dma_start3A_546 : memref<100xi32, #tpu.memory_space<vmem>>) offsets(%dma_start3A_549 : memref<100xi32, #tpu.memory_space<vmem>>) semaphore(%arg7 : memref<!tpu.dma_semaphore, #tpu.memory_space<semaphore_mem>>)
    %dma_start3A_552 = arith.constant 55 : i32
    %dma_start3A_553 = arith.constant 55 : i32
    %dma_start3A_554 = arith.constant 0 : i32
    %dma_start3A_555 = tpu.memref_slice %arg6[%dma_start3A_553, %dma_start3A_554] : memref<512x100xi32, #tpu.memory_space<vmem>> -> memref<1x100xi32, #tpu.memory_space<vmem>>
    %dma_start3A_556 = tpu.memref_squeeze %dma_start3A_555 : memref<1x100xi32, #tpu.memory_space<vmem>> -> memref<100xi32, #tpu.memory_space<vmem>>
    %dma_start3A_557 = arith.constant 0 : i32
    %dma_start3A_558 = tpu.memref_slice %arg5[%dma_start3A_552, %dma_start3A_557] : memref<512x100xi32, #tpu.memory_space<vmem>> -> memref<1x100xi32, #tpu.memory_space<vmem>>
    %dma_start3A_559 = tpu.memref_squeeze %dma_start3A_558 : memref<1x100xi32, #tpu.memory_space<vmem>> -> memref<100xi32, #tpu.memory_space<vmem>>
    %dma_start3A_560 = arith.constant 0 : i32
    %dma_start3A_561 = tpu.memref_slice %arg3[%dma_start3A_560] : memref<1000000xi32, #tpu.memory_space<hbm>> -> memref<1000000xi32, #tpu.memory_space<hbm>>
    tpu.enqueue_indirect_dma source(%dma_start3A_561 : memref<1000000xi32, #tpu.memory_space<hbm>>) target(%dma_start3A_556 : memref<100xi32, #tpu.memory_space<vmem>>) offsets(%dma_start3A_559 : memref<100xi32, #tpu.memory_space<vmem>>) semaphore(%arg7 : memref<!tpu.dma_semaphore, #tpu.memory_space<semaphore_mem>>)
    %dma_start3A_562 = arith.constant 56 : i32
    %dma_start3A_563 = arith.constant 56 : i32
    %dma_start3A_564 = arith.constant 0 : i32
    %dma_start3A_565 = tpu.memref_slice %arg6[%dma_start3A_563, %dma_start3A_564] : memref<512x100xi32, #tpu.memory_space<vmem>> -> memref<1x100xi32, #tpu.memory_space<vmem>>
    %dma_start3A_566 = tpu.memref_squeeze %dma_start3A_565 : memref<1x100xi32, #tpu.memory_space<vmem>> -> memref<100xi32, #tpu.memory_space<vmem>>
    %dma_start3A_567 = arith.constant 0 : i32
    %dma_start3A_568 = tpu.memref_slice %arg5[%dma_start3A_562, %dma_start3A_567] : memref<512x100xi32, #tpu.memory_space<vmem>> -> memref<1x100xi32, #tpu.memory_space<vmem>>
    %dma_start3A_569 = tpu.memref_squeeze %dma_start3A_568 : memref<1x100xi32, #tpu.memory_space<vmem>> -> memref<100xi32, #tpu.memory_space<vmem>>
    %dma_start3A_570 = arith.constant 0 : i32
    %dma_start3A_571 = tpu.memref_slice %arg3[%dma_start3A_570] : memref<1000000xi32, #tpu.memory_space<hbm>> -> memref<1000000xi32, #tpu.memory_space<hbm>>
    tpu.enqueue_indirect_dma source(%dma_start3A_571 : memref<1000000xi32, #tpu.memory_space<hbm>>) target(%dma_start3A_566 : memref<100xi32, #tpu.memory_space<vmem>>) offsets(%dma_start3A_569 : memref<100xi32, #tpu.memory_space<vmem>>) semaphore(%arg7 : memref<!tpu.dma_semaphore, #tpu.memory_space<semaphore_mem>>)
    %dma_start3A_572 = arith.constant 57 : i32
    %dma_start3A_573 = arith.constant 57 : i32
    %dma_start3A_574 = arith.constant 0 : i32
    %dma_start3A_575 = tpu.memref_slice %arg6[%dma_start3A_573, %dma_start3A_574] : memref<512x100xi32, #tpu.memory_space<vmem>> -> memref<1x100xi32, #tpu.memory_space<vmem>>
    %dma_start3A_576 = tpu.memref_squeeze %dma_start3A_575 : memref<1x100xi32, #tpu.memory_space<vmem>> -> memref<100xi32, #tpu.memory_space<vmem>>
    %dma_start3A_577 = arith.constant 0 : i32
    %dma_start3A_578 = tpu.memref_slice %arg5[%dma_start3A_572, %dma_start3A_577] : memref<512x100xi32, #tpu.memory_space<vmem>> -> memref<1x100xi32, #tpu.memory_space<vmem>>
    %dma_start3A_579 = tpu.memref_squeeze %dma_start3A_578 : memref<1x100xi32, #tpu.memory_space<vmem>> -> memref<100xi32, #tpu.memory_space<vmem>>
    %dma_start3A_580 = arith.constant 0 : i32
    %dma_start3A_581 = tpu.memref_slice %arg3[%dma_start3A_580] : memref<1000000xi32, #tpu.memory_space<hbm>> -> memref<1000000xi32, #tpu.memory_space<hbm>>
    tpu.enqueue_indirect_dma source(%dma_start3A_581 : memref<1000000xi32, #tpu.memory_space<hbm>>) target(%dma_start3A_576 : memref<100xi32, #tpu.memory_space<vmem>>) offsets(%dma_start3A_579 : memref<100xi32, #tpu.memory_space<vmem>>) semaphore(%arg7 : memref<!tpu.dma_semaphore, #tpu.memory_space<semaphore_mem>>)
    %dma_start3A_582 = arith.constant 58 : i32
    %dma_start3A_583 = arith.constant 58 : i32
    %dma_start3A_584 = arith.constant 0 : i32
    %dma_start3A_585 = tpu.memref_slice %arg6[%dma_start3A_583, %dma_start3A_584] : memref<512x100xi32, #tpu.memory_space<vmem>> -> memref<1x100xi32, #tpu.memory_space<vmem>>
    %dma_start3A_586 = tpu.memref_squeeze %dma_start3A_585 : memref<1x100xi32, #tpu.memory_space<vmem>> -> memref<100xi32, #tpu.memory_space<vmem>>
    %dma_start3A_587 = arith.constant 0 : i32
    %dma_start3A_588 = tpu.memref_slice %arg5[%dma_start3A_582, %dma_start3A_587] : memref<512x100xi32, #tpu.memory_space<vmem>> -> memref<1x100xi32, #tpu.memory_space<vmem>>
    %dma_start3A_589 = tpu.memref_squeeze %dma_start3A_588 : memref<1x100xi32, #tpu.memory_space<vmem>> -> memref<100xi32, #tpu.memory_space<vmem>>
    %dma_start3A_590 = arith.constant 0 : i32
    %dma_start3A_591 = tpu.memref_slice %arg3[%dma_start3A_590] : memref<1000000xi32, #tpu.memory_space<hbm>> -> memref<1000000xi32, #tpu.memory_space<hbm>>
    tpu.enqueue_indirect_dma source(%dma_start3A_591 : memref<1000000xi32, #tpu.memory_space<hbm>>) target(%dma_start3A_586 : memref<100xi32, #tpu.memory_space<vmem>>) offsets(%dma_start3A_589 : memref<100xi32, #tpu.memory_space<vmem>>) semaphore(%arg7 : memref<!tpu.dma_semaphore, #tpu.memory_space<semaphore_mem>>)
    %dma_start3A_592 = arith.constant 59 : i32
    %dma_start3A_593 = arith.constant 59 : i32
    %dma_start3A_594 = arith.constant 0 : i32
    %dma_start3A_595 = tpu.memref_slice %arg6[%dma_start3A_593, %dma_start3A_594] : memref<512x100xi32, #tpu.memory_space<vmem>> -> memref<1x100xi32, #tpu.memory_space<vmem>>
    %dma_start3A_596 = tpu.memref_squeeze %dma_start3A_595 : memref<1x100xi32, #tpu.memory_space<vmem>> -> memref<100xi32, #tpu.memory_space<vmem>>
    %dma_start3A_597 = arith.constant 0 : i32
    %dma_start3A_598 = tpu.memref_slice %arg5[%dma_start3A_592, %dma_start3A_597] : memref<512x100xi32, #tpu.memory_space<vmem>> -> memref<1x100xi32, #tpu.memory_space<vmem>>
    %dma_start3A_599 = tpu.memref_squeeze %dma_start3A_598 : memref<1x100xi32, #tpu.memory_space<vmem>> -> memref<100xi32, #tpu.memory_space<vmem>>
    %dma_start3A_600 = arith.constant 0 : i32
    %dma_start3A_601 = tpu.memref_slice %arg3[%dma_start3A_600] : memref<1000000xi32, #tpu.memory_space<hbm>> -> memref<1000000xi32, #tpu.memory_space<hbm>>
    tpu.enqueue_indirect_dma source(%dma_start3A_601 : memref<1000000xi32, #tpu.memory_space<hbm>>) target(%dma_start3A_596 : memref<100xi32, #tpu.memory_space<vmem>>) offsets(%dma_start3A_599 : memref<100xi32, #tpu.memory_space<vmem>>) semaphore(%arg7 : memref<!tpu.dma_semaphore, #tpu.memory_space<semaphore_mem>>)
    %dma_start3A_602 = arith.constant 60 : i32
    %dma_start3A_603 = arith.constant 60 : i32
    %dma_start3A_604 = arith.constant 0 : i32
    %dma_start3A_605 = tpu.memref_slice %arg6[%dma_start3A_603, %dma_start3A_604] : memref<512x100xi32, #tpu.memory_space<vmem>> -> memref<1x100xi32, #tpu.memory_space<vmem>>
    %dma_start3A_606 = tpu.memref_squeeze %dma_start3A_605 : memref<1x100xi32, #tpu.memory_space<vmem>> -> memref<100xi32, #tpu.memory_space<vmem>>
    %dma_start3A_607 = arith.constant 0 : i32
    %dma_start3A_608 = tpu.memref_slice %arg5[%dma_start3A_602, %dma_start3A_607] : memref<512x100xi32, #tpu.memory_space<vmem>> -> memref<1x100xi32, #tpu.memory_space<vmem>>
    %dma_start3A_609 = tpu.memref_squeeze %dma_start3A_608 : memref<1x100xi32, #tpu.memory_space<vmem>> -> memref<100xi32, #tpu.memory_space<vmem>>
    %dma_start3A_610 = arith.constant 0 : i32
    %dma_start3A_611 = tpu.memref_slice %arg3[%dma_start3A_610] : memref<1000000xi32, #tpu.memory_space<hbm>> -> memref<1000000xi32, #tpu.memory_space<hbm>>
    tpu.enqueue_indirect_dma source(%dma_start3A_611 : memref<1000000xi32, #tpu.memory_space<hbm>>) target(%dma_start3A_606 : memref<100xi32, #tpu.memory_space<vmem>>) offsets(%dma_start3A_609 : memref<100xi32, #tpu.memory_space<vmem>>) semaphore(%arg7 : memref<!tpu.dma_semaphore, #tpu.memory_space<semaphore_mem>>)
    %dma_start3A_612 = arith.constant 61 : i32
    %dma_start3A_613 = arith.constant 61 : i32
    %dma_start3A_614 = arith.constant 0 : i32
    %dma_start3A_615 = tpu.memref_slice %arg6[%dma_start3A_613, %dma_start3A_614] : memref<512x100xi32, #tpu.memory_space<vmem>> -> memref<1x100xi32, #tpu.memory_space<vmem>>
    %dma_start3A_616 = tpu.memref_squeeze %dma_start3A_615 : memref<1x100xi32, #tpu.memory_space<vmem>> -> memref<100xi32, #tpu.memory_space<vmem>>
    %dma_start3A_617 = arith.constant 0 : i32
    %dma_start3A_618 = tpu.memref_slice %arg5[%dma_start3A_612, %dma_start3A_617] : memref<512x100xi32, #tpu.memory_space<vmem>> -> memref<1x100xi32, #tpu.memory_space<vmem>>
    %dma_start3A_619 = tpu.memref_squeeze %dma_start3A_618 : memref<1x100xi32, #tpu.memory_space<vmem>> -> memref<100xi32, #tpu.memory_space<vmem>>
    %dma_start3A_620 = arith.constant 0 : i32
    %dma_start3A_621 = tpu.memref_slice %arg3[%dma_start3A_620] : memref<1000000xi32, #tpu.memory_space<hbm>> -> memref<1000000xi32, #tpu.memory_space<hbm>>
    tpu.enqueue_indirect_dma source(%dma_start3A_621 : memref<1000000xi32, #tpu.memory_space<hbm>>) target(%dma_start3A_616 : memref<100xi32, #tpu.memory_space<vmem>>) offsets(%dma_start3A_619 : memref<100xi32, #tpu.memory_space<vmem>>) semaphore(%arg7 : memref<!tpu.dma_semaphore, #tpu.memory_space<semaphore_mem>>)
    %dma_start3A_622 = arith.constant 62 : i32
    %dma_start3A_623 = arith.constant 62 : i32
    %dma_start3A_624 = arith.constant 0 : i32
    %dma_start3A_625 = tpu.memref_slice %arg6[%dma_start3A_623, %dma_start3A_624] : memref<512x100xi32, #tpu.memory_space<vmem>> -> memref<1x100xi32, #tpu.memory_space<vmem>>
    %dma_start3A_626 = tpu.memref_squeeze %dma_start3A_625 : memref<1x100xi32, #tpu.memory_space<vmem>> -> memref<100xi32, #tpu.memory_space<vmem>>
    %dma_start3A_627 = arith.constant 0 : i32
    %dma_start3A_628 = tpu.memref_slice %arg5[%dma_start3A_622, %dma_start3A_627] : memref<512x100xi32, #tpu.memory_space<vmem>> -> memref<1x100xi32, #tpu.memory_space<vmem>>
    %dma_start3A_629 = tpu.memref_squeeze %dma_start3A_628 : memref<1x100xi32, #tpu.memory_space<vmem>> -> memref<100xi32, #tpu.memory_space<vmem>>
    %dma_start3A_630 = arith.constant 0 : i32
    %dma_start3A_631 = tpu.memref_slice %arg3[%dma_start3A_630] : memref<1000000xi32, #tpu.memory_space<hbm>> -> memref<1000000xi32, #tpu.memory_space<hbm>>
    tpu.enqueue_indirect_dma source(%dma_start3A_631 : memref<1000000xi32, #tpu.memory_space<hbm>>) target(%dma_start3A_626 : memref<100xi32, #tpu.memory_space<vmem>>) offsets(%dma_start3A_629 : memref<100xi32, #tpu.memory_space<vmem>>) semaphore(%arg7 : memref<!tpu.dma_semaphore, #tpu.memory_space<semaphore_mem>>)
    %dma_start3A_632 = arith.constant 63 : i32
    %dma_start3A_633 = arith.constant 63 : i32
    %dma_start3A_634 = arith.constant 0 : i32
    %dma_start3A_635 = tpu.memref_slice %arg6[%dma_start3A_633, %dma_start3A_634] : memref<512x100xi32, #tpu.memory_space<vmem>> -> memref<1x100xi32, #tpu.memory_space<vmem>>
    %dma_start3A_636 = tpu.memref_squeeze %dma_start3A_635 : memref<1x100xi32, #tpu.memory_space<vmem>> -> memref<100xi32, #tpu.memory_space<vmem>>
    %dma_start3A_637 = arith.constant 0 : i32
    %dma_start3A_638 = tpu.memref_slice %arg5[%dma_start3A_632, %dma_start3A_637] : memref<512x100xi32, #tpu.memory_space<vmem>> -> memref<1x100xi32, #tpu.memory_space<vmem>>
    %dma_start3A_639 = tpu.memref_squeeze %dma_start3A_638 : memref<1x100xi32, #tpu.memory_space<vmem>> -> memref<100xi32, #tpu.memory_space<vmem>>
    %dma_start3A_640 = arith.constant 0 : i32
    %dma_start3A_641 = tpu.memref_slice %arg3[%dma_start3A_640] : memref<1000000xi32, #tpu.memory_space<hbm>> -> memref<1000000xi32, #tpu.memory_space<hbm>>
    tpu.enqueue_indirect_dma source(%dma_start3A_641 : memref<1000000xi32, #tpu.memory_space<hbm>>) target(%dma_start3A_636 : memref<100xi32, #tpu.memory_space<vmem>>) offsets(%dma_start3A_639 : memref<100xi32, #tpu.memory_space<vmem>>) semaphore(%arg7 : memref<!tpu.dma_semaphore, #tpu.memory_space<semaphore_mem>>)
    %scan3A = arith.constant 0 : i32
    %scan3A_642 = arith.constant 1 : i32
    %scan3A_643 = arith.constant 7 : i32
    %scan3A_644 = arith.addi %scan3A_642, %scan3A_643 : i32
    %scan3A_645 = arith.constant 1 : i32
    scf.for %scan3A_1286 = %scan3A_642 to %scan3A_644 step %scan3A_645  : i32 {
      %mul3A_1287 = arith.constant 64 : i32
      %mul3A_1288 = arith.muli %scan3A_1286, %mul3A_1287 : i32
      %add3A_1289 = arith.constant 0 : i32
      %add3A_1290 = arith.addi %mul3A_1288, %add3A_1289 : i32
      %dma_start3A_1291 = arith.constant 0 : i32
      %dma_start3A_1292 = tpu.memref_slice %arg6[%add3A_1290, %dma_start3A_1291] : memref<512x100xi32, #tpu.memory_space<vmem>> -> memref<1x100xi32, #tpu.memory_space<vmem>>
      %dma_start3A_1293 = tpu.memref_squeeze %dma_start3A_1292 : memref<1x100xi32, #tpu.memory_space<vmem>> -> memref<100xi32, #tpu.memory_space<vmem>>
      %dma_start3A_1294 = arith.constant 0 : i32
      %dma_start3A_1295 = tpu.memref_slice %arg5[%add3A_1290, %dma_start3A_1294] : memref<512x100xi32, #tpu.memory_space<vmem>> -> memref<1x100xi32, #tpu.memory_space<vmem>>
      %dma_start3A_1296 = tpu.memref_squeeze %dma_start3A_1295 : memref<1x100xi32, #tpu.memory_space<vmem>> -> memref<100xi32, #tpu.memory_space<vmem>>
      %dma_start3A_1297 = arith.constant 0 : i32
      %dma_start3A_1298 = tpu.memref_slice %arg3[%dma_start3A_1297] : memref<1000000xi32, #tpu.memory_space<hbm>> -> memref<1000000xi32, #tpu.memory_space<hbm>>
      tpu.enqueue_indirect_dma source(%dma_start3A_1298 : memref<1000000xi32, #tpu.memory_space<hbm>>) target(%dma_start3A_1293 : memref<100xi32, #tpu.memory_space<vmem>>) offsets(%dma_start3A_1296 : memref<100xi32, #tpu.memory_space<vmem>>) semaphore(%arg7 : memref<!tpu.dma_semaphore, #tpu.memory_space<semaphore_mem>>)
      %mul3A_1299 = arith.constant 64 : i32
      %mul3A_1300 = arith.muli %scan3A_1286, %mul3A_1299 : i32
      %add3A_1301 = arith.constant 1 : i32
      %add3A_1302 = arith.addi %mul3A_1300, %add3A_1301 : i32
      %dma_start3A_1303 = arith.constant 0 : i32
      %dma_start3A_1304 = tpu.memref_slice %arg6[%add3A_1302, %dma_start3A_1303] : memref<512x100xi32, #tpu.memory_space<vmem>> -> memref<1x100xi32, #tpu.memory_space<vmem>>
      %dma_start3A_1305 = tpu.memref_squeeze %dma_start3A_1304 : memref<1x100xi32, #tpu.memory_space<vmem>> -> memref<100xi32, #tpu.memory_space<vmem>>
      %dma_start3A_1306 = arith.constant 0 : i32
      %dma_start3A_1307 = tpu.memref_slice %arg5[%add3A_1302, %dma_start3A_1306] : memref<512x100xi32, #tpu.memory_space<vmem>> -> memref<1x100xi32, #tpu.memory_space<vmem>>
      %dma_start3A_1308 = tpu.memref_squeeze %dma_start3A_1307 : memref<1x100xi32, #tpu.memory_space<vmem>> -> memref<100xi32, #tpu.memory_space<vmem>>
      %dma_start3A_1309 = arith.constant 0 : i32
      %dma_start3A_1310 = tpu.memref_slice %arg3[%dma_start3A_1309] : memref<1000000xi32, #tpu.memory_space<hbm>> -> memref<1000000xi32, #tpu.memory_space<hbm>>
      tpu.enqueue_indirect_dma source(%dma_start3A_1310 : memref<1000000xi32, #tpu.memory_space<hbm>>) target(%dma_start3A_1305 : memref<100xi32, #tpu.memory_space<vmem>>) offsets(%dma_start3A_1308 : memref<100xi32, #tpu.memory_space<vmem>>) semaphore(%arg7 : memref<!tpu.dma_semaphore, #tpu.memory_space<semaphore_mem>>)
      %mul3A_1311 = arith.constant 64 : i32
      %mul3A_1312 = arith.muli %scan3A_1286, %mul3A_1311 : i32
      %add3A_1313 = arith.constant 2 : i32
      %add3A_1314 = arith.addi %mul3A_1312, %add3A_1313 : i32
      %dma_start3A_1315 = arith.constant 0 : i32
      %dma_start3A_1316 = tpu.memref_slice %arg6[%add3A_1314, %dma_start3A_1315] : memref<512x100xi32, #tpu.memory_space<vmem>> -> memref<1x100xi32, #tpu.memory_space<vmem>>
      %dma_start3A_1317 = tpu.memref_squeeze %dma_start3A_1316 : memref<1x100xi32, #tpu.memory_space<vmem>> -> memref<100xi32, #tpu.memory_space<vmem>>
      %dma_start3A_1318 = arith.constant 0 : i32
      %dma_start3A_1319 = tpu.memref_slice %arg5[%add3A_1314, %dma_start3A_1318] : memref<512x100xi32, #tpu.memory_space<vmem>> -> memref<1x100xi32, #tpu.memory_space<vmem>>
      %dma_start3A_1320 = tpu.memref_squeeze %dma_start3A_1319 : memref<1x100xi32, #tpu.memory_space<vmem>> -> memref<100xi32, #tpu.memory_space<vmem>>
      %dma_start3A_1321 = arith.constant 0 : i32
      %dma_start3A_1322 = tpu.memref_slice %arg3[%dma_start3A_1321] : memref<1000000xi32, #tpu.memory_space<hbm>> -> memref<1000000xi32, #tpu.memory_space<hbm>>
      tpu.enqueue_indirect_dma source(%dma_start3A_1322 : memref<1000000xi32, #tpu.memory_space<hbm>>) target(%dma_start3A_1317 : memref<100xi32, #tpu.memory_space<vmem>>) offsets(%dma_start3A_1320 : memref<100xi32, #tpu.memory_space<vmem>>) semaphore(%arg7 : memref<!tpu.dma_semaphore, #tpu.memory_space<semaphore_mem>>)
      %mul3A_1323 = arith.constant 64 : i32
      %mul3A_1324 = arith.muli %scan3A_1286, %mul3A_1323 : i32
      %add3A_1325 = arith.constant 3 : i32
      %add3A_1326 = arith.addi %mul3A_1324, %add3A_1325 : i32
      %dma_start3A_1327 = arith.constant 0 : i32
      %dma_start3A_1328 = tpu.memref_slice %arg6[%add3A_1326, %dma_start3A_1327] : memref<512x100xi32, #tpu.memory_space<vmem>> -> memref<1x100xi32, #tpu.memory_space<vmem>>
      %dma_start3A_1329 = tpu.memref_squeeze %dma_start3A_1328 : memref<1x100xi32, #tpu.memory_space<vmem>> -> memref<100xi32, #tpu.memory_space<vmem>>
      %dma_start3A_1330 = arith.constant 0 : i32
      %dma_start3A_1331 = tpu.memref_slice %arg5[%add3A_1326, %dma_start3A_1330] : memref<512x100xi32, #tpu.memory_space<vmem>> -> memref<1x100xi32, #tpu.memory_space<vmem>>
      %dma_start3A_1332 = tpu.memref_squeeze %dma_start3A_1331 : memref<1x100xi32, #tpu.memory_space<vmem>> -> memref<100xi32, #tpu.memory_space<vmem>>
      %dma_start3A_1333 = arith.constant 0 : i32
      %dma_start3A_1334 = tpu.memref_slice %arg3[%dma_start3A_1333] : memref<1000000xi32, #tpu.memory_space<hbm>> -> memref<1000000xi32, #tpu.memory_space<hbm>>
      tpu.enqueue_indirect_dma source(%dma_start3A_1334 : memref<1000000xi32, #tpu.memory_space<hbm>>) target(%dma_start3A_1329 : memref<100xi32, #tpu.memory_space<vmem>>) offsets(%dma_start3A_1332 : memref<100xi32, #tpu.memory_space<vmem>>) semaphore(%arg7 : memref<!tpu.dma_semaphore, #tpu.memory_space<semaphore_mem>>)
      %mul3A_1335 = arith.constant 64 : i32
      %mul3A_1336 = arith.muli %scan3A_1286, %mul3A_1335 : i32
      %add3A_1337 = arith.constant 4 : i32
      %add3A_1338 = arith.addi %mul3A_1336, %add3A_1337 : i32
      %dma_start3A_1339 = arith.constant 0 : i32
      %dma_start3A_1340 = tpu.memref_slice %arg6[%add3A_1338, %dma_start3A_1339] : memref<512x100xi32, #tpu.memory_space<vmem>> -> memref<1x100xi32, #tpu.memory_space<vmem>>
      %dma_start3A_1341 = tpu.memref_squeeze %dma_start3A_1340 : memref<1x100xi32, #tpu.memory_space<vmem>> -> memref<100xi32, #tpu.memory_space<vmem>>
      %dma_start3A_1342 = arith.constant 0 : i32
      %dma_start3A_1343 = tpu.memref_slice %arg5[%add3A_1338, %dma_start3A_1342] : memref<512x100xi32, #tpu.memory_space<vmem>> -> memref<1x100xi32, #tpu.memory_space<vmem>>
      %dma_start3A_1344 = tpu.memref_squeeze %dma_start3A_1343 : memref<1x100xi32, #tpu.memory_space<vmem>> -> memref<100xi32, #tpu.memory_space<vmem>>
      %dma_start3A_1345 = arith.constant 0 : i32
      %dma_start3A_1346 = tpu.memref_slice %arg3[%dma_start3A_1345] : memref<1000000xi32, #tpu.memory_space<hbm>> -> memref<1000000xi32, #tpu.memory_space<hbm>>
      tpu.enqueue_indirect_dma source(%dma_start3A_1346 : memref<1000000xi32, #tpu.memory_space<hbm>>) target(%dma_start3A_1341 : memref<100xi32, #tpu.memory_space<vmem>>) offsets(%dma_start3A_1344 : memref<100xi32, #tpu.memory_space<vmem>>) semaphore(%arg7 : memref<!tpu.dma_semaphore, #tpu.memory_space<semaphore_mem>>)
      %mul3A_1347 = arith.constant 64 : i32
      %mul3A_1348 = arith.muli %scan3A_1286, %mul3A_1347 : i32
      %add3A_1349 = arith.constant 5 : i32
      %add3A_1350 = arith.addi %mul3A_1348, %add3A_1349 : i32
      %dma_start3A_1351 = arith.constant 0 : i32
      %dma_start3A_1352 = tpu.memref_slice %arg6[%add3A_1350, %dma_start3A_1351] : memref<512x100xi32, #tpu.memory_space<vmem>> -> memref<1x100xi32, #tpu.memory_space<vmem>>
      %dma_start3A_1353 = tpu.memref_squeeze %dma_start3A_1352 : memref<1x100xi32, #tpu.memory_space<vmem>> -> memref<100xi32, #tpu.memory_space<vmem>>
      %dma_start3A_1354 = arith.constant 0 : i32
      %dma_start3A_1355 = tpu.memref_slice %arg5[%add3A_1350, %dma_start3A_1354] : memref<512x100xi32, #tpu.memory_space<vmem>> -> memref<1x100xi32, #tpu.memory_space<vmem>>
      %dma_start3A_1356 = tpu.memref_squeeze %dma_start3A_1355 : memref<1x100xi32, #tpu.memory_space<vmem>> -> memref<100xi32, #tpu.memory_space<vmem>>
      %dma_start3A_1357 = arith.constant 0 : i32
      %dma_start3A_1358 = tpu.memref_slice %arg3[%dma_start3A_1357] : memref<1000000xi32, #tpu.memory_space<hbm>> -> memref<1000000xi32, #tpu.memory_space<hbm>>
      tpu.enqueue_indirect_dma source(%dma_start3A_1358 : memref<1000000xi32, #tpu.memory_space<hbm>>) target(%dma_start3A_1353 : memref<100xi32, #tpu.memory_space<vmem>>) offsets(%dma_start3A_1356 : memref<100xi32, #tpu.memory_space<vmem>>) semaphore(%arg7 : memref<!tpu.dma_semaphore, #tpu.memory_space<semaphore_mem>>)
      %mul3A_1359 = arith.constant 64 : i32
      %mul3A_1360 = arith.muli %scan3A_1286, %mul3A_1359 : i32
      %add3A_1361 = arith.constant 6 : i32
      %add3A_1362 = arith.addi %mul3A_1360, %add3A_1361 : i32
      %dma_start3A_1363 = arith.constant 0 : i32
      %dma_start3A_1364 = tpu.memref_slice %arg6[%add3A_1362, %dma_start3A_1363] : memref<512x100xi32, #tpu.memory_space<vmem>> -> memref<1x100xi32, #tpu.memory_space<vmem>>
      %dma_start3A_1365 = tpu.memref_squeeze %dma_start3A_1364 : memref<1x100xi32, #tpu.memory_space<vmem>> -> memref<100xi32, #tpu.memory_space<vmem>>
      %dma_start3A_1366 = arith.constant 0 : i32
      %dma_start3A_1367 = tpu.memref_slice %arg5[%add3A_1362, %dma_start3A_1366] : memref<512x100xi32, #tpu.memory_space<vmem>> -> memref<1x100xi32, #tpu.memory_space<vmem>>
      %dma_start3A_1368 = tpu.memref_squeeze %dma_start3A_1367 : memref<1x100xi32, #tpu.memory_space<vmem>> -> memref<100xi32, #tpu.memory_space<vmem>>
      %dma_start3A_1369 = arith.constant 0 : i32
      %dma_start3A_1370 = tpu.memref_slice %arg3[%dma_start3A_1369] : memref<1000000xi32, #tpu.memory_space<hbm>> -> memref<1000000xi32, #tpu.memory_space<hbm>>
      tpu.enqueue_indirect_dma source(%dma_start3A_1370 : memref<1000000xi32, #tpu.memory_space<hbm>>) target(%dma_start3A_1365 : memref<100xi32, #tpu.memory_space<vmem>>) offsets(%dma_start3A_1368 : memref<100xi32, #tpu.memory_space<vmem>>) semaphore(%arg7 : memref<!tpu.dma_semaphore, #tpu.memory_space<semaphore_mem>>)
      %mul3A_1371 = arith.constant 64 : i32
      %mul3A_1372 = arith.muli %scan3A_1286, %mul3A_1371 : i32
      %add3A_1373 = arith.constant 7 : i32
      %add3A_1374 = arith.addi %mul3A_1372, %add3A_1373 : i32
      %dma_start3A_1375 = arith.constant 0 : i32
      %dma_start3A_1376 = tpu.memref_slice %arg6[%add3A_1374, %dma_start3A_1375] : memref<512x100xi32, #tpu.memory_space<vmem>> -> memref<1x100xi32, #tpu.memory_space<vmem>>
      %dma_start3A_1377 = tpu.memref_squeeze %dma_start3A_1376 : memref<1x100xi32, #tpu.memory_space<vmem>> -> memref<100xi32, #tpu.memory_space<vmem>>
      %dma_start3A_1378 = arith.constant 0 : i32
      %dma_start3A_1379 = tpu.memref_slice %arg5[%add3A_1374, %dma_start3A_1378] : memref<512x100xi32, #tpu.memory_space<vmem>> -> memref<1x100xi32, #tpu.memory_space<vmem>>
      %dma_start3A_1380 = tpu.memref_squeeze %dma_start3A_1379 : memref<1x100xi32, #tpu.memory_space<vmem>> -> memref<100xi32, #tpu.memory_space<vmem>>
      %dma_start3A_1381 = arith.constant 0 : i32
      %dma_start3A_1382 = tpu.memref_slice %arg3[%dma_start3A_1381] : memref<1000000xi32, #tpu.memory_space<hbm>> -> memref<1000000xi32, #tpu.memory_space<hbm>>
      tpu.enqueue_indirect_dma source(%dma_start3A_1382 : memref<1000000xi32, #tpu.memory_space<hbm>>) target(%dma_start3A_1377 : memref<100xi32, #tpu.memory_space<vmem>>) offsets(%dma_start3A_1380 : memref<100xi32, #tpu.memory_space<vmem>>) semaphore(%arg7 : memref<!tpu.dma_semaphore, #tpu.memory_space<semaphore_mem>>)
      %mul3A_1383 = arith.constant 64 : i32
      %mul3A_1384 = arith.muli %scan3A_1286, %mul3A_1383 : i32
      %add3A_1385 = arith.constant 8 : i32
      %add3A_1386 = arith.addi %mul3A_1384, %add3A_1385 : i32
      %dma_start3A_1387 = arith.constant 0 : i32
      %dma_start3A_1388 = tpu.memref_slice %arg6[%add3A_1386, %dma_start3A_1387] : memref<512x100xi32, #tpu.memory_space<vmem>> -> memref<1x100xi32, #tpu.memory_space<vmem>>
      %dma_start3A_1389 = tpu.memref_squeeze %dma_start3A_1388 : memref<1x100xi32, #tpu.memory_space<vmem>> -> memref<100xi32, #tpu.memory_space<vmem>>
      %dma_start3A_1390 = arith.constant 0 : i32
      %dma_start3A_1391 = tpu.memref_slice %arg5[%add3A_1386, %dma_start3A_1390] : memref<512x100xi32, #tpu.memory_space<vmem>> -> memref<1x100xi32, #tpu.memory_space<vmem>>
      %dma_start3A_1392 = tpu.memref_squeeze %dma_start3A_1391 : memref<1x100xi32, #tpu.memory_space<vmem>> -> memref<100xi32, #tpu.memory_space<vmem>>
      %dma_start3A_1393 = arith.constant 0 : i32
      %dma_start3A_1394 = tpu.memref_slice %arg3[%dma_start3A_1393] : memref<1000000xi32, #tpu.memory_space<hbm>> -> memref<1000000xi32, #tpu.memory_space<hbm>>
      tpu.enqueue_indirect_dma source(%dma_start3A_1394 : memref<1000000xi32, #tpu.memory_space<hbm>>) target(%dma_start3A_1389 : memref<100xi32, #tpu.memory_space<vmem>>) offsets(%dma_start3A_1392 : memref<100xi32, #tpu.memory_space<vmem>>) semaphore(%arg7 : memref<!tpu.dma_semaphore, #tpu.memory_space<semaphore_mem>>)
      %mul3A_1395 = arith.constant 64 : i32
      %mul3A_1396 = arith.muli %scan3A_1286, %mul3A_1395 : i32
      %add3A_1397 = arith.constant 9 : i32
      %add3A_1398 = arith.addi %mul3A_1396, %add3A_1397 : i32
      %dma_start3A_1399 = arith.constant 0 : i32
      %dma_start3A_1400 = tpu.memref_slice %arg6[%add3A_1398, %dma_start3A_1399] : memref<512x100xi32, #tpu.memory_space<vmem>> -> memref<1x100xi32, #tpu.memory_space<vmem>>
      %dma_start3A_1401 = tpu.memref_squeeze %dma_start3A_1400 : memref<1x100xi32, #tpu.memory_space<vmem>> -> memref<100xi32, #tpu.memory_space<vmem>>
      %dma_start3A_1402 = arith.constant 0 : i32
      %dma_start3A_1403 = tpu.memref_slice %arg5[%add3A_1398, %dma_start3A_1402] : memref<512x100xi32, #tpu.memory_space<vmem>> -> memref<1x100xi32, #tpu.memory_space<vmem>>
      %dma_start3A_1404 = tpu.memref_squeeze %dma_start3A_1403 : memref<1x100xi32, #tpu.memory_space<vmem>> -> memref<100xi32, #tpu.memory_space<vmem>>
      %dma_start3A_1405 = arith.constant 0 : i32
      %dma_start3A_1406 = tpu.memref_slice %arg3[%dma_start3A_1405] : memref<1000000xi32, #tpu.memory_space<hbm>> -> memref<1000000xi32, #tpu.memory_space<hbm>>
      tpu.enqueue_indirect_dma source(%dma_start3A_1406 : memref<1000000xi32, #tpu.memory_space<hbm>>) target(%dma_start3A_1401 : memref<100xi32, #tpu.memory_space<vmem>>) offsets(%dma_start3A_1404 : memref<100xi32, #tpu.memory_space<vmem>>) semaphore(%arg7 : memref<!tpu.dma_semaphore, #tpu.memory_space<semaphore_mem>>)
      %mul3A_1407 = arith.constant 64 : i32
      %mul3A_1408 = arith.muli %scan3A_1286, %mul3A_1407 : i32
      %add3A_1409 = arith.constant 10 : i32
      %add3A_1410 = arith.addi %mul3A_1408, %add3A_1409 : i32
      %dma_start3A_1411 = arith.constant 0 : i32
      %dma_start3A_1412 = tpu.memref_slice %arg6[%add3A_1410, %dma_start3A_1411] : memref<512x100xi32, #tpu.memory_space<vmem>> -> memref<1x100xi32, #tpu.memory_space<vmem>>
      %dma_start3A_1413 = tpu.memref_squeeze %dma_start3A_1412 : memref<1x100xi32, #tpu.memory_space<vmem>> -> memref<100xi32, #tpu.memory_space<vmem>>
      %dma_start3A_1414 = arith.constant 0 : i32
      %dma_start3A_1415 = tpu.memref_slice %arg5[%add3A_1410, %dma_start3A_1414] : memref<512x100xi32, #tpu.memory_space<vmem>> -> memref<1x100xi32, #tpu.memory_space<vmem>>
      %dma_start3A_1416 = tpu.memref_squeeze %dma_start3A_1415 : memref<1x100xi32, #tpu.memory_space<vmem>> -> memref<100xi32, #tpu.memory_space<vmem>>
      %dma_start3A_1417 = arith.constant 0 : i32
      %dma_start3A_1418 = tpu.memref_slice %arg3[%dma_start3A_1417] : memref<1000000xi32, #tpu.memory_space<hbm>> -> memref<1000000xi32, #tpu.memory_space<hbm>>
      tpu.enqueue_indirect_dma source(%dma_start3A_1418 : memref<1000000xi32, #tpu.memory_space<hbm>>) target(%dma_start3A_1413 : memref<100xi32, #tpu.memory_space<vmem>>) offsets(%dma_start3A_1416 : memref<100xi32, #tpu.memory_space<vmem>>) semaphore(%arg7 : memref<!tpu.dma_semaphore, #tpu.memory_space<semaphore_mem>>)
      %mul3A_1419 = arith.constant 64 : i32
      %mul3A_1420 = arith.muli %scan3A_1286, %mul3A_1419 : i32
      %add3A_1421 = arith.constant 11 : i32
      %add3A_1422 = arith.addi %mul3A_1420, %add3A_1421 : i32
      %dma_start3A_1423 = arith.constant 0 : i32
      %dma_start3A_1424 = tpu.memref_slice %arg6[%add3A_1422, %dma_start3A_1423] : memref<512x100xi32, #tpu.memory_space<vmem>> -> memref<1x100xi32, #tpu.memory_space<vmem>>
      %dma_start3A_1425 = tpu.memref_squeeze %dma_start3A_1424 : memref<1x100xi32, #tpu.memory_space<vmem>> -> memref<100xi32, #tpu.memory_space<vmem>>
      %dma_start3A_1426 = arith.constant 0 : i32
      %dma_start3A_1427 = tpu.memref_slice %arg5[%add3A_1422, %dma_start3A_1426] : memref<512x100xi32, #tpu.memory_space<vmem>> -> memref<1x100xi32, #tpu.memory_space<vmem>>
      %dma_start3A_1428 = tpu.memref_squeeze %dma_start3A_1427 : memref<1x100xi32, #tpu.memory_space<vmem>> -> memref<100xi32, #tpu.memory_space<vmem>>
      %dma_start3A_1429 = arith.constant 0 : i32
      %dma_start3A_1430 = tpu.memref_slice %arg3[%dma_start3A_1429] : memref<1000000xi32, #tpu.memory_space<hbm>> -> memref<1000000xi32, #tpu.memory_space<hbm>>
      tpu.enqueue_indirect_dma source(%dma_start3A_1430 : memref<1000000xi32, #tpu.memory_space<hbm>>) target(%dma_start3A_1425 : memref<100xi32, #tpu.memory_space<vmem>>) offsets(%dma_start3A_1428 : memref<100xi32, #tpu.memory_space<vmem>>) semaphore(%arg7 : memref<!tpu.dma_semaphore, #tpu.memory_space<semaphore_mem>>)
      %mul3A_1431 = arith.constant 64 : i32
      %mul3A_1432 = arith.muli %scan3A_1286, %mul3A_1431 : i32
      %add3A_1433 = arith.constant 12 : i32
      %add3A_1434 = arith.addi %mul3A_1432, %add3A_1433 : i32
      %dma_start3A_1435 = arith.constant 0 : i32
      %dma_start3A_1436 = tpu.memref_slice %arg6[%add3A_1434, %dma_start3A_1435] : memref<512x100xi32, #tpu.memory_space<vmem>> -> memref<1x100xi32, #tpu.memory_space<vmem>>
      %dma_start3A_1437 = tpu.memref_squeeze %dma_start3A_1436 : memref<1x100xi32, #tpu.memory_space<vmem>> -> memref<100xi32, #tpu.memory_space<vmem>>
      %dma_start3A_1438 = arith.constant 0 : i32
      %dma_start3A_1439 = tpu.memref_slice %arg5[%add3A_1434, %dma_start3A_1438] : memref<512x100xi32, #tpu.memory_space<vmem>> -> memref<1x100xi32, #tpu.memory_space<vmem>>
      %dma_start3A_1440 = tpu.memref_squeeze %dma_start3A_1439 : memref<1x100xi32, #tpu.memory_space<vmem>> -> memref<100xi32, #tpu.memory_space<vmem>>
      %dma_start3A_1441 = arith.constant 0 : i32
      %dma_start3A_1442 = tpu.memref_slice %arg3[%dma_start3A_1441] : memref<1000000xi32, #tpu.memory_space<hbm>> -> memref<1000000xi32, #tpu.memory_space<hbm>>
      tpu.enqueue_indirect_dma source(%dma_start3A_1442 : memref<1000000xi32, #tpu.memory_space<hbm>>) target(%dma_start3A_1437 : memref<100xi32, #tpu.memory_space<vmem>>) offsets(%dma_start3A_1440 : memref<100xi32, #tpu.memory_space<vmem>>) semaphore(%arg7 : memref<!tpu.dma_semaphore, #tpu.memory_space<semaphore_mem>>)
      %mul3A_1443 = arith.constant 64 : i32
      %mul3A_1444 = arith.muli %scan3A_1286, %mul3A_1443 : i32
      %add3A_1445 = arith.constant 13 : i32
      %add3A_1446 = arith.addi %mul3A_1444, %add3A_1445 : i32
      %dma_start3A_1447 = arith.constant 0 : i32
      %dma_start3A_1448 = tpu.memref_slice %arg6[%add3A_1446, %dma_start3A_1447] : memref<512x100xi32, #tpu.memory_space<vmem>> -> memref<1x100xi32, #tpu.memory_space<vmem>>
      %dma_start3A_1449 = tpu.memref_squeeze %dma_start3A_1448 : memref<1x100xi32, #tpu.memory_space<vmem>> -> memref<100xi32, #tpu.memory_space<vmem>>
      %dma_start3A_1450 = arith.constant 0 : i32
      %dma_start3A_1451 = tpu.memref_slice %arg5[%add3A_1446, %dma_start3A_1450] : memref<512x100xi32, #tpu.memory_space<vmem>> -> memref<1x100xi32, #tpu.memory_space<vmem>>
      %dma_start3A_1452 = tpu.memref_squeeze %dma_start3A_1451 : memref<1x100xi32, #tpu.memory_space<vmem>> -> memref<100xi32, #tpu.memory_space<vmem>>
      %dma_start3A_1453 = arith.constant 0 : i32
      %dma_start3A_1454 = tpu.memref_slice %arg3[%dma_start3A_1453] : memref<1000000xi32, #tpu.memory_space<hbm>> -> memref<1000000xi32, #tpu.memory_space<hbm>>
      tpu.enqueue_indirect_dma source(%dma_start3A_1454 : memref<1000000xi32, #tpu.memory_space<hbm>>) target(%dma_start3A_1449 : memref<100xi32, #tpu.memory_space<vmem>>) offsets(%dma_start3A_1452 : memref<100xi32, #tpu.memory_space<vmem>>) semaphore(%arg7 : memref<!tpu.dma_semaphore, #tpu.memory_space<semaphore_mem>>)
      %mul3A_1455 = arith.constant 64 : i32
      %mul3A_1456 = arith.muli %scan3A_1286, %mul3A_1455 : i32
      %add3A_1457 = arith.constant 14 : i32
      %add3A_1458 = arith.addi %mul3A_1456, %add3A_1457 : i32
      %dma_start3A_1459 = arith.constant 0 : i32
      %dma_start3A_1460 = tpu.memref_slice %arg6[%add3A_1458, %dma_start3A_1459] : memref<512x100xi32, #tpu.memory_space<vmem>> -> memref<1x100xi32, #tpu.memory_space<vmem>>
      %dma_start3A_1461 = tpu.memref_squeeze %dma_start3A_1460 : memref<1x100xi32, #tpu.memory_space<vmem>> -> memref<100xi32, #tpu.memory_space<vmem>>
      %dma_start3A_1462 = arith.constant 0 : i32
      %dma_start3A_1463 = tpu.memref_slice %arg5[%add3A_1458, %dma_start3A_1462] : memref<512x100xi32, #tpu.memory_space<vmem>> -> memref<1x100xi32, #tpu.memory_space<vmem>>
      %dma_start3A_1464 = tpu.memref_squeeze %dma_start3A_1463 : memref<1x100xi32, #tpu.memory_space<vmem>> -> memref<100xi32, #tpu.memory_space<vmem>>
      %dma_start3A_1465 = arith.constant 0 : i32
      %dma_start3A_1466 = tpu.memref_slice %arg3[%dma_start3A_1465] : memref<1000000xi32, #tpu.memory_space<hbm>> -> memref<1000000xi32, #tpu.memory_space<hbm>>
      tpu.enqueue_indirect_dma source(%dma_start3A_1466 : memref<1000000xi32, #tpu.memory_space<hbm>>) target(%dma_start3A_1461 : memref<100xi32, #tpu.memory_space<vmem>>) offsets(%dma_start3A_1464 : memref<100xi32, #tpu.memory_space<vmem>>) semaphore(%arg7 : memref<!tpu.dma_semaphore, #tpu.memory_space<semaphore_mem>>)
      %mul3A_1467 = arith.constant 64 : i32
      %mul3A_1468 = arith.muli %scan3A_1286, %mul3A_1467 : i32
      %add3A_1469 = arith.constant 15 : i32
      %add3A_1470 = arith.addi %mul3A_1468, %add3A_1469 : i32
      %dma_start3A_1471 = arith.constant 0 : i32
      %dma_start3A_1472 = tpu.memref_slice %arg6[%add3A_1470, %dma_start3A_1471] : memref<512x100xi32, #tpu.memory_space<vmem>> -> memref<1x100xi32, #tpu.memory_space<vmem>>
      %dma_start3A_1473 = tpu.memref_squeeze %dma_start3A_1472 : memref<1x100xi32, #tpu.memory_space<vmem>> -> memref<100xi32, #tpu.memory_space<vmem>>
      %dma_start3A_1474 = arith.constant 0 : i32
      %dma_start3A_1475 = tpu.memref_slice %arg5[%add3A_1470, %dma_start3A_1474] : memref<512x100xi32, #tpu.memory_space<vmem>> -> memref<1x100xi32, #tpu.memory_space<vmem>>
      %dma_start3A_1476 = tpu.memref_squeeze %dma_start3A_1475 : memref<1x100xi32, #tpu.memory_space<vmem>> -> memref<100xi32, #tpu.memory_space<vmem>>
      %dma_start3A_1477 = arith.constant 0 : i32
      %dma_start3A_1478 = tpu.memref_slice %arg3[%dma_start3A_1477] : memref<1000000xi32, #tpu.memory_space<hbm>> -> memref<1000000xi32, #tpu.memory_space<hbm>>
      tpu.enqueue_indirect_dma source(%dma_start3A_1478 : memref<1000000xi32, #tpu.memory_space<hbm>>) target(%dma_start3A_1473 : memref<100xi32, #tpu.memory_space<vmem>>) offsets(%dma_start3A_1476 : memref<100xi32, #tpu.memory_space<vmem>>) semaphore(%arg7 : memref<!tpu.dma_semaphore, #tpu.memory_space<semaphore_mem>>)
      %mul3A_1479 = arith.constant 64 : i32
      %mul3A_1480 = arith.muli %scan3A_1286, %mul3A_1479 : i32
      %add3A_1481 = arith.constant 16 : i32
      %add3A_1482 = arith.addi %mul3A_1480, %add3A_1481 : i32
      %dma_start3A_1483 = arith.constant 0 : i32
      %dma_start3A_1484 = tpu.memref_slice %arg6[%add3A_1482, %dma_start3A_1483] : memref<512x100xi32, #tpu.memory_space<vmem>> -> memref<1x100xi32, #tpu.memory_space<vmem>>
      %dma_start3A_1485 = tpu.memref_squeeze %dma_start3A_1484 : memref<1x100xi32, #tpu.memory_space<vmem>> -> memref<100xi32, #tpu.memory_space<vmem>>
      %dma_start3A_1486 = arith.constant 0 : i32
      %dma_start3A_1487 = tpu.memref_slice %arg5[%add3A_1482, %dma_start3A_1486] : memref<512x100xi32, #tpu.memory_space<vmem>> -> memref<1x100xi32, #tpu.memory_space<vmem>>
      %dma_start3A_1488 = tpu.memref_squeeze %dma_start3A_1487 : memref<1x100xi32, #tpu.memory_space<vmem>> -> memref<100xi32, #tpu.memory_space<vmem>>
      %dma_start3A_1489 = arith.constant 0 : i32
      %dma_start3A_1490 = tpu.memref_slice %arg3[%dma_start3A_1489] : memref<1000000xi32, #tpu.memory_space<hbm>> -> memref<1000000xi32, #tpu.memory_space<hbm>>
      tpu.enqueue_indirect_dma source(%dma_start3A_1490 : memref<1000000xi32, #tpu.memory_space<hbm>>) target(%dma_start3A_1485 : memref<100xi32, #tpu.memory_space<vmem>>) offsets(%dma_start3A_1488 : memref<100xi32, #tpu.memory_space<vmem>>) semaphore(%arg7 : memref<!tpu.dma_semaphore, #tpu.memory_space<semaphore_mem>>)
      %mul3A_1491 = arith.constant 64 : i32
      %mul3A_1492 = arith.muli %scan3A_1286, %mul3A_1491 : i32
      %add3A_1493 = arith.constant 17 : i32
      %add3A_1494 = arith.addi %mul3A_1492, %add3A_1493 : i32
      %dma_start3A_1495 = arith.constant 0 : i32
      %dma_start3A_1496 = tpu.memref_slice %arg6[%add3A_1494, %dma_start3A_1495] : memref<512x100xi32, #tpu.memory_space<vmem>> -> memref<1x100xi32, #tpu.memory_space<vmem>>
      %dma_start3A_1497 = tpu.memref_squeeze %dma_start3A_1496 : memref<1x100xi32, #tpu.memory_space<vmem>> -> memref<100xi32, #tpu.memory_space<vmem>>
      %dma_start3A_1498 = arith.constant 0 : i32
      %dma_start3A_1499 = tpu.memref_slice %arg5[%add3A_1494, %dma_start3A_1498] : memref<512x100xi32, #tpu.memory_space<vmem>> -> memref<1x100xi32, #tpu.memory_space<vmem>>
      %dma_start3A_1500 = tpu.memref_squeeze %dma_start3A_1499 : memref<1x100xi32, #tpu.memory_space<vmem>> -> memref<100xi32, #tpu.memory_space<vmem>>
      %dma_start3A_1501 = arith.constant 0 : i32
      %dma_start3A_1502 = tpu.memref_slice %arg3[%dma_start3A_1501] : memref<1000000xi32, #tpu.memory_space<hbm>> -> memref<1000000xi32, #tpu.memory_space<hbm>>
      tpu.enqueue_indirect_dma source(%dma_start3A_1502 : memref<1000000xi32, #tpu.memory_space<hbm>>) target(%dma_start3A_1497 : memref<100xi32, #tpu.memory_space<vmem>>) offsets(%dma_start3A_1500 : memref<100xi32, #tpu.memory_space<vmem>>) semaphore(%arg7 : memref<!tpu.dma_semaphore, #tpu.memory_space<semaphore_mem>>)
      %mul3A_1503 = arith.constant 64 : i32
      %mul3A_1504 = arith.muli %scan3A_1286, %mul3A_1503 : i32
      %add3A_1505 = arith.constant 18 : i32
      %add3A_1506 = arith.addi %mul3A_1504, %add3A_1505 : i32
      %dma_start3A_1507 = arith.constant 0 : i32
      %dma_start3A_1508 = tpu.memref_slice %arg6[%add3A_1506, %dma_start3A_1507] : memref<512x100xi32, #tpu.memory_space<vmem>> -> memref<1x100xi32, #tpu.memory_space<vmem>>
      %dma_start3A_1509 = tpu.memref_squeeze %dma_start3A_1508 : memref<1x100xi32, #tpu.memory_space<vmem>> -> memref<100xi32, #tpu.memory_space<vmem>>
      %dma_start3A_1510 = arith.constant 0 : i32
      %dma_start3A_1511 = tpu.memref_slice %arg5[%add3A_1506, %dma_start3A_1510] : memref<512x100xi32, #tpu.memory_space<vmem>> -> memref<1x100xi32, #tpu.memory_space<vmem>>
      %dma_start3A_1512 = tpu.memref_squeeze %dma_start3A_1511 : memref<1x100xi32, #tpu.memory_space<vmem>> -> memref<100xi32, #tpu.memory_space<vmem>>
      %dma_start3A_1513 = arith.constant 0 : i32
      %dma_start3A_1514 = tpu.memref_slice %arg3[%dma_start3A_1513] : memref<1000000xi32, #tpu.memory_space<hbm>> -> memref<1000000xi32, #tpu.memory_space<hbm>>
      tpu.enqueue_indirect_dma source(%dma_start3A_1514 : memref<1000000xi32, #tpu.memory_space<hbm>>) target(%dma_start3A_1509 : memref<100xi32, #tpu.memory_space<vmem>>) offsets(%dma_start3A_1512 : memref<100xi32, #tpu.memory_space<vmem>>) semaphore(%arg7 : memref<!tpu.dma_semaphore, #tpu.memory_space<semaphore_mem>>)
      %mul3A_1515 = arith.constant 64 : i32
      %mul3A_1516 = arith.muli %scan3A_1286, %mul3A_1515 : i32
      %add3A_1517 = arith.constant 19 : i32
      %add3A_1518 = arith.addi %mul3A_1516, %add3A_1517 : i32
      %dma_start3A_1519 = arith.constant 0 : i32
      %dma_start3A_1520 = tpu.memref_slice %arg6[%add3A_1518, %dma_start3A_1519] : memref<512x100xi32, #tpu.memory_space<vmem>> -> memref<1x100xi32, #tpu.memory_space<vmem>>
      %dma_start3A_1521 = tpu.memref_squeeze %dma_start3A_1520 : memref<1x100xi32, #tpu.memory_space<vmem>> -> memref<100xi32, #tpu.memory_space<vmem>>
      %dma_start3A_1522 = arith.constant 0 : i32
      %dma_start3A_1523 = tpu.memref_slice %arg5[%add3A_1518, %dma_start3A_1522] : memref<512x100xi32, #tpu.memory_space<vmem>> -> memref<1x100xi32, #tpu.memory_space<vmem>>
      %dma_start3A_1524 = tpu.memref_squeeze %dma_start3A_1523 : memref<1x100xi32, #tpu.memory_space<vmem>> -> memref<100xi32, #tpu.memory_space<vmem>>
      %dma_start3A_1525 = arith.constant 0 : i32
      %dma_start3A_1526 = tpu.memref_slice %arg3[%dma_start3A_1525] : memref<1000000xi32, #tpu.memory_space<hbm>> -> memref<1000000xi32, #tpu.memory_space<hbm>>
      tpu.enqueue_indirect_dma source(%dma_start3A_1526 : memref<1000000xi32, #tpu.memory_space<hbm>>) target(%dma_start3A_1521 : memref<100xi32, #tpu.memory_space<vmem>>) offsets(%dma_start3A_1524 : memref<100xi32, #tpu.memory_space<vmem>>) semaphore(%arg7 : memref<!tpu.dma_semaphore, #tpu.memory_space<semaphore_mem>>)
      %mul3A_1527 = arith.constant 64 : i32
      %mul3A_1528 = arith.muli %scan3A_1286, %mul3A_1527 : i32
      %add3A_1529 = arith.constant 20 : i32
      %add3A_1530 = arith.addi %mul3A_1528, %add3A_1529 : i32
      %dma_start3A_1531 = arith.constant 0 : i32
      %dma_start3A_1532 = tpu.memref_slice %arg6[%add3A_1530, %dma_start3A_1531] : memref<512x100xi32, #tpu.memory_space<vmem>> -> memref<1x100xi32, #tpu.memory_space<vmem>>
      %dma_start3A_1533 = tpu.memref_squeeze %dma_start3A_1532 : memref<1x100xi32, #tpu.memory_space<vmem>> -> memref<100xi32, #tpu.memory_space<vmem>>
      %dma_start3A_1534 = arith.constant 0 : i32
      %dma_start3A_1535 = tpu.memref_slice %arg5[%add3A_1530, %dma_start3A_1534] : memref<512x100xi32, #tpu.memory_space<vmem>> -> memref<1x100xi32, #tpu.memory_space<vmem>>
      %dma_start3A_1536 = tpu.memref_squeeze %dma_start3A_1535 : memref<1x100xi32, #tpu.memory_space<vmem>> -> memref<100xi32, #tpu.memory_space<vmem>>
      %dma_start3A_1537 = arith.constant 0 : i32
      %dma_start3A_1538 = tpu.memref_slice %arg3[%dma_start3A_1537] : memref<1000000xi32, #tpu.memory_space<hbm>> -> memref<1000000xi32, #tpu.memory_space<hbm>>
      tpu.enqueue_indirect_dma source(%dma_start3A_1538 : memref<1000000xi32, #tpu.memory_space<hbm>>) target(%dma_start3A_1533 : memref<100xi32, #tpu.memory_space<vmem>>) offsets(%dma_start3A_1536 : memref<100xi32, #tpu.memory_space<vmem>>) semaphore(%arg7 : memref<!tpu.dma_semaphore, #tpu.memory_space<semaphore_mem>>)
      %mul3A_1539 = arith.constant 64 : i32
      %mul3A_1540 = arith.muli %scan3A_1286, %mul3A_1539 : i32
      %add3A_1541 = arith.constant 21 : i32
      %add3A_1542 = arith.addi %mul3A_1540, %add3A_1541 : i32
      %dma_start3A_1543 = arith.constant 0 : i32
      %dma_start3A_1544 = tpu.memref_slice %arg6[%add3A_1542, %dma_start3A_1543] : memref<512x100xi32, #tpu.memory_space<vmem>> -> memref<1x100xi32, #tpu.memory_space<vmem>>
      %dma_start3A_1545 = tpu.memref_squeeze %dma_start3A_1544 : memref<1x100xi32, #tpu.memory_space<vmem>> -> memref<100xi32, #tpu.memory_space<vmem>>
      %dma_start3A_1546 = arith.constant 0 : i32
      %dma_start3A_1547 = tpu.memref_slice %arg5[%add3A_1542, %dma_start3A_1546] : memref<512x100xi32, #tpu.memory_space<vmem>> -> memref<1x100xi32, #tpu.memory_space<vmem>>
      %dma_start3A_1548 = tpu.memref_squeeze %dma_start3A_1547 : memref<1x100xi32, #tpu.memory_space<vmem>> -> memref<100xi32, #tpu.memory_space<vmem>>
      %dma_start3A_1549 = arith.constant 0 : i32
      %dma_start3A_1550 = tpu.memref_slice %arg3[%dma_start3A_1549] : memref<1000000xi32, #tpu.memory_space<hbm>> -> memref<1000000xi32, #tpu.memory_space<hbm>>
      tpu.enqueue_indirect_dma source(%dma_start3A_1550 : memref<1000000xi32, #tpu.memory_space<hbm>>) target(%dma_start3A_1545 : memref<100xi32, #tpu.memory_space<vmem>>) offsets(%dma_start3A_1548 : memref<100xi32, #tpu.memory_space<vmem>>) semaphore(%arg7 : memref<!tpu.dma_semaphore, #tpu.memory_space<semaphore_mem>>)
      %mul3A_1551 = arith.constant 64 : i32
      %mul3A_1552 = arith.muli %scan3A_1286, %mul3A_1551 : i32
      %add3A_1553 = arith.constant 22 : i32
      %add3A_1554 = arith.addi %mul3A_1552, %add3A_1553 : i32
      %dma_start3A_1555 = arith.constant 0 : i32
      %dma_start3A_1556 = tpu.memref_slice %arg6[%add3A_1554, %dma_start3A_1555] : memref<512x100xi32, #tpu.memory_space<vmem>> -> memref<1x100xi32, #tpu.memory_space<vmem>>
      %dma_start3A_1557 = tpu.memref_squeeze %dma_start3A_1556 : memref<1x100xi32, #tpu.memory_space<vmem>> -> memref<100xi32, #tpu.memory_space<vmem>>
      %dma_start3A_1558 = arith.constant 0 : i32
      %dma_start3A_1559 = tpu.memref_slice %arg5[%add3A_1554, %dma_start3A_1558] : memref<512x100xi32, #tpu.memory_space<vmem>> -> memref<1x100xi32, #tpu.memory_space<vmem>>
      %dma_start3A_1560 = tpu.memref_squeeze %dma_start3A_1559 : memref<1x100xi32, #tpu.memory_space<vmem>> -> memref<100xi32, #tpu.memory_space<vmem>>
      %dma_start3A_1561 = arith.constant 0 : i32
      %dma_start3A_1562 = tpu.memref_slice %arg3[%dma_start3A_1561] : memref<1000000xi32, #tpu.memory_space<hbm>> -> memref<1000000xi32, #tpu.memory_space<hbm>>
      tpu.enqueue_indirect_dma source(%dma_start3A_1562 : memref<1000000xi32, #tpu.memory_space<hbm>>) target(%dma_start3A_1557 : memref<100xi32, #tpu.memory_space<vmem>>) offsets(%dma_start3A_1560 : memref<100xi32, #tpu.memory_space<vmem>>) semaphore(%arg7 : memref<!tpu.dma_semaphore, #tpu.memory_space<semaphore_mem>>)
      %mul3A_1563 = arith.constant 64 : i32
      %mul3A_1564 = arith.muli %scan3A_1286, %mul3A_1563 : i32
      %add3A_1565 = arith.constant 23 : i32
      %add3A_1566 = arith.addi %mul3A_1564, %add3A_1565 : i32
      %dma_start3A_1567 = arith.constant 0 : i32
      %dma_start3A_1568 = tpu.memref_slice %arg6[%add3A_1566, %dma_start3A_1567] : memref<512x100xi32, #tpu.memory_space<vmem>> -> memref<1x100xi32, #tpu.memory_space<vmem>>
      %dma_start3A_1569 = tpu.memref_squeeze %dma_start3A_1568 : memref<1x100xi32, #tpu.memory_space<vmem>> -> memref<100xi32, #tpu.memory_space<vmem>>
      %dma_start3A_1570 = arith.constant 0 : i32
      %dma_start3A_1571 = tpu.memref_slice %arg5[%add3A_1566, %dma_start3A_1570] : memref<512x100xi32, #tpu.memory_space<vmem>> -> memref<1x100xi32, #tpu.memory_space<vmem>>
      %dma_start3A_1572 = tpu.memref_squeeze %dma_start3A_1571 : memref<1x100xi32, #tpu.memory_space<vmem>> -> memref<100xi32, #tpu.memory_space<vmem>>
      %dma_start3A_1573 = arith.constant 0 : i32
      %dma_start3A_1574 = tpu.memref_slice %arg3[%dma_start3A_1573] : memref<1000000xi32, #tpu.memory_space<hbm>> -> memref<1000000xi32, #tpu.memory_space<hbm>>
      tpu.enqueue_indirect_dma source(%dma_start3A_1574 : memref<1000000xi32, #tpu.memory_space<hbm>>) target(%dma_start3A_1569 : memref<100xi32, #tpu.memory_space<vmem>>) offsets(%dma_start3A_1572 : memref<100xi32, #tpu.memory_space<vmem>>) semaphore(%arg7 : memref<!tpu.dma_semaphore, #tpu.memory_space<semaphore_mem>>)
      %mul3A_1575 = arith.constant 64 : i32
      %mul3A_1576 = arith.muli %scan3A_1286, %mul3A_1575 : i32
      %add3A_1577 = arith.constant 24 : i32
      %add3A_1578 = arith.addi %mul3A_1576, %add3A_1577 : i32
      %dma_start3A_1579 = arith.constant 0 : i32
      %dma_start3A_1580 = tpu.memref_slice %arg6[%add3A_1578, %dma_start3A_1579] : memref<512x100xi32, #tpu.memory_space<vmem>> -> memref<1x100xi32, #tpu.memory_space<vmem>>
      %dma_start3A_1581 = tpu.memref_squeeze %dma_start3A_1580 : memref<1x100xi32, #tpu.memory_space<vmem>> -> memref<100xi32, #tpu.memory_space<vmem>>
      %dma_start3A_1582 = arith.constant 0 : i32
      %dma_start3A_1583 = tpu.memref_slice %arg5[%add3A_1578, %dma_start3A_1582] : memref<512x100xi32, #tpu.memory_space<vmem>> -> memref<1x100xi32, #tpu.memory_space<vmem>>
      %dma_start3A_1584 = tpu.memref_squeeze %dma_start3A_1583 : memref<1x100xi32, #tpu.memory_space<vmem>> -> memref<100xi32, #tpu.memory_space<vmem>>
      %dma_start3A_1585 = arith.constant 0 : i32
      %dma_start3A_1586 = tpu.memref_slice %arg3[%dma_start3A_1585] : memref<1000000xi32, #tpu.memory_space<hbm>> -> memref<1000000xi32, #tpu.memory_space<hbm>>
      tpu.enqueue_indirect_dma source(%dma_start3A_1586 : memref<1000000xi32, #tpu.memory_space<hbm>>) target(%dma_start3A_1581 : memref<100xi32, #tpu.memory_space<vmem>>) offsets(%dma_start3A_1584 : memref<100xi32, #tpu.memory_space<vmem>>) semaphore(%arg7 : memref<!tpu.dma_semaphore, #tpu.memory_space<semaphore_mem>>)
      %mul3A_1587 = arith.constant 64 : i32
      %mul3A_1588 = arith.muli %scan3A_1286, %mul3A_1587 : i32
      %add3A_1589 = arith.constant 25 : i32
      %add3A_1590 = arith.addi %mul3A_1588, %add3A_1589 : i32
      %dma_start3A_1591 = arith.constant 0 : i32
      %dma_start3A_1592 = tpu.memref_slice %arg6[%add3A_1590, %dma_start3A_1591] : memref<512x100xi32, #tpu.memory_space<vmem>> -> memref<1x100xi32, #tpu.memory_space<vmem>>
      %dma_start3A_1593 = tpu.memref_squeeze %dma_start3A_1592 : memref<1x100xi32, #tpu.memory_space<vmem>> -> memref<100xi32, #tpu.memory_space<vmem>>
      %dma_start3A_1594 = arith.constant 0 : i32
      %dma_start3A_1595 = tpu.memref_slice %arg5[%add3A_1590, %dma_start3A_1594] : memref<512x100xi32, #tpu.memory_space<vmem>> -> memref<1x100xi32, #tpu.memory_space<vmem>>
      %dma_start3A_1596 = tpu.memref_squeeze %dma_start3A_1595 : memref<1x100xi32, #tpu.memory_space<vmem>> -> memref<100xi32, #tpu.memory_space<vmem>>
      %dma_start3A_1597 = arith.constant 0 : i32
      %dma_start3A_1598 = tpu.memref_slice %arg3[%dma_start3A_1597] : memref<1000000xi32, #tpu.memory_space<hbm>> -> memref<1000000xi32, #tpu.memory_space<hbm>>
      tpu.enqueue_indirect_dma source(%dma_start3A_1598 : memref<1000000xi32, #tpu.memory_space<hbm>>) target(%dma_start3A_1593 : memref<100xi32, #tpu.memory_space<vmem>>) offsets(%dma_start3A_1596 : memref<100xi32, #tpu.memory_space<vmem>>) semaphore(%arg7 : memref<!tpu.dma_semaphore, #tpu.memory_space<semaphore_mem>>)
      %mul3A_1599 = arith.constant 64 : i32
      %mul3A_1600 = arith.muli %scan3A_1286, %mul3A_1599 : i32
      %add3A_1601 = arith.constant 26 : i32
      %add3A_1602 = arith.addi %mul3A_1600, %add3A_1601 : i32
      %dma_start3A_1603 = arith.constant 0 : i32
      %dma_start3A_1604 = tpu.memref_slice %arg6[%add3A_1602, %dma_start3A_1603] : memref<512x100xi32, #tpu.memory_space<vmem>> -> memref<1x100xi32, #tpu.memory_space<vmem>>
      %dma_start3A_1605 = tpu.memref_squeeze %dma_start3A_1604 : memref<1x100xi32, #tpu.memory_space<vmem>> -> memref<100xi32, #tpu.memory_space<vmem>>
      %dma_start3A_1606 = arith.constant 0 : i32
      %dma_start3A_1607 = tpu.memref_slice %arg5[%add3A_1602, %dma_start3A_1606] : memref<512x100xi32, #tpu.memory_space<vmem>> -> memref<1x100xi32, #tpu.memory_space<vmem>>
      %dma_start3A_1608 = tpu.memref_squeeze %dma_start3A_1607 : memref<1x100xi32, #tpu.memory_space<vmem>> -> memref<100xi32, #tpu.memory_space<vmem>>
      %dma_start3A_1609 = arith.constant 0 : i32
      %dma_start3A_1610 = tpu.memref_slice %arg3[%dma_start3A_1609] : memref<1000000xi32, #tpu.memory_space<hbm>> -> memref<1000000xi32, #tpu.memory_space<hbm>>
      tpu.enqueue_indirect_dma source(%dma_start3A_1610 : memref<1000000xi32, #tpu.memory_space<hbm>>) target(%dma_start3A_1605 : memref<100xi32, #tpu.memory_space<vmem>>) offsets(%dma_start3A_1608 : memref<100xi32, #tpu.memory_space<vmem>>) semaphore(%arg7 : memref<!tpu.dma_semaphore, #tpu.memory_space<semaphore_mem>>)
      %mul3A_1611 = arith.constant 64 : i32
      %mul3A_1612 = arith.muli %scan3A_1286, %mul3A_1611 : i32
      %add3A_1613 = arith.constant 27 : i32
      %add3A_1614 = arith.addi %mul3A_1612, %add3A_1613 : i32
      %dma_start3A_1615 = arith.constant 0 : i32
      %dma_start3A_1616 = tpu.memref_slice %arg6[%add3A_1614, %dma_start3A_1615] : memref<512x100xi32, #tpu.memory_space<vmem>> -> memref<1x100xi32, #tpu.memory_space<vmem>>
      %dma_start3A_1617 = tpu.memref_squeeze %dma_start3A_1616 : memref<1x100xi32, #tpu.memory_space<vmem>> -> memref<100xi32, #tpu.memory_space<vmem>>
      %dma_start3A_1618 = arith.constant 0 : i32
      %dma_start3A_1619 = tpu.memref_slice %arg5[%add3A_1614, %dma_start3A_1618] : memref<512x100xi32, #tpu.memory_space<vmem>> -> memref<1x100xi32, #tpu.memory_space<vmem>>
      %dma_start3A_1620 = tpu.memref_squeeze %dma_start3A_1619 : memref<1x100xi32, #tpu.memory_space<vmem>> -> memref<100xi32, #tpu.memory_space<vmem>>
      %dma_start3A_1621 = arith.constant 0 : i32
      %dma_start3A_1622 = tpu.memref_slice %arg3[%dma_start3A_1621] : memref<1000000xi32, #tpu.memory_space<hbm>> -> memref<1000000xi32, #tpu.memory_space<hbm>>
      tpu.enqueue_indirect_dma source(%dma_start3A_1622 : memref<1000000xi32, #tpu.memory_space<hbm>>) target(%dma_start3A_1617 : memref<100xi32, #tpu.memory_space<vmem>>) offsets(%dma_start3A_1620 : memref<100xi32, #tpu.memory_space<vmem>>) semaphore(%arg7 : memref<!tpu.dma_semaphore, #tpu.memory_space<semaphore_mem>>)
      %mul3A_1623 = arith.constant 64 : i32
      %mul3A_1624 = arith.muli %scan3A_1286, %mul3A_1623 : i32
      %add3A_1625 = arith.constant 28 : i32
      %add3A_1626 = arith.addi %mul3A_1624, %add3A_1625 : i32
      %dma_start3A_1627 = arith.constant 0 : i32
      %dma_start3A_1628 = tpu.memref_slice %arg6[%add3A_1626, %dma_start3A_1627] : memref<512x100xi32, #tpu.memory_space<vmem>> -> memref<1x100xi32, #tpu.memory_space<vmem>>
      %dma_start3A_1629 = tpu.memref_squeeze %dma_start3A_1628 : memref<1x100xi32, #tpu.memory_space<vmem>> -> memref<100xi32, #tpu.memory_space<vmem>>
      %dma_start3A_1630 = arith.constant 0 : i32
      %dma_start3A_1631 = tpu.memref_slice %arg5[%add3A_1626, %dma_start3A_1630] : memref<512x100xi32, #tpu.memory_space<vmem>> -> memref<1x100xi32, #tpu.memory_space<vmem>>
      %dma_start3A_1632 = tpu.memref_squeeze %dma_start3A_1631 : memref<1x100xi32, #tpu.memory_space<vmem>> -> memref<100xi32, #tpu.memory_space<vmem>>
      %dma_start3A_1633 = arith.constant 0 : i32
      %dma_start3A_1634 = tpu.memref_slice %arg3[%dma_start3A_1633] : memref<1000000xi32, #tpu.memory_space<hbm>> -> memref<1000000xi32, #tpu.memory_space<hbm>>
      tpu.enqueue_indirect_dma source(%dma_start3A_1634 : memref<1000000xi32, #tpu.memory_space<hbm>>) target(%dma_start3A_1629 : memref<100xi32, #tpu.memory_space<vmem>>) offsets(%dma_start3A_1632 : memref<100xi32, #tpu.memory_space<vmem>>) semaphore(%arg7 : memref<!tpu.dma_semaphore, #tpu.memory_space<semaphore_mem>>)
      %mul3A_1635 = arith.constant 64 : i32
      %mul3A_1636 = arith.muli %scan3A_1286, %mul3A_1635 : i32
      %add3A_1637 = arith.constant 29 : i32
      %add3A_1638 = arith.addi %mul3A_1636, %add3A_1637 : i32
      %dma_start3A_1639 = arith.constant 0 : i32
      %dma_start3A_1640 = tpu.memref_slice %arg6[%add3A_1638, %dma_start3A_1639] : memref<512x100xi32, #tpu.memory_space<vmem>> -> memref<1x100xi32, #tpu.memory_space<vmem>>
      %dma_start3A_1641 = tpu.memref_squeeze %dma_start3A_1640 : memref<1x100xi32, #tpu.memory_space<vmem>> -> memref<100xi32, #tpu.memory_space<vmem>>
      %dma_start3A_1642 = arith.constant 0 : i32
      %dma_start3A_1643 = tpu.memref_slice %arg5[%add3A_1638, %dma_start3A_1642] : memref<512x100xi32, #tpu.memory_space<vmem>> -> memref<1x100xi32, #tpu.memory_space<vmem>>
      %dma_start3A_1644 = tpu.memref_squeeze %dma_start3A_1643 : memref<1x100xi32, #tpu.memory_space<vmem>> -> memref<100xi32, #tpu.memory_space<vmem>>
      %dma_start3A_1645 = arith.constant 0 : i32
      %dma_start3A_1646 = tpu.memref_slice %arg3[%dma_start3A_1645] : memref<1000000xi32, #tpu.memory_space<hbm>> -> memref<1000000xi32, #tpu.memory_space<hbm>>
      tpu.enqueue_indirect_dma source(%dma_start3A_1646 : memref<1000000xi32, #tpu.memory_space<hbm>>) target(%dma_start3A_1641 : memref<100xi32, #tpu.memory_space<vmem>>) offsets(%dma_start3A_1644 : memref<100xi32, #tpu.memory_space<vmem>>) semaphore(%arg7 : memref<!tpu.dma_semaphore, #tpu.memory_space<semaphore_mem>>)
      %mul3A_1647 = arith.constant 64 : i32
      %mul3A_1648 = arith.muli %scan3A_1286, %mul3A_1647 : i32
      %add3A_1649 = arith.constant 30 : i32
      %add3A_1650 = arith.addi %mul3A_1648, %add3A_1649 : i32
      %dma_start3A_1651 = arith.constant 0 : i32
      %dma_start3A_1652 = tpu.memref_slice %arg6[%add3A_1650, %dma_start3A_1651] : memref<512x100xi32, #tpu.memory_space<vmem>> -> memref<1x100xi32, #tpu.memory_space<vmem>>
      %dma_start3A_1653 = tpu.memref_squeeze %dma_start3A_1652 : memref<1x100xi32, #tpu.memory_space<vmem>> -> memref<100xi32, #tpu.memory_space<vmem>>
      %dma_start3A_1654 = arith.constant 0 : i32
      %dma_start3A_1655 = tpu.memref_slice %arg5[%add3A_1650, %dma_start3A_1654] : memref<512x100xi32, #tpu.memory_space<vmem>> -> memref<1x100xi32, #tpu.memory_space<vmem>>
      %dma_start3A_1656 = tpu.memref_squeeze %dma_start3A_1655 : memref<1x100xi32, #tpu.memory_space<vmem>> -> memref<100xi32, #tpu.memory_space<vmem>>
      %dma_start3A_1657 = arith.constant 0 : i32
      %dma_start3A_1658 = tpu.memref_slice %arg3[%dma_start3A_1657] : memref<1000000xi32, #tpu.memory_space<hbm>> -> memref<1000000xi32, #tpu.memory_space<hbm>>
      tpu.enqueue_indirect_dma source(%dma_start3A_1658 : memref<1000000xi32, #tpu.memory_space<hbm>>) target(%dma_start3A_1653 : memref<100xi32, #tpu.memory_space<vmem>>) offsets(%dma_start3A_1656 : memref<100xi32, #tpu.memory_space<vmem>>) semaphore(%arg7 : memref<!tpu.dma_semaphore, #tpu.memory_space<semaphore_mem>>)
      %mul3A_1659 = arith.constant 64 : i32
      %mul3A_1660 = arith.muli %scan3A_1286, %mul3A_1659 : i32
      %add3A_1661 = arith.constant 31 : i32
      %add3A_1662 = arith.addi %mul3A_1660, %add3A_1661 : i32
      %dma_start3A_1663 = arith.constant 0 : i32
      %dma_start3A_1664 = tpu.memref_slice %arg6[%add3A_1662, %dma_start3A_1663] : memref<512x100xi32, #tpu.memory_space<vmem>> -> memref<1x100xi32, #tpu.memory_space<vmem>>
      %dma_start3A_1665 = tpu.memref_squeeze %dma_start3A_1664 : memref<1x100xi32, #tpu.memory_space<vmem>> -> memref<100xi32, #tpu.memory_space<vmem>>
      %dma_start3A_1666 = arith.constant 0 : i32
      %dma_start3A_1667 = tpu.memref_slice %arg5[%add3A_1662, %dma_start3A_1666] : memref<512x100xi32, #tpu.memory_space<vmem>> -> memref<1x100xi32, #tpu.memory_space<vmem>>
      %dma_start3A_1668 = tpu.memref_squeeze %dma_start3A_1667 : memref<1x100xi32, #tpu.memory_space<vmem>> -> memref<100xi32, #tpu.memory_space<vmem>>
      %dma_start3A_1669 = arith.constant 0 : i32
      %dma_start3A_1670 = tpu.memref_slice %arg3[%dma_start3A_1669] : memref<1000000xi32, #tpu.memory_space<hbm>> -> memref<1000000xi32, #tpu.memory_space<hbm>>
      tpu.enqueue_indirect_dma source(%dma_start3A_1670 : memref<1000000xi32, #tpu.memory_space<hbm>>) target(%dma_start3A_1665 : memref<100xi32, #tpu.memory_space<vmem>>) offsets(%dma_start3A_1668 : memref<100xi32, #tpu.memory_space<vmem>>) semaphore(%arg7 : memref<!tpu.dma_semaphore, #tpu.memory_space<semaphore_mem>>)
      %mul3A_1671 = arith.constant 64 : i32
      %mul3A_1672 = arith.muli %scan3A_1286, %mul3A_1671 : i32
      %add3A_1673 = arith.constant 32 : i32
      %add3A_1674 = arith.addi %mul3A_1672, %add3A_1673 : i32
      %dma_start3A_1675 = arith.constant 0 : i32
      %dma_start3A_1676 = tpu.memref_slice %arg6[%add3A_1674, %dma_start3A_1675] : memref<512x100xi32, #tpu.memory_space<vmem>> -> memref<1x100xi32, #tpu.memory_space<vmem>>
      %dma_start3A_1677 = tpu.memref_squeeze %dma_start3A_1676 : memref<1x100xi32, #tpu.memory_space<vmem>> -> memref<100xi32, #tpu.memory_space<vmem>>
      %dma_start3A_1678 = arith.constant 0 : i32
      %dma_start3A_1679 = tpu.memref_slice %arg5[%add3A_1674, %dma_start3A_1678] : memref<512x100xi32, #tpu.memory_space<vmem>> -> memref<1x100xi32, #tpu.memory_space<vmem>>
      %dma_start3A_1680 = tpu.memref_squeeze %dma_start3A_1679 : memref<1x100xi32, #tpu.memory_space<vmem>> -> memref<100xi32, #tpu.memory_space<vmem>>
      %dma_start3A_1681 = arith.constant 0 : i32
      %dma_start3A_1682 = tpu.memref_slice %arg3[%dma_start3A_1681] : memref<1000000xi32, #tpu.memory_space<hbm>> -> memref<1000000xi32, #tpu.memory_space<hbm>>
      tpu.enqueue_indirect_dma source(%dma_start3A_1682 : memref<1000000xi32, #tpu.memory_space<hbm>>) target(%dma_start3A_1677 : memref<100xi32, #tpu.memory_space<vmem>>) offsets(%dma_start3A_1680 : memref<100xi32, #tpu.memory_space<vmem>>) semaphore(%arg7 : memref<!tpu.dma_semaphore, #tpu.memory_space<semaphore_mem>>)
      %mul3A_1683 = arith.constant 64 : i32
      %mul3A_1684 = arith.muli %scan3A_1286, %mul3A_1683 : i32
      %add3A_1685 = arith.constant 33 : i32
      %add3A_1686 = arith.addi %mul3A_1684, %add3A_1685 : i32
      %dma_start3A_1687 = arith.constant 0 : i32
      %dma_start3A_1688 = tpu.memref_slice %arg6[%add3A_1686, %dma_start3A_1687] : memref<512x100xi32, #tpu.memory_space<vmem>> -> memref<1x100xi32, #tpu.memory_space<vmem>>
      %dma_start3A_1689 = tpu.memref_squeeze %dma_start3A_1688 : memref<1x100xi32, #tpu.memory_space<vmem>> -> memref<100xi32, #tpu.memory_space<vmem>>
      %dma_start3A_1690 = arith.constant 0 : i32
      %dma_start3A_1691 = tpu.memref_slice %arg5[%add3A_1686, %dma_start3A_1690] : memref<512x100xi32, #tpu.memory_space<vmem>> -> memref<1x100xi32, #tpu.memory_space<vmem>>
      %dma_start3A_1692 = tpu.memref_squeeze %dma_start3A_1691 : memref<1x100xi32, #tpu.memory_space<vmem>> -> memref<100xi32, #tpu.memory_space<vmem>>
      %dma_start3A_1693 = arith.constant 0 : i32
      %dma_start3A_1694 = tpu.memref_slice %arg3[%dma_start3A_1693] : memref<1000000xi32, #tpu.memory_space<hbm>> -> memref<1000000xi32, #tpu.memory_space<hbm>>
      tpu.enqueue_indirect_dma source(%dma_start3A_1694 : memref<1000000xi32, #tpu.memory_space<hbm>>) target(%dma_start3A_1689 : memref<100xi32, #tpu.memory_space<vmem>>) offsets(%dma_start3A_1692 : memref<100xi32, #tpu.memory_space<vmem>>) semaphore(%arg7 : memref<!tpu.dma_semaphore, #tpu.memory_space<semaphore_mem>>)
      %mul3A_1695 = arith.constant 64 : i32
      %mul3A_1696 = arith.muli %scan3A_1286, %mul3A_1695 : i32
      %add3A_1697 = arith.constant 34 : i32
      %add3A_1698 = arith.addi %mul3A_1696, %add3A_1697 : i32
      %dma_start3A_1699 = arith.constant 0 : i32
      %dma_start3A_1700 = tpu.memref_slice %arg6[%add3A_1698, %dma_start3A_1699] : memref<512x100xi32, #tpu.memory_space<vmem>> -> memref<1x100xi32, #tpu.memory_space<vmem>>
      %dma_start3A_1701 = tpu.memref_squeeze %dma_start3A_1700 : memref<1x100xi32, #tpu.memory_space<vmem>> -> memref<100xi32, #tpu.memory_space<vmem>>
      %dma_start3A_1702 = arith.constant 0 : i32
      %dma_start3A_1703 = tpu.memref_slice %arg5[%add3A_1698, %dma_start3A_1702] : memref<512x100xi32, #tpu.memory_space<vmem>> -> memref<1x100xi32, #tpu.memory_space<vmem>>
      %dma_start3A_1704 = tpu.memref_squeeze %dma_start3A_1703 : memref<1x100xi32, #tpu.memory_space<vmem>> -> memref<100xi32, #tpu.memory_space<vmem>>
      %dma_start3A_1705 = arith.constant 0 : i32
      %dma_start3A_1706 = tpu.memref_slice %arg3[%dma_start3A_1705] : memref<1000000xi32, #tpu.memory_space<hbm>> -> memref<1000000xi32, #tpu.memory_space<hbm>>
      tpu.enqueue_indirect_dma source(%dma_start3A_1706 : memref<1000000xi32, #tpu.memory_space<hbm>>) target(%dma_start3A_1701 : memref<100xi32, #tpu.memory_space<vmem>>) offsets(%dma_start3A_1704 : memref<100xi32, #tpu.memory_space<vmem>>) semaphore(%arg7 : memref<!tpu.dma_semaphore, #tpu.memory_space<semaphore_mem>>)
      %mul3A_1707 = arith.constant 64 : i32
      %mul3A_1708 = arith.muli %scan3A_1286, %mul3A_1707 : i32
      %add3A_1709 = arith.constant 35 : i32
      %add3A_1710 = arith.addi %mul3A_1708, %add3A_1709 : i32
      %dma_start3A_1711 = arith.constant 0 : i32
      %dma_start3A_1712 = tpu.memref_slice %arg6[%add3A_1710, %dma_start3A_1711] : memref<512x100xi32, #tpu.memory_space<vmem>> -> memref<1x100xi32, #tpu.memory_space<vmem>>
      %dma_start3A_1713 = tpu.memref_squeeze %dma_start3A_1712 : memref<1x100xi32, #tpu.memory_space<vmem>> -> memref<100xi32, #tpu.memory_space<vmem>>
      %dma_start3A_1714 = arith.constant 0 : i32
      %dma_start3A_1715 = tpu.memref_slice %arg5[%add3A_1710, %dma_start3A_1714] : memref<512x100xi32, #tpu.memory_space<vmem>> -> memref<1x100xi32, #tpu.memory_space<vmem>>
      %dma_start3A_1716 = tpu.memref_squeeze %dma_start3A_1715 : memref<1x100xi32, #tpu.memory_space<vmem>> -> memref<100xi32, #tpu.memory_space<vmem>>
      %dma_start3A_1717 = arith.constant 0 : i32
      %dma_start3A_1718 = tpu.memref_slice %arg3[%dma_start3A_1717] : memref<1000000xi32, #tpu.memory_space<hbm>> -> memref<1000000xi32, #tpu.memory_space<hbm>>
      tpu.enqueue_indirect_dma source(%dma_start3A_1718 : memref<1000000xi32, #tpu.memory_space<hbm>>) target(%dma_start3A_1713 : memref<100xi32, #tpu.memory_space<vmem>>) offsets(%dma_start3A_1716 : memref<100xi32, #tpu.memory_space<vmem>>) semaphore(%arg7 : memref<!tpu.dma_semaphore, #tpu.memory_space<semaphore_mem>>)
      %mul3A_1719 = arith.constant 64 : i32
      %mul3A_1720 = arith.muli %scan3A_1286, %mul3A_1719 : i32
      %add3A_1721 = arith.constant 36 : i32
      %add3A_1722 = arith.addi %mul3A_1720, %add3A_1721 : i32
      %dma_start3A_1723 = arith.constant 0 : i32
      %dma_start3A_1724 = tpu.memref_slice %arg6[%add3A_1722, %dma_start3A_1723] : memref<512x100xi32, #tpu.memory_space<vmem>> -> memref<1x100xi32, #tpu.memory_space<vmem>>
      %dma_start3A_1725 = tpu.memref_squeeze %dma_start3A_1724 : memref<1x100xi32, #tpu.memory_space<vmem>> -> memref<100xi32, #tpu.memory_space<vmem>>
      %dma_start3A_1726 = arith.constant 0 : i32
      %dma_start3A_1727 = tpu.memref_slice %arg5[%add3A_1722, %dma_start3A_1726] : memref<512x100xi32, #tpu.memory_space<vmem>> -> memref<1x100xi32, #tpu.memory_space<vmem>>
      %dma_start3A_1728 = tpu.memref_squeeze %dma_start3A_1727 : memref<1x100xi32, #tpu.memory_space<vmem>> -> memref<100xi32, #tpu.memory_space<vmem>>
      %dma_start3A_1729 = arith.constant 0 : i32
      %dma_start3A_1730 = tpu.memref_slice %arg3[%dma_start3A_1729] : memref<1000000xi32, #tpu.memory_space<hbm>> -> memref<1000000xi32, #tpu.memory_space<hbm>>
      tpu.enqueue_indirect_dma source(%dma_start3A_1730 : memref<1000000xi32, #tpu.memory_space<hbm>>) target(%dma_start3A_1725 : memref<100xi32, #tpu.memory_space<vmem>>) offsets(%dma_start3A_1728 : memref<100xi32, #tpu.memory_space<vmem>>) semaphore(%arg7 : memref<!tpu.dma_semaphore, #tpu.memory_space<semaphore_mem>>)
      %mul3A_1731 = arith.constant 64 : i32
      %mul3A_1732 = arith.muli %scan3A_1286, %mul3A_1731 : i32
      %add3A_1733 = arith.constant 37 : i32
      %add3A_1734 = arith.addi %mul3A_1732, %add3A_1733 : i32
      %dma_start3A_1735 = arith.constant 0 : i32
      %dma_start3A_1736 = tpu.memref_slice %arg6[%add3A_1734, %dma_start3A_1735] : memref<512x100xi32, #tpu.memory_space<vmem>> -> memref<1x100xi32, #tpu.memory_space<vmem>>
      %dma_start3A_1737 = tpu.memref_squeeze %dma_start3A_1736 : memref<1x100xi32, #tpu.memory_space<vmem>> -> memref<100xi32, #tpu.memory_space<vmem>>
      %dma_start3A_1738 = arith.constant 0 : i32
      %dma_start3A_1739 = tpu.memref_slice %arg5[%add3A_1734, %dma_start3A_1738] : memref<512x100xi32, #tpu.memory_space<vmem>> -> memref<1x100xi32, #tpu.memory_space<vmem>>
      %dma_start3A_1740 = tpu.memref_squeeze %dma_start3A_1739 : memref<1x100xi32, #tpu.memory_space<vmem>> -> memref<100xi32, #tpu.memory_space<vmem>>
      %dma_start3A_1741 = arith.constant 0 : i32
      %dma_start3A_1742 = tpu.memref_slice %arg3[%dma_start3A_1741] : memref<1000000xi32, #tpu.memory_space<hbm>> -> memref<1000000xi32, #tpu.memory_space<hbm>>
      tpu.enqueue_indirect_dma source(%dma_start3A_1742 : memref<1000000xi32, #tpu.memory_space<hbm>>) target(%dma_start3A_1737 : memref<100xi32, #tpu.memory_space<vmem>>) offsets(%dma_start3A_1740 : memref<100xi32, #tpu.memory_space<vmem>>) semaphore(%arg7 : memref<!tpu.dma_semaphore, #tpu.memory_space<semaphore_mem>>)
      %mul3A_1743 = arith.constant 64 : i32
      %mul3A_1744 = arith.muli %scan3A_1286, %mul3A_1743 : i32
      %add3A_1745 = arith.constant 38 : i32
      %add3A_1746 = arith.addi %mul3A_1744, %add3A_1745 : i32
      %dma_start3A_1747 = arith.constant 0 : i32
      %dma_start3A_1748 = tpu.memref_slice %arg6[%add3A_1746, %dma_start3A_1747] : memref<512x100xi32, #tpu.memory_space<vmem>> -> memref<1x100xi32, #tpu.memory_space<vmem>>
      %dma_start3A_1749 = tpu.memref_squeeze %dma_start3A_1748 : memref<1x100xi32, #tpu.memory_space<vmem>> -> memref<100xi32, #tpu.memory_space<vmem>>
      %dma_start3A_1750 = arith.constant 0 : i32
      %dma_start3A_1751 = tpu.memref_slice %arg5[%add3A_1746, %dma_start3A_1750] : memref<512x100xi32, #tpu.memory_space<vmem>> -> memref<1x100xi32, #tpu.memory_space<vmem>>
      %dma_start3A_1752 = tpu.memref_squeeze %dma_start3A_1751 : memref<1x100xi32, #tpu.memory_space<vmem>> -> memref<100xi32, #tpu.memory_space<vmem>>
      %dma_start3A_1753 = arith.constant 0 : i32
      %dma_start3A_1754 = tpu.memref_slice %arg3[%dma_start3A_1753] : memref<1000000xi32, #tpu.memory_space<hbm>> -> memref<1000000xi32, #tpu.memory_space<hbm>>
      tpu.enqueue_indirect_dma source(%dma_start3A_1754 : memref<1000000xi32, #tpu.memory_space<hbm>>) target(%dma_start3A_1749 : memref<100xi32, #tpu.memory_space<vmem>>) offsets(%dma_start3A_1752 : memref<100xi32, #tpu.memory_space<vmem>>) semaphore(%arg7 : memref<!tpu.dma_semaphore, #tpu.memory_space<semaphore_mem>>)
      %mul3A_1755 = arith.constant 64 : i32
      %mul3A_1756 = arith.muli %scan3A_1286, %mul3A_1755 : i32
      %add3A_1757 = arith.constant 39 : i32
      %add3A_1758 = arith.addi %mul3A_1756, %add3A_1757 : i32
      %dma_start3A_1759 = arith.constant 0 : i32
      %dma_start3A_1760 = tpu.memref_slice %arg6[%add3A_1758, %dma_start3A_1759] : memref<512x100xi32, #tpu.memory_space<vmem>> -> memref<1x100xi32, #tpu.memory_space<vmem>>
      %dma_start3A_1761 = tpu.memref_squeeze %dma_start3A_1760 : memref<1x100xi32, #tpu.memory_space<vmem>> -> memref<100xi32, #tpu.memory_space<vmem>>
      %dma_start3A_1762 = arith.constant 0 : i32
      %dma_start3A_1763 = tpu.memref_slice %arg5[%add3A_1758, %dma_start3A_1762] : memref<512x100xi32, #tpu.memory_space<vmem>> -> memref<1x100xi32, #tpu.memory_space<vmem>>
      %dma_start3A_1764 = tpu.memref_squeeze %dma_start3A_1763 : memref<1x100xi32, #tpu.memory_space<vmem>> -> memref<100xi32, #tpu.memory_space<vmem>>
      %dma_start3A_1765 = arith.constant 0 : i32
      %dma_start3A_1766 = tpu.memref_slice %arg3[%dma_start3A_1765] : memref<1000000xi32, #tpu.memory_space<hbm>> -> memref<1000000xi32, #tpu.memory_space<hbm>>
      tpu.enqueue_indirect_dma source(%dma_start3A_1766 : memref<1000000xi32, #tpu.memory_space<hbm>>) target(%dma_start3A_1761 : memref<100xi32, #tpu.memory_space<vmem>>) offsets(%dma_start3A_1764 : memref<100xi32, #tpu.memory_space<vmem>>) semaphore(%arg7 : memref<!tpu.dma_semaphore, #tpu.memory_space<semaphore_mem>>)
      %mul3A_1767 = arith.constant 64 : i32
      %mul3A_1768 = arith.muli %scan3A_1286, %mul3A_1767 : i32
      %add3A_1769 = arith.constant 40 : i32
      %add3A_1770 = arith.addi %mul3A_1768, %add3A_1769 : i32
      %dma_start3A_1771 = arith.constant 0 : i32
      %dma_start3A_1772 = tpu.memref_slice %arg6[%add3A_1770, %dma_start3A_1771] : memref<512x100xi32, #tpu.memory_space<vmem>> -> memref<1x100xi32, #tpu.memory_space<vmem>>
      %dma_start3A_1773 = tpu.memref_squeeze %dma_start3A_1772 : memref<1x100xi32, #tpu.memory_space<vmem>> -> memref<100xi32, #tpu.memory_space<vmem>>
      %dma_start3A_1774 = arith.constant 0 : i32
      %dma_start3A_1775 = tpu.memref_slice %arg5[%add3A_1770, %dma_start3A_1774] : memref<512x100xi32, #tpu.memory_space<vmem>> -> memref<1x100xi32, #tpu.memory_space<vmem>>
      %dma_start3A_1776 = tpu.memref_squeeze %dma_start3A_1775 : memref<1x100xi32, #tpu.memory_space<vmem>> -> memref<100xi32, #tpu.memory_space<vmem>>
      %dma_start3A_1777 = arith.constant 0 : i32
      %dma_start3A_1778 = tpu.memref_slice %arg3[%dma_start3A_1777] : memref<1000000xi32, #tpu.memory_space<hbm>> -> memref<1000000xi32, #tpu.memory_space<hbm>>
      tpu.enqueue_indirect_dma source(%dma_start3A_1778 : memref<1000000xi32, #tpu.memory_space<hbm>>) target(%dma_start3A_1773 : memref<100xi32, #tpu.memory_space<vmem>>) offsets(%dma_start3A_1776 : memref<100xi32, #tpu.memory_space<vmem>>) semaphore(%arg7 : memref<!tpu.dma_semaphore, #tpu.memory_space<semaphore_mem>>)
      %mul3A_1779 = arith.constant 64 : i32
      %mul3A_1780 = arith.muli %scan3A_1286, %mul3A_1779 : i32
      %add3A_1781 = arith.constant 41 : i32
      %add3A_1782 = arith.addi %mul3A_1780, %add3A_1781 : i32
      %dma_start3A_1783 = arith.constant 0 : i32
      %dma_start3A_1784 = tpu.memref_slice %arg6[%add3A_1782, %dma_start3A_1783] : memref<512x100xi32, #tpu.memory_space<vmem>> -> memref<1x100xi32, #tpu.memory_space<vmem>>
      %dma_start3A_1785 = tpu.memref_squeeze %dma_start3A_1784 : memref<1x100xi32, #tpu.memory_space<vmem>> -> memref<100xi32, #tpu.memory_space<vmem>>
      %dma_start3A_1786 = arith.constant 0 : i32
      %dma_start3A_1787 = tpu.memref_slice %arg5[%add3A_1782, %dma_start3A_1786] : memref<512x100xi32, #tpu.memory_space<vmem>> -> memref<1x100xi32, #tpu.memory_space<vmem>>
      %dma_start3A_1788 = tpu.memref_squeeze %dma_start3A_1787 : memref<1x100xi32, #tpu.memory_space<vmem>> -> memref<100xi32, #tpu.memory_space<vmem>>
      %dma_start3A_1789 = arith.constant 0 : i32
      %dma_start3A_1790 = tpu.memref_slice %arg3[%dma_start3A_1789] : memref<1000000xi32, #tpu.memory_space<hbm>> -> memref<1000000xi32, #tpu.memory_space<hbm>>
      tpu.enqueue_indirect_dma source(%dma_start3A_1790 : memref<1000000xi32, #tpu.memory_space<hbm>>) target(%dma_start3A_1785 : memref<100xi32, #tpu.memory_space<vmem>>) offsets(%dma_start3A_1788 : memref<100xi32, #tpu.memory_space<vmem>>) semaphore(%arg7 : memref<!tpu.dma_semaphore, #tpu.memory_space<semaphore_mem>>)
      %mul3A_1791 = arith.constant 64 : i32
      %mul3A_1792 = arith.muli %scan3A_1286, %mul3A_1791 : i32
      %add3A_1793 = arith.constant 42 : i32
      %add3A_1794 = arith.addi %mul3A_1792, %add3A_1793 : i32
      %dma_start3A_1795 = arith.constant 0 : i32
      %dma_start3A_1796 = tpu.memref_slice %arg6[%add3A_1794, %dma_start3A_1795] : memref<512x100xi32, #tpu.memory_space<vmem>> -> memref<1x100xi32, #tpu.memory_space<vmem>>
      %dma_start3A_1797 = tpu.memref_squeeze %dma_start3A_1796 : memref<1x100xi32, #tpu.memory_space<vmem>> -> memref<100xi32, #tpu.memory_space<vmem>>
      %dma_start3A_1798 = arith.constant 0 : i32
      %dma_start3A_1799 = tpu.memref_slice %arg5[%add3A_1794, %dma_start3A_1798] : memref<512x100xi32, #tpu.memory_space<vmem>> -> memref<1x100xi32, #tpu.memory_space<vmem>>
      %dma_start3A_1800 = tpu.memref_squeeze %dma_start3A_1799 : memref<1x100xi32, #tpu.memory_space<vmem>> -> memref<100xi32, #tpu.memory_space<vmem>>
      %dma_start3A_1801 = arith.constant 0 : i32
      %dma_start3A_1802 = tpu.memref_slice %arg3[%dma_start3A_1801] : memref<1000000xi32, #tpu.memory_space<hbm>> -> memref<1000000xi32, #tpu.memory_space<hbm>>
      tpu.enqueue_indirect_dma source(%dma_start3A_1802 : memref<1000000xi32, #tpu.memory_space<hbm>>) target(%dma_start3A_1797 : memref<100xi32, #tpu.memory_space<vmem>>) offsets(%dma_start3A_1800 : memref<100xi32, #tpu.memory_space<vmem>>) semaphore(%arg7 : memref<!tpu.dma_semaphore, #tpu.memory_space<semaphore_mem>>)
      %mul3A_1803 = arith.constant 64 : i32
      %mul3A_1804 = arith.muli %scan3A_1286, %mul3A_1803 : i32
      %add3A_1805 = arith.constant 43 : i32
      %add3A_1806 = arith.addi %mul3A_1804, %add3A_1805 : i32
      %dma_start3A_1807 = arith.constant 0 : i32
      %dma_start3A_1808 = tpu.memref_slice %arg6[%add3A_1806, %dma_start3A_1807] : memref<512x100xi32, #tpu.memory_space<vmem>> -> memref<1x100xi32, #tpu.memory_space<vmem>>
      %dma_start3A_1809 = tpu.memref_squeeze %dma_start3A_1808 : memref<1x100xi32, #tpu.memory_space<vmem>> -> memref<100xi32, #tpu.memory_space<vmem>>
      %dma_start3A_1810 = arith.constant 0 : i32
      %dma_start3A_1811 = tpu.memref_slice %arg5[%add3A_1806, %dma_start3A_1810] : memref<512x100xi32, #tpu.memory_space<vmem>> -> memref<1x100xi32, #tpu.memory_space<vmem>>
      %dma_start3A_1812 = tpu.memref_squeeze %dma_start3A_1811 : memref<1x100xi32, #tpu.memory_space<vmem>> -> memref<100xi32, #tpu.memory_space<vmem>>
      %dma_start3A_1813 = arith.constant 0 : i32
      %dma_start3A_1814 = tpu.memref_slice %arg3[%dma_start3A_1813] : memref<1000000xi32, #tpu.memory_space<hbm>> -> memref<1000000xi32, #tpu.memory_space<hbm>>
      tpu.enqueue_indirect_dma source(%dma_start3A_1814 : memref<1000000xi32, #tpu.memory_space<hbm>>) target(%dma_start3A_1809 : memref<100xi32, #tpu.memory_space<vmem>>) offsets(%dma_start3A_1812 : memref<100xi32, #tpu.memory_space<vmem>>) semaphore(%arg7 : memref<!tpu.dma_semaphore, #tpu.memory_space<semaphore_mem>>)
      %mul3A_1815 = arith.constant 64 : i32
      %mul3A_1816 = arith.muli %scan3A_1286, %mul3A_1815 : i32
      %add3A_1817 = arith.constant 44 : i32
      %add3A_1818 = arith.addi %mul3A_1816, %add3A_1817 : i32
      %dma_start3A_1819 = arith.constant 0 : i32
      %dma_start3A_1820 = tpu.memref_slice %arg6[%add3A_1818, %dma_start3A_1819] : memref<512x100xi32, #tpu.memory_space<vmem>> -> memref<1x100xi32, #tpu.memory_space<vmem>>
      %dma_start3A_1821 = tpu.memref_squeeze %dma_start3A_1820 : memref<1x100xi32, #tpu.memory_space<vmem>> -> memref<100xi32, #tpu.memory_space<vmem>>
      %dma_start3A_1822 = arith.constant 0 : i32
      %dma_start3A_1823 = tpu.memref_slice %arg5[%add3A_1818, %dma_start3A_1822] : memref<512x100xi32, #tpu.memory_space<vmem>> -> memref<1x100xi32, #tpu.memory_space<vmem>>
      %dma_start3A_1824 = tpu.memref_squeeze %dma_start3A_1823 : memref<1x100xi32, #tpu.memory_space<vmem>> -> memref<100xi32, #tpu.memory_space<vmem>>
      %dma_start3A_1825 = arith.constant 0 : i32
      %dma_start3A_1826 = tpu.memref_slice %arg3[%dma_start3A_1825] : memref<1000000xi32, #tpu.memory_space<hbm>> -> memref<1000000xi32, #tpu.memory_space<hbm>>
      tpu.enqueue_indirect_dma source(%dma_start3A_1826 : memref<1000000xi32, #tpu.memory_space<hbm>>) target(%dma_start3A_1821 : memref<100xi32, #tpu.memory_space<vmem>>) offsets(%dma_start3A_1824 : memref<100xi32, #tpu.memory_space<vmem>>) semaphore(%arg7 : memref<!tpu.dma_semaphore, #tpu.memory_space<semaphore_mem>>)
      %mul3A_1827 = arith.constant 64 : i32
      %mul3A_1828 = arith.muli %scan3A_1286, %mul3A_1827 : i32
      %add3A_1829 = arith.constant 45 : i32
      %add3A_1830 = arith.addi %mul3A_1828, %add3A_1829 : i32
      %dma_start3A_1831 = arith.constant 0 : i32
      %dma_start3A_1832 = tpu.memref_slice %arg6[%add3A_1830, %dma_start3A_1831] : memref<512x100xi32, #tpu.memory_space<vmem>> -> memref<1x100xi32, #tpu.memory_space<vmem>>
      %dma_start3A_1833 = tpu.memref_squeeze %dma_start3A_1832 : memref<1x100xi32, #tpu.memory_space<vmem>> -> memref<100xi32, #tpu.memory_space<vmem>>
      %dma_start3A_1834 = arith.constant 0 : i32
      %dma_start3A_1835 = tpu.memref_slice %arg5[%add3A_1830, %dma_start3A_1834] : memref<512x100xi32, #tpu.memory_space<vmem>> -> memref<1x100xi32, #tpu.memory_space<vmem>>
      %dma_start3A_1836 = tpu.memref_squeeze %dma_start3A_1835 : memref<1x100xi32, #tpu.memory_space<vmem>> -> memref<100xi32, #tpu.memory_space<vmem>>
      %dma_start3A_1837 = arith.constant 0 : i32
      %dma_start3A_1838 = tpu.memref_slice %arg3[%dma_start3A_1837] : memref<1000000xi32, #tpu.memory_space<hbm>> -> memref<1000000xi32, #tpu.memory_space<hbm>>
      tpu.enqueue_indirect_dma source(%dma_start3A_1838 : memref<1000000xi32, #tpu.memory_space<hbm>>) target(%dma_start3A_1833 : memref<100xi32, #tpu.memory_space<vmem>>) offsets(%dma_start3A_1836 : memref<100xi32, #tpu.memory_space<vmem>>) semaphore(%arg7 : memref<!tpu.dma_semaphore, #tpu.memory_space<semaphore_mem>>)
      %mul3A_1839 = arith.constant 64 : i32
      %mul3A_1840 = arith.muli %scan3A_1286, %mul3A_1839 : i32
      %add3A_1841 = arith.constant 46 : i32
      %add3A_1842 = arith.addi %mul3A_1840, %add3A_1841 : i32
      %dma_start3A_1843 = arith.constant 0 : i32
      %dma_start3A_1844 = tpu.memref_slice %arg6[%add3A_1842, %dma_start3A_1843] : memref<512x100xi32, #tpu.memory_space<vmem>> -> memref<1x100xi32, #tpu.memory_space<vmem>>
      %dma_start3A_1845 = tpu.memref_squeeze %dma_start3A_1844 : memref<1x100xi32, #tpu.memory_space<vmem>> -> memref<100xi32, #tpu.memory_space<vmem>>
      %dma_start3A_1846 = arith.constant 0 : i32
      %dma_start3A_1847 = tpu.memref_slice %arg5[%add3A_1842, %dma_start3A_1846] : memref<512x100xi32, #tpu.memory_space<vmem>> -> memref<1x100xi32, #tpu.memory_space<vmem>>
      %dma_start3A_1848 = tpu.memref_squeeze %dma_start3A_1847 : memref<1x100xi32, #tpu.memory_space<vmem>> -> memref<100xi32, #tpu.memory_space<vmem>>
      %dma_start3A_1849 = arith.constant 0 : i32
      %dma_start3A_1850 = tpu.memref_slice %arg3[%dma_start3A_1849] : memref<1000000xi32, #tpu.memory_space<hbm>> -> memref<1000000xi32, #tpu.memory_space<hbm>>
      tpu.enqueue_indirect_dma source(%dma_start3A_1850 : memref<1000000xi32, #tpu.memory_space<hbm>>) target(%dma_start3A_1845 : memref<100xi32, #tpu.memory_space<vmem>>) offsets(%dma_start3A_1848 : memref<100xi32, #tpu.memory_space<vmem>>) semaphore(%arg7 : memref<!tpu.dma_semaphore, #tpu.memory_space<semaphore_mem>>)
      %mul3A_1851 = arith.constant 64 : i32
      %mul3A_1852 = arith.muli %scan3A_1286, %mul3A_1851 : i32
      %add3A_1853 = arith.constant 47 : i32
      %add3A_1854 = arith.addi %mul3A_1852, %add3A_1853 : i32
      %dma_start3A_1855 = arith.constant 0 : i32
      %dma_start3A_1856 = tpu.memref_slice %arg6[%add3A_1854, %dma_start3A_1855] : memref<512x100xi32, #tpu.memory_space<vmem>> -> memref<1x100xi32, #tpu.memory_space<vmem>>
      %dma_start3A_1857 = tpu.memref_squeeze %dma_start3A_1856 : memref<1x100xi32, #tpu.memory_space<vmem>> -> memref<100xi32, #tpu.memory_space<vmem>>
      %dma_start3A_1858 = arith.constant 0 : i32
      %dma_start3A_1859 = tpu.memref_slice %arg5[%add3A_1854, %dma_start3A_1858] : memref<512x100xi32, #tpu.memory_space<vmem>> -> memref<1x100xi32, #tpu.memory_space<vmem>>
      %dma_start3A_1860 = tpu.memref_squeeze %dma_start3A_1859 : memref<1x100xi32, #tpu.memory_space<vmem>> -> memref<100xi32, #tpu.memory_space<vmem>>
      %dma_start3A_1861 = arith.constant 0 : i32
      %dma_start3A_1862 = tpu.memref_slice %arg3[%dma_start3A_1861] : memref<1000000xi32, #tpu.memory_space<hbm>> -> memref<1000000xi32, #tpu.memory_space<hbm>>
      tpu.enqueue_indirect_dma source(%dma_start3A_1862 : memref<1000000xi32, #tpu.memory_space<hbm>>) target(%dma_start3A_1857 : memref<100xi32, #tpu.memory_space<vmem>>) offsets(%dma_start3A_1860 : memref<100xi32, #tpu.memory_space<vmem>>) semaphore(%arg7 : memref<!tpu.dma_semaphore, #tpu.memory_space<semaphore_mem>>)
      %mul3A_1863 = arith.constant 64 : i32
      %mul3A_1864 = arith.muli %scan3A_1286, %mul3A_1863 : i32
      %add3A_1865 = arith.constant 48 : i32
      %add3A_1866 = arith.addi %mul3A_1864, %add3A_1865 : i32
      %dma_start3A_1867 = arith.constant 0 : i32
      %dma_start3A_1868 = tpu.memref_slice %arg6[%add3A_1866, %dma_start3A_1867] : memref<512x100xi32, #tpu.memory_space<vmem>> -> memref<1x100xi32, #tpu.memory_space<vmem>>
      %dma_start3A_1869 = tpu.memref_squeeze %dma_start3A_1868 : memref<1x100xi32, #tpu.memory_space<vmem>> -> memref<100xi32, #tpu.memory_space<vmem>>
      %dma_start3A_1870 = arith.constant 0 : i32
      %dma_start3A_1871 = tpu.memref_slice %arg5[%add3A_1866, %dma_start3A_1870] : memref<512x100xi32, #tpu.memory_space<vmem>> -> memref<1x100xi32, #tpu.memory_space<vmem>>
      %dma_start3A_1872 = tpu.memref_squeeze %dma_start3A_1871 : memref<1x100xi32, #tpu.memory_space<vmem>> -> memref<100xi32, #tpu.memory_space<vmem>>
      %dma_start3A_1873 = arith.constant 0 : i32
      %dma_start3A_1874 = tpu.memref_slice %arg3[%dma_start3A_1873] : memref<1000000xi32, #tpu.memory_space<hbm>> -> memref<1000000xi32, #tpu.memory_space<hbm>>
      tpu.enqueue_indirect_dma source(%dma_start3A_1874 : memref<1000000xi32, #tpu.memory_space<hbm>>) target(%dma_start3A_1869 : memref<100xi32, #tpu.memory_space<vmem>>) offsets(%dma_start3A_1872 : memref<100xi32, #tpu.memory_space<vmem>>) semaphore(%arg7 : memref<!tpu.dma_semaphore, #tpu.memory_space<semaphore_mem>>)
      %mul3A_1875 = arith.constant 64 : i32
      %mul3A_1876 = arith.muli %scan3A_1286, %mul3A_1875 : i32
      %add3A_1877 = arith.constant 49 : i32
      %add3A_1878 = arith.addi %mul3A_1876, %add3A_1877 : i32
      %dma_start3A_1879 = arith.constant 0 : i32
      %dma_start3A_1880 = tpu.memref_slice %arg6[%add3A_1878, %dma_start3A_1879] : memref<512x100xi32, #tpu.memory_space<vmem>> -> memref<1x100xi32, #tpu.memory_space<vmem>>
      %dma_start3A_1881 = tpu.memref_squeeze %dma_start3A_1880 : memref<1x100xi32, #tpu.memory_space<vmem>> -> memref<100xi32, #tpu.memory_space<vmem>>
      %dma_start3A_1882 = arith.constant 0 : i32
      %dma_start3A_1883 = tpu.memref_slice %arg5[%add3A_1878, %dma_start3A_1882] : memref<512x100xi32, #tpu.memory_space<vmem>> -> memref<1x100xi32, #tpu.memory_space<vmem>>
      %dma_start3A_1884 = tpu.memref_squeeze %dma_start3A_1883 : memref<1x100xi32, #tpu.memory_space<vmem>> -> memref<100xi32, #tpu.memory_space<vmem>>
      %dma_start3A_1885 = arith.constant 0 : i32
      %dma_start3A_1886 = tpu.memref_slice %arg3[%dma_start3A_1885] : memref<1000000xi32, #tpu.memory_space<hbm>> -> memref<1000000xi32, #tpu.memory_space<hbm>>
      tpu.enqueue_indirect_dma source(%dma_start3A_1886 : memref<1000000xi32, #tpu.memory_space<hbm>>) target(%dma_start3A_1881 : memref<100xi32, #tpu.memory_space<vmem>>) offsets(%dma_start3A_1884 : memref<100xi32, #tpu.memory_space<vmem>>) semaphore(%arg7 : memref<!tpu.dma_semaphore, #tpu.memory_space<semaphore_mem>>)
      %mul3A_1887 = arith.constant 64 : i32
      %mul3A_1888 = arith.muli %scan3A_1286, %mul3A_1887 : i32
      %add3A_1889 = arith.constant 50 : i32
      %add3A_1890 = arith.addi %mul3A_1888, %add3A_1889 : i32
      %dma_start3A_1891 = arith.constant 0 : i32
      %dma_start3A_1892 = tpu.memref_slice %arg6[%add3A_1890, %dma_start3A_1891] : memref<512x100xi32, #tpu.memory_space<vmem>> -> memref<1x100xi32, #tpu.memory_space<vmem>>
      %dma_start3A_1893 = tpu.memref_squeeze %dma_start3A_1892 : memref<1x100xi32, #tpu.memory_space<vmem>> -> memref<100xi32, #tpu.memory_space<vmem>>
      %dma_start3A_1894 = arith.constant 0 : i32
      %dma_start3A_1895 = tpu.memref_slice %arg5[%add3A_1890, %dma_start3A_1894] : memref<512x100xi32, #tpu.memory_space<vmem>> -> memref<1x100xi32, #tpu.memory_space<vmem>>
      %dma_start3A_1896 = tpu.memref_squeeze %dma_start3A_1895 : memref<1x100xi32, #tpu.memory_space<vmem>> -> memref<100xi32, #tpu.memory_space<vmem>>
      %dma_start3A_1897 = arith.constant 0 : i32
      %dma_start3A_1898 = tpu.memref_slice %arg3[%dma_start3A_1897] : memref<1000000xi32, #tpu.memory_space<hbm>> -> memref<1000000xi32, #tpu.memory_space<hbm>>
      tpu.enqueue_indirect_dma source(%dma_start3A_1898 : memref<1000000xi32, #tpu.memory_space<hbm>>) target(%dma_start3A_1893 : memref<100xi32, #tpu.memory_space<vmem>>) offsets(%dma_start3A_1896 : memref<100xi32, #tpu.memory_space<vmem>>) semaphore(%arg7 : memref<!tpu.dma_semaphore, #tpu.memory_space<semaphore_mem>>)
      %mul3A_1899 = arith.constant 64 : i32
      %mul3A_1900 = arith.muli %scan3A_1286, %mul3A_1899 : i32
      %add3A_1901 = arith.constant 51 : i32
      %add3A_1902 = arith.addi %mul3A_1900, %add3A_1901 : i32
      %dma_start3A_1903 = arith.constant 0 : i32
      %dma_start3A_1904 = tpu.memref_slice %arg6[%add3A_1902, %dma_start3A_1903] : memref<512x100xi32, #tpu.memory_space<vmem>> -> memref<1x100xi32, #tpu.memory_space<vmem>>
      %dma_start3A_1905 = tpu.memref_squeeze %dma_start3A_1904 : memref<1x100xi32, #tpu.memory_space<vmem>> -> memref<100xi32, #tpu.memory_space<vmem>>
      %dma_start3A_1906 = arith.constant 0 : i32
      %dma_start3A_1907 = tpu.memref_slice %arg5[%add3A_1902, %dma_start3A_1906] : memref<512x100xi32, #tpu.memory_space<vmem>> -> memref<1x100xi32, #tpu.memory_space<vmem>>
      %dma_start3A_1908 = tpu.memref_squeeze %dma_start3A_1907 : memref<1x100xi32, #tpu.memory_space<vmem>> -> memref<100xi32, #tpu.memory_space<vmem>>
      %dma_start3A_1909 = arith.constant 0 : i32
      %dma_start3A_1910 = tpu.memref_slice %arg3[%dma_start3A_1909] : memref<1000000xi32, #tpu.memory_space<hbm>> -> memref<1000000xi32, #tpu.memory_space<hbm>>
      tpu.enqueue_indirect_dma source(%dma_start3A_1910 : memref<1000000xi32, #tpu.memory_space<hbm>>) target(%dma_start3A_1905 : memref<100xi32, #tpu.memory_space<vmem>>) offsets(%dma_start3A_1908 : memref<100xi32, #tpu.memory_space<vmem>>) semaphore(%arg7 : memref<!tpu.dma_semaphore, #tpu.memory_space<semaphore_mem>>)
      %mul3A_1911 = arith.constant 64 : i32
      %mul3A_1912 = arith.muli %scan3A_1286, %mul3A_1911 : i32
      %add3A_1913 = arith.constant 52 : i32
      %add3A_1914 = arith.addi %mul3A_1912, %add3A_1913 : i32
      %dma_start3A_1915 = arith.constant 0 : i32
      %dma_start3A_1916 = tpu.memref_slice %arg6[%add3A_1914, %dma_start3A_1915] : memref<512x100xi32, #tpu.memory_space<vmem>> -> memref<1x100xi32, #tpu.memory_space<vmem>>
      %dma_start3A_1917 = tpu.memref_squeeze %dma_start3A_1916 : memref<1x100xi32, #tpu.memory_space<vmem>> -> memref<100xi32, #tpu.memory_space<vmem>>
      %dma_start3A_1918 = arith.constant 0 : i32
      %dma_start3A_1919 = tpu.memref_slice %arg5[%add3A_1914, %dma_start3A_1918] : memref<512x100xi32, #tpu.memory_space<vmem>> -> memref<1x100xi32, #tpu.memory_space<vmem>>
      %dma_start3A_1920 = tpu.memref_squeeze %dma_start3A_1919 : memref<1x100xi32, #tpu.memory_space<vmem>> -> memref<100xi32, #tpu.memory_space<vmem>>
      %dma_start3A_1921 = arith.constant 0 : i32
      %dma_start3A_1922 = tpu.memref_slice %arg3[%dma_start3A_1921] : memref<1000000xi32, #tpu.memory_space<hbm>> -> memref<1000000xi32, #tpu.memory_space<hbm>>
      tpu.enqueue_indirect_dma source(%dma_start3A_1922 : memref<1000000xi32, #tpu.memory_space<hbm>>) target(%dma_start3A_1917 : memref<100xi32, #tpu.memory_space<vmem>>) offsets(%dma_start3A_1920 : memref<100xi32, #tpu.memory_space<vmem>>) semaphore(%arg7 : memref<!tpu.dma_semaphore, #tpu.memory_space<semaphore_mem>>)
      %mul3A_1923 = arith.constant 64 : i32
      %mul3A_1924 = arith.muli %scan3A_1286, %mul3A_1923 : i32
      %add3A_1925 = arith.constant 53 : i32
      %add3A_1926 = arith.addi %mul3A_1924, %add3A_1925 : i32
      %dma_start3A_1927 = arith.constant 0 : i32
      %dma_start3A_1928 = tpu.memref_slice %arg6[%add3A_1926, %dma_start3A_1927] : memref<512x100xi32, #tpu.memory_space<vmem>> -> memref<1x100xi32, #tpu.memory_space<vmem>>
      %dma_start3A_1929 = tpu.memref_squeeze %dma_start3A_1928 : memref<1x100xi32, #tpu.memory_space<vmem>> -> memref<100xi32, #tpu.memory_space<vmem>>
      %dma_start3A_1930 = arith.constant 0 : i32
      %dma_start3A_1931 = tpu.memref_slice %arg5[%add3A_1926, %dma_start3A_1930] : memref<512x100xi32, #tpu.memory_space<vmem>> -> memref<1x100xi32, #tpu.memory_space<vmem>>
      %dma_start3A_1932 = tpu.memref_squeeze %dma_start3A_1931 : memref<1x100xi32, #tpu.memory_space<vmem>> -> memref<100xi32, #tpu.memory_space<vmem>>
      %dma_start3A_1933 = arith.constant 0 : i32
      %dma_start3A_1934 = tpu.memref_slice %arg3[%dma_start3A_1933] : memref<1000000xi32, #tpu.memory_space<hbm>> -> memref<1000000xi32, #tpu.memory_space<hbm>>
      tpu.enqueue_indirect_dma source(%dma_start3A_1934 : memref<1000000xi32, #tpu.memory_space<hbm>>) target(%dma_start3A_1929 : memref<100xi32, #tpu.memory_space<vmem>>) offsets(%dma_start3A_1932 : memref<100xi32, #tpu.memory_space<vmem>>) semaphore(%arg7 : memref<!tpu.dma_semaphore, #tpu.memory_space<semaphore_mem>>)
      %mul3A_1935 = arith.constant 64 : i32
      %mul3A_1936 = arith.muli %scan3A_1286, %mul3A_1935 : i32
      %add3A_1937 = arith.constant 54 : i32
      %add3A_1938 = arith.addi %mul3A_1936, %add3A_1937 : i32
      %dma_start3A_1939 = arith.constant 0 : i32
      %dma_start3A_1940 = tpu.memref_slice %arg6[%add3A_1938, %dma_start3A_1939] : memref<512x100xi32, #tpu.memory_space<vmem>> -> memref<1x100xi32, #tpu.memory_space<vmem>>
      %dma_start3A_1941 = tpu.memref_squeeze %dma_start3A_1940 : memref<1x100xi32, #tpu.memory_space<vmem>> -> memref<100xi32, #tpu.memory_space<vmem>>
      %dma_start3A_1942 = arith.constant 0 : i32
      %dma_start3A_1943 = tpu.memref_slice %arg5[%add3A_1938, %dma_start3A_1942] : memref<512x100xi32, #tpu.memory_space<vmem>> -> memref<1x100xi32, #tpu.memory_space<vmem>>
      %dma_start3A_1944 = tpu.memref_squeeze %dma_start3A_1943 : memref<1x100xi32, #tpu.memory_space<vmem>> -> memref<100xi32, #tpu.memory_space<vmem>>
      %dma_start3A_1945 = arith.constant 0 : i32
      %dma_start3A_1946 = tpu.memref_slice %arg3[%dma_start3A_1945] : memref<1000000xi32, #tpu.memory_space<hbm>> -> memref<1000000xi32, #tpu.memory_space<hbm>>
      tpu.enqueue_indirect_dma source(%dma_start3A_1946 : memref<1000000xi32, #tpu.memory_space<hbm>>) target(%dma_start3A_1941 : memref<100xi32, #tpu.memory_space<vmem>>) offsets(%dma_start3A_1944 : memref<100xi32, #tpu.memory_space<vmem>>) semaphore(%arg7 : memref<!tpu.dma_semaphore, #tpu.memory_space<semaphore_mem>>)
      %mul3A_1947 = arith.constant 64 : i32
      %mul3A_1948 = arith.muli %scan3A_1286, %mul3A_1947 : i32
      %add3A_1949 = arith.constant 55 : i32
      %add3A_1950 = arith.addi %mul3A_1948, %add3A_1949 : i32
      %dma_start3A_1951 = arith.constant 0 : i32
      %dma_start3A_1952 = tpu.memref_slice %arg6[%add3A_1950, %dma_start3A_1951] : memref<512x100xi32, #tpu.memory_space<vmem>> -> memref<1x100xi32, #tpu.memory_space<vmem>>
      %dma_start3A_1953 = tpu.memref_squeeze %dma_start3A_1952 : memref<1x100xi32, #tpu.memory_space<vmem>> -> memref<100xi32, #tpu.memory_space<vmem>>
      %dma_start3A_1954 = arith.constant 0 : i32
      %dma_start3A_1955 = tpu.memref_slice %arg5[%add3A_1950, %dma_start3A_1954] : memref<512x100xi32, #tpu.memory_space<vmem>> -> memref<1x100xi32, #tpu.memory_space<vmem>>
      %dma_start3A_1956 = tpu.memref_squeeze %dma_start3A_1955 : memref<1x100xi32, #tpu.memory_space<vmem>> -> memref<100xi32, #tpu.memory_space<vmem>>
      %dma_start3A_1957 = arith.constant 0 : i32
      %dma_start3A_1958 = tpu.memref_slice %arg3[%dma_start3A_1957] : memref<1000000xi32, #tpu.memory_space<hbm>> -> memref<1000000xi32, #tpu.memory_space<hbm>>
      tpu.enqueue_indirect_dma source(%dma_start3A_1958 : memref<1000000xi32, #tpu.memory_space<hbm>>) target(%dma_start3A_1953 : memref<100xi32, #tpu.memory_space<vmem>>) offsets(%dma_start3A_1956 : memref<100xi32, #tpu.memory_space<vmem>>) semaphore(%arg7 : memref<!tpu.dma_semaphore, #tpu.memory_space<semaphore_mem>>)
      %mul3A_1959 = arith.constant 64 : i32
      %mul3A_1960 = arith.muli %scan3A_1286, %mul3A_1959 : i32
      %add3A_1961 = arith.constant 56 : i32
      %add3A_1962 = arith.addi %mul3A_1960, %add3A_1961 : i32
      %dma_start3A_1963 = arith.constant 0 : i32
      %dma_start3A_1964 = tpu.memref_slice %arg6[%add3A_1962, %dma_start3A_1963] : memref<512x100xi32, #tpu.memory_space<vmem>> -> memref<1x100xi32, #tpu.memory_space<vmem>>
      %dma_start3A_1965 = tpu.memref_squeeze %dma_start3A_1964 : memref<1x100xi32, #tpu.memory_space<vmem>> -> memref<100xi32, #tpu.memory_space<vmem>>
      %dma_start3A_1966 = arith.constant 0 : i32
      %dma_start3A_1967 = tpu.memref_slice %arg5[%add3A_1962, %dma_start3A_1966] : memref<512x100xi32, #tpu.memory_space<vmem>> -> memref<1x100xi32, #tpu.memory_space<vmem>>
      %dma_start3A_1968 = tpu.memref_squeeze %dma_start3A_1967 : memref<1x100xi32, #tpu.memory_space<vmem>> -> memref<100xi32, #tpu.memory_space<vmem>>
      %dma_start3A_1969 = arith.constant 0 : i32
      %dma_start3A_1970 = tpu.memref_slice %arg3[%dma_start3A_1969] : memref<1000000xi32, #tpu.memory_space<hbm>> -> memref<1000000xi32, #tpu.memory_space<hbm>>
      tpu.enqueue_indirect_dma source(%dma_start3A_1970 : memref<1000000xi32, #tpu.memory_space<hbm>>) target(%dma_start3A_1965 : memref<100xi32, #tpu.memory_space<vmem>>) offsets(%dma_start3A_1968 : memref<100xi32, #tpu.memory_space<vmem>>) semaphore(%arg7 : memref<!tpu.dma_semaphore, #tpu.memory_space<semaphore_mem>>)
      %mul3A_1971 = arith.constant 64 : i32
      %mul3A_1972 = arith.muli %scan3A_1286, %mul3A_1971 : i32
      %add3A_1973 = arith.constant 57 : i32
      %add3A_1974 = arith.addi %mul3A_1972, %add3A_1973 : i32
      %dma_start3A_1975 = arith.constant 0 : i32
      %dma_start3A_1976 = tpu.memref_slice %arg6[%add3A_1974, %dma_start3A_1975] : memref<512x100xi32, #tpu.memory_space<vmem>> -> memref<1x100xi32, #tpu.memory_space<vmem>>
      %dma_start3A_1977 = tpu.memref_squeeze %dma_start3A_1976 : memref<1x100xi32, #tpu.memory_space<vmem>> -> memref<100xi32, #tpu.memory_space<vmem>>
      %dma_start3A_1978 = arith.constant 0 : i32
      %dma_start3A_1979 = tpu.memref_slice %arg5[%add3A_1974, %dma_start3A_1978] : memref<512x100xi32, #tpu.memory_space<vmem>> -> memref<1x100xi32, #tpu.memory_space<vmem>>
      %dma_start3A_1980 = tpu.memref_squeeze %dma_start3A_1979 : memref<1x100xi32, #tpu.memory_space<vmem>> -> memref<100xi32, #tpu.memory_space<vmem>>
      %dma_start3A_1981 = arith.constant 0 : i32
      %dma_start3A_1982 = tpu.memref_slice %arg3[%dma_start3A_1981] : memref<1000000xi32, #tpu.memory_space<hbm>> -> memref<1000000xi32, #tpu.memory_space<hbm>>
      tpu.enqueue_indirect_dma source(%dma_start3A_1982 : memref<1000000xi32, #tpu.memory_space<hbm>>) target(%dma_start3A_1977 : memref<100xi32, #tpu.memory_space<vmem>>) offsets(%dma_start3A_1980 : memref<100xi32, #tpu.memory_space<vmem>>) semaphore(%arg7 : memref<!tpu.dma_semaphore, #tpu.memory_space<semaphore_mem>>)
      %mul3A_1983 = arith.constant 64 : i32
      %mul3A_1984 = arith.muli %scan3A_1286, %mul3A_1983 : i32
      %add3A_1985 = arith.constant 58 : i32
      %add3A_1986 = arith.addi %mul3A_1984, %add3A_1985 : i32
      %dma_start3A_1987 = arith.constant 0 : i32
      %dma_start3A_1988 = tpu.memref_slice %arg6[%add3A_1986, %dma_start3A_1987] : memref<512x100xi32, #tpu.memory_space<vmem>> -> memref<1x100xi32, #tpu.memory_space<vmem>>
      %dma_start3A_1989 = tpu.memref_squeeze %dma_start3A_1988 : memref<1x100xi32, #tpu.memory_space<vmem>> -> memref<100xi32, #tpu.memory_space<vmem>>
      %dma_start3A_1990 = arith.constant 0 : i32
      %dma_start3A_1991 = tpu.memref_slice %arg5[%add3A_1986, %dma_start3A_1990] : memref<512x100xi32, #tpu.memory_space<vmem>> -> memref<1x100xi32, #tpu.memory_space<vmem>>
      %dma_start3A_1992 = tpu.memref_squeeze %dma_start3A_1991 : memref<1x100xi32, #tpu.memory_space<vmem>> -> memref<100xi32, #tpu.memory_space<vmem>>
      %dma_start3A_1993 = arith.constant 0 : i32
      %dma_start3A_1994 = tpu.memref_slice %arg3[%dma_start3A_1993] : memref<1000000xi32, #tpu.memory_space<hbm>> -> memref<1000000xi32, #tpu.memory_space<hbm>>
      tpu.enqueue_indirect_dma source(%dma_start3A_1994 : memref<1000000xi32, #tpu.memory_space<hbm>>) target(%dma_start3A_1989 : memref<100xi32, #tpu.memory_space<vmem>>) offsets(%dma_start3A_1992 : memref<100xi32, #tpu.memory_space<vmem>>) semaphore(%arg7 : memref<!tpu.dma_semaphore, #tpu.memory_space<semaphore_mem>>)
      %mul3A_1995 = arith.constant 64 : i32
      %mul3A_1996 = arith.muli %scan3A_1286, %mul3A_1995 : i32
      %add3A_1997 = arith.constant 59 : i32
      %add3A_1998 = arith.addi %mul3A_1996, %add3A_1997 : i32
      %dma_start3A_1999 = arith.constant 0 : i32
      %dma_start3A_2000 = tpu.memref_slice %arg6[%add3A_1998, %dma_start3A_1999] : memref<512x100xi32, #tpu.memory_space<vmem>> -> memref<1x100xi32, #tpu.memory_space<vmem>>
      %dma_start3A_2001 = tpu.memref_squeeze %dma_start3A_2000 : memref<1x100xi32, #tpu.memory_space<vmem>> -> memref<100xi32, #tpu.memory_space<vmem>>
      %dma_start3A_2002 = arith.constant 0 : i32
      %dma_start3A_2003 = tpu.memref_slice %arg5[%add3A_1998, %dma_start3A_2002] : memref<512x100xi32, #tpu.memory_space<vmem>> -> memref<1x100xi32, #tpu.memory_space<vmem>>
      %dma_start3A_2004 = tpu.memref_squeeze %dma_start3A_2003 : memref<1x100xi32, #tpu.memory_space<vmem>> -> memref<100xi32, #tpu.memory_space<vmem>>
      %dma_start3A_2005 = arith.constant 0 : i32
      %dma_start3A_2006 = tpu.memref_slice %arg3[%dma_start3A_2005] : memref<1000000xi32, #tpu.memory_space<hbm>> -> memref<1000000xi32, #tpu.memory_space<hbm>>
      tpu.enqueue_indirect_dma source(%dma_start3A_2006 : memref<1000000xi32, #tpu.memory_space<hbm>>) target(%dma_start3A_2001 : memref<100xi32, #tpu.memory_space<vmem>>) offsets(%dma_start3A_2004 : memref<100xi32, #tpu.memory_space<vmem>>) semaphore(%arg7 : memref<!tpu.dma_semaphore, #tpu.memory_space<semaphore_mem>>)
      %mul3A_2007 = arith.constant 64 : i32
      %mul3A_2008 = arith.muli %scan3A_1286, %mul3A_2007 : i32
      %add3A_2009 = arith.constant 60 : i32
      %add3A_2010 = arith.addi %mul3A_2008, %add3A_2009 : i32
      %dma_start3A_2011 = arith.constant 0 : i32
      %dma_start3A_2012 = tpu.memref_slice %arg6[%add3A_2010, %dma_start3A_2011] : memref<512x100xi32, #tpu.memory_space<vmem>> -> memref<1x100xi32, #tpu.memory_space<vmem>>
      %dma_start3A_2013 = tpu.memref_squeeze %dma_start3A_2012 : memref<1x100xi32, #tpu.memory_space<vmem>> -> memref<100xi32, #tpu.memory_space<vmem>>
      %dma_start3A_2014 = arith.constant 0 : i32
      %dma_start3A_2015 = tpu.memref_slice %arg5[%add3A_2010, %dma_start3A_2014] : memref<512x100xi32, #tpu.memory_space<vmem>> -> memref<1x100xi32, #tpu.memory_space<vmem>>
      %dma_start3A_2016 = tpu.memref_squeeze %dma_start3A_2015 : memref<1x100xi32, #tpu.memory_space<vmem>> -> memref<100xi32, #tpu.memory_space<vmem>>
      %dma_start3A_2017 = arith.constant 0 : i32
      %dma_start3A_2018 = tpu.memref_slice %arg3[%dma_start3A_2017] : memref<1000000xi32, #tpu.memory_space<hbm>> -> memref<1000000xi32, #tpu.memory_space<hbm>>
      tpu.enqueue_indirect_dma source(%dma_start3A_2018 : memref<1000000xi32, #tpu.memory_space<hbm>>) target(%dma_start3A_2013 : memref<100xi32, #tpu.memory_space<vmem>>) offsets(%dma_start3A_2016 : memref<100xi32, #tpu.memory_space<vmem>>) semaphore(%arg7 : memref<!tpu.dma_semaphore, #tpu.memory_space<semaphore_mem>>)
      %mul3A_2019 = arith.constant 64 : i32
      %mul3A_2020 = arith.muli %scan3A_1286, %mul3A_2019 : i32
      %add3A_2021 = arith.constant 61 : i32
      %add3A_2022 = arith.addi %mul3A_2020, %add3A_2021 : i32
      %dma_start3A_2023 = arith.constant 0 : i32
      %dma_start3A_2024 = tpu.memref_slice %arg6[%add3A_2022, %dma_start3A_2023] : memref<512x100xi32, #tpu.memory_space<vmem>> -> memref<1x100xi32, #tpu.memory_space<vmem>>
      %dma_start3A_2025 = tpu.memref_squeeze %dma_start3A_2024 : memref<1x100xi32, #tpu.memory_space<vmem>> -> memref<100xi32, #tpu.memory_space<vmem>>
      %dma_start3A_2026 = arith.constant 0 : i32
      %dma_start3A_2027 = tpu.memref_slice %arg5[%add3A_2022, %dma_start3A_2026] : memref<512x100xi32, #tpu.memory_space<vmem>> -> memref<1x100xi32, #tpu.memory_space<vmem>>
      %dma_start3A_2028 = tpu.memref_squeeze %dma_start3A_2027 : memref<1x100xi32, #tpu.memory_space<vmem>> -> memref<100xi32, #tpu.memory_space<vmem>>
      %dma_start3A_2029 = arith.constant 0 : i32
      %dma_start3A_2030 = tpu.memref_slice %arg3[%dma_start3A_2029] : memref<1000000xi32, #tpu.memory_space<hbm>> -> memref<1000000xi32, #tpu.memory_space<hbm>>
      tpu.enqueue_indirect_dma source(%dma_start3A_2030 : memref<1000000xi32, #tpu.memory_space<hbm>>) target(%dma_start3A_2025 : memref<100xi32, #tpu.memory_space<vmem>>) offsets(%dma_start3A_2028 : memref<100xi32, #tpu.memory_space<vmem>>) semaphore(%arg7 : memref<!tpu.dma_semaphore, #tpu.memory_space<semaphore_mem>>)
      %mul3A_2031 = arith.constant 64 : i32
      %mul3A_2032 = arith.muli %scan3A_1286, %mul3A_2031 : i32
      %add3A_2033 = arith.constant 62 : i32
      %add3A_2034 = arith.addi %mul3A_2032, %add3A_2033 : i32
      %dma_start3A_2035 = arith.constant 0 : i32
      %dma_start3A_2036 = tpu.memref_slice %arg6[%add3A_2034, %dma_start3A_2035] : memref<512x100xi32, #tpu.memory_space<vmem>> -> memref<1x100xi32, #tpu.memory_space<vmem>>
      %dma_start3A_2037 = tpu.memref_squeeze %dma_start3A_2036 : memref<1x100xi32, #tpu.memory_space<vmem>> -> memref<100xi32, #tpu.memory_space<vmem>>
      %dma_start3A_2038 = arith.constant 0 : i32
      %dma_start3A_2039 = tpu.memref_slice %arg5[%add3A_2034, %dma_start3A_2038] : memref<512x100xi32, #tpu.memory_space<vmem>> -> memref<1x100xi32, #tpu.memory_space<vmem>>
      %dma_start3A_2040 = tpu.memref_squeeze %dma_start3A_2039 : memref<1x100xi32, #tpu.memory_space<vmem>> -> memref<100xi32, #tpu.memory_space<vmem>>
      %dma_start3A_2041 = arith.constant 0 : i32
      %dma_start3A_2042 = tpu.memref_slice %arg3[%dma_start3A_2041] : memref<1000000xi32, #tpu.memory_space<hbm>> -> memref<1000000xi32, #tpu.memory_space<hbm>>
      tpu.enqueue_indirect_dma source(%dma_start3A_2042 : memref<1000000xi32, #tpu.memory_space<hbm>>) target(%dma_start3A_2037 : memref<100xi32, #tpu.memory_space<vmem>>) offsets(%dma_start3A_2040 : memref<100xi32, #tpu.memory_space<vmem>>) semaphore(%arg7 : memref<!tpu.dma_semaphore, #tpu.memory_space<semaphore_mem>>)
      %mul3A_2043 = arith.constant 64 : i32
      %mul3A_2044 = arith.muli %scan3A_1286, %mul3A_2043 : i32
      %add3A_2045 = arith.constant 63 : i32
      %add3A_2046 = arith.addi %mul3A_2044, %add3A_2045 : i32
      %dma_start3A_2047 = arith.constant 0 : i32
      %dma_start3A_2048 = tpu.memref_slice %arg6[%add3A_2046, %dma_start3A_2047] : memref<512x100xi32, #tpu.memory_space<vmem>> -> memref<1x100xi32, #tpu.memory_space<vmem>>
      %dma_start3A_2049 = tpu.memref_squeeze %dma_start3A_2048 : memref<1x100xi32, #tpu.memory_space<vmem>> -> memref<100xi32, #tpu.memory_space<vmem>>
      %dma_start3A_2050 = arith.constant 0 : i32
      %dma_start3A_2051 = tpu.memref_slice %arg5[%add3A_2046, %dma_start3A_2050] : memref<512x100xi32, #tpu.memory_space<vmem>> -> memref<1x100xi32, #tpu.memory_space<vmem>>
      %dma_start3A_2052 = tpu.memref_squeeze %dma_start3A_2051 : memref<1x100xi32, #tpu.memory_space<vmem>> -> memref<100xi32, #tpu.memory_space<vmem>>
      %dma_start3A_2053 = arith.constant 0 : i32
      %dma_start3A_2054 = tpu.memref_slice %arg3[%dma_start3A_2053] : memref<1000000xi32, #tpu.memory_space<hbm>> -> memref<1000000xi32, #tpu.memory_space<hbm>>
      tpu.enqueue_indirect_dma source(%dma_start3A_2054 : memref<1000000xi32, #tpu.memory_space<hbm>>) target(%dma_start3A_2049 : memref<100xi32, #tpu.memory_space<vmem>>) offsets(%dma_start3A_2052 : memref<100xi32, #tpu.memory_space<vmem>>) semaphore(%arg7 : memref<!tpu.dma_semaphore, #tpu.memory_space<semaphore_mem>>)
      %sub3A = arith.constant 1 : i32
      %sub3A_2055 = arith.subi %scan3A_1286, %sub3A : i32
      %mul3A_2056 = arith.constant 64 : i32
      %mul3A_2057 = arith.muli %sub3A_2055, %mul3A_2056 : i32
      %add3A_2058 = arith.constant 0 : i32
      %add3A_2059 = arith.addi %mul3A_2057, %add3A_2058 : i32
      %dma_wait3A_2060 = arith.constant 0 : i32
      %dma_wait3A_2061 = tpu.memref_slice %arg6[%add3A_2059, %dma_wait3A_2060] : memref<512x100xi32, #tpu.memory_space<vmem>> -> memref<1x100xi32, #tpu.memory_space<vmem>>
      %dma_wait3A_2062 = tpu.memref_squeeze %dma_wait3A_2061 : memref<1x100xi32, #tpu.memory_space<vmem>> -> memref<100xi32, #tpu.memory_space<vmem>>
      %dma_wait3A_2063 = arith.constant 0 : i32
      %dma_wait3A_2064 = tpu.memref_slice %arg5[%add3A_2059, %dma_wait3A_2063] : memref<512x100xi32, #tpu.memory_space<vmem>> -> memref<1x100xi32, #tpu.memory_space<vmem>>
      %dma_wait3A_2065 = tpu.memref_squeeze %dma_wait3A_2064 : memref<1x100xi32, #tpu.memory_space<vmem>> -> memref<100xi32, #tpu.memory_space<vmem>>
      %dma_wait3A_2066 = arith.constant 0 : i32
      %dma_wait3A_2067 = tpu.memref_slice %arg3[%dma_wait3A_2066] : memref<1000000xi32, #tpu.memory_space<hbm>> -> memref<1000000xi32, #tpu.memory_space<hbm>>
      tpu.wait_indirect_dma semaphore(%arg7 : memref<!tpu.dma_semaphore, #tpu.memory_space<semaphore_mem>>) src(%dma_wait3A_2067 : memref<1000000xi32, #tpu.memory_space<hbm>>) dst(%dma_wait3A_2062 : memref<100xi32, #tpu.memory_space<vmem>>)
      %mul3A_2068 = arith.constant 64 : i32
      %mul3A_2069 = arith.muli %sub3A_2055, %mul3A_2068 : i32
      %add3A_2070 = arith.constant 1 : i32
      %add3A_2071 = arith.addi %mul3A_2069, %add3A_2070 : i32
      %dma_wait3A_2072 = arith.constant 0 : i32
      %dma_wait3A_2073 = tpu.memref_slice %arg6[%add3A_2071, %dma_wait3A_2072] : memref<512x100xi32, #tpu.memory_space<vmem>> -> memref<1x100xi32, #tpu.memory_space<vmem>>
      %dma_wait3A_2074 = tpu.memref_squeeze %dma_wait3A_2073 : memref<1x100xi32, #tpu.memory_space<vmem>> -> memref<100xi32, #tpu.memory_space<vmem>>
      %dma_wait3A_2075 = arith.constant 0 : i32
      %dma_wait3A_2076 = tpu.memref_slice %arg5[%add3A_2071, %dma_wait3A_2075] : memref<512x100xi32, #tpu.memory_space<vmem>> -> memref<1x100xi32, #tpu.memory_space<vmem>>
      %dma_wait3A_2077 = tpu.memref_squeeze %dma_wait3A_2076 : memref<1x100xi32, #tpu.memory_space<vmem>> -> memref<100xi32, #tpu.memory_space<vmem>>
      %dma_wait3A_2078 = arith.constant 0 : i32
      %dma_wait3A_2079 = tpu.memref_slice %arg3[%dma_wait3A_2078] : memref<1000000xi32, #tpu.memory_space<hbm>> -> memref<1000000xi32, #tpu.memory_space<hbm>>
      tpu.wait_indirect_dma semaphore(%arg7 : memref<!tpu.dma_semaphore, #tpu.memory_space<semaphore_mem>>) src(%dma_wait3A_2079 : memref<1000000xi32, #tpu.memory_space<hbm>>) dst(%dma_wait3A_2074 : memref<100xi32, #tpu.memory_space<vmem>>)
      %mul3A_2080 = arith.constant 64 : i32
      %mul3A_2081 = arith.muli %sub3A_2055, %mul3A_2080 : i32
      %add3A_2082 = arith.constant 2 : i32
      %add3A_2083 = arith.addi %mul3A_2081, %add3A_2082 : i32
      %dma_wait3A_2084 = arith.constant 0 : i32
      %dma_wait3A_2085 = tpu.memref_slice %arg6[%add3A_2083, %dma_wait3A_2084] : memref<512x100xi32, #tpu.memory_space<vmem>> -> memref<1x100xi32, #tpu.memory_space<vmem>>
      %dma_wait3A_2086 = tpu.memref_squeeze %dma_wait3A_2085 : memref<1x100xi32, #tpu.memory_space<vmem>> -> memref<100xi32, #tpu.memory_space<vmem>>
      %dma_wait3A_2087 = arith.constant 0 : i32
      %dma_wait3A_2088 = tpu.memref_slice %arg5[%add3A_2083, %dma_wait3A_2087] : memref<512x100xi32, #tpu.memory_space<vmem>> -> memref<1x100xi32, #tpu.memory_space<vmem>>
      %dma_wait3A_2089 = tpu.memref_squeeze %dma_wait3A_2088 : memref<1x100xi32, #tpu.memory_space<vmem>> -> memref<100xi32, #tpu.memory_space<vmem>>
      %dma_wait3A_2090 = arith.constant 0 : i32
      %dma_wait3A_2091 = tpu.memref_slice %arg3[%dma_wait3A_2090] : memref<1000000xi32, #tpu.memory_space<hbm>> -> memref<1000000xi32, #tpu.memory_space<hbm>>
      tpu.wait_indirect_dma semaphore(%arg7 : memref<!tpu.dma_semaphore, #tpu.memory_space<semaphore_mem>>) src(%dma_wait3A_2091 : memref<1000000xi32, #tpu.memory_space<hbm>>) dst(%dma_wait3A_2086 : memref<100xi32, #tpu.memory_space<vmem>>)
      %mul3A_2092 = arith.constant 64 : i32
      %mul3A_2093 = arith.muli %sub3A_2055, %mul3A_2092 : i32
      %add3A_2094 = arith.constant 3 : i32
      %add3A_2095 = arith.addi %mul3A_2093, %add3A_2094 : i32
      %dma_wait3A_2096 = arith.constant 0 : i32
      %dma_wait3A_2097 = tpu.memref_slice %arg6[%add3A_2095, %dma_wait3A_2096] : memref<512x100xi32, #tpu.memory_space<vmem>> -> memref<1x100xi32, #tpu.memory_space<vmem>>
      %dma_wait3A_2098 = tpu.memref_squeeze %dma_wait3A_2097 : memref<1x100xi32, #tpu.memory_space<vmem>> -> memref<100xi32, #tpu.memory_space<vmem>>
      %dma_wait3A_2099 = arith.constant 0 : i32
      %dma_wait3A_2100 = tpu.memref_slice %arg5[%add3A_2095, %dma_wait3A_2099] : memref<512x100xi32, #tpu.memory_space<vmem>> -> memref<1x100xi32, #tpu.memory_space<vmem>>
      %dma_wait3A_2101 = tpu.memref_squeeze %dma_wait3A_2100 : memref<1x100xi32, #tpu.memory_space<vmem>> -> memref<100xi32, #tpu.memory_space<vmem>>
      %dma_wait3A_2102 = arith.constant 0 : i32
      %dma_wait3A_2103 = tpu.memref_slice %arg3[%dma_wait3A_2102] : memref<1000000xi32, #tpu.memory_space<hbm>> -> memref<1000000xi32, #tpu.memory_space<hbm>>
      tpu.wait_indirect_dma semaphore(%arg7 : memref<!tpu.dma_semaphore, #tpu.memory_space<semaphore_mem>>) src(%dma_wait3A_2103 : memref<1000000xi32, #tpu.memory_space<hbm>>) dst(%dma_wait3A_2098 : memref<100xi32, #tpu.memory_space<vmem>>)
      %mul3A_2104 = arith.constant 64 : i32
      %mul3A_2105 = arith.muli %sub3A_2055, %mul3A_2104 : i32
      %add3A_2106 = arith.constant 4 : i32
      %add3A_2107 = arith.addi %mul3A_2105, %add3A_2106 : i32
      %dma_wait3A_2108 = arith.constant 0 : i32
      %dma_wait3A_2109 = tpu.memref_slice %arg6[%add3A_2107, %dma_wait3A_2108] : memref<512x100xi32, #tpu.memory_space<vmem>> -> memref<1x100xi32, #tpu.memory_space<vmem>>
      %dma_wait3A_2110 = tpu.memref_squeeze %dma_wait3A_2109 : memref<1x100xi32, #tpu.memory_space<vmem>> -> memref<100xi32, #tpu.memory_space<vmem>>
      %dma_wait3A_2111 = arith.constant 0 : i32
      %dma_wait3A_2112 = tpu.memref_slice %arg5[%add3A_2107, %dma_wait3A_2111] : memref<512x100xi32, #tpu.memory_space<vmem>> -> memref<1x100xi32, #tpu.memory_space<vmem>>
      %dma_wait3A_2113 = tpu.memref_squeeze %dma_wait3A_2112 : memref<1x100xi32, #tpu.memory_space<vmem>> -> memref<100xi32, #tpu.memory_space<vmem>>
      %dma_wait3A_2114 = arith.constant 0 : i32
      %dma_wait3A_2115 = tpu.memref_slice %arg3[%dma_wait3A_2114] : memref<1000000xi32, #tpu.memory_space<hbm>> -> memref<1000000xi32, #tpu.memory_space<hbm>>
      tpu.wait_indirect_dma semaphore(%arg7 : memref<!tpu.dma_semaphore, #tpu.memory_space<semaphore_mem>>) src(%dma_wait3A_2115 : memref<1000000xi32, #tpu.memory_space<hbm>>) dst(%dma_wait3A_2110 : memref<100xi32, #tpu.memory_space<vmem>>)
      %mul3A_2116 = arith.constant 64 : i32
      %mul3A_2117 = arith.muli %sub3A_2055, %mul3A_2116 : i32
      %add3A_2118 = arith.constant 5 : i32
      %add3A_2119 = arith.addi %mul3A_2117, %add3A_2118 : i32
      %dma_wait3A_2120 = arith.constant 0 : i32
      %dma_wait3A_2121 = tpu.memref_slice %arg6[%add3A_2119, %dma_wait3A_2120] : memref<512x100xi32, #tpu.memory_space<vmem>> -> memref<1x100xi32, #tpu.memory_space<vmem>>
      %dma_wait3A_2122 = tpu.memref_squeeze %dma_wait3A_2121 : memref<1x100xi32, #tpu.memory_space<vmem>> -> memref<100xi32, #tpu.memory_space<vmem>>
      %dma_wait3A_2123 = arith.constant 0 : i32
      %dma_wait3A_2124 = tpu.memref_slice %arg5[%add3A_2119, %dma_wait3A_2123] : memref<512x100xi32, #tpu.memory_space<vmem>> -> memref<1x100xi32, #tpu.memory_space<vmem>>
      %dma_wait3A_2125 = tpu.memref_squeeze %dma_wait3A_2124 : memref<1x100xi32, #tpu.memory_space<vmem>> -> memref<100xi32, #tpu.memory_space<vmem>>
      %dma_wait3A_2126 = arith.constant 0 : i32
      %dma_wait3A_2127 = tpu.memref_slice %arg3[%dma_wait3A_2126] : memref<1000000xi32, #tpu.memory_space<hbm>> -> memref<1000000xi32, #tpu.memory_space<hbm>>
      tpu.wait_indirect_dma semaphore(%arg7 : memref<!tpu.dma_semaphore, #tpu.memory_space<semaphore_mem>>) src(%dma_wait3A_2127 : memref<1000000xi32, #tpu.memory_space<hbm>>) dst(%dma_wait3A_2122 : memref<100xi32, #tpu.memory_space<vmem>>)
      %mul3A_2128 = arith.constant 64 : i32
      %mul3A_2129 = arith.muli %sub3A_2055, %mul3A_2128 : i32
      %add3A_2130 = arith.constant 6 : i32
      %add3A_2131 = arith.addi %mul3A_2129, %add3A_2130 : i32
      %dma_wait3A_2132 = arith.constant 0 : i32
      %dma_wait3A_2133 = tpu.memref_slice %arg6[%add3A_2131, %dma_wait3A_2132] : memref<512x100xi32, #tpu.memory_space<vmem>> -> memref<1x100xi32, #tpu.memory_space<vmem>>
      %dma_wait3A_2134 = tpu.memref_squeeze %dma_wait3A_2133 : memref<1x100xi32, #tpu.memory_space<vmem>> -> memref<100xi32, #tpu.memory_space<vmem>>
      %dma_wait3A_2135 = arith.constant 0 : i32
      %dma_wait3A_2136 = tpu.memref_slice %arg5[%add3A_2131, %dma_wait3A_2135] : memref<512x100xi32, #tpu.memory_space<vmem>> -> memref<1x100xi32, #tpu.memory_space<vmem>>
      %dma_wait3A_2137 = tpu.memref_squeeze %dma_wait3A_2136 : memref<1x100xi32, #tpu.memory_space<vmem>> -> memref<100xi32, #tpu.memory_space<vmem>>
      %dma_wait3A_2138 = arith.constant 0 : i32
      %dma_wait3A_2139 = tpu.memref_slice %arg3[%dma_wait3A_2138] : memref<1000000xi32, #tpu.memory_space<hbm>> -> memref<1000000xi32, #tpu.memory_space<hbm>>
      tpu.wait_indirect_dma semaphore(%arg7 : memref<!tpu.dma_semaphore, #tpu.memory_space<semaphore_mem>>) src(%dma_wait3A_2139 : memref<1000000xi32, #tpu.memory_space<hbm>>) dst(%dma_wait3A_2134 : memref<100xi32, #tpu.memory_space<vmem>>)
      %mul3A_2140 = arith.constant 64 : i32
      %mul3A_2141 = arith.muli %sub3A_2055, %mul3A_2140 : i32
      %add3A_2142 = arith.constant 7 : i32
      %add3A_2143 = arith.addi %mul3A_2141, %add3A_2142 : i32
      %dma_wait3A_2144 = arith.constant 0 : i32
      %dma_wait3A_2145 = tpu.memref_slice %arg6[%add3A_2143, %dma_wait3A_2144] : memref<512x100xi32, #tpu.memory_space<vmem>> -> memref<1x100xi32, #tpu.memory_space<vmem>>
      %dma_wait3A_2146 = tpu.memref_squeeze %dma_wait3A_2145 : memref<1x100xi32, #tpu.memory_space<vmem>> -> memref<100xi32, #tpu.memory_space<vmem>>
      %dma_wait3A_2147 = arith.constant 0 : i32
      %dma_wait3A_2148 = tpu.memref_slice %arg5[%add3A_2143, %dma_wait3A_2147] : memref<512x100xi32, #tpu.memory_space<vmem>> -> memref<1x100xi32, #tpu.memory_space<vmem>>
      %dma_wait3A_2149 = tpu.memref_squeeze %dma_wait3A_2148 : memref<1x100xi32, #tpu.memory_space<vmem>> -> memref<100xi32, #tpu.memory_space<vmem>>
      %dma_wait3A_2150 = arith.constant 0 : i32
      %dma_wait3A_2151 = tpu.memref_slice %arg3[%dma_wait3A_2150] : memref<1000000xi32, #tpu.memory_space<hbm>> -> memref<1000000xi32, #tpu.memory_space<hbm>>
      tpu.wait_indirect_dma semaphore(%arg7 : memref<!tpu.dma_semaphore, #tpu.memory_space<semaphore_mem>>) src(%dma_wait3A_2151 : memref<1000000xi32, #tpu.memory_space<hbm>>) dst(%dma_wait3A_2146 : memref<100xi32, #tpu.memory_space<vmem>>)
      %mul3A_2152 = arith.constant 64 : i32
      %mul3A_2153 = arith.muli %sub3A_2055, %mul3A_2152 : i32
      %add3A_2154 = arith.constant 8 : i32
      %add3A_2155 = arith.addi %mul3A_2153, %add3A_2154 : i32
      %dma_wait3A_2156 = arith.constant 0 : i32
      %dma_wait3A_2157 = tpu.memref_slice %arg6[%add3A_2155, %dma_wait3A_2156] : memref<512x100xi32, #tpu.memory_space<vmem>> -> memref<1x100xi32, #tpu.memory_space<vmem>>
      %dma_wait3A_2158 = tpu.memref_squeeze %dma_wait3A_2157 : memref<1x100xi32, #tpu.memory_space<vmem>> -> memref<100xi32, #tpu.memory_space<vmem>>
      %dma_wait3A_2159 = arith.constant 0 : i32
      %dma_wait3A_2160 = tpu.memref_slice %arg5[%add3A_2155, %dma_wait3A_2159] : memref<512x100xi32, #tpu.memory_space<vmem>> -> memref<1x100xi32, #tpu.memory_space<vmem>>
      %dma_wait3A_2161 = tpu.memref_squeeze %dma_wait3A_2160 : memref<1x100xi32, #tpu.memory_space<vmem>> -> memref<100xi32, #tpu.memory_space<vmem>>
      %dma_wait3A_2162 = arith.constant 0 : i32
      %dma_wait3A_2163 = tpu.memref_slice %arg3[%dma_wait3A_2162] : memref<1000000xi32, #tpu.memory_space<hbm>> -> memref<1000000xi32, #tpu.memory_space<hbm>>
      tpu.wait_indirect_dma semaphore(%arg7 : memref<!tpu.dma_semaphore, #tpu.memory_space<semaphore_mem>>) src(%dma_wait3A_2163 : memref<1000000xi32, #tpu.memory_space<hbm>>) dst(%dma_wait3A_2158 : memref<100xi32, #tpu.memory_space<vmem>>)
      %mul3A_2164 = arith.constant 64 : i32
      %mul3A_2165 = arith.muli %sub3A_2055, %mul3A_2164 : i32
      %add3A_2166 = arith.constant 9 : i32
      %add3A_2167 = arith.addi %mul3A_2165, %add3A_2166 : i32
      %dma_wait3A_2168 = arith.constant 0 : i32
      %dma_wait3A_2169 = tpu.memref_slice %arg6[%add3A_2167, %dma_wait3A_2168] : memref<512x100xi32, #tpu.memory_space<vmem>> -> memref<1x100xi32, #tpu.memory_space<vmem>>
      %dma_wait3A_2170 = tpu.memref_squeeze %dma_wait3A_2169 : memref<1x100xi32, #tpu.memory_space<vmem>> -> memref<100xi32, #tpu.memory_space<vmem>>
      %dma_wait3A_2171 = arith.constant 0 : i32
      %dma_wait3A_2172 = tpu.memref_slice %arg5[%add3A_2167, %dma_wait3A_2171] : memref<512x100xi32, #tpu.memory_space<vmem>> -> memref<1x100xi32, #tpu.memory_space<vmem>>
      %dma_wait3A_2173 = tpu.memref_squeeze %dma_wait3A_2172 : memref<1x100xi32, #tpu.memory_space<vmem>> -> memref<100xi32, #tpu.memory_space<vmem>>
      %dma_wait3A_2174 = arith.constant 0 : i32
      %dma_wait3A_2175 = tpu.memref_slice %arg3[%dma_wait3A_2174] : memref<1000000xi32, #tpu.memory_space<hbm>> -> memref<1000000xi32, #tpu.memory_space<hbm>>
      tpu.wait_indirect_dma semaphore(%arg7 : memref<!tpu.dma_semaphore, #tpu.memory_space<semaphore_mem>>) src(%dma_wait3A_2175 : memref<1000000xi32, #tpu.memory_space<hbm>>) dst(%dma_wait3A_2170 : memref<100xi32, #tpu.memory_space<vmem>>)
      %mul3A_2176 = arith.constant 64 : i32
      %mul3A_2177 = arith.muli %sub3A_2055, %mul3A_2176 : i32
      %add3A_2178 = arith.constant 10 : i32
      %add3A_2179 = arith.addi %mul3A_2177, %add3A_2178 : i32
      %dma_wait3A_2180 = arith.constant 0 : i32
      %dma_wait3A_2181 = tpu.memref_slice %arg6[%add3A_2179, %dma_wait3A_2180] : memref<512x100xi32, #tpu.memory_space<vmem>> -> memref<1x100xi32, #tpu.memory_space<vmem>>
      %dma_wait3A_2182 = tpu.memref_squeeze %dma_wait3A_2181 : memref<1x100xi32, #tpu.memory_space<vmem>> -> memref<100xi32, #tpu.memory_space<vmem>>
      %dma_wait3A_2183 = arith.constant 0 : i32
      %dma_wait3A_2184 = tpu.memref_slice %arg5[%add3A_2179, %dma_wait3A_2183] : memref<512x100xi32, #tpu.memory_space<vmem>> -> memref<1x100xi32, #tpu.memory_space<vmem>>
      %dma_wait3A_2185 = tpu.memref_squeeze %dma_wait3A_2184 : memref<1x100xi32, #tpu.memory_space<vmem>> -> memref<100xi32, #tpu.memory_space<vmem>>
      %dma_wait3A_2186 = arith.constant 0 : i32
      %dma_wait3A_2187 = tpu.memref_slice %arg3[%dma_wait3A_2186] : memref<1000000xi32, #tpu.memory_space<hbm>> -> memref<1000000xi32, #tpu.memory_space<hbm>>
      tpu.wait_indirect_dma semaphore(%arg7 : memref<!tpu.dma_semaphore, #tpu.memory_space<semaphore_mem>>) src(%dma_wait3A_2187 : memref<1000000xi32, #tpu.memory_space<hbm>>) dst(%dma_wait3A_2182 : memref<100xi32, #tpu.memory_space<vmem>>)
      %mul3A_2188 = arith.constant 64 : i32
      %mul3A_2189 = arith.muli %sub3A_2055, %mul3A_2188 : i32
      %add3A_2190 = arith.constant 11 : i32
      %add3A_2191 = arith.addi %mul3A_2189, %add3A_2190 : i32
      %dma_wait3A_2192 = arith.constant 0 : i32
      %dma_wait3A_2193 = tpu.memref_slice %arg6[%add3A_2191, %dma_wait3A_2192] : memref<512x100xi32, #tpu.memory_space<vmem>> -> memref<1x100xi32, #tpu.memory_space<vmem>>
      %dma_wait3A_2194 = tpu.memref_squeeze %dma_wait3A_2193 : memref<1x100xi32, #tpu.memory_space<vmem>> -> memref<100xi32, #tpu.memory_space<vmem>>
      %dma_wait3A_2195 = arith.constant 0 : i32
      %dma_wait3A_2196 = tpu.memref_slice %arg5[%add3A_2191, %dma_wait3A_2195] : memref<512x100xi32, #tpu.memory_space<vmem>> -> memref<1x100xi32, #tpu.memory_space<vmem>>
      %dma_wait3A_2197 = tpu.memref_squeeze %dma_wait3A_2196 : memref<1x100xi32, #tpu.memory_space<vmem>> -> memref<100xi32, #tpu.memory_space<vmem>>
      %dma_wait3A_2198 = arith.constant 0 : i32
      %dma_wait3A_2199 = tpu.memref_slice %arg3[%dma_wait3A_2198] : memref<1000000xi32, #tpu.memory_space<hbm>> -> memref<1000000xi32, #tpu.memory_space<hbm>>
      tpu.wait_indirect_dma semaphore(%arg7 : memref<!tpu.dma_semaphore, #tpu.memory_space<semaphore_mem>>) src(%dma_wait3A_2199 : memref<1000000xi32, #tpu.memory_space<hbm>>) dst(%dma_wait3A_2194 : memref<100xi32, #tpu.memory_space<vmem>>)
      %mul3A_2200 = arith.constant 64 : i32
      %mul3A_2201 = arith.muli %sub3A_2055, %mul3A_2200 : i32
      %add3A_2202 = arith.constant 12 : i32
      %add3A_2203 = arith.addi %mul3A_2201, %add3A_2202 : i32
      %dma_wait3A_2204 = arith.constant 0 : i32
      %dma_wait3A_2205 = tpu.memref_slice %arg6[%add3A_2203, %dma_wait3A_2204] : memref<512x100xi32, #tpu.memory_space<vmem>> -> memref<1x100xi32, #tpu.memory_space<vmem>>
      %dma_wait3A_2206 = tpu.memref_squeeze %dma_wait3A_2205 : memref<1x100xi32, #tpu.memory_space<vmem>> -> memref<100xi32, #tpu.memory_space<vmem>>
      %dma_wait3A_2207 = arith.constant 0 : i32
      %dma_wait3A_2208 = tpu.memref_slice %arg5[%add3A_2203, %dma_wait3A_2207] : memref<512x100xi32, #tpu.memory_space<vmem>> -> memref<1x100xi32, #tpu.memory_space<vmem>>
      %dma_wait3A_2209 = tpu.memref_squeeze %dma_wait3A_2208 : memref<1x100xi32, #tpu.memory_space<vmem>> -> memref<100xi32, #tpu.memory_space<vmem>>
      %dma_wait3A_2210 = arith.constant 0 : i32
      %dma_wait3A_2211 = tpu.memref_slice %arg3[%dma_wait3A_2210] : memref<1000000xi32, #tpu.memory_space<hbm>> -> memref<1000000xi32, #tpu.memory_space<hbm>>
      tpu.wait_indirect_dma semaphore(%arg7 : memref<!tpu.dma_semaphore, #tpu.memory_space<semaphore_mem>>) src(%dma_wait3A_2211 : memref<1000000xi32, #tpu.memory_space<hbm>>) dst(%dma_wait3A_2206 : memref<100xi32, #tpu.memory_space<vmem>>)
      %mul3A_2212 = arith.constant 64 : i32
      %mul3A_2213 = arith.muli %sub3A_2055, %mul3A_2212 : i32
      %add3A_2214 = arith.constant 13 : i32
      %add3A_2215 = arith.addi %mul3A_2213, %add3A_2214 : i32
      %dma_wait3A_2216 = arith.constant 0 : i32
      %dma_wait3A_2217 = tpu.memref_slice %arg6[%add3A_2215, %dma_wait3A_2216] : memref<512x100xi32, #tpu.memory_space<vmem>> -> memref<1x100xi32, #tpu.memory_space<vmem>>
      %dma_wait3A_2218 = tpu.memref_squeeze %dma_wait3A_2217 : memref<1x100xi32, #tpu.memory_space<vmem>> -> memref<100xi32, #tpu.memory_space<vmem>>
      %dma_wait3A_2219 = arith.constant 0 : i32
      %dma_wait3A_2220 = tpu.memref_slice %arg5[%add3A_2215, %dma_wait3A_2219] : memref<512x100xi32, #tpu.memory_space<vmem>> -> memref<1x100xi32, #tpu.memory_space<vmem>>
      %dma_wait3A_2221 = tpu.memref_squeeze %dma_wait3A_2220 : memref<1x100xi32, #tpu.memory_space<vmem>> -> memref<100xi32, #tpu.memory_space<vmem>>
      %dma_wait3A_2222 = arith.constant 0 : i32
      %dma_wait3A_2223 = tpu.memref_slice %arg3[%dma_wait3A_2222] : memref<1000000xi32, #tpu.memory_space<hbm>> -> memref<1000000xi32, #tpu.memory_space<hbm>>
      tpu.wait_indirect_dma semaphore(%arg7 : memref<!tpu.dma_semaphore, #tpu.memory_space<semaphore_mem>>) src(%dma_wait3A_2223 : memref<1000000xi32, #tpu.memory_space<hbm>>) dst(%dma_wait3A_2218 : memref<100xi32, #tpu.memory_space<vmem>>)
      %mul3A_2224 = arith.constant 64 : i32
      %mul3A_2225 = arith.muli %sub3A_2055, %mul3A_2224 : i32
      %add3A_2226 = arith.constant 14 : i32
      %add3A_2227 = arith.addi %mul3A_2225, %add3A_2226 : i32
      %dma_wait3A_2228 = arith.constant 0 : i32
      %dma_wait3A_2229 = tpu.memref_slice %arg6[%add3A_2227, %dma_wait3A_2228] : memref<512x100xi32, #tpu.memory_space<vmem>> -> memref<1x100xi32, #tpu.memory_space<vmem>>
      %dma_wait3A_2230 = tpu.memref_squeeze %dma_wait3A_2229 : memref<1x100xi32, #tpu.memory_space<vmem>> -> memref<100xi32, #tpu.memory_space<vmem>>
      %dma_wait3A_2231 = arith.constant 0 : i32
      %dma_wait3A_2232 = tpu.memref_slice %arg5[%add3A_2227, %dma_wait3A_2231] : memref<512x100xi32, #tpu.memory_space<vmem>> -> memref<1x100xi32, #tpu.memory_space<vmem>>
      %dma_wait3A_2233 = tpu.memref_squeeze %dma_wait3A_2232 : memref<1x100xi32, #tpu.memory_space<vmem>> -> memref<100xi32, #tpu.memory_space<vmem>>
      %dma_wait3A_2234 = arith.constant 0 : i32
      %dma_wait3A_2235 = tpu.memref_slice %arg3[%dma_wait3A_2234] : memref<1000000xi32, #tpu.memory_space<hbm>> -> memref<1000000xi32, #tpu.memory_space<hbm>>
      tpu.wait_indirect_dma semaphore(%arg7 : memref<!tpu.dma_semaphore, #tpu.memory_space<semaphore_mem>>) src(%dma_wait3A_2235 : memref<1000000xi32, #tpu.memory_space<hbm>>) dst(%dma_wait3A_2230 : memref<100xi32, #tpu.memory_space<vmem>>)
      %mul3A_2236 = arith.constant 64 : i32
      %mul3A_2237 = arith.muli %sub3A_2055, %mul3A_2236 : i32
      %add3A_2238 = arith.constant 15 : i32
      %add3A_2239 = arith.addi %mul3A_2237, %add3A_2238 : i32
      %dma_wait3A_2240 = arith.constant 0 : i32
      %dma_wait3A_2241 = tpu.memref_slice %arg6[%add3A_2239, %dma_wait3A_2240] : memref<512x100xi32, #tpu.memory_space<vmem>> -> memref<1x100xi32, #tpu.memory_space<vmem>>
      %dma_wait3A_2242 = tpu.memref_squeeze %dma_wait3A_2241 : memref<1x100xi32, #tpu.memory_space<vmem>> -> memref<100xi32, #tpu.memory_space<vmem>>
      %dma_wait3A_2243 = arith.constant 0 : i32
      %dma_wait3A_2244 = tpu.memref_slice %arg5[%add3A_2239, %dma_wait3A_2243] : memref<512x100xi32, #tpu.memory_space<vmem>> -> memref<1x100xi32, #tpu.memory_space<vmem>>
      %dma_wait3A_2245 = tpu.memref_squeeze %dma_wait3A_2244 : memref<1x100xi32, #tpu.memory_space<vmem>> -> memref<100xi32, #tpu.memory_space<vmem>>
      %dma_wait3A_2246 = arith.constant 0 : i32
      %dma_wait3A_2247 = tpu.memref_slice %arg3[%dma_wait3A_2246] : memref<1000000xi32, #tpu.memory_space<hbm>> -> memref<1000000xi32, #tpu.memory_space<hbm>>
      tpu.wait_indirect_dma semaphore(%arg7 : memref<!tpu.dma_semaphore, #tpu.memory_space<semaphore_mem>>) src(%dma_wait3A_2247 : memref<1000000xi32, #tpu.memory_space<hbm>>) dst(%dma_wait3A_2242 : memref<100xi32, #tpu.memory_space<vmem>>)
      %mul3A_2248 = arith.constant 64 : i32
      %mul3A_2249 = arith.muli %sub3A_2055, %mul3A_2248 : i32
      %add3A_2250 = arith.constant 16 : i32
      %add3A_2251 = arith.addi %mul3A_2249, %add3A_2250 : i32
      %dma_wait3A_2252 = arith.constant 0 : i32
      %dma_wait3A_2253 = tpu.memref_slice %arg6[%add3A_2251, %dma_wait3A_2252] : memref<512x100xi32, #tpu.memory_space<vmem>> -> memref<1x100xi32, #tpu.memory_space<vmem>>
      %dma_wait3A_2254 = tpu.memref_squeeze %dma_wait3A_2253 : memref<1x100xi32, #tpu.memory_space<vmem>> -> memref<100xi32, #tpu.memory_space<vmem>>
      %dma_wait3A_2255 = arith.constant 0 : i32
      %dma_wait3A_2256 = tpu.memref_slice %arg5[%add3A_2251, %dma_wait3A_2255] : memref<512x100xi32, #tpu.memory_space<vmem>> -> memref<1x100xi32, #tpu.memory_space<vmem>>
      %dma_wait3A_2257 = tpu.memref_squeeze %dma_wait3A_2256 : memref<1x100xi32, #tpu.memory_space<vmem>> -> memref<100xi32, #tpu.memory_space<vmem>>
      %dma_wait3A_2258 = arith.constant 0 : i32
      %dma_wait3A_2259 = tpu.memref_slice %arg3[%dma_wait3A_2258] : memref<1000000xi32, #tpu.memory_space<hbm>> -> memref<1000000xi32, #tpu.memory_space<hbm>>
      tpu.wait_indirect_dma semaphore(%arg7 : memref<!tpu.dma_semaphore, #tpu.memory_space<semaphore_mem>>) src(%dma_wait3A_2259 : memref<1000000xi32, #tpu.memory_space<hbm>>) dst(%dma_wait3A_2254 : memref<100xi32, #tpu.memory_space<vmem>>)
      %mul3A_2260 = arith.constant 64 : i32
      %mul3A_2261 = arith.muli %sub3A_2055, %mul3A_2260 : i32
      %add3A_2262 = arith.constant 17 : i32
      %add3A_2263 = arith.addi %mul3A_2261, %add3A_2262 : i32
      %dma_wait3A_2264 = arith.constant 0 : i32
      %dma_wait3A_2265 = tpu.memref_slice %arg6[%add3A_2263, %dma_wait3A_2264] : memref<512x100xi32, #tpu.memory_space<vmem>> -> memref<1x100xi32, #tpu.memory_space<vmem>>
      %dma_wait3A_2266 = tpu.memref_squeeze %dma_wait3A_2265 : memref<1x100xi32, #tpu.memory_space<vmem>> -> memref<100xi32, #tpu.memory_space<vmem>>
      %dma_wait3A_2267 = arith.constant 0 : i32
      %dma_wait3A_2268 = tpu.memref_slice %arg5[%add3A_2263, %dma_wait3A_2267] : memref<512x100xi32, #tpu.memory_space<vmem>> -> memref<1x100xi32, #tpu.memory_space<vmem>>
      %dma_wait3A_2269 = tpu.memref_squeeze %dma_wait3A_2268 : memref<1x100xi32, #tpu.memory_space<vmem>> -> memref<100xi32, #tpu.memory_space<vmem>>
      %dma_wait3A_2270 = arith.constant 0 : i32
      %dma_wait3A_2271 = tpu.memref_slice %arg3[%dma_wait3A_2270] : memref<1000000xi32, #tpu.memory_space<hbm>> -> memref<1000000xi32, #tpu.memory_space<hbm>>
      tpu.wait_indirect_dma semaphore(%arg7 : memref<!tpu.dma_semaphore, #tpu.memory_space<semaphore_mem>>) src(%dma_wait3A_2271 : memref<1000000xi32, #tpu.memory_space<hbm>>) dst(%dma_wait3A_2266 : memref<100xi32, #tpu.memory_space<vmem>>)
      %mul3A_2272 = arith.constant 64 : i32
      %mul3A_2273 = arith.muli %sub3A_2055, %mul3A_2272 : i32
      %add3A_2274 = arith.constant 18 : i32
      %add3A_2275 = arith.addi %mul3A_2273, %add3A_2274 : i32
      %dma_wait3A_2276 = arith.constant 0 : i32
      %dma_wait3A_2277 = tpu.memref_slice %arg6[%add3A_2275, %dma_wait3A_2276] : memref<512x100xi32, #tpu.memory_space<vmem>> -> memref<1x100xi32, #tpu.memory_space<vmem>>
      %dma_wait3A_2278 = tpu.memref_squeeze %dma_wait3A_2277 : memref<1x100xi32, #tpu.memory_space<vmem>> -> memref<100xi32, #tpu.memory_space<vmem>>
      %dma_wait3A_2279 = arith.constant 0 : i32
      %dma_wait3A_2280 = tpu.memref_slice %arg5[%add3A_2275, %dma_wait3A_2279] : memref<512x100xi32, #tpu.memory_space<vmem>> -> memref<1x100xi32, #tpu.memory_space<vmem>>
      %dma_wait3A_2281 = tpu.memref_squeeze %dma_wait3A_2280 : memref<1x100xi32, #tpu.memory_space<vmem>> -> memref<100xi32, #tpu.memory_space<vmem>>
      %dma_wait3A_2282 = arith.constant 0 : i32
      %dma_wait3A_2283 = tpu.memref_slice %arg3[%dma_wait3A_2282] : memref<1000000xi32, #tpu.memory_space<hbm>> -> memref<1000000xi32, #tpu.memory_space<hbm>>
      tpu.wait_indirect_dma semaphore(%arg7 : memref<!tpu.dma_semaphore, #tpu.memory_space<semaphore_mem>>) src(%dma_wait3A_2283 : memref<1000000xi32, #tpu.memory_space<hbm>>) dst(%dma_wait3A_2278 : memref<100xi32, #tpu.memory_space<vmem>>)
      %mul3A_2284 = arith.constant 64 : i32
      %mul3A_2285 = arith.muli %sub3A_2055, %mul3A_2284 : i32
      %add3A_2286 = arith.constant 19 : i32
      %add3A_2287 = arith.addi %mul3A_2285, %add3A_2286 : i32
      %dma_wait3A_2288 = arith.constant 0 : i32
      %dma_wait3A_2289 = tpu.memref_slice %arg6[%add3A_2287, %dma_wait3A_2288] : memref<512x100xi32, #tpu.memory_space<vmem>> -> memref<1x100xi32, #tpu.memory_space<vmem>>
      %dma_wait3A_2290 = tpu.memref_squeeze %dma_wait3A_2289 : memref<1x100xi32, #tpu.memory_space<vmem>> -> memref<100xi32, #tpu.memory_space<vmem>>
      %dma_wait3A_2291 = arith.constant 0 : i32
      %dma_wait3A_2292 = tpu.memref_slice %arg5[%add3A_2287, %dma_wait3A_2291] : memref<512x100xi32, #tpu.memory_space<vmem>> -> memref<1x100xi32, #tpu.memory_space<vmem>>
      %dma_wait3A_2293 = tpu.memref_squeeze %dma_wait3A_2292 : memref<1x100xi32, #tpu.memory_space<vmem>> -> memref<100xi32, #tpu.memory_space<vmem>>
      %dma_wait3A_2294 = arith.constant 0 : i32
      %dma_wait3A_2295 = tpu.memref_slice %arg3[%dma_wait3A_2294] : memref<1000000xi32, #tpu.memory_space<hbm>> -> memref<1000000xi32, #tpu.memory_space<hbm>>
      tpu.wait_indirect_dma semaphore(%arg7 : memref<!tpu.dma_semaphore, #tpu.memory_space<semaphore_mem>>) src(%dma_wait3A_2295 : memref<1000000xi32, #tpu.memory_space<hbm>>) dst(%dma_wait3A_2290 : memref<100xi32, #tpu.memory_space<vmem>>)
      %mul3A_2296 = arith.constant 64 : i32
      %mul3A_2297 = arith.muli %sub3A_2055, %mul3A_2296 : i32
      %add3A_2298 = arith.constant 20 : i32
      %add3A_2299 = arith.addi %mul3A_2297, %add3A_2298 : i32
      %dma_wait3A_2300 = arith.constant 0 : i32
      %dma_wait3A_2301 = tpu.memref_slice %arg6[%add3A_2299, %dma_wait3A_2300] : memref<512x100xi32, #tpu.memory_space<vmem>> -> memref<1x100xi32, #tpu.memory_space<vmem>>
      %dma_wait3A_2302 = tpu.memref_squeeze %dma_wait3A_2301 : memref<1x100xi32, #tpu.memory_space<vmem>> -> memref<100xi32, #tpu.memory_space<vmem>>
      %dma_wait3A_2303 = arith.constant 0 : i32
      %dma_wait3A_2304 = tpu.memref_slice %arg5[%add3A_2299, %dma_wait3A_2303] : memref<512x100xi32, #tpu.memory_space<vmem>> -> memref<1x100xi32, #tpu.memory_space<vmem>>
      %dma_wait3A_2305 = tpu.memref_squeeze %dma_wait3A_2304 : memref<1x100xi32, #tpu.memory_space<vmem>> -> memref<100xi32, #tpu.memory_space<vmem>>
      %dma_wait3A_2306 = arith.constant 0 : i32
      %dma_wait3A_2307 = tpu.memref_slice %arg3[%dma_wait3A_2306] : memref<1000000xi32, #tpu.memory_space<hbm>> -> memref<1000000xi32, #tpu.memory_space<hbm>>
      tpu.wait_indirect_dma semaphore(%arg7 : memref<!tpu.dma_semaphore, #tpu.memory_space<semaphore_mem>>) src(%dma_wait3A_2307 : memref<1000000xi32, #tpu.memory_space<hbm>>) dst(%dma_wait3A_2302 : memref<100xi32, #tpu.memory_space<vmem>>)
      %mul3A_2308 = arith.constant 64 : i32
      %mul3A_2309 = arith.muli %sub3A_2055, %mul3A_2308 : i32
      %add3A_2310 = arith.constant 21 : i32
      %add3A_2311 = arith.addi %mul3A_2309, %add3A_2310 : i32
      %dma_wait3A_2312 = arith.constant 0 : i32
      %dma_wait3A_2313 = tpu.memref_slice %arg6[%add3A_2311, %dma_wait3A_2312] : memref<512x100xi32, #tpu.memory_space<vmem>> -> memref<1x100xi32, #tpu.memory_space<vmem>>
      %dma_wait3A_2314 = tpu.memref_squeeze %dma_wait3A_2313 : memref<1x100xi32, #tpu.memory_space<vmem>> -> memref<100xi32, #tpu.memory_space<vmem>>
      %dma_wait3A_2315 = arith.constant 0 : i32
      %dma_wait3A_2316 = tpu.memref_slice %arg5[%add3A_2311, %dma_wait3A_2315] : memref<512x100xi32, #tpu.memory_space<vmem>> -> memref<1x100xi32, #tpu.memory_space<vmem>>
      %dma_wait3A_2317 = tpu.memref_squeeze %dma_wait3A_2316 : memref<1x100xi32, #tpu.memory_space<vmem>> -> memref<100xi32, #tpu.memory_space<vmem>>
      %dma_wait3A_2318 = arith.constant 0 : i32
      %dma_wait3A_2319 = tpu.memref_slice %arg3[%dma_wait3A_2318] : memref<1000000xi32, #tpu.memory_space<hbm>> -> memref<1000000xi32, #tpu.memory_space<hbm>>
      tpu.wait_indirect_dma semaphore(%arg7 : memref<!tpu.dma_semaphore, #tpu.memory_space<semaphore_mem>>) src(%dma_wait3A_2319 : memref<1000000xi32, #tpu.memory_space<hbm>>) dst(%dma_wait3A_2314 : memref<100xi32, #tpu.memory_space<vmem>>)
      %mul3A_2320 = arith.constant 64 : i32
      %mul3A_2321 = arith.muli %sub3A_2055, %mul3A_2320 : i32
      %add3A_2322 = arith.constant 22 : i32
      %add3A_2323 = arith.addi %mul3A_2321, %add3A_2322 : i32
      %dma_wait3A_2324 = arith.constant 0 : i32
      %dma_wait3A_2325 = tpu.memref_slice %arg6[%add3A_2323, %dma_wait3A_2324] : memref<512x100xi32, #tpu.memory_space<vmem>> -> memref<1x100xi32, #tpu.memory_space<vmem>>
      %dma_wait3A_2326 = tpu.memref_squeeze %dma_wait3A_2325 : memref<1x100xi32, #tpu.memory_space<vmem>> -> memref<100xi32, #tpu.memory_space<vmem>>
      %dma_wait3A_2327 = arith.constant 0 : i32
      %dma_wait3A_2328 = tpu.memref_slice %arg5[%add3A_2323, %dma_wait3A_2327] : memref<512x100xi32, #tpu.memory_space<vmem>> -> memref<1x100xi32, #tpu.memory_space<vmem>>
      %dma_wait3A_2329 = tpu.memref_squeeze %dma_wait3A_2328 : memref<1x100xi32, #tpu.memory_space<vmem>> -> memref<100xi32, #tpu.memory_space<vmem>>
      %dma_wait3A_2330 = arith.constant 0 : i32
      %dma_wait3A_2331 = tpu.memref_slice %arg3[%dma_wait3A_2330] : memref<1000000xi32, #tpu.memory_space<hbm>> -> memref<1000000xi32, #tpu.memory_space<hbm>>
      tpu.wait_indirect_dma semaphore(%arg7 : memref<!tpu.dma_semaphore, #tpu.memory_space<semaphore_mem>>) src(%dma_wait3A_2331 : memref<1000000xi32, #tpu.memory_space<hbm>>) dst(%dma_wait3A_2326 : memref<100xi32, #tpu.memory_space<vmem>>)
      %mul3A_2332 = arith.constant 64 : i32
      %mul3A_2333 = arith.muli %sub3A_2055, %mul3A_2332 : i32
      %add3A_2334 = arith.constant 23 : i32
      %add3A_2335 = arith.addi %mul3A_2333, %add3A_2334 : i32
      %dma_wait3A_2336 = arith.constant 0 : i32
      %dma_wait3A_2337 = tpu.memref_slice %arg6[%add3A_2335, %dma_wait3A_2336] : memref<512x100xi32, #tpu.memory_space<vmem>> -> memref<1x100xi32, #tpu.memory_space<vmem>>
      %dma_wait3A_2338 = tpu.memref_squeeze %dma_wait3A_2337 : memref<1x100xi32, #tpu.memory_space<vmem>> -> memref<100xi32, #tpu.memory_space<vmem>>
      %dma_wait3A_2339 = arith.constant 0 : i32
      %dma_wait3A_2340 = tpu.memref_slice %arg5[%add3A_2335, %dma_wait3A_2339] : memref<512x100xi32, #tpu.memory_space<vmem>> -> memref<1x100xi32, #tpu.memory_space<vmem>>
      %dma_wait3A_2341 = tpu.memref_squeeze %dma_wait3A_2340 : memref<1x100xi32, #tpu.memory_space<vmem>> -> memref<100xi32, #tpu.memory_space<vmem>>
      %dma_wait3A_2342 = arith.constant 0 : i32
      %dma_wait3A_2343 = tpu.memref_slice %arg3[%dma_wait3A_2342] : memref<1000000xi32, #tpu.memory_space<hbm>> -> memref<1000000xi32, #tpu.memory_space<hbm>>
      tpu.wait_indirect_dma semaphore(%arg7 : memref<!tpu.dma_semaphore, #tpu.memory_space<semaphore_mem>>) src(%dma_wait3A_2343 : memref<1000000xi32, #tpu.memory_space<hbm>>) dst(%dma_wait3A_2338 : memref<100xi32, #tpu.memory_space<vmem>>)
      %mul3A_2344 = arith.constant 64 : i32
      %mul3A_2345 = arith.muli %sub3A_2055, %mul3A_2344 : i32
      %add3A_2346 = arith.constant 24 : i32
      %add3A_2347 = arith.addi %mul3A_2345, %add3A_2346 : i32
      %dma_wait3A_2348 = arith.constant 0 : i32
      %dma_wait3A_2349 = tpu.memref_slice %arg6[%add3A_2347, %dma_wait3A_2348] : memref<512x100xi32, #tpu.memory_space<vmem>> -> memref<1x100xi32, #tpu.memory_space<vmem>>
      %dma_wait3A_2350 = tpu.memref_squeeze %dma_wait3A_2349 : memref<1x100xi32, #tpu.memory_space<vmem>> -> memref<100xi32, #tpu.memory_space<vmem>>
      %dma_wait3A_2351 = arith.constant 0 : i32
      %dma_wait3A_2352 = tpu.memref_slice %arg5[%add3A_2347, %dma_wait3A_2351] : memref<512x100xi32, #tpu.memory_space<vmem>> -> memref<1x100xi32, #tpu.memory_space<vmem>>
      %dma_wait3A_2353 = tpu.memref_squeeze %dma_wait3A_2352 : memref<1x100xi32, #tpu.memory_space<vmem>> -> memref<100xi32, #tpu.memory_space<vmem>>
      %dma_wait3A_2354 = arith.constant 0 : i32
      %dma_wait3A_2355 = tpu.memref_slice %arg3[%dma_wait3A_2354] : memref<1000000xi32, #tpu.memory_space<hbm>> -> memref<1000000xi32, #tpu.memory_space<hbm>>
      tpu.wait_indirect_dma semaphore(%arg7 : memref<!tpu.dma_semaphore, #tpu.memory_space<semaphore_mem>>) src(%dma_wait3A_2355 : memref<1000000xi32, #tpu.memory_space<hbm>>) dst(%dma_wait3A_2350 : memref<100xi32, #tpu.memory_space<vmem>>)
      %mul3A_2356 = arith.constant 64 : i32
      %mul3A_2357 = arith.muli %sub3A_2055, %mul3A_2356 : i32
      %add3A_2358 = arith.constant 25 : i32
      %add3A_2359 = arith.addi %mul3A_2357, %add3A_2358 : i32
      %dma_wait3A_2360 = arith.constant 0 : i32
      %dma_wait3A_2361 = tpu.memref_slice %arg6[%add3A_2359, %dma_wait3A_2360] : memref<512x100xi32, #tpu.memory_space<vmem>> -> memref<1x100xi32, #tpu.memory_space<vmem>>
      %dma_wait3A_2362 = tpu.memref_squeeze %dma_wait3A_2361 : memref<1x100xi32, #tpu.memory_space<vmem>> -> memref<100xi32, #tpu.memory_space<vmem>>
      %dma_wait3A_2363 = arith.constant 0 : i32
      %dma_wait3A_2364 = tpu.memref_slice %arg5[%add3A_2359, %dma_wait3A_2363] : memref<512x100xi32, #tpu.memory_space<vmem>> -> memref<1x100xi32, #tpu.memory_space<vmem>>
      %dma_wait3A_2365 = tpu.memref_squeeze %dma_wait3A_2364 : memref<1x100xi32, #tpu.memory_space<vmem>> -> memref<100xi32, #tpu.memory_space<vmem>>
      %dma_wait3A_2366 = arith.constant 0 : i32
      %dma_wait3A_2367 = tpu.memref_slice %arg3[%dma_wait3A_2366] : memref<1000000xi32, #tpu.memory_space<hbm>> -> memref<1000000xi32, #tpu.memory_space<hbm>>
      tpu.wait_indirect_dma semaphore(%arg7 : memref<!tpu.dma_semaphore, #tpu.memory_space<semaphore_mem>>) src(%dma_wait3A_2367 : memref<1000000xi32, #tpu.memory_space<hbm>>) dst(%dma_wait3A_2362 : memref<100xi32, #tpu.memory_space<vmem>>)
      %mul3A_2368 = arith.constant 64 : i32
      %mul3A_2369 = arith.muli %sub3A_2055, %mul3A_2368 : i32
      %add3A_2370 = arith.constant 26 : i32
      %add3A_2371 = arith.addi %mul3A_2369, %add3A_2370 : i32
      %dma_wait3A_2372 = arith.constant 0 : i32
      %dma_wait3A_2373 = tpu.memref_slice %arg6[%add3A_2371, %dma_wait3A_2372] : memref<512x100xi32, #tpu.memory_space<vmem>> -> memref<1x100xi32, #tpu.memory_space<vmem>>
      %dma_wait3A_2374 = tpu.memref_squeeze %dma_wait3A_2373 : memref<1x100xi32, #tpu.memory_space<vmem>> -> memref<100xi32, #tpu.memory_space<vmem>>
      %dma_wait3A_2375 = arith.constant 0 : i32
      %dma_wait3A_2376 = tpu.memref_slice %arg5[%add3A_2371, %dma_wait3A_2375] : memref<512x100xi32, #tpu.memory_space<vmem>> -> memref<1x100xi32, #tpu.memory_space<vmem>>
      %dma_wait3A_2377 = tpu.memref_squeeze %dma_wait3A_2376 : memref<1x100xi32, #tpu.memory_space<vmem>> -> memref<100xi32, #tpu.memory_space<vmem>>
      %dma_wait3A_2378 = arith.constant 0 : i32
      %dma_wait3A_2379 = tpu.memref_slice %arg3[%dma_wait3A_2378] : memref<1000000xi32, #tpu.memory_space<hbm>> -> memref<1000000xi32, #tpu.memory_space<hbm>>
      tpu.wait_indirect_dma semaphore(%arg7 : memref<!tpu.dma_semaphore, #tpu.memory_space<semaphore_mem>>) src(%dma_wait3A_2379 : memref<1000000xi32, #tpu.memory_space<hbm>>) dst(%dma_wait3A_2374 : memref<100xi32, #tpu.memory_space<vmem>>)
      %mul3A_2380 = arith.constant 64 : i32
      %mul3A_2381 = arith.muli %sub3A_2055, %mul3A_2380 : i32
      %add3A_2382 = arith.constant 27 : i32
      %add3A_2383 = arith.addi %mul3A_2381, %add3A_2382 : i32
      %dma_wait3A_2384 = arith.constant 0 : i32
      %dma_wait3A_2385 = tpu.memref_slice %arg6[%add3A_2383, %dma_wait3A_2384] : memref<512x100xi32, #tpu.memory_space<vmem>> -> memref<1x100xi32, #tpu.memory_space<vmem>>
      %dma_wait3A_2386 = tpu.memref_squeeze %dma_wait3A_2385 : memref<1x100xi32, #tpu.memory_space<vmem>> -> memref<100xi32, #tpu.memory_space<vmem>>
      %dma_wait3A_2387 = arith.constant 0 : i32
      %dma_wait3A_2388 = tpu.memref_slice %arg5[%add3A_2383, %dma_wait3A_2387] : memref<512x100xi32, #tpu.memory_space<vmem>> -> memref<1x100xi32, #tpu.memory_space<vmem>>
      %dma_wait3A_2389 = tpu.memref_squeeze %dma_wait3A_2388 : memref<1x100xi32, #tpu.memory_space<vmem>> -> memref<100xi32, #tpu.memory_space<vmem>>
      %dma_wait3A_2390 = arith.constant 0 : i32
      %dma_wait3A_2391 = tpu.memref_slice %arg3[%dma_wait3A_2390] : memref<1000000xi32, #tpu.memory_space<hbm>> -> memref<1000000xi32, #tpu.memory_space<hbm>>
      tpu.wait_indirect_dma semaphore(%arg7 : memref<!tpu.dma_semaphore, #tpu.memory_space<semaphore_mem>>) src(%dma_wait3A_2391 : memref<1000000xi32, #tpu.memory_space<hbm>>) dst(%dma_wait3A_2386 : memref<100xi32, #tpu.memory_space<vmem>>)
      %mul3A_2392 = arith.constant 64 : i32
      %mul3A_2393 = arith.muli %sub3A_2055, %mul3A_2392 : i32
      %add3A_2394 = arith.constant 28 : i32
      %add3A_2395 = arith.addi %mul3A_2393, %add3A_2394 : i32
      %dma_wait3A_2396 = arith.constant 0 : i32
      %dma_wait3A_2397 = tpu.memref_slice %arg6[%add3A_2395, %dma_wait3A_2396] : memref<512x100xi32, #tpu.memory_space<vmem>> -> memref<1x100xi32, #tpu.memory_space<vmem>>
      %dma_wait3A_2398 = tpu.memref_squeeze %dma_wait3A_2397 : memref<1x100xi32, #tpu.memory_space<vmem>> -> memref<100xi32, #tpu.memory_space<vmem>>
      %dma_wait3A_2399 = arith.constant 0 : i32
      %dma_wait3A_2400 = tpu.memref_slice %arg5[%add3A_2395, %dma_wait3A_2399] : memref<512x100xi32, #tpu.memory_space<vmem>> -> memref<1x100xi32, #tpu.memory_space<vmem>>
      %dma_wait3A_2401 = tpu.memref_squeeze %dma_wait3A_2400 : memref<1x100xi32, #tpu.memory_space<vmem>> -> memref<100xi32, #tpu.memory_space<vmem>>
      %dma_wait3A_2402 = arith.constant 0 : i32
      %dma_wait3A_2403 = tpu.memref_slice %arg3[%dma_wait3A_2402] : memref<1000000xi32, #tpu.memory_space<hbm>> -> memref<1000000xi32, #tpu.memory_space<hbm>>
      tpu.wait_indirect_dma semaphore(%arg7 : memref<!tpu.dma_semaphore, #tpu.memory_space<semaphore_mem>>) src(%dma_wait3A_2403 : memref<1000000xi32, #tpu.memory_space<hbm>>) dst(%dma_wait3A_2398 : memref<100xi32, #tpu.memory_space<vmem>>)
      %mul3A_2404 = arith.constant 64 : i32
      %mul3A_2405 = arith.muli %sub3A_2055, %mul3A_2404 : i32
      %add3A_2406 = arith.constant 29 : i32
      %add3A_2407 = arith.addi %mul3A_2405, %add3A_2406 : i32
      %dma_wait3A_2408 = arith.constant 0 : i32
      %dma_wait3A_2409 = tpu.memref_slice %arg6[%add3A_2407, %dma_wait3A_2408] : memref<512x100xi32, #tpu.memory_space<vmem>> -> memref<1x100xi32, #tpu.memory_space<vmem>>
      %dma_wait3A_2410 = tpu.memref_squeeze %dma_wait3A_2409 : memref<1x100xi32, #tpu.memory_space<vmem>> -> memref<100xi32, #tpu.memory_space<vmem>>
      %dma_wait3A_2411 = arith.constant 0 : i32
      %dma_wait3A_2412 = tpu.memref_slice %arg5[%add3A_2407, %dma_wait3A_2411] : memref<512x100xi32, #tpu.memory_space<vmem>> -> memref<1x100xi32, #tpu.memory_space<vmem>>
      %dma_wait3A_2413 = tpu.memref_squeeze %dma_wait3A_2412 : memref<1x100xi32, #tpu.memory_space<vmem>> -> memref<100xi32, #tpu.memory_space<vmem>>
      %dma_wait3A_2414 = arith.constant 0 : i32
      %dma_wait3A_2415 = tpu.memref_slice %arg3[%dma_wait3A_2414] : memref<1000000xi32, #tpu.memory_space<hbm>> -> memref<1000000xi32, #tpu.memory_space<hbm>>
      tpu.wait_indirect_dma semaphore(%arg7 : memref<!tpu.dma_semaphore, #tpu.memory_space<semaphore_mem>>) src(%dma_wait3A_2415 : memref<1000000xi32, #tpu.memory_space<hbm>>) dst(%dma_wait3A_2410 : memref<100xi32, #tpu.memory_space<vmem>>)
      %mul3A_2416 = arith.constant 64 : i32
      %mul3A_2417 = arith.muli %sub3A_2055, %mul3A_2416 : i32
      %add3A_2418 = arith.constant 30 : i32
      %add3A_2419 = arith.addi %mul3A_2417, %add3A_2418 : i32
      %dma_wait3A_2420 = arith.constant 0 : i32
      %dma_wait3A_2421 = tpu.memref_slice %arg6[%add3A_2419, %dma_wait3A_2420] : memref<512x100xi32, #tpu.memory_space<vmem>> -> memref<1x100xi32, #tpu.memory_space<vmem>>
      %dma_wait3A_2422 = tpu.memref_squeeze %dma_wait3A_2421 : memref<1x100xi32, #tpu.memory_space<vmem>> -> memref<100xi32, #tpu.memory_space<vmem>>
      %dma_wait3A_2423 = arith.constant 0 : i32
      %dma_wait3A_2424 = tpu.memref_slice %arg5[%add3A_2419, %dma_wait3A_2423] : memref<512x100xi32, #tpu.memory_space<vmem>> -> memref<1x100xi32, #tpu.memory_space<vmem>>
      %dma_wait3A_2425 = tpu.memref_squeeze %dma_wait3A_2424 : memref<1x100xi32, #tpu.memory_space<vmem>> -> memref<100xi32, #tpu.memory_space<vmem>>
      %dma_wait3A_2426 = arith.constant 0 : i32
      %dma_wait3A_2427 = tpu.memref_slice %arg3[%dma_wait3A_2426] : memref<1000000xi32, #tpu.memory_space<hbm>> -> memref<1000000xi32, #tpu.memory_space<hbm>>
      tpu.wait_indirect_dma semaphore(%arg7 : memref<!tpu.dma_semaphore, #tpu.memory_space<semaphore_mem>>) src(%dma_wait3A_2427 : memref<1000000xi32, #tpu.memory_space<hbm>>) dst(%dma_wait3A_2422 : memref<100xi32, #tpu.memory_space<vmem>>)
      %mul3A_2428 = arith.constant 64 : i32
      %mul3A_2429 = arith.muli %sub3A_2055, %mul3A_2428 : i32
      %add3A_2430 = arith.constant 31 : i32
      %add3A_2431 = arith.addi %mul3A_2429, %add3A_2430 : i32
      %dma_wait3A_2432 = arith.constant 0 : i32
      %dma_wait3A_2433 = tpu.memref_slice %arg6[%add3A_2431, %dma_wait3A_2432] : memref<512x100xi32, #tpu.memory_space<vmem>> -> memref<1x100xi32, #tpu.memory_space<vmem>>
      %dma_wait3A_2434 = tpu.memref_squeeze %dma_wait3A_2433 : memref<1x100xi32, #tpu.memory_space<vmem>> -> memref<100xi32, #tpu.memory_space<vmem>>
      %dma_wait3A_2435 = arith.constant 0 : i32
      %dma_wait3A_2436 = tpu.memref_slice %arg5[%add3A_2431, %dma_wait3A_2435] : memref<512x100xi32, #tpu.memory_space<vmem>> -> memref<1x100xi32, #tpu.memory_space<vmem>>
      %dma_wait3A_2437 = tpu.memref_squeeze %dma_wait3A_2436 : memref<1x100xi32, #tpu.memory_space<vmem>> -> memref<100xi32, #tpu.memory_space<vmem>>
      %dma_wait3A_2438 = arith.constant 0 : i32
      %dma_wait3A_2439 = tpu.memref_slice %arg3[%dma_wait3A_2438] : memref<1000000xi32, #tpu.memory_space<hbm>> -> memref<1000000xi32, #tpu.memory_space<hbm>>
      tpu.wait_indirect_dma semaphore(%arg7 : memref<!tpu.dma_semaphore, #tpu.memory_space<semaphore_mem>>) src(%dma_wait3A_2439 : memref<1000000xi32, #tpu.memory_space<hbm>>) dst(%dma_wait3A_2434 : memref<100xi32, #tpu.memory_space<vmem>>)
      %mul3A_2440 = arith.constant 64 : i32
      %mul3A_2441 = arith.muli %sub3A_2055, %mul3A_2440 : i32
      %add3A_2442 = arith.constant 32 : i32
      %add3A_2443 = arith.addi %mul3A_2441, %add3A_2442 : i32
      %dma_wait3A_2444 = arith.constant 0 : i32
      %dma_wait3A_2445 = tpu.memref_slice %arg6[%add3A_2443, %dma_wait3A_2444] : memref<512x100xi32, #tpu.memory_space<vmem>> -> memref<1x100xi32, #tpu.memory_space<vmem>>
      %dma_wait3A_2446 = tpu.memref_squeeze %dma_wait3A_2445 : memref<1x100xi32, #tpu.memory_space<vmem>> -> memref<100xi32, #tpu.memory_space<vmem>>
      %dma_wait3A_2447 = arith.constant 0 : i32
      %dma_wait3A_2448 = tpu.memref_slice %arg5[%add3A_2443, %dma_wait3A_2447] : memref<512x100xi32, #tpu.memory_space<vmem>> -> memref<1x100xi32, #tpu.memory_space<vmem>>
      %dma_wait3A_2449 = tpu.memref_squeeze %dma_wait3A_2448 : memref<1x100xi32, #tpu.memory_space<vmem>> -> memref<100xi32, #tpu.memory_space<vmem>>
      %dma_wait3A_2450 = arith.constant 0 : i32
      %dma_wait3A_2451 = tpu.memref_slice %arg3[%dma_wait3A_2450] : memref<1000000xi32, #tpu.memory_space<hbm>> -> memref<1000000xi32, #tpu.memory_space<hbm>>
      tpu.wait_indirect_dma semaphore(%arg7 : memref<!tpu.dma_semaphore, #tpu.memory_space<semaphore_mem>>) src(%dma_wait3A_2451 : memref<1000000xi32, #tpu.memory_space<hbm>>) dst(%dma_wait3A_2446 : memref<100xi32, #tpu.memory_space<vmem>>)
      %mul3A_2452 = arith.constant 64 : i32
      %mul3A_2453 = arith.muli %sub3A_2055, %mul3A_2452 : i32
      %add3A_2454 = arith.constant 33 : i32
      %add3A_2455 = arith.addi %mul3A_2453, %add3A_2454 : i32
      %dma_wait3A_2456 = arith.constant 0 : i32
      %dma_wait3A_2457 = tpu.memref_slice %arg6[%add3A_2455, %dma_wait3A_2456] : memref<512x100xi32, #tpu.memory_space<vmem>> -> memref<1x100xi32, #tpu.memory_space<vmem>>
      %dma_wait3A_2458 = tpu.memref_squeeze %dma_wait3A_2457 : memref<1x100xi32, #tpu.memory_space<vmem>> -> memref<100xi32, #tpu.memory_space<vmem>>
      %dma_wait3A_2459 = arith.constant 0 : i32
      %dma_wait3A_2460 = tpu.memref_slice %arg5[%add3A_2455, %dma_wait3A_2459] : memref<512x100xi32, #tpu.memory_space<vmem>> -> memref<1x100xi32, #tpu.memory_space<vmem>>
      %dma_wait3A_2461 = tpu.memref_squeeze %dma_wait3A_2460 : memref<1x100xi32, #tpu.memory_space<vmem>> -> memref<100xi32, #tpu.memory_space<vmem>>
      %dma_wait3A_2462 = arith.constant 0 : i32
      %dma_wait3A_2463 = tpu.memref_slice %arg3[%dma_wait3A_2462] : memref<1000000xi32, #tpu.memory_space<hbm>> -> memref<1000000xi32, #tpu.memory_space<hbm>>
      tpu.wait_indirect_dma semaphore(%arg7 : memref<!tpu.dma_semaphore, #tpu.memory_space<semaphore_mem>>) src(%dma_wait3A_2463 : memref<1000000xi32, #tpu.memory_space<hbm>>) dst(%dma_wait3A_2458 : memref<100xi32, #tpu.memory_space<vmem>>)
      %mul3A_2464 = arith.constant 64 : i32
      %mul3A_2465 = arith.muli %sub3A_2055, %mul3A_2464 : i32
      %add3A_2466 = arith.constant 34 : i32
      %add3A_2467 = arith.addi %mul3A_2465, %add3A_2466 : i32
      %dma_wait3A_2468 = arith.constant 0 : i32
      %dma_wait3A_2469 = tpu.memref_slice %arg6[%add3A_2467, %dma_wait3A_2468] : memref<512x100xi32, #tpu.memory_space<vmem>> -> memref<1x100xi32, #tpu.memory_space<vmem>>
      %dma_wait3A_2470 = tpu.memref_squeeze %dma_wait3A_2469 : memref<1x100xi32, #tpu.memory_space<vmem>> -> memref<100xi32, #tpu.memory_space<vmem>>
      %dma_wait3A_2471 = arith.constant 0 : i32
      %dma_wait3A_2472 = tpu.memref_slice %arg5[%add3A_2467, %dma_wait3A_2471] : memref<512x100xi32, #tpu.memory_space<vmem>> -> memref<1x100xi32, #tpu.memory_space<vmem>>
      %dma_wait3A_2473 = tpu.memref_squeeze %dma_wait3A_2472 : memref<1x100xi32, #tpu.memory_space<vmem>> -> memref<100xi32, #tpu.memory_space<vmem>>
      %dma_wait3A_2474 = arith.constant 0 : i32
      %dma_wait3A_2475 = tpu.memref_slice %arg3[%dma_wait3A_2474] : memref<1000000xi32, #tpu.memory_space<hbm>> -> memref<1000000xi32, #tpu.memory_space<hbm>>
      tpu.wait_indirect_dma semaphore(%arg7 : memref<!tpu.dma_semaphore, #tpu.memory_space<semaphore_mem>>) src(%dma_wait3A_2475 : memref<1000000xi32, #tpu.memory_space<hbm>>) dst(%dma_wait3A_2470 : memref<100xi32, #tpu.memory_space<vmem>>)
      %mul3A_2476 = arith.constant 64 : i32
      %mul3A_2477 = arith.muli %sub3A_2055, %mul3A_2476 : i32
      %add3A_2478 = arith.constant 35 : i32
      %add3A_2479 = arith.addi %mul3A_2477, %add3A_2478 : i32
      %dma_wait3A_2480 = arith.constant 0 : i32
      %dma_wait3A_2481 = tpu.memref_slice %arg6[%add3A_2479, %dma_wait3A_2480] : memref<512x100xi32, #tpu.memory_space<vmem>> -> memref<1x100xi32, #tpu.memory_space<vmem>>
      %dma_wait3A_2482 = tpu.memref_squeeze %dma_wait3A_2481 : memref<1x100xi32, #tpu.memory_space<vmem>> -> memref<100xi32, #tpu.memory_space<vmem>>
      %dma_wait3A_2483 = arith.constant 0 : i32
      %dma_wait3A_2484 = tpu.memref_slice %arg5[%add3A_2479, %dma_wait3A_2483] : memref<512x100xi32, #tpu.memory_space<vmem>> -> memref<1x100xi32, #tpu.memory_space<vmem>>
      %dma_wait3A_2485 = tpu.memref_squeeze %dma_wait3A_2484 : memref<1x100xi32, #tpu.memory_space<vmem>> -> memref<100xi32, #tpu.memory_space<vmem>>
      %dma_wait3A_2486 = arith.constant 0 : i32
      %dma_wait3A_2487 = tpu.memref_slice %arg3[%dma_wait3A_2486] : memref<1000000xi32, #tpu.memory_space<hbm>> -> memref<1000000xi32, #tpu.memory_space<hbm>>
      tpu.wait_indirect_dma semaphore(%arg7 : memref<!tpu.dma_semaphore, #tpu.memory_space<semaphore_mem>>) src(%dma_wait3A_2487 : memref<1000000xi32, #tpu.memory_space<hbm>>) dst(%dma_wait3A_2482 : memref<100xi32, #tpu.memory_space<vmem>>)
      %mul3A_2488 = arith.constant 64 : i32
      %mul3A_2489 = arith.muli %sub3A_2055, %mul3A_2488 : i32
      %add3A_2490 = arith.constant 36 : i32
      %add3A_2491 = arith.addi %mul3A_2489, %add3A_2490 : i32
      %dma_wait3A_2492 = arith.constant 0 : i32
      %dma_wait3A_2493 = tpu.memref_slice %arg6[%add3A_2491, %dma_wait3A_2492] : memref<512x100xi32, #tpu.memory_space<vmem>> -> memref<1x100xi32, #tpu.memory_space<vmem>>
      %dma_wait3A_2494 = tpu.memref_squeeze %dma_wait3A_2493 : memref<1x100xi32, #tpu.memory_space<vmem>> -> memref<100xi32, #tpu.memory_space<vmem>>
      %dma_wait3A_2495 = arith.constant 0 : i32
      %dma_wait3A_2496 = tpu.memref_slice %arg5[%add3A_2491, %dma_wait3A_2495] : memref<512x100xi32, #tpu.memory_space<vmem>> -> memref<1x100xi32, #tpu.memory_space<vmem>>
      %dma_wait3A_2497 = tpu.memref_squeeze %dma_wait3A_2496 : memref<1x100xi32, #tpu.memory_space<vmem>> -> memref<100xi32, #tpu.memory_space<vmem>>
      %dma_wait3A_2498 = arith.constant 0 : i32
      %dma_wait3A_2499 = tpu.memref_slice %arg3[%dma_wait3A_2498] : memref<1000000xi32, #tpu.memory_space<hbm>> -> memref<1000000xi32, #tpu.memory_space<hbm>>
      tpu.wait_indirect_dma semaphore(%arg7 : memref<!tpu.dma_semaphore, #tpu.memory_space<semaphore_mem>>) src(%dma_wait3A_2499 : memref<1000000xi32, #tpu.memory_space<hbm>>) dst(%dma_wait3A_2494 : memref<100xi32, #tpu.memory_space<vmem>>)
      %mul3A_2500 = arith.constant 64 : i32
      %mul3A_2501 = arith.muli %sub3A_2055, %mul3A_2500 : i32
      %add3A_2502 = arith.constant 37 : i32
      %add3A_2503 = arith.addi %mul3A_2501, %add3A_2502 : i32
      %dma_wait3A_2504 = arith.constant 0 : i32
      %dma_wait3A_2505 = tpu.memref_slice %arg6[%add3A_2503, %dma_wait3A_2504] : memref<512x100xi32, #tpu.memory_space<vmem>> -> memref<1x100xi32, #tpu.memory_space<vmem>>
      %dma_wait3A_2506 = tpu.memref_squeeze %dma_wait3A_2505 : memref<1x100xi32, #tpu.memory_space<vmem>> -> memref<100xi32, #tpu.memory_space<vmem>>
      %dma_wait3A_2507 = arith.constant 0 : i32
      %dma_wait3A_2508 = tpu.memref_slice %arg5[%add3A_2503, %dma_wait3A_2507] : memref<512x100xi32, #tpu.memory_space<vmem>> -> memref<1x100xi32, #tpu.memory_space<vmem>>
      %dma_wait3A_2509 = tpu.memref_squeeze %dma_wait3A_2508 : memref<1x100xi32, #tpu.memory_space<vmem>> -> memref<100xi32, #tpu.memory_space<vmem>>
      %dma_wait3A_2510 = arith.constant 0 : i32
      %dma_wait3A_2511 = tpu.memref_slice %arg3[%dma_wait3A_2510] : memref<1000000xi32, #tpu.memory_space<hbm>> -> memref<1000000xi32, #tpu.memory_space<hbm>>
      tpu.wait_indirect_dma semaphore(%arg7 : memref<!tpu.dma_semaphore, #tpu.memory_space<semaphore_mem>>) src(%dma_wait3A_2511 : memref<1000000xi32, #tpu.memory_space<hbm>>) dst(%dma_wait3A_2506 : memref<100xi32, #tpu.memory_space<vmem>>)
      %mul3A_2512 = arith.constant 64 : i32
      %mul3A_2513 = arith.muli %sub3A_2055, %mul3A_2512 : i32
      %add3A_2514 = arith.constant 38 : i32
      %add3A_2515 = arith.addi %mul3A_2513, %add3A_2514 : i32
      %dma_wait3A_2516 = arith.constant 0 : i32
      %dma_wait3A_2517 = tpu.memref_slice %arg6[%add3A_2515, %dma_wait3A_2516] : memref<512x100xi32, #tpu.memory_space<vmem>> -> memref<1x100xi32, #tpu.memory_space<vmem>>
      %dma_wait3A_2518 = tpu.memref_squeeze %dma_wait3A_2517 : memref<1x100xi32, #tpu.memory_space<vmem>> -> memref<100xi32, #tpu.memory_space<vmem>>
      %dma_wait3A_2519 = arith.constant 0 : i32
      %dma_wait3A_2520 = tpu.memref_slice %arg5[%add3A_2515, %dma_wait3A_2519] : memref<512x100xi32, #tpu.memory_space<vmem>> -> memref<1x100xi32, #tpu.memory_space<vmem>>
      %dma_wait3A_2521 = tpu.memref_squeeze %dma_wait3A_2520 : memref<1x100xi32, #tpu.memory_space<vmem>> -> memref<100xi32, #tpu.memory_space<vmem>>
      %dma_wait3A_2522 = arith.constant 0 : i32
      %dma_wait3A_2523 = tpu.memref_slice %arg3[%dma_wait3A_2522] : memref<1000000xi32, #tpu.memory_space<hbm>> -> memref<1000000xi32, #tpu.memory_space<hbm>>
      tpu.wait_indirect_dma semaphore(%arg7 : memref<!tpu.dma_semaphore, #tpu.memory_space<semaphore_mem>>) src(%dma_wait3A_2523 : memref<1000000xi32, #tpu.memory_space<hbm>>) dst(%dma_wait3A_2518 : memref<100xi32, #tpu.memory_space<vmem>>)
      %mul3A_2524 = arith.constant 64 : i32
      %mul3A_2525 = arith.muli %sub3A_2055, %mul3A_2524 : i32
      %add3A_2526 = arith.constant 39 : i32
      %add3A_2527 = arith.addi %mul3A_2525, %add3A_2526 : i32
      %dma_wait3A_2528 = arith.constant 0 : i32
      %dma_wait3A_2529 = tpu.memref_slice %arg6[%add3A_2527, %dma_wait3A_2528] : memref<512x100xi32, #tpu.memory_space<vmem>> -> memref<1x100xi32, #tpu.memory_space<vmem>>
      %dma_wait3A_2530 = tpu.memref_squeeze %dma_wait3A_2529 : memref<1x100xi32, #tpu.memory_space<vmem>> -> memref<100xi32, #tpu.memory_space<vmem>>
      %dma_wait3A_2531 = arith.constant 0 : i32
      %dma_wait3A_2532 = tpu.memref_slice %arg5[%add3A_2527, %dma_wait3A_2531] : memref<512x100xi32, #tpu.memory_space<vmem>> -> memref<1x100xi32, #tpu.memory_space<vmem>>
      %dma_wait3A_2533 = tpu.memref_squeeze %dma_wait3A_2532 : memref<1x100xi32, #tpu.memory_space<vmem>> -> memref<100xi32, #tpu.memory_space<vmem>>
      %dma_wait3A_2534 = arith.constant 0 : i32
      %dma_wait3A_2535 = tpu.memref_slice %arg3[%dma_wait3A_2534] : memref<1000000xi32, #tpu.memory_space<hbm>> -> memref<1000000xi32, #tpu.memory_space<hbm>>
      tpu.wait_indirect_dma semaphore(%arg7 : memref<!tpu.dma_semaphore, #tpu.memory_space<semaphore_mem>>) src(%dma_wait3A_2535 : memref<1000000xi32, #tpu.memory_space<hbm>>) dst(%dma_wait3A_2530 : memref<100xi32, #tpu.memory_space<vmem>>)
      %mul3A_2536 = arith.constant 64 : i32
      %mul3A_2537 = arith.muli %sub3A_2055, %mul3A_2536 : i32
      %add3A_2538 = arith.constant 40 : i32
      %add3A_2539 = arith.addi %mul3A_2537, %add3A_2538 : i32
      %dma_wait3A_2540 = arith.constant 0 : i32
      %dma_wait3A_2541 = tpu.memref_slice %arg6[%add3A_2539, %dma_wait3A_2540] : memref<512x100xi32, #tpu.memory_space<vmem>> -> memref<1x100xi32, #tpu.memory_space<vmem>>
      %dma_wait3A_2542 = tpu.memref_squeeze %dma_wait3A_2541 : memref<1x100xi32, #tpu.memory_space<vmem>> -> memref<100xi32, #tpu.memory_space<vmem>>
      %dma_wait3A_2543 = arith.constant 0 : i32
      %dma_wait3A_2544 = tpu.memref_slice %arg5[%add3A_2539, %dma_wait3A_2543] : memref<512x100xi32, #tpu.memory_space<vmem>> -> memref<1x100xi32, #tpu.memory_space<vmem>>
      %dma_wait3A_2545 = tpu.memref_squeeze %dma_wait3A_2544 : memref<1x100xi32, #tpu.memory_space<vmem>> -> memref<100xi32, #tpu.memory_space<vmem>>
      %dma_wait3A_2546 = arith.constant 0 : i32
      %dma_wait3A_2547 = tpu.memref_slice %arg3[%dma_wait3A_2546] : memref<1000000xi32, #tpu.memory_space<hbm>> -> memref<1000000xi32, #tpu.memory_space<hbm>>
      tpu.wait_indirect_dma semaphore(%arg7 : memref<!tpu.dma_semaphore, #tpu.memory_space<semaphore_mem>>) src(%dma_wait3A_2547 : memref<1000000xi32, #tpu.memory_space<hbm>>) dst(%dma_wait3A_2542 : memref<100xi32, #tpu.memory_space<vmem>>)
      %mul3A_2548 = arith.constant 64 : i32
      %mul3A_2549 = arith.muli %sub3A_2055, %mul3A_2548 : i32
      %add3A_2550 = arith.constant 41 : i32
      %add3A_2551 = arith.addi %mul3A_2549, %add3A_2550 : i32
      %dma_wait3A_2552 = arith.constant 0 : i32
      %dma_wait3A_2553 = tpu.memref_slice %arg6[%add3A_2551, %dma_wait3A_2552] : memref<512x100xi32, #tpu.memory_space<vmem>> -> memref<1x100xi32, #tpu.memory_space<vmem>>
      %dma_wait3A_2554 = tpu.memref_squeeze %dma_wait3A_2553 : memref<1x100xi32, #tpu.memory_space<vmem>> -> memref<100xi32, #tpu.memory_space<vmem>>
      %dma_wait3A_2555 = arith.constant 0 : i32
      %dma_wait3A_2556 = tpu.memref_slice %arg5[%add3A_2551, %dma_wait3A_2555] : memref<512x100xi32, #tpu.memory_space<vmem>> -> memref<1x100xi32, #tpu.memory_space<vmem>>
      %dma_wait3A_2557 = tpu.memref_squeeze %dma_wait3A_2556 : memref<1x100xi32, #tpu.memory_space<vmem>> -> memref<100xi32, #tpu.memory_space<vmem>>
      %dma_wait3A_2558 = arith.constant 0 : i32
      %dma_wait3A_2559 = tpu.memref_slice %arg3[%dma_wait3A_2558] : memref<1000000xi32, #tpu.memory_space<hbm>> -> memref<1000000xi32, #tpu.memory_space<hbm>>
      tpu.wait_indirect_dma semaphore(%arg7 : memref<!tpu.dma_semaphore, #tpu.memory_space<semaphore_mem>>) src(%dma_wait3A_2559 : memref<1000000xi32, #tpu.memory_space<hbm>>) dst(%dma_wait3A_2554 : memref<100xi32, #tpu.memory_space<vmem>>)
      %mul3A_2560 = arith.constant 64 : i32
      %mul3A_2561 = arith.muli %sub3A_2055, %mul3A_2560 : i32
      %add3A_2562 = arith.constant 42 : i32
      %add3A_2563 = arith.addi %mul3A_2561, %add3A_2562 : i32
      %dma_wait3A_2564 = arith.constant 0 : i32
      %dma_wait3A_2565 = tpu.memref_slice %arg6[%add3A_2563, %dma_wait3A_2564] : memref<512x100xi32, #tpu.memory_space<vmem>> -> memref<1x100xi32, #tpu.memory_space<vmem>>
      %dma_wait3A_2566 = tpu.memref_squeeze %dma_wait3A_2565 : memref<1x100xi32, #tpu.memory_space<vmem>> -> memref<100xi32, #tpu.memory_space<vmem>>
      %dma_wait3A_2567 = arith.constant 0 : i32
      %dma_wait3A_2568 = tpu.memref_slice %arg5[%add3A_2563, %dma_wait3A_2567] : memref<512x100xi32, #tpu.memory_space<vmem>> -> memref<1x100xi32, #tpu.memory_space<vmem>>
      %dma_wait3A_2569 = tpu.memref_squeeze %dma_wait3A_2568 : memref<1x100xi32, #tpu.memory_space<vmem>> -> memref<100xi32, #tpu.memory_space<vmem>>
      %dma_wait3A_2570 = arith.constant 0 : i32
      %dma_wait3A_2571 = tpu.memref_slice %arg3[%dma_wait3A_2570] : memref<1000000xi32, #tpu.memory_space<hbm>> -> memref<1000000xi32, #tpu.memory_space<hbm>>
      tpu.wait_indirect_dma semaphore(%arg7 : memref<!tpu.dma_semaphore, #tpu.memory_space<semaphore_mem>>) src(%dma_wait3A_2571 : memref<1000000xi32, #tpu.memory_space<hbm>>) dst(%dma_wait3A_2566 : memref<100xi32, #tpu.memory_space<vmem>>)
      %mul3A_2572 = arith.constant 64 : i32
      %mul3A_2573 = arith.muli %sub3A_2055, %mul3A_2572 : i32
      %add3A_2574 = arith.constant 43 : i32
      %add3A_2575 = arith.addi %mul3A_2573, %add3A_2574 : i32
      %dma_wait3A_2576 = arith.constant 0 : i32
      %dma_wait3A_2577 = tpu.memref_slice %arg6[%add3A_2575, %dma_wait3A_2576] : memref<512x100xi32, #tpu.memory_space<vmem>> -> memref<1x100xi32, #tpu.memory_space<vmem>>
      %dma_wait3A_2578 = tpu.memref_squeeze %dma_wait3A_2577 : memref<1x100xi32, #tpu.memory_space<vmem>> -> memref<100xi32, #tpu.memory_space<vmem>>
      %dma_wait3A_2579 = arith.constant 0 : i32
      %dma_wait3A_2580 = tpu.memref_slice %arg5[%add3A_2575, %dma_wait3A_2579] : memref<512x100xi32, #tpu.memory_space<vmem>> -> memref<1x100xi32, #tpu.memory_space<vmem>>
      %dma_wait3A_2581 = tpu.memref_squeeze %dma_wait3A_2580 : memref<1x100xi32, #tpu.memory_space<vmem>> -> memref<100xi32, #tpu.memory_space<vmem>>
      %dma_wait3A_2582 = arith.constant 0 : i32
      %dma_wait3A_2583 = tpu.memref_slice %arg3[%dma_wait3A_2582] : memref<1000000xi32, #tpu.memory_space<hbm>> -> memref<1000000xi32, #tpu.memory_space<hbm>>
      tpu.wait_indirect_dma semaphore(%arg7 : memref<!tpu.dma_semaphore, #tpu.memory_space<semaphore_mem>>) src(%dma_wait3A_2583 : memref<1000000xi32, #tpu.memory_space<hbm>>) dst(%dma_wait3A_2578 : memref<100xi32, #tpu.memory_space<vmem>>)
      %mul3A_2584 = arith.constant 64 : i32
      %mul3A_2585 = arith.muli %sub3A_2055, %mul3A_2584 : i32
      %add3A_2586 = arith.constant 44 : i32
      %add3A_2587 = arith.addi %mul3A_2585, %add3A_2586 : i32
      %dma_wait3A_2588 = arith.constant 0 : i32
      %dma_wait3A_2589 = tpu.memref_slice %arg6[%add3A_2587, %dma_wait3A_2588] : memref<512x100xi32, #tpu.memory_space<vmem>> -> memref<1x100xi32, #tpu.memory_space<vmem>>
      %dma_wait3A_2590 = tpu.memref_squeeze %dma_wait3A_2589 : memref<1x100xi32, #tpu.memory_space<vmem>> -> memref<100xi32, #tpu.memory_space<vmem>>
      %dma_wait3A_2591 = arith.constant 0 : i32
      %dma_wait3A_2592 = tpu.memref_slice %arg5[%add3A_2587, %dma_wait3A_2591] : memref<512x100xi32, #tpu.memory_space<vmem>> -> memref<1x100xi32, #tpu.memory_space<vmem>>
      %dma_wait3A_2593 = tpu.memref_squeeze %dma_wait3A_2592 : memref<1x100xi32, #tpu.memory_space<vmem>> -> memref<100xi32, #tpu.memory_space<vmem>>
      %dma_wait3A_2594 = arith.constant 0 : i32
      %dma_wait3A_2595 = tpu.memref_slice %arg3[%dma_wait3A_2594] : memref<1000000xi32, #tpu.memory_space<hbm>> -> memref<1000000xi32, #tpu.memory_space<hbm>>
      tpu.wait_indirect_dma semaphore(%arg7 : memref<!tpu.dma_semaphore, #tpu.memory_space<semaphore_mem>>) src(%dma_wait3A_2595 : memref<1000000xi32, #tpu.memory_space<hbm>>) dst(%dma_wait3A_2590 : memref<100xi32, #tpu.memory_space<vmem>>)
      %mul3A_2596 = arith.constant 64 : i32
      %mul3A_2597 = arith.muli %sub3A_2055, %mul3A_2596 : i32
      %add3A_2598 = arith.constant 45 : i32
      %add3A_2599 = arith.addi %mul3A_2597, %add3A_2598 : i32
      %dma_wait3A_2600 = arith.constant 0 : i32
      %dma_wait3A_2601 = tpu.memref_slice %arg6[%add3A_2599, %dma_wait3A_2600] : memref<512x100xi32, #tpu.memory_space<vmem>> -> memref<1x100xi32, #tpu.memory_space<vmem>>
      %dma_wait3A_2602 = tpu.memref_squeeze %dma_wait3A_2601 : memref<1x100xi32, #tpu.memory_space<vmem>> -> memref<100xi32, #tpu.memory_space<vmem>>
      %dma_wait3A_2603 = arith.constant 0 : i32
      %dma_wait3A_2604 = tpu.memref_slice %arg5[%add3A_2599, %dma_wait3A_2603] : memref<512x100xi32, #tpu.memory_space<vmem>> -> memref<1x100xi32, #tpu.memory_space<vmem>>
      %dma_wait3A_2605 = tpu.memref_squeeze %dma_wait3A_2604 : memref<1x100xi32, #tpu.memory_space<vmem>> -> memref<100xi32, #tpu.memory_space<vmem>>
      %dma_wait3A_2606 = arith.constant 0 : i32
      %dma_wait3A_2607 = tpu.memref_slice %arg3[%dma_wait3A_2606] : memref<1000000xi32, #tpu.memory_space<hbm>> -> memref<1000000xi32, #tpu.memory_space<hbm>>
      tpu.wait_indirect_dma semaphore(%arg7 : memref<!tpu.dma_semaphore, #tpu.memory_space<semaphore_mem>>) src(%dma_wait3A_2607 : memref<1000000xi32, #tpu.memory_space<hbm>>) dst(%dma_wait3A_2602 : memref<100xi32, #tpu.memory_space<vmem>>)
      %mul3A_2608 = arith.constant 64 : i32
      %mul3A_2609 = arith.muli %sub3A_2055, %mul3A_2608 : i32
      %add3A_2610 = arith.constant 46 : i32
      %add3A_2611 = arith.addi %mul3A_2609, %add3A_2610 : i32
      %dma_wait3A_2612 = arith.constant 0 : i32
      %dma_wait3A_2613 = tpu.memref_slice %arg6[%add3A_2611, %dma_wait3A_2612] : memref<512x100xi32, #tpu.memory_space<vmem>> -> memref<1x100xi32, #tpu.memory_space<vmem>>
      %dma_wait3A_2614 = tpu.memref_squeeze %dma_wait3A_2613 : memref<1x100xi32, #tpu.memory_space<vmem>> -> memref<100xi32, #tpu.memory_space<vmem>>
      %dma_wait3A_2615 = arith.constant 0 : i32
      %dma_wait3A_2616 = tpu.memref_slice %arg5[%add3A_2611, %dma_wait3A_2615] : memref<512x100xi32, #tpu.memory_space<vmem>> -> memref<1x100xi32, #tpu.memory_space<vmem>>
      %dma_wait3A_2617 = tpu.memref_squeeze %dma_wait3A_2616 : memref<1x100xi32, #tpu.memory_space<vmem>> -> memref<100xi32, #tpu.memory_space<vmem>>
      %dma_wait3A_2618 = arith.constant 0 : i32
      %dma_wait3A_2619 = tpu.memref_slice %arg3[%dma_wait3A_2618] : memref<1000000xi32, #tpu.memory_space<hbm>> -> memref<1000000xi32, #tpu.memory_space<hbm>>
      tpu.wait_indirect_dma semaphore(%arg7 : memref<!tpu.dma_semaphore, #tpu.memory_space<semaphore_mem>>) src(%dma_wait3A_2619 : memref<1000000xi32, #tpu.memory_space<hbm>>) dst(%dma_wait3A_2614 : memref<100xi32, #tpu.memory_space<vmem>>)
      %mul3A_2620 = arith.constant 64 : i32
      %mul3A_2621 = arith.muli %sub3A_2055, %mul3A_2620 : i32
      %add3A_2622 = arith.constant 47 : i32
      %add3A_2623 = arith.addi %mul3A_2621, %add3A_2622 : i32
      %dma_wait3A_2624 = arith.constant 0 : i32
      %dma_wait3A_2625 = tpu.memref_slice %arg6[%add3A_2623, %dma_wait3A_2624] : memref<512x100xi32, #tpu.memory_space<vmem>> -> memref<1x100xi32, #tpu.memory_space<vmem>>
      %dma_wait3A_2626 = tpu.memref_squeeze %dma_wait3A_2625 : memref<1x100xi32, #tpu.memory_space<vmem>> -> memref<100xi32, #tpu.memory_space<vmem>>
      %dma_wait3A_2627 = arith.constant 0 : i32
      %dma_wait3A_2628 = tpu.memref_slice %arg5[%add3A_2623, %dma_wait3A_2627] : memref<512x100xi32, #tpu.memory_space<vmem>> -> memref<1x100xi32, #tpu.memory_space<vmem>>
      %dma_wait3A_2629 = tpu.memref_squeeze %dma_wait3A_2628 : memref<1x100xi32, #tpu.memory_space<vmem>> -> memref<100xi32, #tpu.memory_space<vmem>>
      %dma_wait3A_2630 = arith.constant 0 : i32
      %dma_wait3A_2631 = tpu.memref_slice %arg3[%dma_wait3A_2630] : memref<1000000xi32, #tpu.memory_space<hbm>> -> memref<1000000xi32, #tpu.memory_space<hbm>>
      tpu.wait_indirect_dma semaphore(%arg7 : memref<!tpu.dma_semaphore, #tpu.memory_space<semaphore_mem>>) src(%dma_wait3A_2631 : memref<1000000xi32, #tpu.memory_space<hbm>>) dst(%dma_wait3A_2626 : memref<100xi32, #tpu.memory_space<vmem>>)
      %mul3A_2632 = arith.constant 64 : i32
      %mul3A_2633 = arith.muli %sub3A_2055, %mul3A_2632 : i32
      %add3A_2634 = arith.constant 48 : i32
      %add3A_2635 = arith.addi %mul3A_2633, %add3A_2634 : i32
      %dma_wait3A_2636 = arith.constant 0 : i32
      %dma_wait3A_2637 = tpu.memref_slice %arg6[%add3A_2635, %dma_wait3A_2636] : memref<512x100xi32, #tpu.memory_space<vmem>> -> memref<1x100xi32, #tpu.memory_space<vmem>>
      %dma_wait3A_2638 = tpu.memref_squeeze %dma_wait3A_2637 : memref<1x100xi32, #tpu.memory_space<vmem>> -> memref<100xi32, #tpu.memory_space<vmem>>
      %dma_wait3A_2639 = arith.constant 0 : i32
      %dma_wait3A_2640 = tpu.memref_slice %arg5[%add3A_2635, %dma_wait3A_2639] : memref<512x100xi32, #tpu.memory_space<vmem>> -> memref<1x100xi32, #tpu.memory_space<vmem>>
      %dma_wait3A_2641 = tpu.memref_squeeze %dma_wait3A_2640 : memref<1x100xi32, #tpu.memory_space<vmem>> -> memref<100xi32, #tpu.memory_space<vmem>>
      %dma_wait3A_2642 = arith.constant 0 : i32
      %dma_wait3A_2643 = tpu.memref_slice %arg3[%dma_wait3A_2642] : memref<1000000xi32, #tpu.memory_space<hbm>> -> memref<1000000xi32, #tpu.memory_space<hbm>>
      tpu.wait_indirect_dma semaphore(%arg7 : memref<!tpu.dma_semaphore, #tpu.memory_space<semaphore_mem>>) src(%dma_wait3A_2643 : memref<1000000xi32, #tpu.memory_space<hbm>>) dst(%dma_wait3A_2638 : memref<100xi32, #tpu.memory_space<vmem>>)
      %mul3A_2644 = arith.constant 64 : i32
      %mul3A_2645 = arith.muli %sub3A_2055, %mul3A_2644 : i32
      %add3A_2646 = arith.constant 49 : i32
      %add3A_2647 = arith.addi %mul3A_2645, %add3A_2646 : i32
      %dma_wait3A_2648 = arith.constant 0 : i32
      %dma_wait3A_2649 = tpu.memref_slice %arg6[%add3A_2647, %dma_wait3A_2648] : memref<512x100xi32, #tpu.memory_space<vmem>> -> memref<1x100xi32, #tpu.memory_space<vmem>>
      %dma_wait3A_2650 = tpu.memref_squeeze %dma_wait3A_2649 : memref<1x100xi32, #tpu.memory_space<vmem>> -> memref<100xi32, #tpu.memory_space<vmem>>
      %dma_wait3A_2651 = arith.constant 0 : i32
      %dma_wait3A_2652 = tpu.memref_slice %arg5[%add3A_2647, %dma_wait3A_2651] : memref<512x100xi32, #tpu.memory_space<vmem>> -> memref<1x100xi32, #tpu.memory_space<vmem>>
      %dma_wait3A_2653 = tpu.memref_squeeze %dma_wait3A_2652 : memref<1x100xi32, #tpu.memory_space<vmem>> -> memref<100xi32, #tpu.memory_space<vmem>>
      %dma_wait3A_2654 = arith.constant 0 : i32
      %dma_wait3A_2655 = tpu.memref_slice %arg3[%dma_wait3A_2654] : memref<1000000xi32, #tpu.memory_space<hbm>> -> memref<1000000xi32, #tpu.memory_space<hbm>>
      tpu.wait_indirect_dma semaphore(%arg7 : memref<!tpu.dma_semaphore, #tpu.memory_space<semaphore_mem>>) src(%dma_wait3A_2655 : memref<1000000xi32, #tpu.memory_space<hbm>>) dst(%dma_wait3A_2650 : memref<100xi32, #tpu.memory_space<vmem>>)
      %mul3A_2656 = arith.constant 64 : i32
      %mul3A_2657 = arith.muli %sub3A_2055, %mul3A_2656 : i32
      %add3A_2658 = arith.constant 50 : i32
      %add3A_2659 = arith.addi %mul3A_2657, %add3A_2658 : i32
      %dma_wait3A_2660 = arith.constant 0 : i32
      %dma_wait3A_2661 = tpu.memref_slice %arg6[%add3A_2659, %dma_wait3A_2660] : memref<512x100xi32, #tpu.memory_space<vmem>> -> memref<1x100xi32, #tpu.memory_space<vmem>>
      %dma_wait3A_2662 = tpu.memref_squeeze %dma_wait3A_2661 : memref<1x100xi32, #tpu.memory_space<vmem>> -> memref<100xi32, #tpu.memory_space<vmem>>
      %dma_wait3A_2663 = arith.constant 0 : i32
      %dma_wait3A_2664 = tpu.memref_slice %arg5[%add3A_2659, %dma_wait3A_2663] : memref<512x100xi32, #tpu.memory_space<vmem>> -> memref<1x100xi32, #tpu.memory_space<vmem>>
      %dma_wait3A_2665 = tpu.memref_squeeze %dma_wait3A_2664 : memref<1x100xi32, #tpu.memory_space<vmem>> -> memref<100xi32, #tpu.memory_space<vmem>>
      %dma_wait3A_2666 = arith.constant 0 : i32
      %dma_wait3A_2667 = tpu.memref_slice %arg3[%dma_wait3A_2666] : memref<1000000xi32, #tpu.memory_space<hbm>> -> memref<1000000xi32, #tpu.memory_space<hbm>>
      tpu.wait_indirect_dma semaphore(%arg7 : memref<!tpu.dma_semaphore, #tpu.memory_space<semaphore_mem>>) src(%dma_wait3A_2667 : memref<1000000xi32, #tpu.memory_space<hbm>>) dst(%dma_wait3A_2662 : memref<100xi32, #tpu.memory_space<vmem>>)
      %mul3A_2668 = arith.constant 64 : i32
      %mul3A_2669 = arith.muli %sub3A_2055, %mul3A_2668 : i32
      %add3A_2670 = arith.constant 51 : i32
      %add3A_2671 = arith.addi %mul3A_2669, %add3A_2670 : i32
      %dma_wait3A_2672 = arith.constant 0 : i32
      %dma_wait3A_2673 = tpu.memref_slice %arg6[%add3A_2671, %dma_wait3A_2672] : memref<512x100xi32, #tpu.memory_space<vmem>> -> memref<1x100xi32, #tpu.memory_space<vmem>>
      %dma_wait3A_2674 = tpu.memref_squeeze %dma_wait3A_2673 : memref<1x100xi32, #tpu.memory_space<vmem>> -> memref<100xi32, #tpu.memory_space<vmem>>
      %dma_wait3A_2675 = arith.constant 0 : i32
      %dma_wait3A_2676 = tpu.memref_slice %arg5[%add3A_2671, %dma_wait3A_2675] : memref<512x100xi32, #tpu.memory_space<vmem>> -> memref<1x100xi32, #tpu.memory_space<vmem>>
      %dma_wait3A_2677 = tpu.memref_squeeze %dma_wait3A_2676 : memref<1x100xi32, #tpu.memory_space<vmem>> -> memref<100xi32, #tpu.memory_space<vmem>>
      %dma_wait3A_2678 = arith.constant 0 : i32
      %dma_wait3A_2679 = tpu.memref_slice %arg3[%dma_wait3A_2678] : memref<1000000xi32, #tpu.memory_space<hbm>> -> memref<1000000xi32, #tpu.memory_space<hbm>>
      tpu.wait_indirect_dma semaphore(%arg7 : memref<!tpu.dma_semaphore, #tpu.memory_space<semaphore_mem>>) src(%dma_wait3A_2679 : memref<1000000xi32, #tpu.memory_space<hbm>>) dst(%dma_wait3A_2674 : memref<100xi32, #tpu.memory_space<vmem>>)
      %mul3A_2680 = arith.constant 64 : i32
      %mul3A_2681 = arith.muli %sub3A_2055, %mul3A_2680 : i32
      %add3A_2682 = arith.constant 52 : i32
      %add3A_2683 = arith.addi %mul3A_2681, %add3A_2682 : i32
      %dma_wait3A_2684 = arith.constant 0 : i32
      %dma_wait3A_2685 = tpu.memref_slice %arg6[%add3A_2683, %dma_wait3A_2684] : memref<512x100xi32, #tpu.memory_space<vmem>> -> memref<1x100xi32, #tpu.memory_space<vmem>>
      %dma_wait3A_2686 = tpu.memref_squeeze %dma_wait3A_2685 : memref<1x100xi32, #tpu.memory_space<vmem>> -> memref<100xi32, #tpu.memory_space<vmem>>
      %dma_wait3A_2687 = arith.constant 0 : i32
      %dma_wait3A_2688 = tpu.memref_slice %arg5[%add3A_2683, %dma_wait3A_2687] : memref<512x100xi32, #tpu.memory_space<vmem>> -> memref<1x100xi32, #tpu.memory_space<vmem>>
      %dma_wait3A_2689 = tpu.memref_squeeze %dma_wait3A_2688 : memref<1x100xi32, #tpu.memory_space<vmem>> -> memref<100xi32, #tpu.memory_space<vmem>>
      %dma_wait3A_2690 = arith.constant 0 : i32
      %dma_wait3A_2691 = tpu.memref_slice %arg3[%dma_wait3A_2690] : memref<1000000xi32, #tpu.memory_space<hbm>> -> memref<1000000xi32, #tpu.memory_space<hbm>>
      tpu.wait_indirect_dma semaphore(%arg7 : memref<!tpu.dma_semaphore, #tpu.memory_space<semaphore_mem>>) src(%dma_wait3A_2691 : memref<1000000xi32, #tpu.memory_space<hbm>>) dst(%dma_wait3A_2686 : memref<100xi32, #tpu.memory_space<vmem>>)
      %mul3A_2692 = arith.constant 64 : i32
      %mul3A_2693 = arith.muli %sub3A_2055, %mul3A_2692 : i32
      %add3A_2694 = arith.constant 53 : i32
      %add3A_2695 = arith.addi %mul3A_2693, %add3A_2694 : i32
      %dma_wait3A_2696 = arith.constant 0 : i32
      %dma_wait3A_2697 = tpu.memref_slice %arg6[%add3A_2695, %dma_wait3A_2696] : memref<512x100xi32, #tpu.memory_space<vmem>> -> memref<1x100xi32, #tpu.memory_space<vmem>>
      %dma_wait3A_2698 = tpu.memref_squeeze %dma_wait3A_2697 : memref<1x100xi32, #tpu.memory_space<vmem>> -> memref<100xi32, #tpu.memory_space<vmem>>
      %dma_wait3A_2699 = arith.constant 0 : i32
      %dma_wait3A_2700 = tpu.memref_slice %arg5[%add3A_2695, %dma_wait3A_2699] : memref<512x100xi32, #tpu.memory_space<vmem>> -> memref<1x100xi32, #tpu.memory_space<vmem>>
      %dma_wait3A_2701 = tpu.memref_squeeze %dma_wait3A_2700 : memref<1x100xi32, #tpu.memory_space<vmem>> -> memref<100xi32, #tpu.memory_space<vmem>>
      %dma_wait3A_2702 = arith.constant 0 : i32
      %dma_wait3A_2703 = tpu.memref_slice %arg3[%dma_wait3A_2702] : memref<1000000xi32, #tpu.memory_space<hbm>> -> memref<1000000xi32, #tpu.memory_space<hbm>>
      tpu.wait_indirect_dma semaphore(%arg7 : memref<!tpu.dma_semaphore, #tpu.memory_space<semaphore_mem>>) src(%dma_wait3A_2703 : memref<1000000xi32, #tpu.memory_space<hbm>>) dst(%dma_wait3A_2698 : memref<100xi32, #tpu.memory_space<vmem>>)
      %mul3A_2704 = arith.constant 64 : i32
      %mul3A_2705 = arith.muli %sub3A_2055, %mul3A_2704 : i32
      %add3A_2706 = arith.constant 54 : i32
      %add3A_2707 = arith.addi %mul3A_2705, %add3A_2706 : i32
      %dma_wait3A_2708 = arith.constant 0 : i32
      %dma_wait3A_2709 = tpu.memref_slice %arg6[%add3A_2707, %dma_wait3A_2708] : memref<512x100xi32, #tpu.memory_space<vmem>> -> memref<1x100xi32, #tpu.memory_space<vmem>>
      %dma_wait3A_2710 = tpu.memref_squeeze %dma_wait3A_2709 : memref<1x100xi32, #tpu.memory_space<vmem>> -> memref<100xi32, #tpu.memory_space<vmem>>
      %dma_wait3A_2711 = arith.constant 0 : i32
      %dma_wait3A_2712 = tpu.memref_slice %arg5[%add3A_2707, %dma_wait3A_2711] : memref<512x100xi32, #tpu.memory_space<vmem>> -> memref<1x100xi32, #tpu.memory_space<vmem>>
      %dma_wait3A_2713 = tpu.memref_squeeze %dma_wait3A_2712 : memref<1x100xi32, #tpu.memory_space<vmem>> -> memref<100xi32, #tpu.memory_space<vmem>>
      %dma_wait3A_2714 = arith.constant 0 : i32
      %dma_wait3A_2715 = tpu.memref_slice %arg3[%dma_wait3A_2714] : memref<1000000xi32, #tpu.memory_space<hbm>> -> memref<1000000xi32, #tpu.memory_space<hbm>>
      tpu.wait_indirect_dma semaphore(%arg7 : memref<!tpu.dma_semaphore, #tpu.memory_space<semaphore_mem>>) src(%dma_wait3A_2715 : memref<1000000xi32, #tpu.memory_space<hbm>>) dst(%dma_wait3A_2710 : memref<100xi32, #tpu.memory_space<vmem>>)
      %mul3A_2716 = arith.constant 64 : i32
      %mul3A_2717 = arith.muli %sub3A_2055, %mul3A_2716 : i32
      %add3A_2718 = arith.constant 55 : i32
      %add3A_2719 = arith.addi %mul3A_2717, %add3A_2718 : i32
      %dma_wait3A_2720 = arith.constant 0 : i32
      %dma_wait3A_2721 = tpu.memref_slice %arg6[%add3A_2719, %dma_wait3A_2720] : memref<512x100xi32, #tpu.memory_space<vmem>> -> memref<1x100xi32, #tpu.memory_space<vmem>>
      %dma_wait3A_2722 = tpu.memref_squeeze %dma_wait3A_2721 : memref<1x100xi32, #tpu.memory_space<vmem>> -> memref<100xi32, #tpu.memory_space<vmem>>
      %dma_wait3A_2723 = arith.constant 0 : i32
      %dma_wait3A_2724 = tpu.memref_slice %arg5[%add3A_2719, %dma_wait3A_2723] : memref<512x100xi32, #tpu.memory_space<vmem>> -> memref<1x100xi32, #tpu.memory_space<vmem>>
      %dma_wait3A_2725 = tpu.memref_squeeze %dma_wait3A_2724 : memref<1x100xi32, #tpu.memory_space<vmem>> -> memref<100xi32, #tpu.memory_space<vmem>>
      %dma_wait3A_2726 = arith.constant 0 : i32
      %dma_wait3A_2727 = tpu.memref_slice %arg3[%dma_wait3A_2726] : memref<1000000xi32, #tpu.memory_space<hbm>> -> memref<1000000xi32, #tpu.memory_space<hbm>>
      tpu.wait_indirect_dma semaphore(%arg7 : memref<!tpu.dma_semaphore, #tpu.memory_space<semaphore_mem>>) src(%dma_wait3A_2727 : memref<1000000xi32, #tpu.memory_space<hbm>>) dst(%dma_wait3A_2722 : memref<100xi32, #tpu.memory_space<vmem>>)
      %mul3A_2728 = arith.constant 64 : i32
      %mul3A_2729 = arith.muli %sub3A_2055, %mul3A_2728 : i32
      %add3A_2730 = arith.constant 56 : i32
      %add3A_2731 = arith.addi %mul3A_2729, %add3A_2730 : i32
      %dma_wait3A_2732 = arith.constant 0 : i32
      %dma_wait3A_2733 = tpu.memref_slice %arg6[%add3A_2731, %dma_wait3A_2732] : memref<512x100xi32, #tpu.memory_space<vmem>> -> memref<1x100xi32, #tpu.memory_space<vmem>>
      %dma_wait3A_2734 = tpu.memref_squeeze %dma_wait3A_2733 : memref<1x100xi32, #tpu.memory_space<vmem>> -> memref<100xi32, #tpu.memory_space<vmem>>
      %dma_wait3A_2735 = arith.constant 0 : i32
      %dma_wait3A_2736 = tpu.memref_slice %arg5[%add3A_2731, %dma_wait3A_2735] : memref<512x100xi32, #tpu.memory_space<vmem>> -> memref<1x100xi32, #tpu.memory_space<vmem>>
      %dma_wait3A_2737 = tpu.memref_squeeze %dma_wait3A_2736 : memref<1x100xi32, #tpu.memory_space<vmem>> -> memref<100xi32, #tpu.memory_space<vmem>>
      %dma_wait3A_2738 = arith.constant 0 : i32
      %dma_wait3A_2739 = tpu.memref_slice %arg3[%dma_wait3A_2738] : memref<1000000xi32, #tpu.memory_space<hbm>> -> memref<1000000xi32, #tpu.memory_space<hbm>>
      tpu.wait_indirect_dma semaphore(%arg7 : memref<!tpu.dma_semaphore, #tpu.memory_space<semaphore_mem>>) src(%dma_wait3A_2739 : memref<1000000xi32, #tpu.memory_space<hbm>>) dst(%dma_wait3A_2734 : memref<100xi32, #tpu.memory_space<vmem>>)
      %mul3A_2740 = arith.constant 64 : i32
      %mul3A_2741 = arith.muli %sub3A_2055, %mul3A_2740 : i32
      %add3A_2742 = arith.constant 57 : i32
      %add3A_2743 = arith.addi %mul3A_2741, %add3A_2742 : i32
      %dma_wait3A_2744 = arith.constant 0 : i32
      %dma_wait3A_2745 = tpu.memref_slice %arg6[%add3A_2743, %dma_wait3A_2744] : memref<512x100xi32, #tpu.memory_space<vmem>> -> memref<1x100xi32, #tpu.memory_space<vmem>>
      %dma_wait3A_2746 = tpu.memref_squeeze %dma_wait3A_2745 : memref<1x100xi32, #tpu.memory_space<vmem>> -> memref<100xi32, #tpu.memory_space<vmem>>
      %dma_wait3A_2747 = arith.constant 0 : i32
      %dma_wait3A_2748 = tpu.memref_slice %arg5[%add3A_2743, %dma_wait3A_2747] : memref<512x100xi32, #tpu.memory_space<vmem>> -> memref<1x100xi32, #tpu.memory_space<vmem>>
      %dma_wait3A_2749 = tpu.memref_squeeze %dma_wait3A_2748 : memref<1x100xi32, #tpu.memory_space<vmem>> -> memref<100xi32, #tpu.memory_space<vmem>>
      %dma_wait3A_2750 = arith.constant 0 : i32
      %dma_wait3A_2751 = tpu.memref_slice %arg3[%dma_wait3A_2750] : memref<1000000xi32, #tpu.memory_space<hbm>> -> memref<1000000xi32, #tpu.memory_space<hbm>>
      tpu.wait_indirect_dma semaphore(%arg7 : memref<!tpu.dma_semaphore, #tpu.memory_space<semaphore_mem>>) src(%dma_wait3A_2751 : memref<1000000xi32, #tpu.memory_space<hbm>>) dst(%dma_wait3A_2746 : memref<100xi32, #tpu.memory_space<vmem>>)
      %mul3A_2752 = arith.constant 64 : i32
      %mul3A_2753 = arith.muli %sub3A_2055, %mul3A_2752 : i32
      %add3A_2754 = arith.constant 58 : i32
      %add3A_2755 = arith.addi %mul3A_2753, %add3A_2754 : i32
      %dma_wait3A_2756 = arith.constant 0 : i32
      %dma_wait3A_2757 = tpu.memref_slice %arg6[%add3A_2755, %dma_wait3A_2756] : memref<512x100xi32, #tpu.memory_space<vmem>> -> memref<1x100xi32, #tpu.memory_space<vmem>>
      %dma_wait3A_2758 = tpu.memref_squeeze %dma_wait3A_2757 : memref<1x100xi32, #tpu.memory_space<vmem>> -> memref<100xi32, #tpu.memory_space<vmem>>
      %dma_wait3A_2759 = arith.constant 0 : i32
      %dma_wait3A_2760 = tpu.memref_slice %arg5[%add3A_2755, %dma_wait3A_2759] : memref<512x100xi32, #tpu.memory_space<vmem>> -> memref<1x100xi32, #tpu.memory_space<vmem>>
      %dma_wait3A_2761 = tpu.memref_squeeze %dma_wait3A_2760 : memref<1x100xi32, #tpu.memory_space<vmem>> -> memref<100xi32, #tpu.memory_space<vmem>>
      %dma_wait3A_2762 = arith.constant 0 : i32
      %dma_wait3A_2763 = tpu.memref_slice %arg3[%dma_wait3A_2762] : memref<1000000xi32, #tpu.memory_space<hbm>> -> memref<1000000xi32, #tpu.memory_space<hbm>>
      tpu.wait_indirect_dma semaphore(%arg7 : memref<!tpu.dma_semaphore, #tpu.memory_space<semaphore_mem>>) src(%dma_wait3A_2763 : memref<1000000xi32, #tpu.memory_space<hbm>>) dst(%dma_wait3A_2758 : memref<100xi32, #tpu.memory_space<vmem>>)
      %mul3A_2764 = arith.constant 64 : i32
      %mul3A_2765 = arith.muli %sub3A_2055, %mul3A_2764 : i32
      %add3A_2766 = arith.constant 59 : i32
      %add3A_2767 = arith.addi %mul3A_2765, %add3A_2766 : i32
      %dma_wait3A_2768 = arith.constant 0 : i32
      %dma_wait3A_2769 = tpu.memref_slice %arg6[%add3A_2767, %dma_wait3A_2768] : memref<512x100xi32, #tpu.memory_space<vmem>> -> memref<1x100xi32, #tpu.memory_space<vmem>>
      %dma_wait3A_2770 = tpu.memref_squeeze %dma_wait3A_2769 : memref<1x100xi32, #tpu.memory_space<vmem>> -> memref<100xi32, #tpu.memory_space<vmem>>
      %dma_wait3A_2771 = arith.constant 0 : i32
      %dma_wait3A_2772 = tpu.memref_slice %arg5[%add3A_2767, %dma_wait3A_2771] : memref<512x100xi32, #tpu.memory_space<vmem>> -> memref<1x100xi32, #tpu.memory_space<vmem>>
      %dma_wait3A_2773 = tpu.memref_squeeze %dma_wait3A_2772 : memref<1x100xi32, #tpu.memory_space<vmem>> -> memref<100xi32, #tpu.memory_space<vmem>>
      %dma_wait3A_2774 = arith.constant 0 : i32
      %dma_wait3A_2775 = tpu.memref_slice %arg3[%dma_wait3A_2774] : memref<1000000xi32, #tpu.memory_space<hbm>> -> memref<1000000xi32, #tpu.memory_space<hbm>>
      tpu.wait_indirect_dma semaphore(%arg7 : memref<!tpu.dma_semaphore, #tpu.memory_space<semaphore_mem>>) src(%dma_wait3A_2775 : memref<1000000xi32, #tpu.memory_space<hbm>>) dst(%dma_wait3A_2770 : memref<100xi32, #tpu.memory_space<vmem>>)
      %mul3A_2776 = arith.constant 64 : i32
      %mul3A_2777 = arith.muli %sub3A_2055, %mul3A_2776 : i32
      %add3A_2778 = arith.constant 60 : i32
      %add3A_2779 = arith.addi %mul3A_2777, %add3A_2778 : i32
      %dma_wait3A_2780 = arith.constant 0 : i32
      %dma_wait3A_2781 = tpu.memref_slice %arg6[%add3A_2779, %dma_wait3A_2780] : memref<512x100xi32, #tpu.memory_space<vmem>> -> memref<1x100xi32, #tpu.memory_space<vmem>>
      %dma_wait3A_2782 = tpu.memref_squeeze %dma_wait3A_2781 : memref<1x100xi32, #tpu.memory_space<vmem>> -> memref<100xi32, #tpu.memory_space<vmem>>
      %dma_wait3A_2783 = arith.constant 0 : i32
      %dma_wait3A_2784 = tpu.memref_slice %arg5[%add3A_2779, %dma_wait3A_2783] : memref<512x100xi32, #tpu.memory_space<vmem>> -> memref<1x100xi32, #tpu.memory_space<vmem>>
      %dma_wait3A_2785 = tpu.memref_squeeze %dma_wait3A_2784 : memref<1x100xi32, #tpu.memory_space<vmem>> -> memref<100xi32, #tpu.memory_space<vmem>>
      %dma_wait3A_2786 = arith.constant 0 : i32
      %dma_wait3A_2787 = tpu.memref_slice %arg3[%dma_wait3A_2786] : memref<1000000xi32, #tpu.memory_space<hbm>> -> memref<1000000xi32, #tpu.memory_space<hbm>>
      tpu.wait_indirect_dma semaphore(%arg7 : memref<!tpu.dma_semaphore, #tpu.memory_space<semaphore_mem>>) src(%dma_wait3A_2787 : memref<1000000xi32, #tpu.memory_space<hbm>>) dst(%dma_wait3A_2782 : memref<100xi32, #tpu.memory_space<vmem>>)
      %mul3A_2788 = arith.constant 64 : i32
      %mul3A_2789 = arith.muli %sub3A_2055, %mul3A_2788 : i32
      %add3A_2790 = arith.constant 61 : i32
      %add3A_2791 = arith.addi %mul3A_2789, %add3A_2790 : i32
      %dma_wait3A_2792 = arith.constant 0 : i32
      %dma_wait3A_2793 = tpu.memref_slice %arg6[%add3A_2791, %dma_wait3A_2792] : memref<512x100xi32, #tpu.memory_space<vmem>> -> memref<1x100xi32, #tpu.memory_space<vmem>>
      %dma_wait3A_2794 = tpu.memref_squeeze %dma_wait3A_2793 : memref<1x100xi32, #tpu.memory_space<vmem>> -> memref<100xi32, #tpu.memory_space<vmem>>
      %dma_wait3A_2795 = arith.constant 0 : i32
      %dma_wait3A_2796 = tpu.memref_slice %arg5[%add3A_2791, %dma_wait3A_2795] : memref<512x100xi32, #tpu.memory_space<vmem>> -> memref<1x100xi32, #tpu.memory_space<vmem>>
      %dma_wait3A_2797 = tpu.memref_squeeze %dma_wait3A_2796 : memref<1x100xi32, #tpu.memory_space<vmem>> -> memref<100xi32, #tpu.memory_space<vmem>>
      %dma_wait3A_2798 = arith.constant 0 : i32
      %dma_wait3A_2799 = tpu.memref_slice %arg3[%dma_wait3A_2798] : memref<1000000xi32, #tpu.memory_space<hbm>> -> memref<1000000xi32, #tpu.memory_space<hbm>>
      tpu.wait_indirect_dma semaphore(%arg7 : memref<!tpu.dma_semaphore, #tpu.memory_space<semaphore_mem>>) src(%dma_wait3A_2799 : memref<1000000xi32, #tpu.memory_space<hbm>>) dst(%dma_wait3A_2794 : memref<100xi32, #tpu.memory_space<vmem>>)
      %mul3A_2800 = arith.constant 64 : i32
      %mul3A_2801 = arith.muli %sub3A_2055, %mul3A_2800 : i32
      %add3A_2802 = arith.constant 62 : i32
      %add3A_2803 = arith.addi %mul3A_2801, %add3A_2802 : i32
      %dma_wait3A_2804 = arith.constant 0 : i32
      %dma_wait3A_2805 = tpu.memref_slice %arg6[%add3A_2803, %dma_wait3A_2804] : memref<512x100xi32, #tpu.memory_space<vmem>> -> memref<1x100xi32, #tpu.memory_space<vmem>>
      %dma_wait3A_2806 = tpu.memref_squeeze %dma_wait3A_2805 : memref<1x100xi32, #tpu.memory_space<vmem>> -> memref<100xi32, #tpu.memory_space<vmem>>
      %dma_wait3A_2807 = arith.constant 0 : i32
      %dma_wait3A_2808 = tpu.memref_slice %arg5[%add3A_2803, %dma_wait3A_2807] : memref<512x100xi32, #tpu.memory_space<vmem>> -> memref<1x100xi32, #tpu.memory_space<vmem>>
      %dma_wait3A_2809 = tpu.memref_squeeze %dma_wait3A_2808 : memref<1x100xi32, #tpu.memory_space<vmem>> -> memref<100xi32, #tpu.memory_space<vmem>>
      %dma_wait3A_2810 = arith.constant 0 : i32
      %dma_wait3A_2811 = tpu.memref_slice %arg3[%dma_wait3A_2810] : memref<1000000xi32, #tpu.memory_space<hbm>> -> memref<1000000xi32, #tpu.memory_space<hbm>>
      tpu.wait_indirect_dma semaphore(%arg7 : memref<!tpu.dma_semaphore, #tpu.memory_space<semaphore_mem>>) src(%dma_wait3A_2811 : memref<1000000xi32, #tpu.memory_space<hbm>>) dst(%dma_wait3A_2806 : memref<100xi32, #tpu.memory_space<vmem>>)
      %mul3A_2812 = arith.constant 64 : i32
      %mul3A_2813 = arith.muli %sub3A_2055, %mul3A_2812 : i32
      %add3A_2814 = arith.constant 63 : i32
      %add3A_2815 = arith.addi %mul3A_2813, %add3A_2814 : i32
      %dma_wait3A_2816 = arith.constant 0 : i32
      %dma_wait3A_2817 = tpu.memref_slice %arg6[%add3A_2815, %dma_wait3A_2816] : memref<512x100xi32, #tpu.memory_space<vmem>> -> memref<1x100xi32, #tpu.memory_space<vmem>>
      %dma_wait3A_2818 = tpu.memref_squeeze %dma_wait3A_2817 : memref<1x100xi32, #tpu.memory_space<vmem>> -> memref<100xi32, #tpu.memory_space<vmem>>
      %dma_wait3A_2819 = arith.constant 0 : i32
      %dma_wait3A_2820 = tpu.memref_slice %arg5[%add3A_2815, %dma_wait3A_2819] : memref<512x100xi32, #tpu.memory_space<vmem>> -> memref<1x100xi32, #tpu.memory_space<vmem>>
      %dma_wait3A_2821 = tpu.memref_squeeze %dma_wait3A_2820 : memref<1x100xi32, #tpu.memory_space<vmem>> -> memref<100xi32, #tpu.memory_space<vmem>>
      %dma_wait3A_2822 = arith.constant 0 : i32
      %dma_wait3A_2823 = tpu.memref_slice %arg3[%dma_wait3A_2822] : memref<1000000xi32, #tpu.memory_space<hbm>> -> memref<1000000xi32, #tpu.memory_space<hbm>>
      tpu.wait_indirect_dma semaphore(%arg7 : memref<!tpu.dma_semaphore, #tpu.memory_space<semaphore_mem>>) src(%dma_wait3A_2823 : memref<1000000xi32, #tpu.memory_space<hbm>>) dst(%dma_wait3A_2818 : memref<100xi32, #tpu.memory_space<vmem>>)
    }
    %scan3A_646 = arith.constant 7 : i32
    %dma_wait3A = arith.constant 448 : i32
    %dma_wait3A_647 = arith.constant 448 : i32
    %dma_wait3A_648 = arith.constant 0 : i32
    %dma_wait3A_649 = tpu.memref_slice %arg6[%dma_wait3A_647, %dma_wait3A_648] : memref<512x100xi32, #tpu.memory_space<vmem>> -> memref<1x100xi32, #tpu.memory_space<vmem>>
    %dma_wait3A_650 = tpu.memref_squeeze %dma_wait3A_649 : memref<1x100xi32, #tpu.memory_space<vmem>> -> memref<100xi32, #tpu.memory_space<vmem>>
    %dma_wait3A_651 = arith.constant 0 : i32
    %dma_wait3A_652 = tpu.memref_slice %arg5[%dma_wait3A, %dma_wait3A_651] : memref<512x100xi32, #tpu.memory_space<vmem>> -> memref<1x100xi32, #tpu.memory_space<vmem>>
    %dma_wait3A_653 = tpu.memref_squeeze %dma_wait3A_652 : memref<1x100xi32, #tpu.memory_space<vmem>> -> memref<100xi32, #tpu.memory_space<vmem>>
    %dma_wait3A_654 = arith.constant 0 : i32
    %dma_wait3A_655 = tpu.memref_slice %arg3[%dma_wait3A_654] : memref<1000000xi32, #tpu.memory_space<hbm>> -> memref<1000000xi32, #tpu.memory_space<hbm>>
    tpu.wait_indirect_dma semaphore(%arg7 : memref<!tpu.dma_semaphore, #tpu.memory_space<semaphore_mem>>) src(%dma_wait3A_655 : memref<1000000xi32, #tpu.memory_space<hbm>>) dst(%dma_wait3A_650 : memref<100xi32, #tpu.memory_space<vmem>>)
    %dma_wait3A_656 = arith.constant 449 : i32
    %dma_wait3A_657 = arith.constant 449 : i32
    %dma_wait3A_658 = arith.constant 0 : i32
    %dma_wait3A_659 = tpu.memref_slice %arg6[%dma_wait3A_657, %dma_wait3A_658] : memref<512x100xi32, #tpu.memory_space<vmem>> -> memref<1x100xi32, #tpu.memory_space<vmem>>
    %dma_wait3A_660 = tpu.memref_squeeze %dma_wait3A_659 : memref<1x100xi32, #tpu.memory_space<vmem>> -> memref<100xi32, #tpu.memory_space<vmem>>
    %dma_wait3A_661 = arith.constant 0 : i32
    %dma_wait3A_662 = tpu.memref_slice %arg5[%dma_wait3A_656, %dma_wait3A_661] : memref<512x100xi32, #tpu.memory_space<vmem>> -> memref<1x100xi32, #tpu.memory_space<vmem>>
    %dma_wait3A_663 = tpu.memref_squeeze %dma_wait3A_662 : memref<1x100xi32, #tpu.memory_space<vmem>> -> memref<100xi32, #tpu.memory_space<vmem>>
    %dma_wait3A_664 = arith.constant 0 : i32
    %dma_wait3A_665 = tpu.memref_slice %arg3[%dma_wait3A_664] : memref<1000000xi32, #tpu.memory_space<hbm>> -> memref<1000000xi32, #tpu.memory_space<hbm>>
    tpu.wait_indirect_dma semaphore(%arg7 : memref<!tpu.dma_semaphore, #tpu.memory_space<semaphore_mem>>) src(%dma_wait3A_665 : memref<1000000xi32, #tpu.memory_space<hbm>>) dst(%dma_wait3A_660 : memref<100xi32, #tpu.memory_space<vmem>>)
    %dma_wait3A_666 = arith.constant 450 : i32
    %dma_wait3A_667 = arith.constant 450 : i32
    %dma_wait3A_668 = arith.constant 0 : i32
    %dma_wait3A_669 = tpu.memref_slice %arg6[%dma_wait3A_667, %dma_wait3A_668] : memref<512x100xi32, #tpu.memory_space<vmem>> -> memref<1x100xi32, #tpu.memory_space<vmem>>
    %dma_wait3A_670 = tpu.memref_squeeze %dma_wait3A_669 : memref<1x100xi32, #tpu.memory_space<vmem>> -> memref<100xi32, #tpu.memory_space<vmem>>
    %dma_wait3A_671 = arith.constant 0 : i32
    %dma_wait3A_672 = tpu.memref_slice %arg5[%dma_wait3A_666, %dma_wait3A_671] : memref<512x100xi32, #tpu.memory_space<vmem>> -> memref<1x100xi32, #tpu.memory_space<vmem>>
    %dma_wait3A_673 = tpu.memref_squeeze %dma_wait3A_672 : memref<1x100xi32, #tpu.memory_space<vmem>> -> memref<100xi32, #tpu.memory_space<vmem>>
    %dma_wait3A_674 = arith.constant 0 : i32
    %dma_wait3A_675 = tpu.memref_slice %arg3[%dma_wait3A_674] : memref<1000000xi32, #tpu.memory_space<hbm>> -> memref<1000000xi32, #tpu.memory_space<hbm>>
    tpu.wait_indirect_dma semaphore(%arg7 : memref<!tpu.dma_semaphore, #tpu.memory_space<semaphore_mem>>) src(%dma_wait3A_675 : memref<1000000xi32, #tpu.memory_space<hbm>>) dst(%dma_wait3A_670 : memref<100xi32, #tpu.memory_space<vmem>>)
    %dma_wait3A_676 = arith.constant 451 : i32
    %dma_wait3A_677 = arith.constant 451 : i32
    %dma_wait3A_678 = arith.constant 0 : i32
    %dma_wait3A_679 = tpu.memref_slice %arg6[%dma_wait3A_677, %dma_wait3A_678] : memref<512x100xi32, #tpu.memory_space<vmem>> -> memref<1x100xi32, #tpu.memory_space<vmem>>
    %dma_wait3A_680 = tpu.memref_squeeze %dma_wait3A_679 : memref<1x100xi32, #tpu.memory_space<vmem>> -> memref<100xi32, #tpu.memory_space<vmem>>
    %dma_wait3A_681 = arith.constant 0 : i32
    %dma_wait3A_682 = tpu.memref_slice %arg5[%dma_wait3A_676, %dma_wait3A_681] : memref<512x100xi32, #tpu.memory_space<vmem>> -> memref<1x100xi32, #tpu.memory_space<vmem>>
    %dma_wait3A_683 = tpu.memref_squeeze %dma_wait3A_682 : memref<1x100xi32, #tpu.memory_space<vmem>> -> memref<100xi32, #tpu.memory_space<vmem>>
    %dma_wait3A_684 = arith.constant 0 : i32
    %dma_wait3A_685 = tpu.memref_slice %arg3[%dma_wait3A_684] : memref<1000000xi32, #tpu.memory_space<hbm>> -> memref<1000000xi32, #tpu.memory_space<hbm>>
    tpu.wait_indirect_dma semaphore(%arg7 : memref<!tpu.dma_semaphore, #tpu.memory_space<semaphore_mem>>) src(%dma_wait3A_685 : memref<1000000xi32, #tpu.memory_space<hbm>>) dst(%dma_wait3A_680 : memref<100xi32, #tpu.memory_space<vmem>>)
    %dma_wait3A_686 = arith.constant 452 : i32
    %dma_wait3A_687 = arith.constant 452 : i32
    %dma_wait3A_688 = arith.constant 0 : i32
    %dma_wait3A_689 = tpu.memref_slice %arg6[%dma_wait3A_687, %dma_wait3A_688] : memref<512x100xi32, #tpu.memory_space<vmem>> -> memref<1x100xi32, #tpu.memory_space<vmem>>
    %dma_wait3A_690 = tpu.memref_squeeze %dma_wait3A_689 : memref<1x100xi32, #tpu.memory_space<vmem>> -> memref<100xi32, #tpu.memory_space<vmem>>
    %dma_wait3A_691 = arith.constant 0 : i32
    %dma_wait3A_692 = tpu.memref_slice %arg5[%dma_wait3A_686, %dma_wait3A_691] : memref<512x100xi32, #tpu.memory_space<vmem>> -> memref<1x100xi32, #tpu.memory_space<vmem>>
    %dma_wait3A_693 = tpu.memref_squeeze %dma_wait3A_692 : memref<1x100xi32, #tpu.memory_space<vmem>> -> memref<100xi32, #tpu.memory_space<vmem>>
    %dma_wait3A_694 = arith.constant 0 : i32
    %dma_wait3A_695 = tpu.memref_slice %arg3[%dma_wait3A_694] : memref<1000000xi32, #tpu.memory_space<hbm>> -> memref<1000000xi32, #tpu.memory_space<hbm>>
    tpu.wait_indirect_dma semaphore(%arg7 : memref<!tpu.dma_semaphore, #tpu.memory_space<semaphore_mem>>) src(%dma_wait3A_695 : memref<1000000xi32, #tpu.memory_space<hbm>>) dst(%dma_wait3A_690 : memref<100xi32, #tpu.memory_space<vmem>>)
    %dma_wait3A_696 = arith.constant 453 : i32
    %dma_wait3A_697 = arith.constant 453 : i32
    %dma_wait3A_698 = arith.constant 0 : i32
    %dma_wait3A_699 = tpu.memref_slice %arg6[%dma_wait3A_697, %dma_wait3A_698] : memref<512x100xi32, #tpu.memory_space<vmem>> -> memref<1x100xi32, #tpu.memory_space<vmem>>
    %dma_wait3A_700 = tpu.memref_squeeze %dma_wait3A_699 : memref<1x100xi32, #tpu.memory_space<vmem>> -> memref<100xi32, #tpu.memory_space<vmem>>
    %dma_wait3A_701 = arith.constant 0 : i32
    %dma_wait3A_702 = tpu.memref_slice %arg5[%dma_wait3A_696, %dma_wait3A_701] : memref<512x100xi32, #tpu.memory_space<vmem>> -> memref<1x100xi32, #tpu.memory_space<vmem>>
    %dma_wait3A_703 = tpu.memref_squeeze %dma_wait3A_702 : memref<1x100xi32, #tpu.memory_space<vmem>> -> memref<100xi32, #tpu.memory_space<vmem>>
    %dma_wait3A_704 = arith.constant 0 : i32
    %dma_wait3A_705 = tpu.memref_slice %arg3[%dma_wait3A_704] : memref<1000000xi32, #tpu.memory_space<hbm>> -> memref<1000000xi32, #tpu.memory_space<hbm>>
    tpu.wait_indirect_dma semaphore(%arg7 : memref<!tpu.dma_semaphore, #tpu.memory_space<semaphore_mem>>) src(%dma_wait3A_705 : memref<1000000xi32, #tpu.memory_space<hbm>>) dst(%dma_wait3A_700 : memref<100xi32, #tpu.memory_space<vmem>>)
    %dma_wait3A_706 = arith.constant 454 : i32
    %dma_wait3A_707 = arith.constant 454 : i32
    %dma_wait3A_708 = arith.constant 0 : i32
    %dma_wait3A_709 = tpu.memref_slice %arg6[%dma_wait3A_707, %dma_wait3A_708] : memref<512x100xi32, #tpu.memory_space<vmem>> -> memref<1x100xi32, #tpu.memory_space<vmem>>
    %dma_wait3A_710 = tpu.memref_squeeze %dma_wait3A_709 : memref<1x100xi32, #tpu.memory_space<vmem>> -> memref<100xi32, #tpu.memory_space<vmem>>
    %dma_wait3A_711 = arith.constant 0 : i32
    %dma_wait3A_712 = tpu.memref_slice %arg5[%dma_wait3A_706, %dma_wait3A_711] : memref<512x100xi32, #tpu.memory_space<vmem>> -> memref<1x100xi32, #tpu.memory_space<vmem>>
    %dma_wait3A_713 = tpu.memref_squeeze %dma_wait3A_712 : memref<1x100xi32, #tpu.memory_space<vmem>> -> memref<100xi32, #tpu.memory_space<vmem>>
    %dma_wait3A_714 = arith.constant 0 : i32
    %dma_wait3A_715 = tpu.memref_slice %arg3[%dma_wait3A_714] : memref<1000000xi32, #tpu.memory_space<hbm>> -> memref<1000000xi32, #tpu.memory_space<hbm>>
    tpu.wait_indirect_dma semaphore(%arg7 : memref<!tpu.dma_semaphore, #tpu.memory_space<semaphore_mem>>) src(%dma_wait3A_715 : memref<1000000xi32, #tpu.memory_space<hbm>>) dst(%dma_wait3A_710 : memref<100xi32, #tpu.memory_space<vmem>>)
    %dma_wait3A_716 = arith.constant 455 : i32
    %dma_wait3A_717 = arith.constant 455 : i32
    %dma_wait3A_718 = arith.constant 0 : i32
    %dma_wait3A_719 = tpu.memref_slice %arg6[%dma_wait3A_717, %dma_wait3A_718] : memref<512x100xi32, #tpu.memory_space<vmem>> -> memref<1x100xi32, #tpu.memory_space<vmem>>
    %dma_wait3A_720 = tpu.memref_squeeze %dma_wait3A_719 : memref<1x100xi32, #tpu.memory_space<vmem>> -> memref<100xi32, #tpu.memory_space<vmem>>
    %dma_wait3A_721 = arith.constant 0 : i32
    %dma_wait3A_722 = tpu.memref_slice %arg5[%dma_wait3A_716, %dma_wait3A_721] : memref<512x100xi32, #tpu.memory_space<vmem>> -> memref<1x100xi32, #tpu.memory_space<vmem>>
    %dma_wait3A_723 = tpu.memref_squeeze %dma_wait3A_722 : memref<1x100xi32, #tpu.memory_space<vmem>> -> memref<100xi32, #tpu.memory_space<vmem>>
    %dma_wait3A_724 = arith.constant 0 : i32
    %dma_wait3A_725 = tpu.memref_slice %arg3[%dma_wait3A_724] : memref<1000000xi32, #tpu.memory_space<hbm>> -> memref<1000000xi32, #tpu.memory_space<hbm>>
    tpu.wait_indirect_dma semaphore(%arg7 : memref<!tpu.dma_semaphore, #tpu.memory_space<semaphore_mem>>) src(%dma_wait3A_725 : memref<1000000xi32, #tpu.memory_space<hbm>>) dst(%dma_wait3A_720 : memref<100xi32, #tpu.memory_space<vmem>>)
    %dma_wait3A_726 = arith.constant 456 : i32
    %dma_wait3A_727 = arith.constant 456 : i32
    %dma_wait3A_728 = arith.constant 0 : i32
    %dma_wait3A_729 = tpu.memref_slice %arg6[%dma_wait3A_727, %dma_wait3A_728] : memref<512x100xi32, #tpu.memory_space<vmem>> -> memref<1x100xi32, #tpu.memory_space<vmem>>
    %dma_wait3A_730 = tpu.memref_squeeze %dma_wait3A_729 : memref<1x100xi32, #tpu.memory_space<vmem>> -> memref<100xi32, #tpu.memory_space<vmem>>
    %dma_wait3A_731 = arith.constant 0 : i32
    %dma_wait3A_732 = tpu.memref_slice %arg5[%dma_wait3A_726, %dma_wait3A_731] : memref<512x100xi32, #tpu.memory_space<vmem>> -> memref<1x100xi32, #tpu.memory_space<vmem>>
    %dma_wait3A_733 = tpu.memref_squeeze %dma_wait3A_732 : memref<1x100xi32, #tpu.memory_space<vmem>> -> memref<100xi32, #tpu.memory_space<vmem>>
    %dma_wait3A_734 = arith.constant 0 : i32
    %dma_wait3A_735 = tpu.memref_slice %arg3[%dma_wait3A_734] : memref<1000000xi32, #tpu.memory_space<hbm>> -> memref<1000000xi32, #tpu.memory_space<hbm>>
    tpu.wait_indirect_dma semaphore(%arg7 : memref<!tpu.dma_semaphore, #tpu.memory_space<semaphore_mem>>) src(%dma_wait3A_735 : memref<1000000xi32, #tpu.memory_space<hbm>>) dst(%dma_wait3A_730 : memref<100xi32, #tpu.memory_space<vmem>>)
    %dma_wait3A_736 = arith.constant 457 : i32
    %dma_wait3A_737 = arith.constant 457 : i32
    %dma_wait3A_738 = arith.constant 0 : i32
    %dma_wait3A_739 = tpu.memref_slice %arg6[%dma_wait3A_737, %dma_wait3A_738] : memref<512x100xi32, #tpu.memory_space<vmem>> -> memref<1x100xi32, #tpu.memory_space<vmem>>
    %dma_wait3A_740 = tpu.memref_squeeze %dma_wait3A_739 : memref<1x100xi32, #tpu.memory_space<vmem>> -> memref<100xi32, #tpu.memory_space<vmem>>
    %dma_wait3A_741 = arith.constant 0 : i32
    %dma_wait3A_742 = tpu.memref_slice %arg5[%dma_wait3A_736, %dma_wait3A_741] : memref<512x100xi32, #tpu.memory_space<vmem>> -> memref<1x100xi32, #tpu.memory_space<vmem>>
    %dma_wait3A_743 = tpu.memref_squeeze %dma_wait3A_742 : memref<1x100xi32, #tpu.memory_space<vmem>> -> memref<100xi32, #tpu.memory_space<vmem>>
    %dma_wait3A_744 = arith.constant 0 : i32
    %dma_wait3A_745 = tpu.memref_slice %arg3[%dma_wait3A_744] : memref<1000000xi32, #tpu.memory_space<hbm>> -> memref<1000000xi32, #tpu.memory_space<hbm>>
    tpu.wait_indirect_dma semaphore(%arg7 : memref<!tpu.dma_semaphore, #tpu.memory_space<semaphore_mem>>) src(%dma_wait3A_745 : memref<1000000xi32, #tpu.memory_space<hbm>>) dst(%dma_wait3A_740 : memref<100xi32, #tpu.memory_space<vmem>>)
    %dma_wait3A_746 = arith.constant 458 : i32
    %dma_wait3A_747 = arith.constant 458 : i32
    %dma_wait3A_748 = arith.constant 0 : i32
    %dma_wait3A_749 = tpu.memref_slice %arg6[%dma_wait3A_747, %dma_wait3A_748] : memref<512x100xi32, #tpu.memory_space<vmem>> -> memref<1x100xi32, #tpu.memory_space<vmem>>
    %dma_wait3A_750 = tpu.memref_squeeze %dma_wait3A_749 : memref<1x100xi32, #tpu.memory_space<vmem>> -> memref<100xi32, #tpu.memory_space<vmem>>
    %dma_wait3A_751 = arith.constant 0 : i32
    %dma_wait3A_752 = tpu.memref_slice %arg5[%dma_wait3A_746, %dma_wait3A_751] : memref<512x100xi32, #tpu.memory_space<vmem>> -> memref<1x100xi32, #tpu.memory_space<vmem>>
    %dma_wait3A_753 = tpu.memref_squeeze %dma_wait3A_752 : memref<1x100xi32, #tpu.memory_space<vmem>> -> memref<100xi32, #tpu.memory_space<vmem>>
    %dma_wait3A_754 = arith.constant 0 : i32
    %dma_wait3A_755 = tpu.memref_slice %arg3[%dma_wait3A_754] : memref<1000000xi32, #tpu.memory_space<hbm>> -> memref<1000000xi32, #tpu.memory_space<hbm>>
    tpu.wait_indirect_dma semaphore(%arg7 : memref<!tpu.dma_semaphore, #tpu.memory_space<semaphore_mem>>) src(%dma_wait3A_755 : memref<1000000xi32, #tpu.memory_space<hbm>>) dst(%dma_wait3A_750 : memref<100xi32, #tpu.memory_space<vmem>>)
    %dma_wait3A_756 = arith.constant 459 : i32
    %dma_wait3A_757 = arith.constant 459 : i32
    %dma_wait3A_758 = arith.constant 0 : i32
    %dma_wait3A_759 = tpu.memref_slice %arg6[%dma_wait3A_757, %dma_wait3A_758] : memref<512x100xi32, #tpu.memory_space<vmem>> -> memref<1x100xi32, #tpu.memory_space<vmem>>
    %dma_wait3A_760 = tpu.memref_squeeze %dma_wait3A_759 : memref<1x100xi32, #tpu.memory_space<vmem>> -> memref<100xi32, #tpu.memory_space<vmem>>
    %dma_wait3A_761 = arith.constant 0 : i32
    %dma_wait3A_762 = tpu.memref_slice %arg5[%dma_wait3A_756, %dma_wait3A_761] : memref<512x100xi32, #tpu.memory_space<vmem>> -> memref<1x100xi32, #tpu.memory_space<vmem>>
    %dma_wait3A_763 = tpu.memref_squeeze %dma_wait3A_762 : memref<1x100xi32, #tpu.memory_space<vmem>> -> memref<100xi32, #tpu.memory_space<vmem>>
    %dma_wait3A_764 = arith.constant 0 : i32
    %dma_wait3A_765 = tpu.memref_slice %arg3[%dma_wait3A_764] : memref<1000000xi32, #tpu.memory_space<hbm>> -> memref<1000000xi32, #tpu.memory_space<hbm>>
    tpu.wait_indirect_dma semaphore(%arg7 : memref<!tpu.dma_semaphore, #tpu.memory_space<semaphore_mem>>) src(%dma_wait3A_765 : memref<1000000xi32, #tpu.memory_space<hbm>>) dst(%dma_wait3A_760 : memref<100xi32, #tpu.memory_space<vmem>>)
    %dma_wait3A_766 = arith.constant 460 : i32
    %dma_wait3A_767 = arith.constant 460 : i32
    %dma_wait3A_768 = arith.constant 0 : i32
    %dma_wait3A_769 = tpu.memref_slice %arg6[%dma_wait3A_767, %dma_wait3A_768] : memref<512x100xi32, #tpu.memory_space<vmem>> -> memref<1x100xi32, #tpu.memory_space<vmem>>
    %dma_wait3A_770 = tpu.memref_squeeze %dma_wait3A_769 : memref<1x100xi32, #tpu.memory_space<vmem>> -> memref<100xi32, #tpu.memory_space<vmem>>
    %dma_wait3A_771 = arith.constant 0 : i32
    %dma_wait3A_772 = tpu.memref_slice %arg5[%dma_wait3A_766, %dma_wait3A_771] : memref<512x100xi32, #tpu.memory_space<vmem>> -> memref<1x100xi32, #tpu.memory_space<vmem>>
    %dma_wait3A_773 = tpu.memref_squeeze %dma_wait3A_772 : memref<1x100xi32, #tpu.memory_space<vmem>> -> memref<100xi32, #tpu.memory_space<vmem>>
    %dma_wait3A_774 = arith.constant 0 : i32
    %dma_wait3A_775 = tpu.memref_slice %arg3[%dma_wait3A_774] : memref<1000000xi32, #tpu.memory_space<hbm>> -> memref<1000000xi32, #tpu.memory_space<hbm>>
    tpu.wait_indirect_dma semaphore(%arg7 : memref<!tpu.dma_semaphore, #tpu.memory_space<semaphore_mem>>) src(%dma_wait3A_775 : memref<1000000xi32, #tpu.memory_space<hbm>>) dst(%dma_wait3A_770 : memref<100xi32, #tpu.memory_space<vmem>>)
    %dma_wait3A_776 = arith.constant 461 : i32
    %dma_wait3A_777 = arith.constant 461 : i32
    %dma_wait3A_778 = arith.constant 0 : i32
    %dma_wait3A_779 = tpu.memref_slice %arg6[%dma_wait3A_777, %dma_wait3A_778] : memref<512x100xi32, #tpu.memory_space<vmem>> -> memref<1x100xi32, #tpu.memory_space<vmem>>
    %dma_wait3A_780 = tpu.memref_squeeze %dma_wait3A_779 : memref<1x100xi32, #tpu.memory_space<vmem>> -> memref<100xi32, #tpu.memory_space<vmem>>
    %dma_wait3A_781 = arith.constant 0 : i32
    %dma_wait3A_782 = tpu.memref_slice %arg5[%dma_wait3A_776, %dma_wait3A_781] : memref<512x100xi32, #tpu.memory_space<vmem>> -> memref<1x100xi32, #tpu.memory_space<vmem>>
    %dma_wait3A_783 = tpu.memref_squeeze %dma_wait3A_782 : memref<1x100xi32, #tpu.memory_space<vmem>> -> memref<100xi32, #tpu.memory_space<vmem>>
    %dma_wait3A_784 = arith.constant 0 : i32
    %dma_wait3A_785 = tpu.memref_slice %arg3[%dma_wait3A_784] : memref<1000000xi32, #tpu.memory_space<hbm>> -> memref<1000000xi32, #tpu.memory_space<hbm>>
    tpu.wait_indirect_dma semaphore(%arg7 : memref<!tpu.dma_semaphore, #tpu.memory_space<semaphore_mem>>) src(%dma_wait3A_785 : memref<1000000xi32, #tpu.memory_space<hbm>>) dst(%dma_wait3A_780 : memref<100xi32, #tpu.memory_space<vmem>>)
    %dma_wait3A_786 = arith.constant 462 : i32
    %dma_wait3A_787 = arith.constant 462 : i32
    %dma_wait3A_788 = arith.constant 0 : i32
    %dma_wait3A_789 = tpu.memref_slice %arg6[%dma_wait3A_787, %dma_wait3A_788] : memref<512x100xi32, #tpu.memory_space<vmem>> -> memref<1x100xi32, #tpu.memory_space<vmem>>
    %dma_wait3A_790 = tpu.memref_squeeze %dma_wait3A_789 : memref<1x100xi32, #tpu.memory_space<vmem>> -> memref<100xi32, #tpu.memory_space<vmem>>
    %dma_wait3A_791 = arith.constant 0 : i32
    %dma_wait3A_792 = tpu.memref_slice %arg5[%dma_wait3A_786, %dma_wait3A_791] : memref<512x100xi32, #tpu.memory_space<vmem>> -> memref<1x100xi32, #tpu.memory_space<vmem>>
    %dma_wait3A_793 = tpu.memref_squeeze %dma_wait3A_792 : memref<1x100xi32, #tpu.memory_space<vmem>> -> memref<100xi32, #tpu.memory_space<vmem>>
    %dma_wait3A_794 = arith.constant 0 : i32
    %dma_wait3A_795 = tpu.memref_slice %arg3[%dma_wait3A_794] : memref<1000000xi32, #tpu.memory_space<hbm>> -> memref<1000000xi32, #tpu.memory_space<hbm>>
    tpu.wait_indirect_dma semaphore(%arg7 : memref<!tpu.dma_semaphore, #tpu.memory_space<semaphore_mem>>) src(%dma_wait3A_795 : memref<1000000xi32, #tpu.memory_space<hbm>>) dst(%dma_wait3A_790 : memref<100xi32, #tpu.memory_space<vmem>>)
    %dma_wait3A_796 = arith.constant 463 : i32
    %dma_wait3A_797 = arith.constant 463 : i32
    %dma_wait3A_798 = arith.constant 0 : i32
    %dma_wait3A_799 = tpu.memref_slice %arg6[%dma_wait3A_797, %dma_wait3A_798] : memref<512x100xi32, #tpu.memory_space<vmem>> -> memref<1x100xi32, #tpu.memory_space<vmem>>
    %dma_wait3A_800 = tpu.memref_squeeze %dma_wait3A_799 : memref<1x100xi32, #tpu.memory_space<vmem>> -> memref<100xi32, #tpu.memory_space<vmem>>
    %dma_wait3A_801 = arith.constant 0 : i32
    %dma_wait3A_802 = tpu.memref_slice %arg5[%dma_wait3A_796, %dma_wait3A_801] : memref<512x100xi32, #tpu.memory_space<vmem>> -> memref<1x100xi32, #tpu.memory_space<vmem>>
    %dma_wait3A_803 = tpu.memref_squeeze %dma_wait3A_802 : memref<1x100xi32, #tpu.memory_space<vmem>> -> memref<100xi32, #tpu.memory_space<vmem>>
    %dma_wait3A_804 = arith.constant 0 : i32
    %dma_wait3A_805 = tpu.memref_slice %arg3[%dma_wait3A_804] : memref<1000000xi32, #tpu.memory_space<hbm>> -> memref<1000000xi32, #tpu.memory_space<hbm>>
    tpu.wait_indirect_dma semaphore(%arg7 : memref<!tpu.dma_semaphore, #tpu.memory_space<semaphore_mem>>) src(%dma_wait3A_805 : memref<1000000xi32, #tpu.memory_space<hbm>>) dst(%dma_wait3A_800 : memref<100xi32, #tpu.memory_space<vmem>>)
    %dma_wait3A_806 = arith.constant 464 : i32
    %dma_wait3A_807 = arith.constant 464 : i32
    %dma_wait3A_808 = arith.constant 0 : i32
    %dma_wait3A_809 = tpu.memref_slice %arg6[%dma_wait3A_807, %dma_wait3A_808] : memref<512x100xi32, #tpu.memory_space<vmem>> -> memref<1x100xi32, #tpu.memory_space<vmem>>
    %dma_wait3A_810 = tpu.memref_squeeze %dma_wait3A_809 : memref<1x100xi32, #tpu.memory_space<vmem>> -> memref<100xi32, #tpu.memory_space<vmem>>
    %dma_wait3A_811 = arith.constant 0 : i32
    %dma_wait3A_812 = tpu.memref_slice %arg5[%dma_wait3A_806, %dma_wait3A_811] : memref<512x100xi32, #tpu.memory_space<vmem>> -> memref<1x100xi32, #tpu.memory_space<vmem>>
    %dma_wait3A_813 = tpu.memref_squeeze %dma_wait3A_812 : memref<1x100xi32, #tpu.memory_space<vmem>> -> memref<100xi32, #tpu.memory_space<vmem>>
    %dma_wait3A_814 = arith.constant 0 : i32
    %dma_wait3A_815 = tpu.memref_slice %arg3[%dma_wait3A_814] : memref<1000000xi32, #tpu.memory_space<hbm>> -> memref<1000000xi32, #tpu.memory_space<hbm>>
    tpu.wait_indirect_dma semaphore(%arg7 : memref<!tpu.dma_semaphore, #tpu.memory_space<semaphore_mem>>) src(%dma_wait3A_815 : memref<1000000xi32, #tpu.memory_space<hbm>>) dst(%dma_wait3A_810 : memref<100xi32, #tpu.memory_space<vmem>>)
    %dma_wait3A_816 = arith.constant 465 : i32
    %dma_wait3A_817 = arith.constant 465 : i32
    %dma_wait3A_818 = arith.constant 0 : i32
    %dma_wait3A_819 = tpu.memref_slice %arg6[%dma_wait3A_817, %dma_wait3A_818] : memref<512x100xi32, #tpu.memory_space<vmem>> -> memref<1x100xi32, #tpu.memory_space<vmem>>
    %dma_wait3A_820 = tpu.memref_squeeze %dma_wait3A_819 : memref<1x100xi32, #tpu.memory_space<vmem>> -> memref<100xi32, #tpu.memory_space<vmem>>
    %dma_wait3A_821 = arith.constant 0 : i32
    %dma_wait3A_822 = tpu.memref_slice %arg5[%dma_wait3A_816, %dma_wait3A_821] : memref<512x100xi32, #tpu.memory_space<vmem>> -> memref<1x100xi32, #tpu.memory_space<vmem>>
    %dma_wait3A_823 = tpu.memref_squeeze %dma_wait3A_822 : memref<1x100xi32, #tpu.memory_space<vmem>> -> memref<100xi32, #tpu.memory_space<vmem>>
    %dma_wait3A_824 = arith.constant 0 : i32
    %dma_wait3A_825 = tpu.memref_slice %arg3[%dma_wait3A_824] : memref<1000000xi32, #tpu.memory_space<hbm>> -> memref<1000000xi32, #tpu.memory_space<hbm>>
    tpu.wait_indirect_dma semaphore(%arg7 : memref<!tpu.dma_semaphore, #tpu.memory_space<semaphore_mem>>) src(%dma_wait3A_825 : memref<1000000xi32, #tpu.memory_space<hbm>>) dst(%dma_wait3A_820 : memref<100xi32, #tpu.memory_space<vmem>>)
    %dma_wait3A_826 = arith.constant 466 : i32
    %dma_wait3A_827 = arith.constant 466 : i32
    %dma_wait3A_828 = arith.constant 0 : i32
    %dma_wait3A_829 = tpu.memref_slice %arg6[%dma_wait3A_827, %dma_wait3A_828] : memref<512x100xi32, #tpu.memory_space<vmem>> -> memref<1x100xi32, #tpu.memory_space<vmem>>
    %dma_wait3A_830 = tpu.memref_squeeze %dma_wait3A_829 : memref<1x100xi32, #tpu.memory_space<vmem>> -> memref<100xi32, #tpu.memory_space<vmem>>
    %dma_wait3A_831 = arith.constant 0 : i32
    %dma_wait3A_832 = tpu.memref_slice %arg5[%dma_wait3A_826, %dma_wait3A_831] : memref<512x100xi32, #tpu.memory_space<vmem>> -> memref<1x100xi32, #tpu.memory_space<vmem>>
    %dma_wait3A_833 = tpu.memref_squeeze %dma_wait3A_832 : memref<1x100xi32, #tpu.memory_space<vmem>> -> memref<100xi32, #tpu.memory_space<vmem>>
    %dma_wait3A_834 = arith.constant 0 : i32
    %dma_wait3A_835 = tpu.memref_slice %arg3[%dma_wait3A_834] : memref<1000000xi32, #tpu.memory_space<hbm>> -> memref<1000000xi32, #tpu.memory_space<hbm>>
    tpu.wait_indirect_dma semaphore(%arg7 : memref<!tpu.dma_semaphore, #tpu.memory_space<semaphore_mem>>) src(%dma_wait3A_835 : memref<1000000xi32, #tpu.memory_space<hbm>>) dst(%dma_wait3A_830 : memref<100xi32, #tpu.memory_space<vmem>>)
    %dma_wait3A_836 = arith.constant 467 : i32
    %dma_wait3A_837 = arith.constant 467 : i32
    %dma_wait3A_838 = arith.constant 0 : i32
    %dma_wait3A_839 = tpu.memref_slice %arg6[%dma_wait3A_837, %dma_wait3A_838] : memref<512x100xi32, #tpu.memory_space<vmem>> -> memref<1x100xi32, #tpu.memory_space<vmem>>
    %dma_wait3A_840 = tpu.memref_squeeze %dma_wait3A_839 : memref<1x100xi32, #tpu.memory_space<vmem>> -> memref<100xi32, #tpu.memory_space<vmem>>
    %dma_wait3A_841 = arith.constant 0 : i32
    %dma_wait3A_842 = tpu.memref_slice %arg5[%dma_wait3A_836, %dma_wait3A_841] : memref<512x100xi32, #tpu.memory_space<vmem>> -> memref<1x100xi32, #tpu.memory_space<vmem>>
    %dma_wait3A_843 = tpu.memref_squeeze %dma_wait3A_842 : memref<1x100xi32, #tpu.memory_space<vmem>> -> memref<100xi32, #tpu.memory_space<vmem>>
    %dma_wait3A_844 = arith.constant 0 : i32
    %dma_wait3A_845 = tpu.memref_slice %arg3[%dma_wait3A_844] : memref<1000000xi32, #tpu.memory_space<hbm>> -> memref<1000000xi32, #tpu.memory_space<hbm>>
    tpu.wait_indirect_dma semaphore(%arg7 : memref<!tpu.dma_semaphore, #tpu.memory_space<semaphore_mem>>) src(%dma_wait3A_845 : memref<1000000xi32, #tpu.memory_space<hbm>>) dst(%dma_wait3A_840 : memref<100xi32, #tpu.memory_space<vmem>>)
    %dma_wait3A_846 = arith.constant 468 : i32
    %dma_wait3A_847 = arith.constant 468 : i32
    %dma_wait3A_848 = arith.constant 0 : i32
    %dma_wait3A_849 = tpu.memref_slice %arg6[%dma_wait3A_847, %dma_wait3A_848] : memref<512x100xi32, #tpu.memory_space<vmem>> -> memref<1x100xi32, #tpu.memory_space<vmem>>
    %dma_wait3A_850 = tpu.memref_squeeze %dma_wait3A_849 : memref<1x100xi32, #tpu.memory_space<vmem>> -> memref<100xi32, #tpu.memory_space<vmem>>
    %dma_wait3A_851 = arith.constant 0 : i32
    %dma_wait3A_852 = tpu.memref_slice %arg5[%dma_wait3A_846, %dma_wait3A_851] : memref<512x100xi32, #tpu.memory_space<vmem>> -> memref<1x100xi32, #tpu.memory_space<vmem>>
    %dma_wait3A_853 = tpu.memref_squeeze %dma_wait3A_852 : memref<1x100xi32, #tpu.memory_space<vmem>> -> memref<100xi32, #tpu.memory_space<vmem>>
    %dma_wait3A_854 = arith.constant 0 : i32
    %dma_wait3A_855 = tpu.memref_slice %arg3[%dma_wait3A_854] : memref<1000000xi32, #tpu.memory_space<hbm>> -> memref<1000000xi32, #tpu.memory_space<hbm>>
    tpu.wait_indirect_dma semaphore(%arg7 : memref<!tpu.dma_semaphore, #tpu.memory_space<semaphore_mem>>) src(%dma_wait3A_855 : memref<1000000xi32, #tpu.memory_space<hbm>>) dst(%dma_wait3A_850 : memref<100xi32, #tpu.memory_space<vmem>>)
    %dma_wait3A_856 = arith.constant 469 : i32
    %dma_wait3A_857 = arith.constant 469 : i32
    %dma_wait3A_858 = arith.constant 0 : i32
    %dma_wait3A_859 = tpu.memref_slice %arg6[%dma_wait3A_857, %dma_wait3A_858] : memref<512x100xi32, #tpu.memory_space<vmem>> -> memref<1x100xi32, #tpu.memory_space<vmem>>
    %dma_wait3A_860 = tpu.memref_squeeze %dma_wait3A_859 : memref<1x100xi32, #tpu.memory_space<vmem>> -> memref<100xi32, #tpu.memory_space<vmem>>
    %dma_wait3A_861 = arith.constant 0 : i32
    %dma_wait3A_862 = tpu.memref_slice %arg5[%dma_wait3A_856, %dma_wait3A_861] : memref<512x100xi32, #tpu.memory_space<vmem>> -> memref<1x100xi32, #tpu.memory_space<vmem>>
    %dma_wait3A_863 = tpu.memref_squeeze %dma_wait3A_862 : memref<1x100xi32, #tpu.memory_space<vmem>> -> memref<100xi32, #tpu.memory_space<vmem>>
    %dma_wait3A_864 = arith.constant 0 : i32
    %dma_wait3A_865 = tpu.memref_slice %arg3[%dma_wait3A_864] : memref<1000000xi32, #tpu.memory_space<hbm>> -> memref<1000000xi32, #tpu.memory_space<hbm>>
    tpu.wait_indirect_dma semaphore(%arg7 : memref<!tpu.dma_semaphore, #tpu.memory_space<semaphore_mem>>) src(%dma_wait3A_865 : memref<1000000xi32, #tpu.memory_space<hbm>>) dst(%dma_wait3A_860 : memref<100xi32, #tpu.memory_space<vmem>>)
    %dma_wait3A_866 = arith.constant 470 : i32
    %dma_wait3A_867 = arith.constant 470 : i32
    %dma_wait3A_868 = arith.constant 0 : i32
    %dma_wait3A_869 = tpu.memref_slice %arg6[%dma_wait3A_867, %dma_wait3A_868] : memref<512x100xi32, #tpu.memory_space<vmem>> -> memref<1x100xi32, #tpu.memory_space<vmem>>
    %dma_wait3A_870 = tpu.memref_squeeze %dma_wait3A_869 : memref<1x100xi32, #tpu.memory_space<vmem>> -> memref<100xi32, #tpu.memory_space<vmem>>
    %dma_wait3A_871 = arith.constant 0 : i32
    %dma_wait3A_872 = tpu.memref_slice %arg5[%dma_wait3A_866, %dma_wait3A_871] : memref<512x100xi32, #tpu.memory_space<vmem>> -> memref<1x100xi32, #tpu.memory_space<vmem>>
    %dma_wait3A_873 = tpu.memref_squeeze %dma_wait3A_872 : memref<1x100xi32, #tpu.memory_space<vmem>> -> memref<100xi32, #tpu.memory_space<vmem>>
    %dma_wait3A_874 = arith.constant 0 : i32
    %dma_wait3A_875 = tpu.memref_slice %arg3[%dma_wait3A_874] : memref<1000000xi32, #tpu.memory_space<hbm>> -> memref<1000000xi32, #tpu.memory_space<hbm>>
    tpu.wait_indirect_dma semaphore(%arg7 : memref<!tpu.dma_semaphore, #tpu.memory_space<semaphore_mem>>) src(%dma_wait3A_875 : memref<1000000xi32, #tpu.memory_space<hbm>>) dst(%dma_wait3A_870 : memref<100xi32, #tpu.memory_space<vmem>>)
    %dma_wait3A_876 = arith.constant 471 : i32
    %dma_wait3A_877 = arith.constant 471 : i32
    %dma_wait3A_878 = arith.constant 0 : i32
    %dma_wait3A_879 = tpu.memref_slice %arg6[%dma_wait3A_877, %dma_wait3A_878] : memref<512x100xi32, #tpu.memory_space<vmem>> -> memref<1x100xi32, #tpu.memory_space<vmem>>
    %dma_wait3A_880 = tpu.memref_squeeze %dma_wait3A_879 : memref<1x100xi32, #tpu.memory_space<vmem>> -> memref<100xi32, #tpu.memory_space<vmem>>
    %dma_wait3A_881 = arith.constant 0 : i32
    %dma_wait3A_882 = tpu.memref_slice %arg5[%dma_wait3A_876, %dma_wait3A_881] : memref<512x100xi32, #tpu.memory_space<vmem>> -> memref<1x100xi32, #tpu.memory_space<vmem>>
    %dma_wait3A_883 = tpu.memref_squeeze %dma_wait3A_882 : memref<1x100xi32, #tpu.memory_space<vmem>> -> memref<100xi32, #tpu.memory_space<vmem>>
    %dma_wait3A_884 = arith.constant 0 : i32
    %dma_wait3A_885 = tpu.memref_slice %arg3[%dma_wait3A_884] : memref<1000000xi32, #tpu.memory_space<hbm>> -> memref<1000000xi32, #tpu.memory_space<hbm>>
    tpu.wait_indirect_dma semaphore(%arg7 : memref<!tpu.dma_semaphore, #tpu.memory_space<semaphore_mem>>) src(%dma_wait3A_885 : memref<1000000xi32, #tpu.memory_space<hbm>>) dst(%dma_wait3A_880 : memref<100xi32, #tpu.memory_space<vmem>>)
    %dma_wait3A_886 = arith.constant 472 : i32
    %dma_wait3A_887 = arith.constant 472 : i32
    %dma_wait3A_888 = arith.constant 0 : i32
    %dma_wait3A_889 = tpu.memref_slice %arg6[%dma_wait3A_887, %dma_wait3A_888] : memref<512x100xi32, #tpu.memory_space<vmem>> -> memref<1x100xi32, #tpu.memory_space<vmem>>
    %dma_wait3A_890 = tpu.memref_squeeze %dma_wait3A_889 : memref<1x100xi32, #tpu.memory_space<vmem>> -> memref<100xi32, #tpu.memory_space<vmem>>
    %dma_wait3A_891 = arith.constant 0 : i32
    %dma_wait3A_892 = tpu.memref_slice %arg5[%dma_wait3A_886, %dma_wait3A_891] : memref<512x100xi32, #tpu.memory_space<vmem>> -> memref<1x100xi32, #tpu.memory_space<vmem>>
    %dma_wait3A_893 = tpu.memref_squeeze %dma_wait3A_892 : memref<1x100xi32, #tpu.memory_space<vmem>> -> memref<100xi32, #tpu.memory_space<vmem>>
    %dma_wait3A_894 = arith.constant 0 : i32
    %dma_wait3A_895 = tpu.memref_slice %arg3[%dma_wait3A_894] : memref<1000000xi32, #tpu.memory_space<hbm>> -> memref<1000000xi32, #tpu.memory_space<hbm>>
    tpu.wait_indirect_dma semaphore(%arg7 : memref<!tpu.dma_semaphore, #tpu.memory_space<semaphore_mem>>) src(%dma_wait3A_895 : memref<1000000xi32, #tpu.memory_space<hbm>>) dst(%dma_wait3A_890 : memref<100xi32, #tpu.memory_space<vmem>>)
    %dma_wait3A_896 = arith.constant 473 : i32
    %dma_wait3A_897 = arith.constant 473 : i32
    %dma_wait3A_898 = arith.constant 0 : i32
    %dma_wait3A_899 = tpu.memref_slice %arg6[%dma_wait3A_897, %dma_wait3A_898] : memref<512x100xi32, #tpu.memory_space<vmem>> -> memref<1x100xi32, #tpu.memory_space<vmem>>
    %dma_wait3A_900 = tpu.memref_squeeze %dma_wait3A_899 : memref<1x100xi32, #tpu.memory_space<vmem>> -> memref<100xi32, #tpu.memory_space<vmem>>
    %dma_wait3A_901 = arith.constant 0 : i32
    %dma_wait3A_902 = tpu.memref_slice %arg5[%dma_wait3A_896, %dma_wait3A_901] : memref<512x100xi32, #tpu.memory_space<vmem>> -> memref<1x100xi32, #tpu.memory_space<vmem>>
    %dma_wait3A_903 = tpu.memref_squeeze %dma_wait3A_902 : memref<1x100xi32, #tpu.memory_space<vmem>> -> memref<100xi32, #tpu.memory_space<vmem>>
    %dma_wait3A_904 = arith.constant 0 : i32
    %dma_wait3A_905 = tpu.memref_slice %arg3[%dma_wait3A_904] : memref<1000000xi32, #tpu.memory_space<hbm>> -> memref<1000000xi32, #tpu.memory_space<hbm>>
    tpu.wait_indirect_dma semaphore(%arg7 : memref<!tpu.dma_semaphore, #tpu.memory_space<semaphore_mem>>) src(%dma_wait3A_905 : memref<1000000xi32, #tpu.memory_space<hbm>>) dst(%dma_wait3A_900 : memref<100xi32, #tpu.memory_space<vmem>>)
    %dma_wait3A_906 = arith.constant 474 : i32
    %dma_wait3A_907 = arith.constant 474 : i32
    %dma_wait3A_908 = arith.constant 0 : i32
    %dma_wait3A_909 = tpu.memref_slice %arg6[%dma_wait3A_907, %dma_wait3A_908] : memref<512x100xi32, #tpu.memory_space<vmem>> -> memref<1x100xi32, #tpu.memory_space<vmem>>
    %dma_wait3A_910 = tpu.memref_squeeze %dma_wait3A_909 : memref<1x100xi32, #tpu.memory_space<vmem>> -> memref<100xi32, #tpu.memory_space<vmem>>
    %dma_wait3A_911 = arith.constant 0 : i32
    %dma_wait3A_912 = tpu.memref_slice %arg5[%dma_wait3A_906, %dma_wait3A_911] : memref<512x100xi32, #tpu.memory_space<vmem>> -> memref<1x100xi32, #tpu.memory_space<vmem>>
    %dma_wait3A_913 = tpu.memref_squeeze %dma_wait3A_912 : memref<1x100xi32, #tpu.memory_space<vmem>> -> memref<100xi32, #tpu.memory_space<vmem>>
    %dma_wait3A_914 = arith.constant 0 : i32
    %dma_wait3A_915 = tpu.memref_slice %arg3[%dma_wait3A_914] : memref<1000000xi32, #tpu.memory_space<hbm>> -> memref<1000000xi32, #tpu.memory_space<hbm>>
    tpu.wait_indirect_dma semaphore(%arg7 : memref<!tpu.dma_semaphore, #tpu.memory_space<semaphore_mem>>) src(%dma_wait3A_915 : memref<1000000xi32, #tpu.memory_space<hbm>>) dst(%dma_wait3A_910 : memref<100xi32, #tpu.memory_space<vmem>>)
    %dma_wait3A_916 = arith.constant 475 : i32
    %dma_wait3A_917 = arith.constant 475 : i32
    %dma_wait3A_918 = arith.constant 0 : i32
    %dma_wait3A_919 = tpu.memref_slice %arg6[%dma_wait3A_917, %dma_wait3A_918] : memref<512x100xi32, #tpu.memory_space<vmem>> -> memref<1x100xi32, #tpu.memory_space<vmem>>
    %dma_wait3A_920 = tpu.memref_squeeze %dma_wait3A_919 : memref<1x100xi32, #tpu.memory_space<vmem>> -> memref<100xi32, #tpu.memory_space<vmem>>
    %dma_wait3A_921 = arith.constant 0 : i32
    %dma_wait3A_922 = tpu.memref_slice %arg5[%dma_wait3A_916, %dma_wait3A_921] : memref<512x100xi32, #tpu.memory_space<vmem>> -> memref<1x100xi32, #tpu.memory_space<vmem>>
    %dma_wait3A_923 = tpu.memref_squeeze %dma_wait3A_922 : memref<1x100xi32, #tpu.memory_space<vmem>> -> memref<100xi32, #tpu.memory_space<vmem>>
    %dma_wait3A_924 = arith.constant 0 : i32
    %dma_wait3A_925 = tpu.memref_slice %arg3[%dma_wait3A_924] : memref<1000000xi32, #tpu.memory_space<hbm>> -> memref<1000000xi32, #tpu.memory_space<hbm>>
    tpu.wait_indirect_dma semaphore(%arg7 : memref<!tpu.dma_semaphore, #tpu.memory_space<semaphore_mem>>) src(%dma_wait3A_925 : memref<1000000xi32, #tpu.memory_space<hbm>>) dst(%dma_wait3A_920 : memref<100xi32, #tpu.memory_space<vmem>>)
    %dma_wait3A_926 = arith.constant 476 : i32
    %dma_wait3A_927 = arith.constant 476 : i32
    %dma_wait3A_928 = arith.constant 0 : i32
    %dma_wait3A_929 = tpu.memref_slice %arg6[%dma_wait3A_927, %dma_wait3A_928] : memref<512x100xi32, #tpu.memory_space<vmem>> -> memref<1x100xi32, #tpu.memory_space<vmem>>
    %dma_wait3A_930 = tpu.memref_squeeze %dma_wait3A_929 : memref<1x100xi32, #tpu.memory_space<vmem>> -> memref<100xi32, #tpu.memory_space<vmem>>
    %dma_wait3A_931 = arith.constant 0 : i32
    %dma_wait3A_932 = tpu.memref_slice %arg5[%dma_wait3A_926, %dma_wait3A_931] : memref<512x100xi32, #tpu.memory_space<vmem>> -> memref<1x100xi32, #tpu.memory_space<vmem>>
    %dma_wait3A_933 = tpu.memref_squeeze %dma_wait3A_932 : memref<1x100xi32, #tpu.memory_space<vmem>> -> memref<100xi32, #tpu.memory_space<vmem>>
    %dma_wait3A_934 = arith.constant 0 : i32
    %dma_wait3A_935 = tpu.memref_slice %arg3[%dma_wait3A_934] : memref<1000000xi32, #tpu.memory_space<hbm>> -> memref<1000000xi32, #tpu.memory_space<hbm>>
    tpu.wait_indirect_dma semaphore(%arg7 : memref<!tpu.dma_semaphore, #tpu.memory_space<semaphore_mem>>) src(%dma_wait3A_935 : memref<1000000xi32, #tpu.memory_space<hbm>>) dst(%dma_wait3A_930 : memref<100xi32, #tpu.memory_space<vmem>>)
    %dma_wait3A_936 = arith.constant 477 : i32
    %dma_wait3A_937 = arith.constant 477 : i32
    %dma_wait3A_938 = arith.constant 0 : i32
    %dma_wait3A_939 = tpu.memref_slice %arg6[%dma_wait3A_937, %dma_wait3A_938] : memref<512x100xi32, #tpu.memory_space<vmem>> -> memref<1x100xi32, #tpu.memory_space<vmem>>
    %dma_wait3A_940 = tpu.memref_squeeze %dma_wait3A_939 : memref<1x100xi32, #tpu.memory_space<vmem>> -> memref<100xi32, #tpu.memory_space<vmem>>
    %dma_wait3A_941 = arith.constant 0 : i32
    %dma_wait3A_942 = tpu.memref_slice %arg5[%dma_wait3A_936, %dma_wait3A_941] : memref<512x100xi32, #tpu.memory_space<vmem>> -> memref<1x100xi32, #tpu.memory_space<vmem>>
    %dma_wait3A_943 = tpu.memref_squeeze %dma_wait3A_942 : memref<1x100xi32, #tpu.memory_space<vmem>> -> memref<100xi32, #tpu.memory_space<vmem>>
    %dma_wait3A_944 = arith.constant 0 : i32
    %dma_wait3A_945 = tpu.memref_slice %arg3[%dma_wait3A_944] : memref<1000000xi32, #tpu.memory_space<hbm>> -> memref<1000000xi32, #tpu.memory_space<hbm>>
    tpu.wait_indirect_dma semaphore(%arg7 : memref<!tpu.dma_semaphore, #tpu.memory_space<semaphore_mem>>) src(%dma_wait3A_945 : memref<1000000xi32, #tpu.memory_space<hbm>>) dst(%dma_wait3A_940 : memref<100xi32, #tpu.memory_space<vmem>>)
    %dma_wait3A_946 = arith.constant 478 : i32
    %dma_wait3A_947 = arith.constant 478 : i32
    %dma_wait3A_948 = arith.constant 0 : i32
    %dma_wait3A_949 = tpu.memref_slice %arg6[%dma_wait3A_947, %dma_wait3A_948] : memref<512x100xi32, #tpu.memory_space<vmem>> -> memref<1x100xi32, #tpu.memory_space<vmem>>
    %dma_wait3A_950 = tpu.memref_squeeze %dma_wait3A_949 : memref<1x100xi32, #tpu.memory_space<vmem>> -> memref<100xi32, #tpu.memory_space<vmem>>
    %dma_wait3A_951 = arith.constant 0 : i32
    %dma_wait3A_952 = tpu.memref_slice %arg5[%dma_wait3A_946, %dma_wait3A_951] : memref<512x100xi32, #tpu.memory_space<vmem>> -> memref<1x100xi32, #tpu.memory_space<vmem>>
    %dma_wait3A_953 = tpu.memref_squeeze %dma_wait3A_952 : memref<1x100xi32, #tpu.memory_space<vmem>> -> memref<100xi32, #tpu.memory_space<vmem>>
    %dma_wait3A_954 = arith.constant 0 : i32
    %dma_wait3A_955 = tpu.memref_slice %arg3[%dma_wait3A_954] : memref<1000000xi32, #tpu.memory_space<hbm>> -> memref<1000000xi32, #tpu.memory_space<hbm>>
    tpu.wait_indirect_dma semaphore(%arg7 : memref<!tpu.dma_semaphore, #tpu.memory_space<semaphore_mem>>) src(%dma_wait3A_955 : memref<1000000xi32, #tpu.memory_space<hbm>>) dst(%dma_wait3A_950 : memref<100xi32, #tpu.memory_space<vmem>>)
    %dma_wait3A_956 = arith.constant 479 : i32
    %dma_wait3A_957 = arith.constant 479 : i32
    %dma_wait3A_958 = arith.constant 0 : i32
    %dma_wait3A_959 = tpu.memref_slice %arg6[%dma_wait3A_957, %dma_wait3A_958] : memref<512x100xi32, #tpu.memory_space<vmem>> -> memref<1x100xi32, #tpu.memory_space<vmem>>
    %dma_wait3A_960 = tpu.memref_squeeze %dma_wait3A_959 : memref<1x100xi32, #tpu.memory_space<vmem>> -> memref<100xi32, #tpu.memory_space<vmem>>
    %dma_wait3A_961 = arith.constant 0 : i32
    %dma_wait3A_962 = tpu.memref_slice %arg5[%dma_wait3A_956, %dma_wait3A_961] : memref<512x100xi32, #tpu.memory_space<vmem>> -> memref<1x100xi32, #tpu.memory_space<vmem>>
    %dma_wait3A_963 = tpu.memref_squeeze %dma_wait3A_962 : memref<1x100xi32, #tpu.memory_space<vmem>> -> memref<100xi32, #tpu.memory_space<vmem>>
    %dma_wait3A_964 = arith.constant 0 : i32
    %dma_wait3A_965 = tpu.memref_slice %arg3[%dma_wait3A_964] : memref<1000000xi32, #tpu.memory_space<hbm>> -> memref<1000000xi32, #tpu.memory_space<hbm>>
    tpu.wait_indirect_dma semaphore(%arg7 : memref<!tpu.dma_semaphore, #tpu.memory_space<semaphore_mem>>) src(%dma_wait3A_965 : memref<1000000xi32, #tpu.memory_space<hbm>>) dst(%dma_wait3A_960 : memref<100xi32, #tpu.memory_space<vmem>>)
    %dma_wait3A_966 = arith.constant 480 : i32
    %dma_wait3A_967 = arith.constant 480 : i32
    %dma_wait3A_968 = arith.constant 0 : i32
    %dma_wait3A_969 = tpu.memref_slice %arg6[%dma_wait3A_967, %dma_wait3A_968] : memref<512x100xi32, #tpu.memory_space<vmem>> -> memref<1x100xi32, #tpu.memory_space<vmem>>
    %dma_wait3A_970 = tpu.memref_squeeze %dma_wait3A_969 : memref<1x100xi32, #tpu.memory_space<vmem>> -> memref<100xi32, #tpu.memory_space<vmem>>
    %dma_wait3A_971 = arith.constant 0 : i32
    %dma_wait3A_972 = tpu.memref_slice %arg5[%dma_wait3A_966, %dma_wait3A_971] : memref<512x100xi32, #tpu.memory_space<vmem>> -> memref<1x100xi32, #tpu.memory_space<vmem>>
    %dma_wait3A_973 = tpu.memref_squeeze %dma_wait3A_972 : memref<1x100xi32, #tpu.memory_space<vmem>> -> memref<100xi32, #tpu.memory_space<vmem>>
    %dma_wait3A_974 = arith.constant 0 : i32
    %dma_wait3A_975 = tpu.memref_slice %arg3[%dma_wait3A_974] : memref<1000000xi32, #tpu.memory_space<hbm>> -> memref<1000000xi32, #tpu.memory_space<hbm>>
    tpu.wait_indirect_dma semaphore(%arg7 : memref<!tpu.dma_semaphore, #tpu.memory_space<semaphore_mem>>) src(%dma_wait3A_975 : memref<1000000xi32, #tpu.memory_space<hbm>>) dst(%dma_wait3A_970 : memref<100xi32, #tpu.memory_space<vmem>>)
    %dma_wait3A_976 = arith.constant 481 : i32
    %dma_wait3A_977 = arith.constant 481 : i32
    %dma_wait3A_978 = arith.constant 0 : i32
    %dma_wait3A_979 = tpu.memref_slice %arg6[%dma_wait3A_977, %dma_wait3A_978] : memref<512x100xi32, #tpu.memory_space<vmem>> -> memref<1x100xi32, #tpu.memory_space<vmem>>
    %dma_wait3A_980 = tpu.memref_squeeze %dma_wait3A_979 : memref<1x100xi32, #tpu.memory_space<vmem>> -> memref<100xi32, #tpu.memory_space<vmem>>
    %dma_wait3A_981 = arith.constant 0 : i32
    %dma_wait3A_982 = tpu.memref_slice %arg5[%dma_wait3A_976, %dma_wait3A_981] : memref<512x100xi32, #tpu.memory_space<vmem>> -> memref<1x100xi32, #tpu.memory_space<vmem>>
    %dma_wait3A_983 = tpu.memref_squeeze %dma_wait3A_982 : memref<1x100xi32, #tpu.memory_space<vmem>> -> memref<100xi32, #tpu.memory_space<vmem>>
    %dma_wait3A_984 = arith.constant 0 : i32
    %dma_wait3A_985 = tpu.memref_slice %arg3[%dma_wait3A_984] : memref<1000000xi32, #tpu.memory_space<hbm>> -> memref<1000000xi32, #tpu.memory_space<hbm>>
    tpu.wait_indirect_dma semaphore(%arg7 : memref<!tpu.dma_semaphore, #tpu.memory_space<semaphore_mem>>) src(%dma_wait3A_985 : memref<1000000xi32, #tpu.memory_space<hbm>>) dst(%dma_wait3A_980 : memref<100xi32, #tpu.memory_space<vmem>>)
    %dma_wait3A_986 = arith.constant 482 : i32
    %dma_wait3A_987 = arith.constant 482 : i32
    %dma_wait3A_988 = arith.constant 0 : i32
    %dma_wait3A_989 = tpu.memref_slice %arg6[%dma_wait3A_987, %dma_wait3A_988] : memref<512x100xi32, #tpu.memory_space<vmem>> -> memref<1x100xi32, #tpu.memory_space<vmem>>
    %dma_wait3A_990 = tpu.memref_squeeze %dma_wait3A_989 : memref<1x100xi32, #tpu.memory_space<vmem>> -> memref<100xi32, #tpu.memory_space<vmem>>
    %dma_wait3A_991 = arith.constant 0 : i32
    %dma_wait3A_992 = tpu.memref_slice %arg5[%dma_wait3A_986, %dma_wait3A_991] : memref<512x100xi32, #tpu.memory_space<vmem>> -> memref<1x100xi32, #tpu.memory_space<vmem>>
    %dma_wait3A_993 = tpu.memref_squeeze %dma_wait3A_992 : memref<1x100xi32, #tpu.memory_space<vmem>> -> memref<100xi32, #tpu.memory_space<vmem>>
    %dma_wait3A_994 = arith.constant 0 : i32
    %dma_wait3A_995 = tpu.memref_slice %arg3[%dma_wait3A_994] : memref<1000000xi32, #tpu.memory_space<hbm>> -> memref<1000000xi32, #tpu.memory_space<hbm>>
    tpu.wait_indirect_dma semaphore(%arg7 : memref<!tpu.dma_semaphore, #tpu.memory_space<semaphore_mem>>) src(%dma_wait3A_995 : memref<1000000xi32, #tpu.memory_space<hbm>>) dst(%dma_wait3A_990 : memref<100xi32, #tpu.memory_space<vmem>>)
    %dma_wait3A_996 = arith.constant 483 : i32
    %dma_wait3A_997 = arith.constant 483 : i32
    %dma_wait3A_998 = arith.constant 0 : i32
    %dma_wait3A_999 = tpu.memref_slice %arg6[%dma_wait3A_997, %dma_wait3A_998] : memref<512x100xi32, #tpu.memory_space<vmem>> -> memref<1x100xi32, #tpu.memory_space<vmem>>
    %dma_wait3A_1000 = tpu.memref_squeeze %dma_wait3A_999 : memref<1x100xi32, #tpu.memory_space<vmem>> -> memref<100xi32, #tpu.memory_space<vmem>>
    %dma_wait3A_1001 = arith.constant 0 : i32
    %dma_wait3A_1002 = tpu.memref_slice %arg5[%dma_wait3A_996, %dma_wait3A_1001] : memref<512x100xi32, #tpu.memory_space<vmem>> -> memref<1x100xi32, #tpu.memory_space<vmem>>
    %dma_wait3A_1003 = tpu.memref_squeeze %dma_wait3A_1002 : memref<1x100xi32, #tpu.memory_space<vmem>> -> memref<100xi32, #tpu.memory_space<vmem>>
    %dma_wait3A_1004 = arith.constant 0 : i32
    %dma_wait3A_1005 = tpu.memref_slice %arg3[%dma_wait3A_1004] : memref<1000000xi32, #tpu.memory_space<hbm>> -> memref<1000000xi32, #tpu.memory_space<hbm>>
    tpu.wait_indirect_dma semaphore(%arg7 : memref<!tpu.dma_semaphore, #tpu.memory_space<semaphore_mem>>) src(%dma_wait3A_1005 : memref<1000000xi32, #tpu.memory_space<hbm>>) dst(%dma_wait3A_1000 : memref<100xi32, #tpu.memory_space<vmem>>)
    %dma_wait3A_1006 = arith.constant 484 : i32
    %dma_wait3A_1007 = arith.constant 484 : i32
    %dma_wait3A_1008 = arith.constant 0 : i32
    %dma_wait3A_1009 = tpu.memref_slice %arg6[%dma_wait3A_1007, %dma_wait3A_1008] : memref<512x100xi32, #tpu.memory_space<vmem>> -> memref<1x100xi32, #tpu.memory_space<vmem>>
    %dma_wait3A_1010 = tpu.memref_squeeze %dma_wait3A_1009 : memref<1x100xi32, #tpu.memory_space<vmem>> -> memref<100xi32, #tpu.memory_space<vmem>>
    %dma_wait3A_1011 = arith.constant 0 : i32
    %dma_wait3A_1012 = tpu.memref_slice %arg5[%dma_wait3A_1006, %dma_wait3A_1011] : memref<512x100xi32, #tpu.memory_space<vmem>> -> memref<1x100xi32, #tpu.memory_space<vmem>>
    %dma_wait3A_1013 = tpu.memref_squeeze %dma_wait3A_1012 : memref<1x100xi32, #tpu.memory_space<vmem>> -> memref<100xi32, #tpu.memory_space<vmem>>
    %dma_wait3A_1014 = arith.constant 0 : i32
    %dma_wait3A_1015 = tpu.memref_slice %arg3[%dma_wait3A_1014] : memref<1000000xi32, #tpu.memory_space<hbm>> -> memref<1000000xi32, #tpu.memory_space<hbm>>
    tpu.wait_indirect_dma semaphore(%arg7 : memref<!tpu.dma_semaphore, #tpu.memory_space<semaphore_mem>>) src(%dma_wait3A_1015 : memref<1000000xi32, #tpu.memory_space<hbm>>) dst(%dma_wait3A_1010 : memref<100xi32, #tpu.memory_space<vmem>>)
    %dma_wait3A_1016 = arith.constant 485 : i32
    %dma_wait3A_1017 = arith.constant 485 : i32
    %dma_wait3A_1018 = arith.constant 0 : i32
    %dma_wait3A_1019 = tpu.memref_slice %arg6[%dma_wait3A_1017, %dma_wait3A_1018] : memref<512x100xi32, #tpu.memory_space<vmem>> -> memref<1x100xi32, #tpu.memory_space<vmem>>
    %dma_wait3A_1020 = tpu.memref_squeeze %dma_wait3A_1019 : memref<1x100xi32, #tpu.memory_space<vmem>> -> memref<100xi32, #tpu.memory_space<vmem>>
    %dma_wait3A_1021 = arith.constant 0 : i32
    %dma_wait3A_1022 = tpu.memref_slice %arg5[%dma_wait3A_1016, %dma_wait3A_1021] : memref<512x100xi32, #tpu.memory_space<vmem>> -> memref<1x100xi32, #tpu.memory_space<vmem>>
    %dma_wait3A_1023 = tpu.memref_squeeze %dma_wait3A_1022 : memref<1x100xi32, #tpu.memory_space<vmem>> -> memref<100xi32, #tpu.memory_space<vmem>>
    %dma_wait3A_1024 = arith.constant 0 : i32
    %dma_wait3A_1025 = tpu.memref_slice %arg3[%dma_wait3A_1024] : memref<1000000xi32, #tpu.memory_space<hbm>> -> memref<1000000xi32, #tpu.memory_space<hbm>>
    tpu.wait_indirect_dma semaphore(%arg7 : memref<!tpu.dma_semaphore, #tpu.memory_space<semaphore_mem>>) src(%dma_wait3A_1025 : memref<1000000xi32, #tpu.memory_space<hbm>>) dst(%dma_wait3A_1020 : memref<100xi32, #tpu.memory_space<vmem>>)
    %dma_wait3A_1026 = arith.constant 486 : i32
    %dma_wait3A_1027 = arith.constant 486 : i32
    %dma_wait3A_1028 = arith.constant 0 : i32
    %dma_wait3A_1029 = tpu.memref_slice %arg6[%dma_wait3A_1027, %dma_wait3A_1028] : memref<512x100xi32, #tpu.memory_space<vmem>> -> memref<1x100xi32, #tpu.memory_space<vmem>>
    %dma_wait3A_1030 = tpu.memref_squeeze %dma_wait3A_1029 : memref<1x100xi32, #tpu.memory_space<vmem>> -> memref<100xi32, #tpu.memory_space<vmem>>
    %dma_wait3A_1031 = arith.constant 0 : i32
    %dma_wait3A_1032 = tpu.memref_slice %arg5[%dma_wait3A_1026, %dma_wait3A_1031] : memref<512x100xi32, #tpu.memory_space<vmem>> -> memref<1x100xi32, #tpu.memory_space<vmem>>
    %dma_wait3A_1033 = tpu.memref_squeeze %dma_wait3A_1032 : memref<1x100xi32, #tpu.memory_space<vmem>> -> memref<100xi32, #tpu.memory_space<vmem>>
    %dma_wait3A_1034 = arith.constant 0 : i32
    %dma_wait3A_1035 = tpu.memref_slice %arg3[%dma_wait3A_1034] : memref<1000000xi32, #tpu.memory_space<hbm>> -> memref<1000000xi32, #tpu.memory_space<hbm>>
    tpu.wait_indirect_dma semaphore(%arg7 : memref<!tpu.dma_semaphore, #tpu.memory_space<semaphore_mem>>) src(%dma_wait3A_1035 : memref<1000000xi32, #tpu.memory_space<hbm>>) dst(%dma_wait3A_1030 : memref<100xi32, #tpu.memory_space<vmem>>)
    %dma_wait3A_1036 = arith.constant 487 : i32
    %dma_wait3A_1037 = arith.constant 487 : i32
    %dma_wait3A_1038 = arith.constant 0 : i32
    %dma_wait3A_1039 = tpu.memref_slice %arg6[%dma_wait3A_1037, %dma_wait3A_1038] : memref<512x100xi32, #tpu.memory_space<vmem>> -> memref<1x100xi32, #tpu.memory_space<vmem>>
    %dma_wait3A_1040 = tpu.memref_squeeze %dma_wait3A_1039 : memref<1x100xi32, #tpu.memory_space<vmem>> -> memref<100xi32, #tpu.memory_space<vmem>>
    %dma_wait3A_1041 = arith.constant 0 : i32
    %dma_wait3A_1042 = tpu.memref_slice %arg5[%dma_wait3A_1036, %dma_wait3A_1041] : memref<512x100xi32, #tpu.memory_space<vmem>> -> memref<1x100xi32, #tpu.memory_space<vmem>>
    %dma_wait3A_1043 = tpu.memref_squeeze %dma_wait3A_1042 : memref<1x100xi32, #tpu.memory_space<vmem>> -> memref<100xi32, #tpu.memory_space<vmem>>
    %dma_wait3A_1044 = arith.constant 0 : i32
    %dma_wait3A_1045 = tpu.memref_slice %arg3[%dma_wait3A_1044] : memref<1000000xi32, #tpu.memory_space<hbm>> -> memref<1000000xi32, #tpu.memory_space<hbm>>
    tpu.wait_indirect_dma semaphore(%arg7 : memref<!tpu.dma_semaphore, #tpu.memory_space<semaphore_mem>>) src(%dma_wait3A_1045 : memref<1000000xi32, #tpu.memory_space<hbm>>) dst(%dma_wait3A_1040 : memref<100xi32, #tpu.memory_space<vmem>>)
    %dma_wait3A_1046 = arith.constant 488 : i32
    %dma_wait3A_1047 = arith.constant 488 : i32
    %dma_wait3A_1048 = arith.constant 0 : i32
    %dma_wait3A_1049 = tpu.memref_slice %arg6[%dma_wait3A_1047, %dma_wait3A_1048] : memref<512x100xi32, #tpu.memory_space<vmem>> -> memref<1x100xi32, #tpu.memory_space<vmem>>
    %dma_wait3A_1050 = tpu.memref_squeeze %dma_wait3A_1049 : memref<1x100xi32, #tpu.memory_space<vmem>> -> memref<100xi32, #tpu.memory_space<vmem>>
    %dma_wait3A_1051 = arith.constant 0 : i32
    %dma_wait3A_1052 = tpu.memref_slice %arg5[%dma_wait3A_1046, %dma_wait3A_1051] : memref<512x100xi32, #tpu.memory_space<vmem>> -> memref<1x100xi32, #tpu.memory_space<vmem>>
    %dma_wait3A_1053 = tpu.memref_squeeze %dma_wait3A_1052 : memref<1x100xi32, #tpu.memory_space<vmem>> -> memref<100xi32, #tpu.memory_space<vmem>>
    %dma_wait3A_1054 = arith.constant 0 : i32
    %dma_wait3A_1055 = tpu.memref_slice %arg3[%dma_wait3A_1054] : memref<1000000xi32, #tpu.memory_space<hbm>> -> memref<1000000xi32, #tpu.memory_space<hbm>>
    tpu.wait_indirect_dma semaphore(%arg7 : memref<!tpu.dma_semaphore, #tpu.memory_space<semaphore_mem>>) src(%dma_wait3A_1055 : memref<1000000xi32, #tpu.memory_space<hbm>>) dst(%dma_wait3A_1050 : memref<100xi32, #tpu.memory_space<vmem>>)
    %dma_wait3A_1056 = arith.constant 489 : i32
    %dma_wait3A_1057 = arith.constant 489 : i32
    %dma_wait3A_1058 = arith.constant 0 : i32
    %dma_wait3A_1059 = tpu.memref_slice %arg6[%dma_wait3A_1057, %dma_wait3A_1058] : memref<512x100xi32, #tpu.memory_space<vmem>> -> memref<1x100xi32, #tpu.memory_space<vmem>>
    %dma_wait3A_1060 = tpu.memref_squeeze %dma_wait3A_1059 : memref<1x100xi32, #tpu.memory_space<vmem>> -> memref<100xi32, #tpu.memory_space<vmem>>
    %dma_wait3A_1061 = arith.constant 0 : i32
    %dma_wait3A_1062 = tpu.memref_slice %arg5[%dma_wait3A_1056, %dma_wait3A_1061] : memref<512x100xi32, #tpu.memory_space<vmem>> -> memref<1x100xi32, #tpu.memory_space<vmem>>
    %dma_wait3A_1063 = tpu.memref_squeeze %dma_wait3A_1062 : memref<1x100xi32, #tpu.memory_space<vmem>> -> memref<100xi32, #tpu.memory_space<vmem>>
    %dma_wait3A_1064 = arith.constant 0 : i32
    %dma_wait3A_1065 = tpu.memref_slice %arg3[%dma_wait3A_1064] : memref<1000000xi32, #tpu.memory_space<hbm>> -> memref<1000000xi32, #tpu.memory_space<hbm>>
    tpu.wait_indirect_dma semaphore(%arg7 : memref<!tpu.dma_semaphore, #tpu.memory_space<semaphore_mem>>) src(%dma_wait3A_1065 : memref<1000000xi32, #tpu.memory_space<hbm>>) dst(%dma_wait3A_1060 : memref<100xi32, #tpu.memory_space<vmem>>)
    %dma_wait3A_1066 = arith.constant 490 : i32
    %dma_wait3A_1067 = arith.constant 490 : i32
    %dma_wait3A_1068 = arith.constant 0 : i32
    %dma_wait3A_1069 = tpu.memref_slice %arg6[%dma_wait3A_1067, %dma_wait3A_1068] : memref<512x100xi32, #tpu.memory_space<vmem>> -> memref<1x100xi32, #tpu.memory_space<vmem>>
    %dma_wait3A_1070 = tpu.memref_squeeze %dma_wait3A_1069 : memref<1x100xi32, #tpu.memory_space<vmem>> -> memref<100xi32, #tpu.memory_space<vmem>>
    %dma_wait3A_1071 = arith.constant 0 : i32
    %dma_wait3A_1072 = tpu.memref_slice %arg5[%dma_wait3A_1066, %dma_wait3A_1071] : memref<512x100xi32, #tpu.memory_space<vmem>> -> memref<1x100xi32, #tpu.memory_space<vmem>>
    %dma_wait3A_1073 = tpu.memref_squeeze %dma_wait3A_1072 : memref<1x100xi32, #tpu.memory_space<vmem>> -> memref<100xi32, #tpu.memory_space<vmem>>
    %dma_wait3A_1074 = arith.constant 0 : i32
    %dma_wait3A_1075 = tpu.memref_slice %arg3[%dma_wait3A_1074] : memref<1000000xi32, #tpu.memory_space<hbm>> -> memref<1000000xi32, #tpu.memory_space<hbm>>
    tpu.wait_indirect_dma semaphore(%arg7 : memref<!tpu.dma_semaphore, #tpu.memory_space<semaphore_mem>>) src(%dma_wait3A_1075 : memref<1000000xi32, #tpu.memory_space<hbm>>) dst(%dma_wait3A_1070 : memref<100xi32, #tpu.memory_space<vmem>>)
    %dma_wait3A_1076 = arith.constant 491 : i32
    %dma_wait3A_1077 = arith.constant 491 : i32
    %dma_wait3A_1078 = arith.constant 0 : i32
    %dma_wait3A_1079 = tpu.memref_slice %arg6[%dma_wait3A_1077, %dma_wait3A_1078] : memref<512x100xi32, #tpu.memory_space<vmem>> -> memref<1x100xi32, #tpu.memory_space<vmem>>
    %dma_wait3A_1080 = tpu.memref_squeeze %dma_wait3A_1079 : memref<1x100xi32, #tpu.memory_space<vmem>> -> memref<100xi32, #tpu.memory_space<vmem>>
    %dma_wait3A_1081 = arith.constant 0 : i32
    %dma_wait3A_1082 = tpu.memref_slice %arg5[%dma_wait3A_1076, %dma_wait3A_1081] : memref<512x100xi32, #tpu.memory_space<vmem>> -> memref<1x100xi32, #tpu.memory_space<vmem>>
    %dma_wait3A_1083 = tpu.memref_squeeze %dma_wait3A_1082 : memref<1x100xi32, #tpu.memory_space<vmem>> -> memref<100xi32, #tpu.memory_space<vmem>>
    %dma_wait3A_1084 = arith.constant 0 : i32
    %dma_wait3A_1085 = tpu.memref_slice %arg3[%dma_wait3A_1084] : memref<1000000xi32, #tpu.memory_space<hbm>> -> memref<1000000xi32, #tpu.memory_space<hbm>>
    tpu.wait_indirect_dma semaphore(%arg7 : memref<!tpu.dma_semaphore, #tpu.memory_space<semaphore_mem>>) src(%dma_wait3A_1085 : memref<1000000xi32, #tpu.memory_space<hbm>>) dst(%dma_wait3A_1080 : memref<100xi32, #tpu.memory_space<vmem>>)
    %dma_wait3A_1086 = arith.constant 492 : i32
    %dma_wait3A_1087 = arith.constant 492 : i32
    %dma_wait3A_1088 = arith.constant 0 : i32
    %dma_wait3A_1089 = tpu.memref_slice %arg6[%dma_wait3A_1087, %dma_wait3A_1088] : memref<512x100xi32, #tpu.memory_space<vmem>> -> memref<1x100xi32, #tpu.memory_space<vmem>>
    %dma_wait3A_1090 = tpu.memref_squeeze %dma_wait3A_1089 : memref<1x100xi32, #tpu.memory_space<vmem>> -> memref<100xi32, #tpu.memory_space<vmem>>
    %dma_wait3A_1091 = arith.constant 0 : i32
    %dma_wait3A_1092 = tpu.memref_slice %arg5[%dma_wait3A_1086, %dma_wait3A_1091] : memref<512x100xi32, #tpu.memory_space<vmem>> -> memref<1x100xi32, #tpu.memory_space<vmem>>
    %dma_wait3A_1093 = tpu.memref_squeeze %dma_wait3A_1092 : memref<1x100xi32, #tpu.memory_space<vmem>> -> memref<100xi32, #tpu.memory_space<vmem>>
    %dma_wait3A_1094 = arith.constant 0 : i32
    %dma_wait3A_1095 = tpu.memref_slice %arg3[%dma_wait3A_1094] : memref<1000000xi32, #tpu.memory_space<hbm>> -> memref<1000000xi32, #tpu.memory_space<hbm>>
    tpu.wait_indirect_dma semaphore(%arg7 : memref<!tpu.dma_semaphore, #tpu.memory_space<semaphore_mem>>) src(%dma_wait3A_1095 : memref<1000000xi32, #tpu.memory_space<hbm>>) dst(%dma_wait3A_1090 : memref<100xi32, #tpu.memory_space<vmem>>)
    %dma_wait3A_1096 = arith.constant 493 : i32
    %dma_wait3A_1097 = arith.constant 493 : i32
    %dma_wait3A_1098 = arith.constant 0 : i32
    %dma_wait3A_1099 = tpu.memref_slice %arg6[%dma_wait3A_1097, %dma_wait3A_1098] : memref<512x100xi32, #tpu.memory_space<vmem>> -> memref<1x100xi32, #tpu.memory_space<vmem>>
    %dma_wait3A_1100 = tpu.memref_squeeze %dma_wait3A_1099 : memref<1x100xi32, #tpu.memory_space<vmem>> -> memref<100xi32, #tpu.memory_space<vmem>>
    %dma_wait3A_1101 = arith.constant 0 : i32
    %dma_wait3A_1102 = tpu.memref_slice %arg5[%dma_wait3A_1096, %dma_wait3A_1101] : memref<512x100xi32, #tpu.memory_space<vmem>> -> memref<1x100xi32, #tpu.memory_space<vmem>>
    %dma_wait3A_1103 = tpu.memref_squeeze %dma_wait3A_1102 : memref<1x100xi32, #tpu.memory_space<vmem>> -> memref<100xi32, #tpu.memory_space<vmem>>
    %dma_wait3A_1104 = arith.constant 0 : i32
    %dma_wait3A_1105 = tpu.memref_slice %arg3[%dma_wait3A_1104] : memref<1000000xi32, #tpu.memory_space<hbm>> -> memref<1000000xi32, #tpu.memory_space<hbm>>
    tpu.wait_indirect_dma semaphore(%arg7 : memref<!tpu.dma_semaphore, #tpu.memory_space<semaphore_mem>>) src(%dma_wait3A_1105 : memref<1000000xi32, #tpu.memory_space<hbm>>) dst(%dma_wait3A_1100 : memref<100xi32, #tpu.memory_space<vmem>>)
    %dma_wait3A_1106 = arith.constant 494 : i32
    %dma_wait3A_1107 = arith.constant 494 : i32
    %dma_wait3A_1108 = arith.constant 0 : i32
    %dma_wait3A_1109 = tpu.memref_slice %arg6[%dma_wait3A_1107, %dma_wait3A_1108] : memref<512x100xi32, #tpu.memory_space<vmem>> -> memref<1x100xi32, #tpu.memory_space<vmem>>
    %dma_wait3A_1110 = tpu.memref_squeeze %dma_wait3A_1109 : memref<1x100xi32, #tpu.memory_space<vmem>> -> memref<100xi32, #tpu.memory_space<vmem>>
    %dma_wait3A_1111 = arith.constant 0 : i32
    %dma_wait3A_1112 = tpu.memref_slice %arg5[%dma_wait3A_1106, %dma_wait3A_1111] : memref<512x100xi32, #tpu.memory_space<vmem>> -> memref<1x100xi32, #tpu.memory_space<vmem>>
    %dma_wait3A_1113 = tpu.memref_squeeze %dma_wait3A_1112 : memref<1x100xi32, #tpu.memory_space<vmem>> -> memref<100xi32, #tpu.memory_space<vmem>>
    %dma_wait3A_1114 = arith.constant 0 : i32
    %dma_wait3A_1115 = tpu.memref_slice %arg3[%dma_wait3A_1114] : memref<1000000xi32, #tpu.memory_space<hbm>> -> memref<1000000xi32, #tpu.memory_space<hbm>>
    tpu.wait_indirect_dma semaphore(%arg7 : memref<!tpu.dma_semaphore, #tpu.memory_space<semaphore_mem>>) src(%dma_wait3A_1115 : memref<1000000xi32, #tpu.memory_space<hbm>>) dst(%dma_wait3A_1110 : memref<100xi32, #tpu.memory_space<vmem>>)
    %dma_wait3A_1116 = arith.constant 495 : i32
    %dma_wait3A_1117 = arith.constant 495 : i32
    %dma_wait3A_1118 = arith.constant 0 : i32
    %dma_wait3A_1119 = tpu.memref_slice %arg6[%dma_wait3A_1117, %dma_wait3A_1118] : memref<512x100xi32, #tpu.memory_space<vmem>> -> memref<1x100xi32, #tpu.memory_space<vmem>>
    %dma_wait3A_1120 = tpu.memref_squeeze %dma_wait3A_1119 : memref<1x100xi32, #tpu.memory_space<vmem>> -> memref<100xi32, #tpu.memory_space<vmem>>
    %dma_wait3A_1121 = arith.constant 0 : i32
    %dma_wait3A_1122 = tpu.memref_slice %arg5[%dma_wait3A_1116, %dma_wait3A_1121] : memref<512x100xi32, #tpu.memory_space<vmem>> -> memref<1x100xi32, #tpu.memory_space<vmem>>
    %dma_wait3A_1123 = tpu.memref_squeeze %dma_wait3A_1122 : memref<1x100xi32, #tpu.memory_space<vmem>> -> memref<100xi32, #tpu.memory_space<vmem>>
    %dma_wait3A_1124 = arith.constant 0 : i32
    %dma_wait3A_1125 = tpu.memref_slice %arg3[%dma_wait3A_1124] : memref<1000000xi32, #tpu.memory_space<hbm>> -> memref<1000000xi32, #tpu.memory_space<hbm>>
    tpu.wait_indirect_dma semaphore(%arg7 : memref<!tpu.dma_semaphore, #tpu.memory_space<semaphore_mem>>) src(%dma_wait3A_1125 : memref<1000000xi32, #tpu.memory_space<hbm>>) dst(%dma_wait3A_1120 : memref<100xi32, #tpu.memory_space<vmem>>)
    %dma_wait3A_1126 = arith.constant 496 : i32
    %dma_wait3A_1127 = arith.constant 496 : i32
    %dma_wait3A_1128 = arith.constant 0 : i32
    %dma_wait3A_1129 = tpu.memref_slice %arg6[%dma_wait3A_1127, %dma_wait3A_1128] : memref<512x100xi32, #tpu.memory_space<vmem>> -> memref<1x100xi32, #tpu.memory_space<vmem>>
    %dma_wait3A_1130 = tpu.memref_squeeze %dma_wait3A_1129 : memref<1x100xi32, #tpu.memory_space<vmem>> -> memref<100xi32, #tpu.memory_space<vmem>>
    %dma_wait3A_1131 = arith.constant 0 : i32
    %dma_wait3A_1132 = tpu.memref_slice %arg5[%dma_wait3A_1126, %dma_wait3A_1131] : memref<512x100xi32, #tpu.memory_space<vmem>> -> memref<1x100xi32, #tpu.memory_space<vmem>>
    %dma_wait3A_1133 = tpu.memref_squeeze %dma_wait3A_1132 : memref<1x100xi32, #tpu.memory_space<vmem>> -> memref<100xi32, #tpu.memory_space<vmem>>
    %dma_wait3A_1134 = arith.constant 0 : i32
    %dma_wait3A_1135 = tpu.memref_slice %arg3[%dma_wait3A_1134] : memref<1000000xi32, #tpu.memory_space<hbm>> -> memref<1000000xi32, #tpu.memory_space<hbm>>
    tpu.wait_indirect_dma semaphore(%arg7 : memref<!tpu.dma_semaphore, #tpu.memory_space<semaphore_mem>>) src(%dma_wait3A_1135 : memref<1000000xi32, #tpu.memory_space<hbm>>) dst(%dma_wait3A_1130 : memref<100xi32, #tpu.memory_space<vmem>>)
    %dma_wait3A_1136 = arith.constant 497 : i32
    %dma_wait3A_1137 = arith.constant 497 : i32
    %dma_wait3A_1138 = arith.constant 0 : i32
    %dma_wait3A_1139 = tpu.memref_slice %arg6[%dma_wait3A_1137, %dma_wait3A_1138] : memref<512x100xi32, #tpu.memory_space<vmem>> -> memref<1x100xi32, #tpu.memory_space<vmem>>
    %dma_wait3A_1140 = tpu.memref_squeeze %dma_wait3A_1139 : memref<1x100xi32, #tpu.memory_space<vmem>> -> memref<100xi32, #tpu.memory_space<vmem>>
    %dma_wait3A_1141 = arith.constant 0 : i32
    %dma_wait3A_1142 = tpu.memref_slice %arg5[%dma_wait3A_1136, %dma_wait3A_1141] : memref<512x100xi32, #tpu.memory_space<vmem>> -> memref<1x100xi32, #tpu.memory_space<vmem>>
    %dma_wait3A_1143 = tpu.memref_squeeze %dma_wait3A_1142 : memref<1x100xi32, #tpu.memory_space<vmem>> -> memref<100xi32, #tpu.memory_space<vmem>>
    %dma_wait3A_1144 = arith.constant 0 : i32
    %dma_wait3A_1145 = tpu.memref_slice %arg3[%dma_wait3A_1144] : memref<1000000xi32, #tpu.memory_space<hbm>> -> memref<1000000xi32, #tpu.memory_space<hbm>>
    tpu.wait_indirect_dma semaphore(%arg7 : memref<!tpu.dma_semaphore, #tpu.memory_space<semaphore_mem>>) src(%dma_wait3A_1145 : memref<1000000xi32, #tpu.memory_space<hbm>>) dst(%dma_wait3A_1140 : memref<100xi32, #tpu.memory_space<vmem>>)
    %dma_wait3A_1146 = arith.constant 498 : i32
    %dma_wait3A_1147 = arith.constant 498 : i32
    %dma_wait3A_1148 = arith.constant 0 : i32
    %dma_wait3A_1149 = tpu.memref_slice %arg6[%dma_wait3A_1147, %dma_wait3A_1148] : memref<512x100xi32, #tpu.memory_space<vmem>> -> memref<1x100xi32, #tpu.memory_space<vmem>>
    %dma_wait3A_1150 = tpu.memref_squeeze %dma_wait3A_1149 : memref<1x100xi32, #tpu.memory_space<vmem>> -> memref<100xi32, #tpu.memory_space<vmem>>
    %dma_wait3A_1151 = arith.constant 0 : i32
    %dma_wait3A_1152 = tpu.memref_slice %arg5[%dma_wait3A_1146, %dma_wait3A_1151] : memref<512x100xi32, #tpu.memory_space<vmem>> -> memref<1x100xi32, #tpu.memory_space<vmem>>
    %dma_wait3A_1153 = tpu.memref_squeeze %dma_wait3A_1152 : memref<1x100xi32, #tpu.memory_space<vmem>> -> memref<100xi32, #tpu.memory_space<vmem>>
    %dma_wait3A_1154 = arith.constant 0 : i32
    %dma_wait3A_1155 = tpu.memref_slice %arg3[%dma_wait3A_1154] : memref<1000000xi32, #tpu.memory_space<hbm>> -> memref<1000000xi32, #tpu.memory_space<hbm>>
    tpu.wait_indirect_dma semaphore(%arg7 : memref<!tpu.dma_semaphore, #tpu.memory_space<semaphore_mem>>) src(%dma_wait3A_1155 : memref<1000000xi32, #tpu.memory_space<hbm>>) dst(%dma_wait3A_1150 : memref<100xi32, #tpu.memory_space<vmem>>)
    %dma_wait3A_1156 = arith.constant 499 : i32
    %dma_wait3A_1157 = arith.constant 499 : i32
    %dma_wait3A_1158 = arith.constant 0 : i32
    %dma_wait3A_1159 = tpu.memref_slice %arg6[%dma_wait3A_1157, %dma_wait3A_1158] : memref<512x100xi32, #tpu.memory_space<vmem>> -> memref<1x100xi32, #tpu.memory_space<vmem>>
    %dma_wait3A_1160 = tpu.memref_squeeze %dma_wait3A_1159 : memref<1x100xi32, #tpu.memory_space<vmem>> -> memref<100xi32, #tpu.memory_space<vmem>>
    %dma_wait3A_1161 = arith.constant 0 : i32
    %dma_wait3A_1162 = tpu.memref_slice %arg5[%dma_wait3A_1156, %dma_wait3A_1161] : memref<512x100xi32, #tpu.memory_space<vmem>> -> memref<1x100xi32, #tpu.memory_space<vmem>>
    %dma_wait3A_1163 = tpu.memref_squeeze %dma_wait3A_1162 : memref<1x100xi32, #tpu.memory_space<vmem>> -> memref<100xi32, #tpu.memory_space<vmem>>
    %dma_wait3A_1164 = arith.constant 0 : i32
    %dma_wait3A_1165 = tpu.memref_slice %arg3[%dma_wait3A_1164] : memref<1000000xi32, #tpu.memory_space<hbm>> -> memref<1000000xi32, #tpu.memory_space<hbm>>
    tpu.wait_indirect_dma semaphore(%arg7 : memref<!tpu.dma_semaphore, #tpu.memory_space<semaphore_mem>>) src(%dma_wait3A_1165 : memref<1000000xi32, #tpu.memory_space<hbm>>) dst(%dma_wait3A_1160 : memref<100xi32, #tpu.memory_space<vmem>>)
    %dma_wait3A_1166 = arith.constant 500 : i32
    %dma_wait3A_1167 = arith.constant 500 : i32
    %dma_wait3A_1168 = arith.constant 0 : i32
    %dma_wait3A_1169 = tpu.memref_slice %arg6[%dma_wait3A_1167, %dma_wait3A_1168] : memref<512x100xi32, #tpu.memory_space<vmem>> -> memref<1x100xi32, #tpu.memory_space<vmem>>
    %dma_wait3A_1170 = tpu.memref_squeeze %dma_wait3A_1169 : memref<1x100xi32, #tpu.memory_space<vmem>> -> memref<100xi32, #tpu.memory_space<vmem>>
    %dma_wait3A_1171 = arith.constant 0 : i32
    %dma_wait3A_1172 = tpu.memref_slice %arg5[%dma_wait3A_1166, %dma_wait3A_1171] : memref<512x100xi32, #tpu.memory_space<vmem>> -> memref<1x100xi32, #tpu.memory_space<vmem>>
    %dma_wait3A_1173 = tpu.memref_squeeze %dma_wait3A_1172 : memref<1x100xi32, #tpu.memory_space<vmem>> -> memref<100xi32, #tpu.memory_space<vmem>>
    %dma_wait3A_1174 = arith.constant 0 : i32
    %dma_wait3A_1175 = tpu.memref_slice %arg3[%dma_wait3A_1174] : memref<1000000xi32, #tpu.memory_space<hbm>> -> memref<1000000xi32, #tpu.memory_space<hbm>>
    tpu.wait_indirect_dma semaphore(%arg7 : memref<!tpu.dma_semaphore, #tpu.memory_space<semaphore_mem>>) src(%dma_wait3A_1175 : memref<1000000xi32, #tpu.memory_space<hbm>>) dst(%dma_wait3A_1170 : memref<100xi32, #tpu.memory_space<vmem>>)
    %dma_wait3A_1176 = arith.constant 501 : i32
    %dma_wait3A_1177 = arith.constant 501 : i32
    %dma_wait3A_1178 = arith.constant 0 : i32
    %dma_wait3A_1179 = tpu.memref_slice %arg6[%dma_wait3A_1177, %dma_wait3A_1178] : memref<512x100xi32, #tpu.memory_space<vmem>> -> memref<1x100xi32, #tpu.memory_space<vmem>>
    %dma_wait3A_1180 = tpu.memref_squeeze %dma_wait3A_1179 : memref<1x100xi32, #tpu.memory_space<vmem>> -> memref<100xi32, #tpu.memory_space<vmem>>
    %dma_wait3A_1181 = arith.constant 0 : i32
    %dma_wait3A_1182 = tpu.memref_slice %arg5[%dma_wait3A_1176, %dma_wait3A_1181] : memref<512x100xi32, #tpu.memory_space<vmem>> -> memref<1x100xi32, #tpu.memory_space<vmem>>
    %dma_wait3A_1183 = tpu.memref_squeeze %dma_wait3A_1182 : memref<1x100xi32, #tpu.memory_space<vmem>> -> memref<100xi32, #tpu.memory_space<vmem>>
    %dma_wait3A_1184 = arith.constant 0 : i32
    %dma_wait3A_1185 = tpu.memref_slice %arg3[%dma_wait3A_1184] : memref<1000000xi32, #tpu.memory_space<hbm>> -> memref<1000000xi32, #tpu.memory_space<hbm>>
    tpu.wait_indirect_dma semaphore(%arg7 : memref<!tpu.dma_semaphore, #tpu.memory_space<semaphore_mem>>) src(%dma_wait3A_1185 : memref<1000000xi32, #tpu.memory_space<hbm>>) dst(%dma_wait3A_1180 : memref<100xi32, #tpu.memory_space<vmem>>)
    %dma_wait3A_1186 = arith.constant 502 : i32
    %dma_wait3A_1187 = arith.constant 502 : i32
    %dma_wait3A_1188 = arith.constant 0 : i32
    %dma_wait3A_1189 = tpu.memref_slice %arg6[%dma_wait3A_1187, %dma_wait3A_1188] : memref<512x100xi32, #tpu.memory_space<vmem>> -> memref<1x100xi32, #tpu.memory_space<vmem>>
    %dma_wait3A_1190 = tpu.memref_squeeze %dma_wait3A_1189 : memref<1x100xi32, #tpu.memory_space<vmem>> -> memref<100xi32, #tpu.memory_space<vmem>>
    %dma_wait3A_1191 = arith.constant 0 : i32
    %dma_wait3A_1192 = tpu.memref_slice %arg5[%dma_wait3A_1186, %dma_wait3A_1191] : memref<512x100xi32, #tpu.memory_space<vmem>> -> memref<1x100xi32, #tpu.memory_space<vmem>>
    %dma_wait3A_1193 = tpu.memref_squeeze %dma_wait3A_1192 : memref<1x100xi32, #tpu.memory_space<vmem>> -> memref<100xi32, #tpu.memory_space<vmem>>
    %dma_wait3A_1194 = arith.constant 0 : i32
    %dma_wait3A_1195 = tpu.memref_slice %arg3[%dma_wait3A_1194] : memref<1000000xi32, #tpu.memory_space<hbm>> -> memref<1000000xi32, #tpu.memory_space<hbm>>
    tpu.wait_indirect_dma semaphore(%arg7 : memref<!tpu.dma_semaphore, #tpu.memory_space<semaphore_mem>>) src(%dma_wait3A_1195 : memref<1000000xi32, #tpu.memory_space<hbm>>) dst(%dma_wait3A_1190 : memref<100xi32, #tpu.memory_space<vmem>>)
    %dma_wait3A_1196 = arith.constant 503 : i32
    %dma_wait3A_1197 = arith.constant 503 : i32
    %dma_wait3A_1198 = arith.constant 0 : i32
    %dma_wait3A_1199 = tpu.memref_slice %arg6[%dma_wait3A_1197, %dma_wait3A_1198] : memref<512x100xi32, #tpu.memory_space<vmem>> -> memref<1x100xi32, #tpu.memory_space<vmem>>
    %dma_wait3A_1200 = tpu.memref_squeeze %dma_wait3A_1199 : memref<1x100xi32, #tpu.memory_space<vmem>> -> memref<100xi32, #tpu.memory_space<vmem>>
    %dma_wait3A_1201 = arith.constant 0 : i32
    %dma_wait3A_1202 = tpu.memref_slice %arg5[%dma_wait3A_1196, %dma_wait3A_1201] : memref<512x100xi32, #tpu.memory_space<vmem>> -> memref<1x100xi32, #tpu.memory_space<vmem>>
    %dma_wait3A_1203 = tpu.memref_squeeze %dma_wait3A_1202 : memref<1x100xi32, #tpu.memory_space<vmem>> -> memref<100xi32, #tpu.memory_space<vmem>>
    %dma_wait3A_1204 = arith.constant 0 : i32
    %dma_wait3A_1205 = tpu.memref_slice %arg3[%dma_wait3A_1204] : memref<1000000xi32, #tpu.memory_space<hbm>> -> memref<1000000xi32, #tpu.memory_space<hbm>>
    tpu.wait_indirect_dma semaphore(%arg7 : memref<!tpu.dma_semaphore, #tpu.memory_space<semaphore_mem>>) src(%dma_wait3A_1205 : memref<1000000xi32, #tpu.memory_space<hbm>>) dst(%dma_wait3A_1200 : memref<100xi32, #tpu.memory_space<vmem>>)
    %dma_wait3A_1206 = arith.constant 504 : i32
    %dma_wait3A_1207 = arith.constant 504 : i32
    %dma_wait3A_1208 = arith.constant 0 : i32
    %dma_wait3A_1209 = tpu.memref_slice %arg6[%dma_wait3A_1207, %dma_wait3A_1208] : memref<512x100xi32, #tpu.memory_space<vmem>> -> memref<1x100xi32, #tpu.memory_space<vmem>>
    %dma_wait3A_1210 = tpu.memref_squeeze %dma_wait3A_1209 : memref<1x100xi32, #tpu.memory_space<vmem>> -> memref<100xi32, #tpu.memory_space<vmem>>
    %dma_wait3A_1211 = arith.constant 0 : i32
    %dma_wait3A_1212 = tpu.memref_slice %arg5[%dma_wait3A_1206, %dma_wait3A_1211] : memref<512x100xi32, #tpu.memory_space<vmem>> -> memref<1x100xi32, #tpu.memory_space<vmem>>
    %dma_wait3A_1213 = tpu.memref_squeeze %dma_wait3A_1212 : memref<1x100xi32, #tpu.memory_space<vmem>> -> memref<100xi32, #tpu.memory_space<vmem>>
    %dma_wait3A_1214 = arith.constant 0 : i32
    %dma_wait3A_1215 = tpu.memref_slice %arg3[%dma_wait3A_1214] : memref<1000000xi32, #tpu.memory_space<hbm>> -> memref<1000000xi32, #tpu.memory_space<hbm>>
    tpu.wait_indirect_dma semaphore(%arg7 : memref<!tpu.dma_semaphore, #tpu.memory_space<semaphore_mem>>) src(%dma_wait3A_1215 : memref<1000000xi32, #tpu.memory_space<hbm>>) dst(%dma_wait3A_1210 : memref<100xi32, #tpu.memory_space<vmem>>)
    %dma_wait3A_1216 = arith.constant 505 : i32
    %dma_wait3A_1217 = arith.constant 505 : i32
    %dma_wait3A_1218 = arith.constant 0 : i32
    %dma_wait3A_1219 = tpu.memref_slice %arg6[%dma_wait3A_1217, %dma_wait3A_1218] : memref<512x100xi32, #tpu.memory_space<vmem>> -> memref<1x100xi32, #tpu.memory_space<vmem>>
    %dma_wait3A_1220 = tpu.memref_squeeze %dma_wait3A_1219 : memref<1x100xi32, #tpu.memory_space<vmem>> -> memref<100xi32, #tpu.memory_space<vmem>>
    %dma_wait3A_1221 = arith.constant 0 : i32
    %dma_wait3A_1222 = tpu.memref_slice %arg5[%dma_wait3A_1216, %dma_wait3A_1221] : memref<512x100xi32, #tpu.memory_space<vmem>> -> memref<1x100xi32, #tpu.memory_space<vmem>>
    %dma_wait3A_1223 = tpu.memref_squeeze %dma_wait3A_1222 : memref<1x100xi32, #tpu.memory_space<vmem>> -> memref<100xi32, #tpu.memory_space<vmem>>
    %dma_wait3A_1224 = arith.constant 0 : i32
    %dma_wait3A_1225 = tpu.memref_slice %arg3[%dma_wait3A_1224] : memref<1000000xi32, #tpu.memory_space<hbm>> -> memref<1000000xi32, #tpu.memory_space<hbm>>
    tpu.wait_indirect_dma semaphore(%arg7 : memref<!tpu.dma_semaphore, #tpu.memory_space<semaphore_mem>>) src(%dma_wait3A_1225 : memref<1000000xi32, #tpu.memory_space<hbm>>) dst(%dma_wait3A_1220 : memref<100xi32, #tpu.memory_space<vmem>>)
    %dma_wait3A_1226 = arith.constant 506 : i32
    %dma_wait3A_1227 = arith.constant 506 : i32
    %dma_wait3A_1228 = arith.constant 0 : i32
    %dma_wait3A_1229 = tpu.memref_slice %arg6[%dma_wait3A_1227, %dma_wait3A_1228] : memref<512x100xi32, #tpu.memory_space<vmem>> -> memref<1x100xi32, #tpu.memory_space<vmem>>
    %dma_wait3A_1230 = tpu.memref_squeeze %dma_wait3A_1229 : memref<1x100xi32, #tpu.memory_space<vmem>> -> memref<100xi32, #tpu.memory_space<vmem>>
    %dma_wait3A_1231 = arith.constant 0 : i32
    %dma_wait3A_1232 = tpu.memref_slice %arg5[%dma_wait3A_1226, %dma_wait3A_1231] : memref<512x100xi32, #tpu.memory_space<vmem>> -> memref<1x100xi32, #tpu.memory_space<vmem>>
    %dma_wait3A_1233 = tpu.memref_squeeze %dma_wait3A_1232 : memref<1x100xi32, #tpu.memory_space<vmem>> -> memref<100xi32, #tpu.memory_space<vmem>>
    %dma_wait3A_1234 = arith.constant 0 : i32
    %dma_wait3A_1235 = tpu.memref_slice %arg3[%dma_wait3A_1234] : memref<1000000xi32, #tpu.memory_space<hbm>> -> memref<1000000xi32, #tpu.memory_space<hbm>>
    tpu.wait_indirect_dma semaphore(%arg7 : memref<!tpu.dma_semaphore, #tpu.memory_space<semaphore_mem>>) src(%dma_wait3A_1235 : memref<1000000xi32, #tpu.memory_space<hbm>>) dst(%dma_wait3A_1230 : memref<100xi32, #tpu.memory_space<vmem>>)
    %dma_wait3A_1236 = arith.constant 507 : i32
    %dma_wait3A_1237 = arith.constant 507 : i32
    %dma_wait3A_1238 = arith.constant 0 : i32
    %dma_wait3A_1239 = tpu.memref_slice %arg6[%dma_wait3A_1237, %dma_wait3A_1238] : memref<512x100xi32, #tpu.memory_space<vmem>> -> memref<1x100xi32, #tpu.memory_space<vmem>>
    %dma_wait3A_1240 = tpu.memref_squeeze %dma_wait3A_1239 : memref<1x100xi32, #tpu.memory_space<vmem>> -> memref<100xi32, #tpu.memory_space<vmem>>
    %dma_wait3A_1241 = arith.constant 0 : i32
    %dma_wait3A_1242 = tpu.memref_slice %arg5[%dma_wait3A_1236, %dma_wait3A_1241] : memref<512x100xi32, #tpu.memory_space<vmem>> -> memref<1x100xi32, #tpu.memory_space<vmem>>
    %dma_wait3A_1243 = tpu.memref_squeeze %dma_wait3A_1242 : memref<1x100xi32, #tpu.memory_space<vmem>> -> memref<100xi32, #tpu.memory_space<vmem>>
    %dma_wait3A_1244 = arith.constant 0 : i32
    %dma_wait3A_1245 = tpu.memref_slice %arg3[%dma_wait3A_1244] : memref<1000000xi32, #tpu.memory_space<hbm>> -> memref<1000000xi32, #tpu.memory_space<hbm>>
    tpu.wait_indirect_dma semaphore(%arg7 : memref<!tpu.dma_semaphore, #tpu.memory_space<semaphore_mem>>) src(%dma_wait3A_1245 : memref<1000000xi32, #tpu.memory_space<hbm>>) dst(%dma_wait3A_1240 : memref<100xi32, #tpu.memory_space<vmem>>)
    %dma_wait3A_1246 = arith.constant 508 : i32
    %dma_wait3A_1247 = arith.constant 508 : i32
    %dma_wait3A_1248 = arith.constant 0 : i32
    %dma_wait3A_1249 = tpu.memref_slice %arg6[%dma_wait3A_1247, %dma_wait3A_1248] : memref<512x100xi32, #tpu.memory_space<vmem>> -> memref<1x100xi32, #tpu.memory_space<vmem>>
    %dma_wait3A_1250 = tpu.memref_squeeze %dma_wait3A_1249 : memref<1x100xi32, #tpu.memory_space<vmem>> -> memref<100xi32, #tpu.memory_space<vmem>>
    %dma_wait3A_1251 = arith.constant 0 : i32
    %dma_wait3A_1252 = tpu.memref_slice %arg5[%dma_wait3A_1246, %dma_wait3A_1251] : memref<512x100xi32, #tpu.memory_space<vmem>> -> memref<1x100xi32, #tpu.memory_space<vmem>>
    %dma_wait3A_1253 = tpu.memref_squeeze %dma_wait3A_1252 : memref<1x100xi32, #tpu.memory_space<vmem>> -> memref<100xi32, #tpu.memory_space<vmem>>
    %dma_wait3A_1254 = arith.constant 0 : i32
    %dma_wait3A_1255 = tpu.memref_slice %arg3[%dma_wait3A_1254] : memref<1000000xi32, #tpu.memory_space<hbm>> -> memref<1000000xi32, #tpu.memory_space<hbm>>
    tpu.wait_indirect_dma semaphore(%arg7 : memref<!tpu.dma_semaphore, #tpu.memory_space<semaphore_mem>>) src(%dma_wait3A_1255 : memref<1000000xi32, #tpu.memory_space<hbm>>) dst(%dma_wait3A_1250 : memref<100xi32, #tpu.memory_space<vmem>>)
    %dma_wait3A_1256 = arith.constant 509 : i32
    %dma_wait3A_1257 = arith.constant 509 : i32
    %dma_wait3A_1258 = arith.constant 0 : i32
    %dma_wait3A_1259 = tpu.memref_slice %arg6[%dma_wait3A_1257, %dma_wait3A_1258] : memref<512x100xi32, #tpu.memory_space<vmem>> -> memref<1x100xi32, #tpu.memory_space<vmem>>
    %dma_wait3A_1260 = tpu.memref_squeeze %dma_wait3A_1259 : memref<1x100xi32, #tpu.memory_space<vmem>> -> memref<100xi32, #tpu.memory_space<vmem>>
    %dma_wait3A_1261 = arith.constant 0 : i32
    %dma_wait3A_1262 = tpu.memref_slice %arg5[%dma_wait3A_1256, %dma_wait3A_1261] : memref<512x100xi32, #tpu.memory_space<vmem>> -> memref<1x100xi32, #tpu.memory_space<vmem>>
    %dma_wait3A_1263 = tpu.memref_squeeze %dma_wait3A_1262 : memref<1x100xi32, #tpu.memory_space<vmem>> -> memref<100xi32, #tpu.memory_space<vmem>>
    %dma_wait3A_1264 = arith.constant 0 : i32
    %dma_wait3A_1265 = tpu.memref_slice %arg3[%dma_wait3A_1264] : memref<1000000xi32, #tpu.memory_space<hbm>> -> memref<1000000xi32, #tpu.memory_space<hbm>>
    tpu.wait_indirect_dma semaphore(%arg7 : memref<!tpu.dma_semaphore, #tpu.memory_space<semaphore_mem>>) src(%dma_wait3A_1265 : memref<1000000xi32, #tpu.memory_space<hbm>>) dst(%dma_wait3A_1260 : memref<100xi32, #tpu.memory_space<vmem>>)
    %dma_wait3A_1266 = arith.constant 510 : i32
    %dma_wait3A_1267 = arith.constant 510 : i32
    %dma_wait3A_1268 = arith.constant 0 : i32
    %dma_wait3A_1269 = tpu.memref_slice %arg6[%dma_wait3A_1267, %dma_wait3A_1268] : memref<512x100xi32, #tpu.memory_space<vmem>> -> memref<1x100xi32, #tpu.memory_space<vmem>>
    %dma_wait3A_1270 = tpu.memref_squeeze %dma_wait3A_1269 : memref<1x100xi32, #tpu.memory_space<vmem>> -> memref<100xi32, #tpu.memory_space<vmem>>
    %dma_wait3A_1271 = arith.constant 0 : i32
    %dma_wait3A_1272 = tpu.memref_slice %arg5[%dma_wait3A_1266, %dma_wait3A_1271] : memref<512x100xi32, #tpu.memory_space<vmem>> -> memref<1x100xi32, #tpu.memory_space<vmem>>
    %dma_wait3A_1273 = tpu.memref_squeeze %dma_wait3A_1272 : memref<1x100xi32, #tpu.memory_space<vmem>> -> memref<100xi32, #tpu.memory_space<vmem>>
    %dma_wait3A_1274 = arith.constant 0 : i32
    %dma_wait3A_1275 = tpu.memref_slice %arg3[%dma_wait3A_1274] : memref<1000000xi32, #tpu.memory_space<hbm>> -> memref<1000000xi32, #tpu.memory_space<hbm>>
    tpu.wait_indirect_dma semaphore(%arg7 : memref<!tpu.dma_semaphore, #tpu.memory_space<semaphore_mem>>) src(%dma_wait3A_1275 : memref<1000000xi32, #tpu.memory_space<hbm>>) dst(%dma_wait3A_1270 : memref<100xi32, #tpu.memory_space<vmem>>)
    %dma_wait3A_1276 = arith.constant 511 : i32
    %dma_wait3A_1277 = arith.constant 511 : i32
    %dma_wait3A_1278 = arith.constant 0 : i32
    %dma_wait3A_1279 = tpu.memref_slice %arg6[%dma_wait3A_1277, %dma_wait3A_1278] : memref<512x100xi32, #tpu.memory_space<vmem>> -> memref<1x100xi32, #tpu.memory_space<vmem>>
    %dma_wait3A_1280 = tpu.memref_squeeze %dma_wait3A_1279 : memref<1x100xi32, #tpu.memory_space<vmem>> -> memref<100xi32, #tpu.memory_space<vmem>>
    %dma_wait3A_1281 = arith.constant 0 : i32
    %dma_wait3A_1282 = tpu.memref_slice %arg5[%dma_wait3A_1276, %dma_wait3A_1281] : memref<512x100xi32, #tpu.memory_space<vmem>> -> memref<1x100xi32, #tpu.memory_space<vmem>>
    %dma_wait3A_1283 = tpu.memref_squeeze %dma_wait3A_1282 : memref<1x100xi32, #tpu.memory_space<vmem>> -> memref<100xi32, #tpu.memory_space<vmem>>
    %dma_wait3A_1284 = arith.constant 0 : i32
    %dma_wait3A_1285 = tpu.memref_slice %arg3[%dma_wait3A_1284] : memref<1000000xi32, #tpu.memory_space<hbm>> -> memref<1000000xi32, #tpu.memory_space<hbm>>
    tpu.wait_indirect_dma semaphore(%arg7 : memref<!tpu.dma_semaphore, #tpu.memory_space<semaphore_mem>>) src(%dma_wait3A_1285 : memref<1000000xi32, #tpu.memory_space<hbm>>) dst(%dma_wait3A_1280 : memref<100xi32, #tpu.memory_space<vmem>>)
    "tpu.region"() ({
      %run_scoped3A = tpu.sem_alloc : memref<!tpu.dma_semaphore, #tpu.memory_space<semaphore_mem>>
      %dma_start3A_1286 = arith.constant 0 : i32
      %dma_start3A_1287 = tpu.memref_slice %arg4[%mul3A_2, %dma_start3A_1286] : memref<16384x100xi32, #tpu.memory_space<hbm>> -> memref<512x100xi32, #tpu.memory_space<hbm>>
      %dma_start3A_1288 = arith.constant 0 : i32
      %dma_start3A_1289 = tpu.memref_slice %arg4[%mul3A_2, %dma_start3A_1288] : memref<16384x100xi32, #tpu.memory_space<hbm>> -> memref<512x100xi32, #tpu.memory_space<hbm>>
      tpu.enqueue_dma source(%arg6 : memref<512x100xi32, #tpu.memory_space<vmem>>) target(%dma_start3A_1289 : memref<512x100xi32, #tpu.memory_space<hbm>>) target_semaphore(%run_scoped3A : memref<!tpu.dma_semaphore, #tpu.memory_space<semaphore_mem>>)
      %dma_wait3A_1290 = arith.constant 0 : i32
      %dma_wait3A_1291 = tpu.memref_slice %arg4[%mul3A_2, %dma_wait3A_1290] : memref<16384x100xi32, #tpu.memory_space<hbm>> -> memref<512x100xi32, #tpu.memory_space<hbm>>
      %dma_wait3A_1292 = arith.constant 0 : i32
      %dma_wait3A_1293 = tpu.memref_slice %arg4[%mul3A_2, %dma_wait3A_1292] : memref<16384x100xi32, #tpu.memory_space<hbm>> -> memref<512x100xi32, #tpu.memory_space<hbm>>
      tpu.wait_dma2 semaphore(%run_scoped3A : memref<!tpu.dma_semaphore, #tpu.memory_space<semaphore_mem>>) src(%arg6 : memref<512x100xi32, #tpu.memory_space<vmem>>) dst(%dma_wait3A_1293 : memref<512x100xi32, #tpu.memory_space<hbm>>)
      tpu.yield
    }) : () -> ()
    return
  }
}

</mosaic_0001>

<sc_bundles>
// kernel: _gather.3.cloned.1.call-start
scs
__scs_entry_jumppad:
0x0: {  	(pc) =	sbr.rel $0x88, $3  }
0x1: {  	(tag) =	ssettag $0x0;
	lr =	simm.s32 $0x1  }
0x2: {  	[smem:$0x3F9F] =	sst lr;
	_ =	strace $0xD0000000  }
0x3: {  	_ = 	snop  }
0x4: {  	_ = 	snop  }
0x5: {  	_ = 	snop  }
0x6: {  	_ = 	snop  }
0x7: {  	_ = 	snop  }
__scs_overlays_trampoline_lowered:
0x8: {  	[smem:$0x3FAE] =	sst s0  }
0x9: {  	[smem:$0x3FAF] =	sst s1  }
0xa: {  	[smem:$0x3FB0] =	sst s2  }
0xb: {  	[smem:$0x3FB1] =	sst s3  }
0xc: {  	[smem:$0x3FB2] =	sst s4  }
0xd: {  	[smem:$0x3FB3] =	sst s5  }
0xe: {  	[smem:$0x3FB4] =	sst s6  }
0xf: {  	[smem:$0x3FB5] =	sst s7  }
0x10: {  	[smem:$0x3FB6] =	sst s8  }
0x11: {  	[smem:$0x3FB7] =	sst s9;
	s0 =	simm.s32 @!p0 $0x0  }
0x12: {  	s1 =	sld [smem:$0x3F9D];
	s0 =	simm.s32 @p0 $0x1  }
0x13: {  	[smem:$0x3FB8] =	sst s0;
	s0 =	simm.s32 @!p1 $0x0  }
0x14: {  	s2 =	sld [smem:$0x3F9C];
	s0 =	simm.s32 @p1 $0x1  }
0x15: {  	[smem:$0x3FB9] =	sst s0;
	s0 =	simm.s32 @!p2 $0x0  }
0x16: {  	s3 =	sld [smem:$0x3FDB];
	s0 =	simm.s32 @p2 $0x1  }
0x17: {  	s4 =	simm.s32 $0x1BF5;
	[smem:$0x3FBB] =	sst s0  }
0x18: {  	s0 =	sld [smem:$0x3F9E];
	_ =	swait.ge [sflag:s4], $0x0  }
0x19: {  	s7 =	sld [smem:$0x3F9F]  }
0x1a: {  	s8 =	sadd.s32 $0xFFFFE003, lr  }
0x1b: {  	s9 =	sadd.s32 $0xFFFFFEF7, lr;
	s5 =	simm.s32 $0xFFFFFFFF;
	p2 =	slt.u32 s8, $0xFFFFF086  }
0x1c: {  	p1 =	slt.u32 s9, $0xF7A;
	s5 =	simm.s32 @!p2 $0x0  }
0x1d: {  	s5 =	simm.s32 @p1 $0x1;
	p0 =	seq.s32 s7, s2  }
0x1e: {  	s7 =	smul.u32 @!p0 $0xF7A, s2;
	p2 =	seq.s32 @!p0 s5, $0x0  }
0x1f: {  	s9 =	smul.u32 $0xF7A, s1;
	s8 =	simm.s32 @!p0 $0x1BF5;
	p2 =	por !p2, p0  }
0x20: {  	[sflag:s8] =	ssyncset.s32 @!p0 $0xFFFFF086;
	s6 =	sadd.s32 @!p0 s3, s7;
	s7 =	simm.s32 @!p0 $0x108  }
0x21: {  	s3 =	sadd.s32 s3, s9;
	s6 =	sadd.s32 @!p0 $0x88, s6;
	s7 =	simm.s32 @p2 $0x1082  }
0x22: {  	[simem:s7], [sflag:s8] =	dma.local @!p0 [hbm:s6], $0xF7A  }
0x23: {  	s9 =	sor.u32 $0xD0000000, s2;
	s6 =	simm.s32 $0x108;
	_ =	swait.ge @!p0 [sflag:s8], $0x0  }
0x24: {  	s3 =	sadd.s32 $0x88, s3;
	s6 =	simm.s32 @!p1 $0x1082;
	[sflag:s4] =	ssyncset.s32 $0xFFFFF086  }
0x25: {  	[simem:s6], [sflag:s4] =	dma.local [hbm:s3], $0xF7A  }
0x26: {  	[smem:$0x3F9F] =	sst s1;
	(tag) =	ssettag s2;
	_ =	strace s9  }
0x27: {  	s1 =	sld [smem:$0x3FAF]  }
0x28: {  	s2 =	sld [smem:$0x3FB0]  }
0x29: {  	s4 =	sld [smem:$0x3FB2]  }
0x2a: {  	p0 =	seq.s32 s5, $0x0;
	s5 =	sld [smem:$0x3FB3]  }
0x2b: {  	s6 =	sld [smem:$0x3FB4]  }
0x2c: {  	s7 =	sld [smem:$0x3FB5]  }
0x2d: {  	s3 =	simm.s32 $0x108;
	s8 =	sld [smem:$0x3FB6]  }
0x2e: {  	s3 =	simm.s32 @!p0 $0x1082;
	s9 =	sld [smem:$0x3FB7]  }
0x2f: {  	lr =	sadd.s32 s0, s3;
	s0 =	sld [smem:$0x3FAE]  }
0x30: {  	s3 =	sld [smem:$0x3FB1]  }
0x31: {  	[smem:$0x3FBA] =	sst s10  }
0x32: {  	s10 =	sld [smem:$0x3FB8];
	_ =	sdelay $0x3  }
0x33: {  	p0 =	seq.s32 s10, $0x1;
	s10 =	sld [smem:$0x3FBA];
	_ =	sdelay $0x3  }
0x34: {  	[smem:$0x3FBA] =	sst s10  }
0x35: {  	s10 =	sld [smem:$0x3FB9];
	_ =	sdelay $0x3  }
0x36: {  	p1 =	seq.s32 s10, $0x1;
	s10 =	sld [smem:$0x3FBA];
	_ =	sdelay $0x3  }
0x37: {  	[smem:$0x3FBA] =	sst s10  }
0x38: {  	s10 =	sld [smem:$0x3FBB]  }
0x39: {  	_ = 	snop;
	(pc) =	sbr.ind lr, $3  }
0x3a: {  	_ = 	snop  }
0x3b: {  	_ = 	snop  }
0x3c: {  	p2 =	seq.s32 s10, $0x1;
	s10 =	sld [smem:$0x3FBA]  }
0x3d: {  	_ =	shalt  }
0x3e: {  	_ =	shalt  }
0x3f: {  	_ =	shalt  }
0x40: {  	_ =	shalt  }
0x41: {  	_ =	shalt  }
0x42: {  	_ =	shalt  }
0x43: {  	_ =	shalt  }
0x44: {  	_ =	shalt  }
0x45: {  	_ =	shalt  }
0x46: {  	_ =	shalt  }
0x47: {  	_ =	shalt  }
0x48: {  	_ =	shalt  }
0x49: {  	_ =	shalt  }
0x4a: {  	_ =	shalt  }
0x4b: {  	_ =	shalt  }
0x4c: {  	_ =	shalt  }
0x4d: {  	_ =	shalt  }
0x4e: {  	_ =	shalt  }
0x4f: {  	_ =	shalt  }
0x50: {  	_ =	shalt  }
0x51: {  	_ =	shalt  }
0x52: {  	_ =	shalt  }
0x53: {  	_ =	shalt  }
0x54: {  	_ =	shalt  }
0x55: {  	_ =	shalt  }
0x56: {  	_ =	shalt  }
0x57: {  	_ =	shalt  }
0x58: {  	_ =	shalt  }
0x59: {  	_ =	shalt  }
0x5a: {  	_ =	shalt  }
0x5b: {  	_ =	shalt  }
0x5c: {  	_ =	shalt  }
0x5d: {  	_ =	shalt  }
0x5e: {  	_ =	shalt  }
0x5f: {  	_ =	shalt  }
0x60: {  	_ =	shalt  }
0x61: {  	_ =	shalt  }
0x62: {  	_ =	shalt  }
0x63: {  	_ =	shalt  }
0x64: {  	_ =	shalt  }
0x65: {  	_ =	shalt  }
0x66: {  	_ =	shalt  }
0x67: {  	_ =	shalt  }
0x68: {  	_ =	shalt  }
0x69: {  	_ =	shalt  }
0x6a: {  	_ =	shalt  }
0x6b: {  	_ =	shalt  }
0x6c: {  	_ =	shalt  }
0x6d: {  	_ =	shalt  }
0x6e: {  	_ =	shalt  }
0x6f: {  	_ =	shalt  }
0x70: {  	_ =	shalt  }
0x71: {  	_ =	shalt  }
0x72: {  	_ =	shalt  }
0x73: {  	_ =	shalt  }
0x74: {  	_ =	shalt  }
0x75: {  	_ =	shalt  }
0x76: {  	_ =	shalt  }
0x77: {  	_ =	shalt  }
0x78: {  	_ =	shalt  }
0x79: {  	_ =	shalt  }
0x7a: {  	_ =	shalt  }
0x7b: {  	_ =	shalt  }
0x7c: {  	_ =	shalt  }
0x7d: {  	_ =	shalt  }
0x7e: {  	_ =	shalt  }
0x7f: {  	_ =	shalt  }
0x80: {  	_ =	shalt  }
0x81: {  	_ =	shalt  }
0x82: {  	_ =	shalt  }
0x83: {  	_ =	shalt  }
0x84: {  	_ =	shalt  }
0x85: {  	_ =	shalt  }
0x86: {  	_ =	shalt  }
0x87: {  	_ =	shalt  }
.Lfunc_end0:
.L_simem_size_0:
called_computation_lowered:
.L_overlay_start_0:
0x88: {  	s2 =	sld [smem:$0x3FD9]  }
0x89: {  	s3 =	sld [smem:$0x3FFE];
	_ =	sdelay $0x1  }
0x8a: {  	s1 =	srdreg.scid  }
0x8b: {  	s0 =	sand.u32 $0x1, s1  }
0x8c: {  	s17 =	sshll.u32 s0, $0xA;
	s2 =	sadd.s32 s3, s2  }
0x8d: {  	s2 =	sadd.s32 s2, s17  }
0x8e: {  	[smem:$0x3FC6] =	sst s2  }
0x8f: {  	_ = 	snop  }
0x90: {  	s2 =	sld [smem:$0x3FC8];
	(tm) =	ssettm $0x1  }
0x91: {  	s18 =	sld [smem:$0x3FFB];
	_ =	sdelay $0x3  }
0x92: {  	_ =	strace s18  }
0x93: {  	s3 =	sld [smem:$0x3FFC];
	_ =	sdelay $0x3  }
0x94: {  	_ =	strace s3  }
0x95: {  	s3 =	sld [smem:$0x3FFD];
	_ =	sdelay $0x3  }
0x96: {  	_ =	strace s3  }
0x97: {  	_ =	strace $0x8FFFFFFF  }
0x98: {  	s19 =	sld [smem:$0x3FDB];
	_ =	sdelay $0x1  }
0x99: {  	s4 =	simm.s32 $_scs_section_size  }
0x9a: {  	s5 =	simm.s32 $_size__tile_overlayer_lowered;
	s6 =	simm.s32 $_tile_overlayer_lowered  }
0x9b: {  	s22 =	simm.s32 $0x1BFF;
	s21 =	sshll.u32 s6, $0x1;
	s3 =	sadd.s32 s4, s19  }
0x9c: {  	s7 =	simm.s32 $0x0;
	s20 =	sshll.u32 s5, $0x1;
	s5 =	sadd.s32 s21, s3  }
0x9d: {  	[timem:s7], [sflag:s22] =	dma.local [hbm:s5], s20  }
0x9e: {  	_ =	swait.ge [sflag:s22], s20  }
0x9f: {  	s4 =	ssub.s32 $0x0, s20;
	[sflag:s22] =	ssyncset.done $0x0  }
0xa0: {  	[sflag:s22] =	ssyncadd.s32 s4;
	_ =	sdelay $0x1  }
0xa1: {  	s23 =	simm.s32 $0x1B8B  }
0xa2: {  	_ =	swait.ge [sflag:s23], $0x1  }
0xa3: {  	[sflag:s23] =	ssyncset.done $0x0  }
0xa4: {  	s25 =	simm.s32 $0x1B8E;
	s24 =	sld [smem:$0x3FFE];
	[sflag:s23] =	ssyncadd.s32 $0xFFFFFFFF  }
0xa5: {  	s26 =	simm.s32 $execute0_lowered;
	[smem:$0x3FD2] =	sst s25  }
0xa6: {  	s5 =	sshll.u32 s26, $0x1;
	_ =	strace $0x80000046;
	[dreg:$0x1] =	wrdreg $0xFFFFFFFF  }
0xa7: {  	s28 =	simm.s32 $_size_execute0_lowered;
	s3 =	sadd.s32 s3, s5;
	[dreg:$0x0] =	wrdreg $0x0  }
0xa8: {  	s5 =	sshll.u32 s28, $0x1;
	[dreg:$0x2] =	wrdreg s3  }
0xa9: {  	[dreg:$0x3] =	wrdreg s5  }
0xaa: {  	[dreg:$0x4] =	wrdreg $0xC0  }
0xab: {  	_ =	task [dreg:s7], $0x5FFFF  }
0xac: {  	[dreg:$0x1] =	wrdreg $0xFFFFFFFF  }
0xad: {  	[dreg:$0x0] =	wrdreg $0x60  }
0xae: {  	[dreg:$0x2] =	wrdreg s24  }
0xaf: {  	[dreg:$0x3] =	wrdreg s2  }
0xb0: {  	[dreg:$0x4] =	wrdreg $0x9  }
0xb1: {  	_ =	task.clear_ibuf [dreg:s7], $0x5FFFF;
	_ =	strace $0x90000046  }
0xb2: {  	s29 =	simm.s32 $0x9;
	_ =	strace $0x80000048  }
0xb3: {  	_ =	swait.ge [sflag:s29], $0x1  }
0xb4: {  	[sflag:s29] =	ssyncadd.s32 $0xFFFFFFFF  }
0xb5: {  	_ =	strace $0x90000048  }
0xb6: {  	_ =	sfence  }
0xb7: {  	s30 =	sld [smem:$0x0];
	_ =	sdelay $0x2  }
0xb8: {  	s31 =	sshll.u32 s1, $0xD;
	s1 =	sshrl.u32 s1, $0x2  }
0xb9: {  	s3 =	sand.u32 $0x4000, s31;
	s1 =	sadd.s32 s1, s30  }
0xba: {  	s0 =	sor.u32 s3, s0;
	s1 =	sshll.u32 s1, $0x11  }
0xbb: {  	s0 =	sor.u32 s1, s0  }
0xbc: {  	s0 =	sadd.s32 $0x8F2B, s0  }
0xbd: {  	[sflag:s0] =	ssyncadd.remote.s32 $0x1  }
0xbe: {  	_ =	sfence.sel $0xFFFF  }
0xbf: {  	[dreg:$0x0] =	wrdreg $0xFFFFFFFF;
	(pc) =	sbr.abs _section_cstart, $3  }
0xc0: {  	[dreg:$0x1] =	wrdreg $0xFFFFFFFF  }
0xc1: {  	_ =	task.clear_ibuf [dreg:s7], $0x2FFFF;
	_ =	strace $0x9FFFFFFF  }
0xc2: {  	(tm) =	ssettm $0x7FFFFFFF  }
0xc3: {  	_ =	shalt  }
tec
execute0_lowered:
.L_overlay_start_1:
0x0: {  	(tag) =	ssettag $0x1  }
0x1: {  	s0 =	rddreg [dreg:$0x0]  }
0x2: {  	s2 =	rddreg [dreg:$0x1]  }
0x3: {  	s1 =	srdreg.scid;
	s4 =	stileid.u32;
	s3 =	simm.s32 $0x0  }
0x4: {  	s7 =	simm.s32 $0x2;
	s8 =	simm.s32 $0x64;
	s9 =	simm.s32 $0x10000  }
0x5: {  	s30 =	simm.s32 $0x11C00;
	s31 =	simm.s32 $0x1C80;
	s10 =	simm.s32 $0x11D00  }
0x6: {  	s11 =	simm.s32 $0x1D80;
	s12 =	simm.s32 $0x11D80;
	s13 =	simm.s32 $0x1E00  }
0x7: {  	s14 =	simm.s32 $0x11E00;
	s15 =	simm.s32 $0x1E80;
	s16 =	simm.s32 $0x11E80  }
0x8: {  	s17 =	simm.s32 $0x1F00;
	s18 =	simm.s32 $0x11F00;
	s19 =	simm.s32 $0x1F80  }
0x9: {  	s20 =	simm.s32 $0x11F80;
	s21 =	simm.s32 $0x1;
	s1 =	sand.u32 $0x1, s1  }
0xa: {  	s22 =	simm.s32 $0x0;
	s4 =	sshll.u32 s4, $0xE;
	s5 =	sshll.u32 s1, $0xD  }
0xb: {  	[smem:$0x7FF] =	sst s3;
	s1 =	ssub.s32 $0x2, s1;
	s4 =	sor.u32 s5, s4  }
0xc: {  	_ =	strace $0x80000047;
	s29 =	sshrl.u32 s1, $0x1;
	s0 =	sadd.s32 s4, s0  }
0xd: {  	s1 =	ssub.s32 s1, s29;
	s4 =	sadd.s32 $0x400, s0;
	s5 =	sadd.s32 $0x40400, s0  }
0xe: {  	s6 =	smax.u32 s1, $0x1;
	s0 =	simm.s32 $0x11C80;
	s1 =	simm.s32 $0x1D00  }
.LBB2_1:
0xf: {  	[tilespmem:s3], [sflag:$0x2] =	stream.linear.gather [hbm4b:s4+s3], $0x10000, $0x38;
	v63 =	vld [tilespmem:$0x0]  }
0x10: {  	_ =	swait.ge [sflag:s7], $0x10000  }
0x11: {  	[sflag:s7] =	ssyncset.done $0x0  }
0x12: {  	[sflag:s7] =	ssyncadd.s32 $0xFFFF0000  }
0x13: {  	[tilespmem:s9], [sflag:$0x1] =	stream.indirect.gather [hbm4b:s2+s8], $0x1, s3, s8, $0xb8;
	v63 =	vld [tilespmem:$0x0]  }
0x14: {  	s23 =	simm.s32 $0x80;
	s24 =	simm.s32 $0x10080  }
0x15: {  	[tilespmem:s24], [sflag:$0x1] =	stream.indirect.gather [hbm4b:s2+s8], $0x1, s23, s8, $0xb8;
	v63 =	vld [tilespmem:$0x0]  }
0x16: {  	s25 =	simm.s32 $0x100;
	s26 =	simm.s32 $0x10100  }
0x17: {  	[tilespmem:s26], [sflag:$0x1] =	stream.indirect.gather [hbm4b:s2+s8], $0x1, s25, s8, $0xb8;
	v63 =	vld [tilespmem:$0x0]  }
0x18: {  	s28 =	simm.s32 $0x180;
	s29 =	simm.s32 $0x10180  }
0x19: {  	[tilespmem:s29], [sflag:$0x1] =	stream.indirect.gather [hbm4b:s2+s8], $0x1, s28, s8, $0xb8;
	v63 =	vld [tilespmem:$0x0]  }
0x1a: {  	s25 =	simm.s32 $0x200;
	s26 =	simm.s32 $0x10200  }
0x1b: {  	[tilespmem:s26], [sflag:$0x1] =	stream.indirect.gather [hbm4b:s2+s8], $0x1, s25, s8, $0xb8;
	v63 =	vld [tilespmem:$0x0]  }
0x1c: {  	s28 =	simm.s32 $0x280;
	s29 =	simm.s32 $0x10280  }
0x1d: {  	[tilespmem:s29], [sflag:$0x1] =	stream.indirect.gather [hbm4b:s2+s8], $0x1, s28, s8, $0xb8;
	v63 =	vld [tilespmem:$0x0]  }
0x1e: {  	s25 =	simm.s32 $0x300;
	s26 =	simm.s32 $0x10300  }
0x1f: {  	[tilespmem:s26], [sflag:$0x1] =	stream.indirect.gather [hbm4b:s2+s8], $0x1, s25, s8, $0xb8;
	v63 =	vld [tilespmem:$0x0]  }
0x20: {  	s28 =	simm.s32 $0x380;
	s29 =	simm.s32 $0x10380  }
0x21: {  	[tilespmem:s29], [sflag:$0x1] =	stream.indirect.gather [hbm4b:s2+s8], $0x1, s28, s8, $0xb8;
	v63 =	vld [tilespmem:$0x0]  }
0x22: {  	s25 =	simm.s32 $0x400;
	s26 =	simm.s32 $0x10400  }
0x23: {  	[tilespmem:s26], [sflag:$0x1] =	stream.indirect.gather [hbm4b:s2+s8], $0x1, s25, s8, $0xb8;
	v63 =	vld [tilespmem:$0x0]  }
0x24: {  	s28 =	simm.s32 $0x480;
	s29 =	simm.s32 $0x10480  }
0x25: {  	[tilespmem:s29], [sflag:$0x1] =	stream.indirect.gather [hbm4b:s2+s8], $0x1, s28, s8, $0xb8;
	v63 =	vld [tilespmem:$0x0]  }
0x26: {  	s25 =	simm.s32 $0x500;
	s26 =	simm.s32 $0x10500  }
0x27: {  	[tilespmem:s26], [sflag:$0x1] =	stream.indirect.gather [hbm4b:s2+s8], $0x1, s25, s8, $0xb8;
	v63 =	vld [tilespmem:$0x0]  }
0x28: {  	s28 =	simm.s32 $0x580;
	s29 =	simm.s32 $0x10580  }
0x29: {  	[tilespmem:s29], [sflag:$0x1] =	stream.indirect.gather [hbm4b:s2+s8], $0x1, s28, s8, $0xb8;
	v63 =	vld [tilespmem:$0x0]  }
0x2a: {  	s25 =	simm.s32 $0x600;
	s26 =	simm.s32 $0x10600  }
0x2b: {  	[tilespmem:s26], [sflag:$0x1] =	stream.indirect.gather [hbm4b:s2+s8], $0x1, s25, s8, $0xb8;
	v63 =	vld [tilespmem:$0x0]  }
0x2c: {  	s28 =	simm.s32 $0x680;
	s29 =	simm.s32 $0x10680  }
0x2d: {  	[tilespmem:s29], [sflag:$0x1] =	stream.indirect.gather [hbm4b:s2+s8], $0x1, s28, s8, $0xb8;
	v63 =	vld [tilespmem:$0x0]  }
0x2e: {  	s25 =	simm.s32 $0x700;
	s26 =	simm.s32 $0x10700  }
0x2f: {  	[tilespmem:s26], [sflag:$0x1] =	stream.indirect.gather [hbm4b:s2+s8], $0x1, s25, s8, $0xb8;
	v63 =	vld [tilespmem:$0x0]  }
0x30: {  	s28 =	simm.s32 $0x780;
	s29 =	simm.s32 $0x10780  }
0x31: {  	[tilespmem:s29], [sflag:$0x1] =	stream.indirect.gather [hbm4b:s2+s8], $0x1, s28, s8, $0xb8;
	v63 =	vld [tilespmem:$0x0]  }
0x32: {  	s25 =	simm.s32 $0x800;
	s26 =	simm.s32 $0x10800  }
0x33: {  	[tilespmem:s26], [sflag:$0x1] =	stream.indirect.gather [hbm4b:s2+s8], $0x1, s25, s8, $0xb8;
	v63 =	vld [tilespmem:$0x0]  }
0x34: {  	s28 =	simm.s32 $0x880;
	s29 =	simm.s32 $0x10880  }
0x35: {  	[tilespmem:s29], [sflag:$0x1] =	stream.indirect.gather [hbm4b:s2+s8], $0x1, s28, s8, $0xb8;
	v63 =	vld [tilespmem:$0x0]  }
0x36: {  	s25 =	simm.s32 $0x900;
	s26 =	simm.s32 $0x10900  }
0x37: {  	[tilespmem:s26], [sflag:$0x1] =	stream.indirect.gather [hbm4b:s2+s8], $0x1, s25, s8, $0xb8;
	v63 =	vld [tilespmem:$0x0]  }
0x38: {  	s28 =	simm.s32 $0x980;
	s29 =	simm.s32 $0x10980  }
0x39: {  	[tilespmem:s29], [sflag:$0x1] =	stream.indirect.gather [hbm4b:s2+s8], $0x1, s28, s8, $0xb8;
	v63 =	vld [tilespmem:$0x0]  }
0x3a: {  	s25 =	simm.s32 $0xA00;
	s26 =	simm.s32 $0x10A00  }
0x3b: {  	[tilespmem:s26], [sflag:$0x1] =	stream.indirect.gather [hbm4b:s2+s8], $0x1, s25, s8, $0xb8;
	v63 =	vld [tilespmem:$0x0]  }
0x3c: {  	s28 =	simm.s32 $0xA80;
	s29 =	simm.s32 $0x10A80  }
0x3d: {  	[tilespmem:s29], [sflag:$0x1] =	stream.indirect.gather [hbm4b:s2+s8], $0x1, s28, s8, $0xb8;
	v63 =	vld [tilespmem:$0x0]  }
0x3e: {  	s25 =	simm.s32 $0xB00;
	s26 =	simm.s32 $0x10B00  }
0x3f: {  	[tilespmem:s26], [sflag:$0x1] =	stream.indirect.gather [hbm4b:s2+s8], $0x1, s25, s8, $0xb8;
	v63 =	vld [tilespmem:$0x0]  }
0x40: {  	s28 =	simm.s32 $0xB80;
	s29 =	simm.s32 $0x10B80  }
0x41: {  	[tilespmem:s29], [sflag:$0x1] =	stream.indirect.gather [hbm4b:s2+s8], $0x1, s28, s8, $0xb8;
	v63 =	vld [tilespmem:$0x0]  }
0x42: {  	s25 =	simm.s32 $0xC00;
	s26 =	simm.s32 $0x10C00  }
0x43: {  	[tilespmem:s26], [sflag:$0x1] =	stream.indirect.gather [hbm4b:s2+s8], $0x1, s25, s8, $0xb8;
	v63 =	vld [tilespmem:$0x0]  }
0x44: {  	s28 =	simm.s32 $0xC80;
	s29 =	simm.s32 $0x10C80  }
0x45: {  	[tilespmem:s29], [sflag:$0x1] =	stream.indirect.gather [hbm4b:s2+s8], $0x1, s28, s8, $0xb8;
	v63 =	vld [tilespmem:$0x0]  }
0x46: {  	s25 =	simm.s32 $0xD00;
	s26 =	simm.s32 $0x10D00  }
0x47: {  	[tilespmem:s26], [sflag:$0x1] =	stream.indirect.gather [hbm4b:s2+s8], $0x1, s25, s8, $0xb8;
	v63 =	vld [tilespmem:$0x0]  }
0x48: {  	s28 =	simm.s32 $0xD80;
	s29 =	simm.s32 $0x10D80  }
0x49: {  	[tilespmem:s29], [sflag:$0x1] =	stream.indirect.gather [hbm4b:s2+s8], $0x1, s28, s8, $0xb8;
	v63 =	vld [tilespmem:$0x0]  }
0x4a: {  	s25 =	simm.s32 $0xE00;
	s26 =	simm.s32 $0x10E00  }
0x4b: {  	[tilespmem:s26], [sflag:$0x1] =	stream.indirect.gather [hbm4b:s2+s8], $0x1, s25, s8, $0xb8;
	v63 =	vld [tilespmem:$0x0]  }
0x4c: {  	s28 =	simm.s32 $0xE80;
	s29 =	simm.s32 $0x10E80  }
0x4d: {  	[tilespmem:s29], [sflag:$0x1] =	stream.indirect.gather [hbm4b:s2+s8], $0x1, s28, s8, $0xb8;
	v63 =	vld [tilespmem:$0x0]  }
0x4e: {  	s25 =	simm.s32 $0xF00;
	s26 =	simm.s32 $0x10F00  }
0x4f: {  	[tilespmem:s26], [sflag:$0x1] =	stream.indirect.gather [hbm4b:s2+s8], $0x1, s25, s8, $0xb8;
	v63 =	vld [tilespmem:$0x0]  }
0x50: {  	s28 =	simm.s32 $0xF80;
	s29 =	simm.s32 $0x10F80  }
0x51: {  	[tilespmem:s29], [sflag:$0x1] =	stream.indirect.gather [hbm4b:s2+s8], $0x1, s28, s8, $0xb8;
	v63 =	vld [tilespmem:$0x0]  }
0x52: {  	s25 =	simm.s32 $0x1000;
	s26 =	simm.s32 $0x11000  }
0x53: {  	[tilespmem:s26], [sflag:$0x1] =	stream.indirect.gather [hbm4b:s2+s8], $0x1, s25, s8, $0xb8;
	v63 =	vld [tilespmem:$0x0]  }
0x54: {  	s28 =	simm.s32 $0x1080;
	s29 =	simm.s32 $0x11080  }
0x55: {  	[tilespmem:s29], [sflag:$0x1] =	stream.indirect.gather [hbm4b:s2+s8], $0x1, s28, s8, $0xb8;
	v63 =	vld [tilespmem:$0x0]  }
0x56: {  	s25 =	simm.s32 $0x1100;
	s26 =	simm.s32 $0x11100  }
0x57: {  	[tilespmem:s26], [sflag:$0x1] =	stream.indirect.gather [hbm4b:s2+s8], $0x1, s25, s8, $0xb8;
	v63 =	vld [tilespmem:$0x0]  }
0x58: {  	s28 =	simm.s32 $0x1180;
	s29 =	simm.s32 $0x11180  }
0x59: {  	[tilespmem:s29], [sflag:$0x1] =	stream.indirect.gather [hbm4b:s2+s8], $0x1, s28, s8, $0xb8;
	v63 =	vld [tilespmem:$0x0]  }
0x5a: {  	s25 =	simm.s32 $0x1200;
	s26 =	simm.s32 $0x11200  }
0x5b: {  	[tilespmem:s26], [sflag:$0x1] =	stream.indirect.gather [hbm4b:s2+s8], $0x1, s25, s8, $0xb8;
	v63 =	vld [tilespmem:$0x0]  }
0x5c: {  	s28 =	simm.s32 $0x1280;
	s29 =	simm.s32 $0x11280  }
0x5d: {  	[tilespmem:s29], [sflag:$0x1] =	stream.indirect.gather [hbm4b:s2+s8], $0x1, s28, s8, $0xb8;
	v63 =	vld [tilespmem:$0x0]  }
0x5e: {  	s25 =	simm.s32 $0x1300;
	s26 =	simm.s32 $0x11300  }
0x5f: {  	[tilespmem:s26], [sflag:$0x1] =	stream.indirect.gather [hbm4b:s2+s8], $0x1, s25, s8, $0xb8;
	v63 =	vld [tilespmem:$0x0]  }
0x60: {  	s28 =	simm.s32 $0x1380;
	s29 =	simm.s32 $0x11380  }
0x61: {  	[tilespmem:s29], [sflag:$0x1] =	stream.indirect.gather [hbm4b:s2+s8], $0x1, s28, s8, $0xb8;
	v63 =	vld [tilespmem:$0x0]  }
0x62: {  	s25 =	simm.s32 $0x1400;
	s26 =	simm.s32 $0x11400  }
0x63: {  	[tilespmem:s26], [sflag:$0x1] =	stream.indirect.gather [hbm4b:s2+s8], $0x1, s25, s8, $0xb8;
	v63 =	vld [tilespmem:$0x0]  }
0x64: {  	s28 =	simm.s32 $0x1480;
	s29 =	simm.s32 $0x11480  }
0x65: {  	[tilespmem:s29], [sflag:$0x1] =	stream.indirect.gather [hbm4b:s2+s8], $0x1, s28, s8, $0xb8;
	v63 =	vld [tilespmem:$0x0]  }
0x66: {  	s25 =	simm.s32 $0x1500;
	s26 =	simm.s32 $0x11500  }
0x67: {  	[tilespmem:s26], [sflag:$0x1] =	stream.indirect.gather [hbm4b:s2+s8], $0x1, s25, s8, $0xb8;
	v63 =	vld [tilespmem:$0x0]  }
0x68: {  	s28 =	simm.s32 $0x1580;
	s29 =	simm.s32 $0x11580  }
0x69: {  	[tilespmem:s29], [sflag:$0x1] =	stream.indirect.gather [hbm4b:s2+s8], $0x1, s28, s8, $0xb8;
	v63 =	vld [tilespmem:$0x0]  }
0x6a: {  	s25 =	simm.s32 $0x1600;
	s26 =	simm.s32 $0x11600  }
0x6b: {  	[tilespmem:s26], [sflag:$0x1] =	stream.indirect.gather [hbm4b:s2+s8], $0x1, s25, s8, $0xb8;
	v63 =	vld [tilespmem:$0x0]  }
0x6c: {  	s28 =	simm.s32 $0x1680;
	s29 =	simm.s32 $0x11680  }
0x6d: {  	[tilespmem:s29], [sflag:$0x1] =	stream.indirect.gather [hbm4b:s2+s8], $0x1, s28, s8, $0xb8;
	v63 =	vld [tilespmem:$0x0]  }
0x6e: {  	s25 =	simm.s32 $0x1700;
	s26 =	simm.s32 $0x11700  }
0x6f: {  	[tilespmem:s26], [sflag:$0x1] =	stream.indirect.gather [hbm4b:s2+s8], $0x1, s25, s8, $0xb8;
	v63 =	vld [tilespmem:$0x0]  }
0x70: {  	s28 =	simm.s32 $0x1780;
	s29 =	simm.s32 $0x11780  }
0x71: {  	[tilespmem:s29], [sflag:$0x1] =	stream.indirect.gather [hbm4b:s2+s8], $0x1, s28, s8, $0xb8;
	v63 =	vld [tilespmem:$0x0]  }
0x72: {  	s25 =	simm.s32 $0x1800;
	s26 =	simm.s32 $0x11800  }
0x73: {  	[tilespmem:s26], [sflag:$0x1] =	stream.indirect.gather [hbm4b:s2+s8], $0x1, s25, s8, $0xb8;
	v63 =	vld [tilespmem:$0x0]  }
0x74: {  	s28 =	simm.s32 $0x1880;
	s29 =	simm.s32 $0x11880  }
0x75: {  	[tilespmem:s29], [sflag:$0x1] =	stream.indirect.gather [hbm4b:s2+s8], $0x1, s28, s8, $0xb8;
	v63 =	vld [tilespmem:$0x0]  }
0x76: {  	s25 =	simm.s32 $0x1900;
	s26 =	simm.s32 $0x11900  }
0x77: {  	[tilespmem:s26], [sflag:$0x1] =	stream.indirect.gather [hbm4b:s2+s8], $0x1, s25, s8, $0xb8;
	v63 =	vld [tilespmem:$0x0]  }
0x78: {  	s28 =	simm.s32 $0x1980;
	s29 =	simm.s32 $0x11980  }
0x79: {  	[tilespmem:s29], [sflag:$0x1] =	stream.indirect.gather [hbm4b:s2+s8], $0x1, s28, s8, $0xb8;
	v63 =	vld [tilespmem:$0x0]  }
0x7a: {  	s25 =	simm.s32 $0x1A00;
	s26 =	simm.s32 $0x11A00  }
0x7b: {  	[tilespmem:s26], [sflag:$0x1] =	stream.indirect.gather [hbm4b:s2+s8], $0x1, s25, s8, $0xb8;
	v63 =	vld [tilespmem:$0x0]  }
0x7c: {  	s28 =	simm.s32 $0x1A80;
	s29 =	simm.s32 $0x11A80  }
0x7d: {  	[tilespmem:s29], [sflag:$0x1] =	stream.indirect.gather [hbm4b:s2+s8], $0x1, s28, s8, $0xb8;
	v63 =	vld [tilespmem:$0x0]  }
0x7e: {  	s25 =	simm.s32 $0x1B00;
	s26 =	simm.s32 $0x11B00  }
0x7f: {  	[tilespmem:s26], [sflag:$0x1] =	stream.indirect.gather [hbm4b:s2+s8], $0x1, s25, s8, $0xb8;
	v63 =	vld [tilespmem:$0x0]  }
0x80: {  	s28 =	simm.s32 $0x1B80;
	s29 =	simm.s32 $0x11B80  }
0x81: {  	[tilespmem:s29], [sflag:$0x1] =	stream.indirect.gather [hbm4b:s2+s8], $0x1, s28, s8, $0xb8;
	v63 =	vld [tilespmem:$0x0]  }
0x82: {  	s24 =	simm.s32 $0x1C00  }
0x83: {  	[tilespmem:s30], [sflag:$0x1] =	stream.indirect.gather [hbm4b:s2+s8], $0x1, s24, s8, $0xb8;
	v63 =	vld [tilespmem:$0x0]  }
0x84: {  	_ = 	snop  }
0x85: {  	[tilespmem:s0], [sflag:$0x1] =	stream.indirect.gather [hbm4b:s2+s8], $0x1, s31, s8, $0xb8;
	v63 =	vld [tilespmem:$0x0]  }
0x86: {  	_ = 	snop  }
0x87: {  	[tilespmem:s10], [sflag:$0x1] =	stream.indirect.gather [hbm4b:s2+s8], $0x1, s1, s8, $0xb8;
	v63 =	vld [tilespmem:$0x0]  }
0x88: {  	_ = 	snop  }
0x89: {  	[tilespmem:s12], [sflag:$0x1] =	stream.indirect.gather [hbm4b:s2+s8], $0x1, s11, s8, $0xb8;
	v63 =	vld [tilespmem:$0x0]  }
0x8a: {  	_ = 	snop  }
0x8b: {  	[tilespmem:s14], [sflag:$0x1] =	stream.indirect.gather [hbm4b:s2+s8], $0x1, s13, s8, $0xb8;
	v63 =	vld [tilespmem:$0x0]  }
0x8c: {  	_ = 	snop  }
0x8d: {  	[tilespmem:s16], [sflag:$0x1] =	stream.indirect.gather [hbm4b:s2+s8], $0x1, s15, s8, $0xb8;
	v63 =	vld [tilespmem:$0x0]  }
0x8e: {  	_ = 	snop  }
0x8f: {  	[tilespmem:s18], [sflag:$0x1] =	stream.indirect.gather [hbm4b:s2+s8], $0x1, s17, s8, $0xb8;
	v63 =	vld [tilespmem:$0x0]  }
0x90: {  	_ = 	snop  }
0x91: {  	[tilespmem:s20], [sflag:$0x1] =	stream.indirect.gather [hbm4b:s2+s8], $0x1, s19, s8, $0xb8;
	v63 =	vld [tilespmem:$0x0]  }
0x92: {  	s25 =	simm.s32 $0x12000;
	s26 =	simm.s32 $0x2000  }
0x93: {  	[tilespmem:s25], [sflag:$0x1] =	stream.indirect.gather [hbm4b:s2+s8], $0x1, s26, s8, $0xb8;
	v63 =	vld [tilespmem:$0x0]  }
0x94: {  	s28 =	simm.s32 $0x12080;
	s29 =	simm.s32 $0x2080  }
0x95: {  	[tilespmem:s28], [sflag:$0x1] =	stream.indirect.gather [hbm4b:s2+s8], $0x1, s29, s8, $0xb8;
	v63 =	vld [tilespmem:$0x0]  }
0x96: {  	s25 =	simm.s32 $0x12100;
	s26 =	simm.s32 $0x2100  }
0x97: {  	[tilespmem:s25], [sflag:$0x1] =	stream.indirect.gather [hbm4b:s2+s8], $0x1, s26, s8, $0xb8;
	v63 =	vld [tilespmem:$0x0]  }
0x98: {  	s28 =	simm.s32 $0x12180;
	s29 =	simm.s32 $0x2180  }
0x99: {  	[tilespmem:s28], [sflag:$0x1] =	stream.indirect.gather [hbm4b:s2+s8], $0x1, s29, s8, $0xb8;
	v63 =	vld [tilespmem:$0x0]  }
0x9a: {  	s25 =	simm.s32 $0x12200;
	s26 =	simm.s32 $0x2200  }
0x9b: {  	[tilespmem:s25], [sflag:$0x1] =	stream.indirect.gather [hbm4b:s2+s8], $0x1, s26, s8, $0xb8;
	v63 =	vld [tilespmem:$0x0]  }
0x9c: {  	s28 =	simm.s32 $0x12280;
	s29 =	simm.s32 $0x2280  }
0x9d: {  	[tilespmem:s28], [sflag:$0x1] =	stream.indirect.gather [hbm4b:s2+s8], $0x1, s29, s8, $0xb8;
	v63 =	vld [tilespmem:$0x0]  }
0x9e: {  	s25 =	simm.s32 $0x12300;
	s26 =	simm.s32 $0x2300  }
0x9f: {  	[tilespmem:s25], [sflag:$0x1] =	stream.indirect.gather [hbm4b:s2+s8], $0x1, s26, s8, $0xb8;
	v63 =	vld [tilespmem:$0x0]  }
0xa0: {  	s28 =	simm.s32 $0x12380;
	s29 =	simm.s32 $0x2380  }
0xa1: {  	[tilespmem:s28], [sflag:$0x1] =	stream.indirect.gather [hbm4b:s2+s8], $0x1, s29, s8, $0xb8;
	v63 =	vld [tilespmem:$0x0]  }
0xa2: {  	s25 =	simm.s32 $0x12400;
	s26 =	simm.s32 $0x2400  }
0xa3: {  	[tilespmem:s25], [sflag:$0x1] =	stream.indirect.gather [hbm4b:s2+s8], $0x1, s26, s8, $0xb8;
	v63 =	vld [tilespmem:$0x0]  }
0xa4: {  	s28 =	simm.s32 $0x12480;
	s29 =	simm.s32 $0x2480  }
0xa5: {  	[tilespmem:s28], [sflag:$0x1] =	stream.indirect.gather [hbm4b:s2+s8], $0x1, s29, s8, $0xb8;
	v63 =	vld [tilespmem:$0x0]  }
0xa6: {  	s25 =	simm.s32 $0x12500;
	s26 =	simm.s32 $0x2500  }
0xa7: {  	[tilespmem:s25], [sflag:$0x1] =	stream.indirect.gather [hbm4b:s2+s8], $0x1, s26, s8, $0xb8;
	v63 =	vld [tilespmem:$0x0]  }
0xa8: {  	s28 =	simm.s32 $0x12580;
	s29 =	simm.s32 $0x2580  }
0xa9: {  	[tilespmem:s28], [sflag:$0x1] =	stream.indirect.gather [hbm4b:s2+s8], $0x1, s29, s8, $0xb8;
	v63 =	vld [tilespmem:$0x0]  }
0xaa: {  	s25 =	simm.s32 $0x12600;
	s26 =	simm.s32 $0x2600  }
0xab: {  	[tilespmem:s25], [sflag:$0x1] =	stream.indirect.gather [hbm4b:s2+s8], $0x1, s26, s8, $0xb8;
	v63 =	vld [tilespmem:$0x0]  }
0xac: {  	s28 =	simm.s32 $0x12680;
	s29 =	simm.s32 $0x2680  }
0xad: {  	[tilespmem:s28], [sflag:$0x1] =	stream.indirect.gather [hbm4b:s2+s8], $0x1, s29, s8, $0xb8;
	v63 =	vld [tilespmem:$0x0]  }
0xae: {  	s25 =	simm.s32 $0x12700;
	s26 =	simm.s32 $0x2700  }
0xaf: {  	[tilespmem:s25], [sflag:$0x1] =	stream.indirect.gather [hbm4b:s2+s8], $0x1, s26, s8, $0xb8;
	v63 =	vld [tilespmem:$0x0]  }
0xb0: {  	s28 =	simm.s32 $0x12780;
	s29 =	simm.s32 $0x2780  }
0xb1: {  	[tilespmem:s28], [sflag:$0x1] =	stream.indirect.gather [hbm4b:s2+s8], $0x1, s29, s8, $0xb8;
	v63 =	vld [tilespmem:$0x0]  }
0xb2: {  	s25 =	simm.s32 $0x12800;
	s26 =	simm.s32 $0x2800  }
0xb3: {  	[tilespmem:s25], [sflag:$0x1] =	stream.indirect.gather [hbm4b:s2+s8], $0x1, s26, s8, $0xb8;
	v63 =	vld [tilespmem:$0x0]  }
0xb4: {  	s28 =	simm.s32 $0x12880;
	s29 =	simm.s32 $0x2880  }
0xb5: {  	[tilespmem:s28], [sflag:$0x1] =	stream.indirect.gather [hbm4b:s2+s8], $0x1, s29, s8, $0xb8;
	v63 =	vld [tilespmem:$0x0]  }
0xb6: {  	s25 =	simm.s32 $0x12900;
	s26 =	simm.s32 $0x2900  }
0xb7: {  	[tilespmem:s25], [sflag:$0x1] =	stream.indirect.gather [hbm4b:s2+s8], $0x1, s26, s8, $0xb8;
	v63 =	vld [tilespmem:$0x0]  }
0xb8: {  	s28 =	simm.s32 $0x12980;
	s29 =	simm.s32 $0x2980  }
0xb9: {  	[tilespmem:s28], [sflag:$0x1] =	stream.indirect.gather [hbm4b:s2+s8], $0x1, s29, s8, $0xb8;
	v63 =	vld [tilespmem:$0x0]  }
0xba: {  	s25 =	simm.s32 $0x12A00;
	s26 =	simm.s32 $0x2A00  }
0xbb: {  	[tilespmem:s25], [sflag:$0x1] =	stream.indirect.gather [hbm4b:s2+s8], $0x1, s26, s8, $0xb8;
	v63 =	vld [tilespmem:$0x0]  }
0xbc: {  	s28 =	simm.s32 $0x12A80;
	s29 =	simm.s32 $0x2A80  }
0xbd: {  	[tilespmem:s28], [sflag:$0x1] =	stream.indirect.gather [hbm4b:s2+s8], $0x1, s29, s8, $0xb8;
	v63 =	vld [tilespmem:$0x0]  }
0xbe: {  	s25 =	simm.s32 $0x12B00;
	s26 =	simm.s32 $0x2B00  }
0xbf: {  	[tilespmem:s25], [sflag:$0x1] =	stream.indirect.gather [hbm4b:s2+s8], $0x1, s26, s8, $0xb8;
	v63 =	vld [tilespmem:$0x0]  }
0xc0: {  	s28 =	simm.s32 $0x12B80;
	s29 =	simm.s32 $0x2B80  }
0xc1: {  	[tilespmem:s28], [sflag:$0x1] =	stream.indirect.gather [hbm4b:s2+s8], $0x1, s29, s8, $0xb8;
	v63 =	vld [tilespmem:$0x0]  }
0xc2: {  	s25 =	simm.s32 $0x12C00;
	s26 =	simm.s32 $0x2C00  }
0xc3: {  	[tilespmem:s25], [sflag:$0x1] =	stream.indirect.gather [hbm4b:s2+s8], $0x1, s26, s8, $0xb8;
	v63 =	vld [tilespmem:$0x0]  }
0xc4: {  	s28 =	simm.s32 $0x12C80;
	s29 =	simm.s32 $0x2C80  }
0xc5: {  	[tilespmem:s28], [sflag:$0x1] =	stream.indirect.gather [hbm4b:s2+s8], $0x1, s29, s8, $0xb8;
	v63 =	vld [tilespmem:$0x0]  }
0xc6: {  	s25 =	simm.s32 $0x12D00;
	s26 =	simm.s32 $0x2D00  }
0xc7: {  	[tilespmem:s25], [sflag:$0x1] =	stream.indirect.gather [hbm4b:s2+s8], $0x1, s26, s8, $0xb8;
	v63 =	vld [tilespmem:$0x0]  }
0xc8: {  	s28 =	simm.s32 $0x12D80;
	s29 =	simm.s32 $0x2D80  }
0xc9: {  	[tilespmem:s28], [sflag:$0x1] =	stream.indirect.gather [hbm4b:s2+s8], $0x1, s29, s8, $0xb8;
	v63 =	vld [tilespmem:$0x0]  }
0xca: {  	s25 =	simm.s32 $0x12E00;
	s26 =	simm.s32 $0x2E00  }
0xcb: {  	[tilespmem:s25], [sflag:$0x1] =	stream.indirect.gather [hbm4b:s2+s8], $0x1, s26, s8, $0xb8;
	v63 =	vld [tilespmem:$0x0]  }
0xcc: {  	s28 =	simm.s32 $0x12E80;
	s29 =	simm.s32 $0x2E80  }
0xcd: {  	[tilespmem:s28], [sflag:$0x1] =	stream.indirect.gather [hbm4b:s2+s8], $0x1, s29, s8, $0xb8;
	v63 =	vld [tilespmem:$0x0]  }
0xce: {  	s25 =	simm.s32 $0x12F00;
	s26 =	simm.s32 $0x2F00  }
0xcf: {  	[tilespmem:s25], [sflag:$0x1] =	stream.indirect.gather [hbm4b:s2+s8], $0x1, s26, s8, $0xb8;
	v63 =	vld [tilespmem:$0x0]  }
0xd0: {  	s28 =	simm.s32 $0x12F80;
	s29 =	simm.s32 $0x2F80  }
0xd1: {  	[tilespmem:s28], [sflag:$0x1] =	stream.indirect.gather [hbm4b:s2+s8], $0x1, s29, s8, $0xb8;
	v63 =	vld [tilespmem:$0x0]  }
0xd2: {  	s25 =	simm.s32 $0x13000;
	s26 =	simm.s32 $0x3000  }
0xd3: {  	[tilespmem:s25], [sflag:$0x1] =	stream.indirect.gather [hbm4b:s2+s8], $0x1, s26, s8, $0xb8;
	v63 =	vld [tilespmem:$0x0]  }
0xd4: {  	s28 =	simm.s32 $0x13080;
	s29 =	simm.s32 $0x3080  }
0xd5: {  	[tilespmem:s28], [sflag:$0x1] =	stream.indirect.gather [hbm4b:s2+s8], $0x1, s29, s8, $0xb8;
	v63 =	vld [tilespmem:$0x0]  }
0xd6: {  	s25 =	simm.s32 $0x13100;
	s26 =	simm.s32 $0x3100  }
0xd7: {  	[tilespmem:s25], [sflag:$0x1] =	stream.indirect.gather [hbm4b:s2+s8], $0x1, s26, s8, $0xb8;
	v63 =	vld [tilespmem:$0x0]  }
0xd8: {  	s28 =	simm.s32 $0x13180;
	s29 =	simm.s32 $0x3180  }
0xd9: {  	[tilespmem:s28], [sflag:$0x1] =	stream.indirect.gather [hbm4b:s2+s8], $0x1, s29, s8, $0xb8;
	v63 =	vld [tilespmem:$0x0]  }
0xda: {  	s25 =	simm.s32 $0x13200;
	s26 =	simm.s32 $0x3200  }
0xdb: {  	[tilespmem:s25], [sflag:$0x1] =	stream.indirect.gather [hbm4b:s2+s8], $0x1, s26, s8, $0xb8;
	v63 =	vld [tilespmem:$0x0]  }
0xdc: {  	s28 =	simm.s32 $0x13280;
	s29 =	simm.s32 $0x3280  }
0xdd: {  	[tilespmem:s28], [sflag:$0x1] =	stream.indirect.gather [hbm4b:s2+s8], $0x1, s29, s8, $0xb8;
	v63 =	vld [tilespmem:$0x0]  }
0xde: {  	s25 =	simm.s32 $0x13300;
	s26 =	simm.s32 $0x3300  }
0xdf: {  	[tilespmem:s25], [sflag:$0x1] =	stream.indirect.gather [hbm4b:s2+s8], $0x1, s26, s8, $0xb8;
	v63 =	vld [tilespmem:$0x0]  }
0xe0: {  	s28 =	simm.s32 $0x13380;
	s29 =	simm.s32 $0x3380  }
0xe1: {  	[tilespmem:s28], [sflag:$0x1] =	stream.indirect.gather [hbm4b:s2+s8], $0x1, s29, s8, $0xb8;
	v63 =	vld [tilespmem:$0x0]  }
0xe2: {  	s25 =	simm.s32 $0x13400;
	s26 =	simm.s32 $0x3400  }
0xe3: {  	[tilespmem:s25], [sflag:$0x1] =	stream.indirect.gather [hbm4b:s2+s8], $0x1, s26, s8, $0xb8;
	v63 =	vld [tilespmem:$0x0]  }
0xe4: {  	s28 =	simm.s32 $0x13480;
	s29 =	simm.s32 $0x3480  }
0xe5: {  	[tilespmem:s28], [sflag:$0x1] =	stream.indirect.gather [hbm4b:s2+s8], $0x1, s29, s8, $0xb8;
	v63 =	vld [tilespmem:$0x0]  }
0xe6: {  	s25 =	simm.s32 $0x13500;
	s26 =	simm.s32 $0x3500  }
0xe7: {  	[tilespmem:s25], [sflag:$0x1] =	stream.indirect.gather [hbm4b:s2+s8], $0x1, s26, s8, $0xb8;
	v63 =	vld [tilespmem:$0x0]  }
0xe8: {  	s28 =	simm.s32 $0x13580;
	s29 =	simm.s32 $0x3580  }
0xe9: {  	[tilespmem:s28], [sflag:$0x1] =	stream.indirect.gather [hbm4b:s2+s8], $0x1, s29, s8, $0xb8;
	v63 =	vld [tilespmem:$0x0]  }
0xea: {  	s25 =	simm.s32 $0x13600;
	s26 =	simm.s32 $0x3600  }
0xeb: {  	[tilespmem:s25], [sflag:$0x1] =	stream.indirect.gather [hbm4b:s2+s8], $0x1, s26, s8, $0xb8;
	v63 =	vld [tilespmem:$0x0]  }
0xec: {  	s28 =	simm.s32 $0x13680;
	s29 =	simm.s32 $0x3680  }
0xed: {  	[tilespmem:s28], [sflag:$0x1] =	stream.indirect.gather [hbm4b:s2+s8], $0x1, s29, s8, $0xb8;
	v63 =	vld [tilespmem:$0x0]  }
0xee: {  	s25 =	simm.s32 $0x13700;
	s26 =	simm.s32 $0x3700  }
0xef: {  	[tilespmem:s25], [sflag:$0x1] =	stream.indirect.gather [hbm4b:s2+s8], $0x1, s26, s8, $0xb8;
	v63 =	vld [tilespmem:$0x0]  }
0xf0: {  	s28 =	simm.s32 $0x13780;
	s29 =	simm.s32 $0x3780  }
0xf1: {  	[tilespmem:s28], [sflag:$0x1] =	stream.indirect.gather [hbm4b:s2+s8], $0x1, s29, s8, $0xb8;
	v63 =	vld [tilespmem:$0x0]  }
0xf2: {  	s25 =	simm.s32 $0x13800;
	s26 =	simm.s32 $0x3800  }
0xf3: {  	[tilespmem:s25], [sflag:$0x1] =	stream.indirect.gather [hbm4b:s2+s8], $0x1, s26, s8, $0xb8;
	v63 =	vld [tilespmem:$0x0]  }
0xf4: {  	s28 =	simm.s32 $0x13880;
	s29 =	simm.s32 $0x3880  }
0xf5: {  	[tilespmem:s28], [sflag:$0x1] =	stream.indirect.gather [hbm4b:s2+s8], $0x1, s29, s8, $0xb8;
	v63 =	vld [tilespmem:$0x0]  }
0xf6: {  	s25 =	simm.s32 $0x13900;
	s26 =	simm.s32 $0x3900  }
0xf7: {  	[tilespmem:s25], [sflag:$0x1] =	stream.indirect.gather [hbm4b:s2+s8], $0x1, s26, s8, $0xb8;
	v63 =	vld [tilespmem:$0x0]  }
0xf8: {  	s28 =	simm.s32 $0x13980;
	s29 =	simm.s32 $0x3980  }
0xf9: {  	[tilespmem:s28], [sflag:$0x1] =	stream.indirect.gather [hbm4b:s2+s8], $0x1, s29, s8, $0xb8;
	v63 =	vld [tilespmem:$0x0]  }
0xfa: {  	s25 =	simm.s32 $0x13A00;
	s26 =	simm.s32 $0x3A00  }
0xfb: {  	[tilespmem:s25], [sflag:$0x1] =	stream.indirect.gather [hbm4b:s2+s8], $0x1, s26, s8, $0xb8;
	v63 =	vld [tilespmem:$0x0]  }
0xfc: {  	s28 =	simm.s32 $0x13A80;
	s29 =	simm.s32 $0x3A80  }
0xfd: {  	[tilespmem:s28], [sflag:$0x1] =	stream.indirect.gather [hbm4b:s2+s8], $0x1, s29, s8, $0xb8;
	v63 =	vld [tilespmem:$0x0]  }
0xfe: {  	s25 =	simm.s32 $0x13B00;
	s26 =	simm.s32 $0x3B00  }
0xff: {  	[tilespmem:s25], [sflag:$0x1] =	stream.indirect.gather [hbm4b:s2+s8], $0x1, s26, s8, $0xb8;
	v63 =	vld [tilespmem:$0x0]  }
0x100: {  	s28 =	simm.s32 $0x13B80;
	s29 =	simm.s32 $0x3B80  }
0x101: {  	[tilespmem:s28], [sflag:$0x1] =	stream.indirect.gather [hbm4b:s2+s8], $0x1, s29, s8, $0xb8;
	v63 =	vld [tilespmem:$0x0]  }
0x102: {  	s25 =	simm.s32 $0x13C00;
	s26 =	simm.s32 $0x3C00  }
0x103: {  	[tilespmem:s25], [sflag:$0x1] =	stream.indirect.gather [hbm4b:s2+s8], $0x1, s26, s8, $0xb8;
	v63 =	vld [tilespmem:$0x0]  }
0x104: {  	s28 =	simm.s32 $0x13C80;
	s29 =	simm.s32 $0x3C80  }
0x105: {  	[tilespmem:s28], [sflag:$0x1] =	stream.indirect.gather [hbm4b:s2+s8], $0x1, s29, s8, $0xb8;
	v63 =	vld [tilespmem:$0x0]  }
0x106: {  	s25 =	simm.s32 $0x13D00;
	s26 =	simm.s32 $0x3D00  }
0x107: {  	[tilespmem:s25], [sflag:$0x1] =	stream.indirect.gather [hbm4b:s2+s8], $0x1, s26, s8, $0xb8;
	v63 =	vld [tilespmem:$0x0]  }
0x108: {  	s28 =	simm.s32 $0x13D80;
	s29 =	simm.s32 $0x3D80  }
0x109: {  	[tilespmem:s28], [sflag:$0x1] =	stream.indirect.gather [hbm4b:s2+s8], $0x1, s29, s8, $0xb8;
	v63 =	vld [tilespmem:$0x0]  }
0x10a: {  	s25 =	simm.s32 $0x13E00;
	s26 =	simm.s32 $0x3E00  }
0x10b: {  	[tilespmem:s25], [sflag:$0x1] =	stream.indirect.gather [hbm4b:s2+s8], $0x1, s26, s8, $0xb8;
	v63 =	vld [tilespmem:$0x0]  }
0x10c: {  	s28 =	simm.s32 $0x13E80;
	s29 =	simm.s32 $0x3E80  }
0x10d: {  	[tilespmem:s28], [sflag:$0x1] =	stream.indirect.gather [hbm4b:s2+s8], $0x1, s29, s8, $0xb8;
	v63 =	vld [tilespmem:$0x0]  }
0x10e: {  	s25 =	simm.s32 $0x13F00;
	s26 =	simm.s32 $0x3F00  }
0x10f: {  	[tilespmem:s25], [sflag:$0x1] =	stream.indirect.gather [hbm4b:s2+s8], $0x1, s26, s8, $0xb8;
	v63 =	vld [tilespmem:$0x0]  }
0x110: {  	s28 =	simm.s32 $0x13F80;
	s29 =	simm.s32 $0x3F80  }
0x111: {  	[tilespmem:s28], [sflag:$0x1] =	stream.indirect.gather [hbm4b:s2+s8], $0x1, s29, s8, $0xb8;
	v63 =	vld [tilespmem:$0x0]  }
0x112: {  	_ =	swait.ge [sflag:s21], $0x64  }
0x113: {  	[sflag:s21] =	ssyncset.done $0x0  }
0x114: {  	[sflag:s21] =	ssyncadd.s32 $0xFFFFFF9C  }
0x115: {  	_ =	swait.ge [sflag:s21], $0x64  }
0x116: {  	[sflag:s21] =	ssyncset.done $0x0  }
0x117: {  	[sflag:s21] =	ssyncadd.s32 $0xFFFFFF9C  }
0x118: {  	_ =	swait.ge [sflag:s21], $0x64  }
0x119: {  	[sflag:s21] =	ssyncset.done $0x0  }
0x11a: {  	[sflag:s21] =	ssyncadd.s32 $0xFFFFFF9C  }
0x11b: {  	_ =	swait.ge [sflag:s21], $0x64  }
0x11c: {  	[sflag:s21] =	ssyncset.done $0x0  }
0x11d: {  	[sflag:s21] =	ssyncadd.s32 $0xFFFFFF9C  }
0x11e: {  	_ =	swait.ge [sflag:s21], $0x64  }
0x11f: {  	[sflag:s21] =	ssyncset.done $0x0  }
0x120: {  	[sflag:s21] =	ssyncadd.s32 $0xFFFFFF9C  }
0x121: {  	_ =	swait.ge [sflag:s21], $0x64  }
0x122: {  	[sflag:s21] =	ssyncset.done $0x0  }
0x123: {  	[sflag:s21] =	ssyncadd.s32 $0xFFFFFF9C  }
0x124: {  	_ =	swait.ge [sflag:s21], $0x64  }
0x125: {  	[sflag:s21] =	ssyncset.done $0x0  }
0x126: {  	[sflag:s21] =	ssyncadd.s32 $0xFFFFFF9C  }
0x127: {  	_ =	swait.ge [sflag:s21], $0x64  }
0x128: {  	[sflag:s21] =	ssyncset.done $0x0  }
0x129: {  	[sflag:s21] =	ssyncadd.s32 $0xFFFFFF9C  }
0x12a: {  	_ =	swait.ge [sflag:s21], $0x64  }
0x12b: {  	[sflag:s21] =	ssyncset.done $0x0  }
0x12c: {  	[sflag:s21] =	ssyncadd.s32 $0xFFFFFF9C  }
0x12d: {  	_ =	swait.ge [sflag:s21], $0x64  }
0x12e: {  	[sflag:s21] =	ssyncset.done $0x0  }
0x12f: {  	[sflag:s21] =	ssyncadd.s32 $0xFFFFFF9C  }
0x130: {  	_ =	swait.ge [sflag:s21], $0x64  }
0x131: {  	[sflag:s21] =	ssyncset.done $0x0  }
0x132: {  	[sflag:s21] =	ssyncadd.s32 $0xFFFFFF9C  }
0x133: {  	_ =	swait.ge [sflag:s21], $0x64  }
0x134: {  	[sflag:s21] =	ssyncset.done $0x0  }
0x135: {  	[sflag:s21] =	ssyncadd.s32 $0xFFFFFF9C  }
0x136: {  	_ =	swait.ge [sflag:s21], $0x64  }
0x137: {  	[sflag:s21] =	ssyncset.done $0x0  }
0x138: {  	[sflag:s21] =	ssyncadd.s32 $0xFFFFFF9C  }
0x139: {  	_ =	swait.ge [sflag:s21], $0x64  }
0x13a: {  	[sflag:s21] =	ssyncset.done $0x0  }
0x13b: {  	[sflag:s21] =	ssyncadd.s32 $0xFFFFFF9C  }
0x13c: {  	_ =	swait.ge [sflag:s21], $0x64  }
0x13d: {  	[sflag:s21] =	ssyncset.done $0x0  }
0x13e: {  	[sflag:s21] =	ssyncadd.s32 $0xFFFFFF9C  }
0x13f: {  	_ =	swait.ge [sflag:s21], $0x64  }
0x140: {  	[sflag:s21] =	ssyncset.done $0x0  }
0x141: {  	[sflag:s21] =	ssyncadd.s32 $0xFFFFFF9C  }
0x142: {  	_ =	swait.ge [sflag:s21], $0x64  }
0x143: {  	[sflag:s21] =	ssyncset.done $0x0  }
0x144: {  	[sflag:s21] =	ssyncadd.s32 $0xFFFFFF9C  }
0x145: {  	_ =	swait.ge [sflag:s21], $0x64  }
0x146: {  	[sflag:s21] =	ssyncset.done $0x0  }
0x147: {  	[sflag:s21] =	ssyncadd.s32 $0xFFFFFF9C  }
0x148: {  	_ =	swait.ge [sflag:s21], $0x64  }
0x149: {  	[sflag:s21] =	ssyncset.done $0x0  }
0x14a: {  	[sflag:s21] =	ssyncadd.s32 $0xFFFFFF9C  }
0x14b: {  	_ =	swait.ge [sflag:s21], $0x64  }
0x14c: {  	[sflag:s21] =	ssyncset.done $0x0  }
0x14d: {  	[sflag:s21] =	ssyncadd.s32 $0xFFFFFF9C  }
0x14e: {  	_ =	swait.ge [sflag:s21], $0x64  }
0x14f: {  	[sflag:s21] =	ssyncset.done $0x0  }
0x150: {  	[sflag:s21] =	ssyncadd.s32 $0xFFFFFF9C  }
0x151: {  	_ =	swait.ge [sflag:s21], $0x64  }
0x152: {  	[sflag:s21] =	ssyncset.done $0x0  }
0x153: {  	[sflag:s21] =	ssyncadd.s32 $0xFFFFFF9C  }
0x154: {  	_ =	swait.ge [sflag:s21], $0x64  }
0x155: {  	[sflag:s21] =	ssyncset.done $0x0  }
0x156: {  	[sflag:s21] =	ssyncadd.s32 $0xFFFFFF9C  }
0x157: {  	_ =	swait.ge [sflag:s21], $0x64  }
0x158: {  	[sflag:s21] =	ssyncset.done $0x0  }
0x159: {  	[sflag:s21] =	ssyncadd.s32 $0xFFFFFF9C  }
0x15a: {  	_ =	swait.ge [sflag:s21], $0x64  }
0x15b: {  	[sflag:s21] =	ssyncset.done $0x0  }
0x15c: {  	[sflag:s21] =	ssyncadd.s32 $0xFFFFFF9C  }
0x15d: {  	_ =	swait.ge [sflag:s21], $0x64  }
0x15e: {  	[sflag:s21] =	ssyncset.done $0x0  }
0x15f: {  	[sflag:s21] =	ssyncadd.s32 $0xFFFFFF9C  }
0x160: {  	_ =	swait.ge [sflag:s21], $0x64  }
0x161: {  	[sflag:s21] =	ssyncset.done $0x0  }
0x162: {  	[sflag:s21] =	ssyncadd.s32 $0xFFFFFF9C  }
0x163: {  	_ =	swait.ge [sflag:s21], $0x64  }
0x164: {  	[sflag:s21] =	ssyncset.done $0x0  }
0x165: {  	[sflag:s21] =	ssyncadd.s32 $0xFFFFFF9C  }
0x166: {  	_ =	swait.ge [sflag:s21], $0x64  }
0x167: {  	[sflag:s21] =	ssyncset.done $0x0  }
0x168: {  	[sflag:s21] =	ssyncadd.s32 $0xFFFFFF9C  }
0x169: {  	_ =	swait.ge [sflag:s21], $0x64  }
0x16a: {  	[sflag:s21] =	ssyncset.done $0x0  }
0x16b: {  	[sflag:s21] =	ssyncadd.s32 $0xFFFFFF9C  }
0x16c: {  	_ =	swait.ge [sflag:s21], $0x64  }
0x16d: {  	[sflag:s21] =	ssyncset.done $0x0  }
0x16e: {  	[sflag:s21] =	ssyncadd.s32 $0xFFFFFF9C  }
0x16f: {  	_ =	swait.ge [sflag:s21], $0x64  }
0x170: {  	[sflag:s21] =	ssyncset.done $0x0  }
0x171: {  	[sflag:s21] =	ssyncadd.s32 $0xFFFFFF9C  }
0x172: {  	_ =	swait.ge [sflag:s21], $0x64  }
0x173: {  	[sflag:s21] =	ssyncset.done $0x0  }
0x174: {  	[sflag:s21] =	ssyncadd.s32 $0xFFFFFF9C  }
0x175: {  	_ =	swait.ge [sflag:s21], $0x64  }
0x176: {  	[sflag:s21] =	ssyncset.done $0x0  }
0x177: {  	[sflag:s21] =	ssyncadd.s32 $0xFFFFFF9C  }
0x178: {  	_ =	swait.ge [sflag:s21], $0x64  }
0x179: {  	[sflag:s21] =	ssyncset.done $0x0  }
0x17a: {  	[sflag:s21] =	ssyncadd.s32 $0xFFFFFF9C  }
0x17b: {  	_ =	swait.ge [sflag:s21], $0x64  }
0x17c: {  	[sflag:s21] =	ssyncset.done $0x0  }
0x17d: {  	[sflag:s21] =	ssyncadd.s32 $0xFFFFFF9C  }
0x17e: {  	_ =	swait.ge [sflag:s21], $0x64  }
0x17f: {  	[sflag:s21] =	ssyncset.done $0x0  }
0x180: {  	[sflag:s21] =	ssyncadd.s32 $0xFFFFFF9C  }
0x181: {  	_ =	swait.ge [sflag:s21], $0x64  }
0x182: {  	[sflag:s21] =	ssyncset.done $0x0  }
0x183: {  	[sflag:s21] =	ssyncadd.s32 $0xFFFFFF9C  }
0x184: {  	_ =	swait.ge [sflag:s21], $0x64  }
0x185: {  	[sflag:s21] =	ssyncset.done $0x0  }
0x186: {  	[sflag:s21] =	ssyncadd.s32 $0xFFFFFF9C  }
0x187: {  	_ =	swait.ge [sflag:s21], $0x64  }
0x188: {  	[sflag:s21] =	ssyncset.done $0x0  }
0x189: {  	[sflag:s21] =	ssyncadd.s32 $0xFFFFFF9C  }
0x18a: {  	_ =	swait.ge [sflag:s21], $0x64  }
0x18b: {  	[sflag:s21] =	ssyncset.done $0x0  }
0x18c: {  	[sflag:s21] =	ssyncadd.s32 $0xFFFFFF9C  }
0x18d: {  	_ =	swait.ge [sflag:s21], $0x64  }
0x18e: {  	[sflag:s21] =	ssyncset.done $0x0  }
0x18f: {  	[sflag:s21] =	ssyncadd.s32 $0xFFFFFF9C  }
0x190: {  	_ =	swait.ge [sflag:s21], $0x64  }
0x191: {  	[sflag:s21] =	ssyncset.done $0x0  }
0x192: {  	[sflag:s21] =	ssyncadd.s32 $0xFFFFFF9C  }
0x193: {  	_ =	swait.ge [sflag:s21], $0x64  }
0x194: {  	[sflag:s21] =	ssyncset.done $0x0  }
0x195: {  	[sflag:s21] =	ssyncadd.s32 $0xFFFFFF9C  }
0x196: {  	_ =	swait.ge [sflag:s21], $0x64  }
0x197: {  	[sflag:s21] =	ssyncset.done $0x0  }
0x198: {  	[sflag:s21] =	ssyncadd.s32 $0xFFFFFF9C  }
0x199: {  	_ =	swait.ge [sflag:s21], $0x64  }
0x19a: {  	[sflag:s21] =	ssyncset.done $0x0  }
0x19b: {  	[sflag:s21] =	ssyncadd.s32 $0xFFFFFF9C  }
0x19c: {  	_ =	swait.ge [sflag:s21], $0x64  }
0x19d: {  	[sflag:s21] =	ssyncset.done $0x0  }
0x19e: {  	[sflag:s21] =	ssyncadd.s32 $0xFFFFFF9C  }
0x19f: {  	_ =	swait.ge [sflag:s21], $0x64  }
0x1a0: {  	[sflag:s21] =	ssyncset.done $0x0  }
0x1a1: {  	[sflag:s21] =	ssyncadd.s32 $0xFFFFFF9C  }
0x1a2: {  	_ =	swait.ge [sflag:s21], $0x64  }
0x1a3: {  	[sflag:s21] =	ssyncset.done $0x0  }
0x1a4: {  	[sflag:s21] =	ssyncadd.s32 $0xFFFFFF9C  }
0x1a5: {  	_ =	swait.ge [sflag:s21], $0x64  }
0x1a6: {  	[sflag:s21] =	ssyncset.done $0x0  }
0x1a7: {  	[sflag:s21] =	ssyncadd.s32 $0xFFFFFF9C  }
0x1a8: {  	_ =	swait.ge [sflag:s21], $0x64  }
0x1a9: {  	[sflag:s21] =	ssyncset.done $0x0  }
0x1aa: {  	[sflag:s21] =	ssyncadd.s32 $0xFFFFFF9C  }
0x1ab: {  	_ =	swait.ge [sflag:s21], $0x64  }
0x1ac: {  	[sflag:s21] =	ssyncset.done $0x0  }
0x1ad: {  	[sflag:s21] =	ssyncadd.s32 $0xFFFFFF9C  }
0x1ae: {  	_ =	swait.ge [sflag:s21], $0x64  }
0x1af: {  	[sflag:s21] =	ssyncset.done $0x0  }
0x1b0: {  	[sflag:s21] =	ssyncadd.s32 $0xFFFFFF9C  }
0x1b1: {  	_ =	swait.ge [sflag:s21], $0x64  }
0x1b2: {  	[sflag:s21] =	ssyncset.done $0x0  }
0x1b3: {  	[sflag:s21] =	ssyncadd.s32 $0xFFFFFF9C  }
0x1b4: {  	_ =	swait.ge [sflag:s21], $0x64  }
0x1b5: {  	[sflag:s21] =	ssyncset.done $0x0  }
0x1b6: {  	[sflag:s21] =	ssyncadd.s32 $0xFFFFFF9C  }
0x1b7: {  	_ =	swait.ge [sflag:s21], $0x64  }
0x1b8: {  	[sflag:s21] =	ssyncset.done $0x0  }
0x1b9: {  	[sflag:s21] =	ssyncadd.s32 $0xFFFFFF9C  }
0x1ba: {  	_ =	swait.ge [sflag:s21], $0x64  }
0x1bb: {  	[sflag:s21] =	ssyncset.done $0x0  }
0x1bc: {  	[sflag:s21] =	ssyncadd.s32 $0xFFFFFF9C  }
0x1bd: {  	_ =	swait.ge [sflag:s21], $0x64  }
0x1be: {  	[sflag:s21] =	ssyncset.done $0x0  }
0x1bf: {  	[sflag:s21] =	ssyncadd.s32 $0xFFFFFF9C  }
0x1c0: {  	_ =	swait.ge [sflag:s21], $0x64  }
0x1c1: {  	[sflag:s21] =	ssyncset.done $0x0  }
0x1c2: {  	[sflag:s21] =	ssyncadd.s32 $0xFFFFFF9C  }
0x1c3: {  	_ =	swait.ge [sflag:s21], $0x64  }
0x1c4: {  	[sflag:s21] =	ssyncset.done $0x0  }
0x1c5: {  	[sflag:s21] =	ssyncadd.s32 $0xFFFFFF9C  }
0x1c6: {  	_ =	swait.ge [sflag:s21], $0x64  }
0x1c7: {  	[sflag:s21] =	ssyncset.done $0x0  }
0x1c8: {  	[sflag:s21] =	ssyncadd.s32 $0xFFFFFF9C  }
0x1c9: {  	_ =	swait.ge [sflag:s21], $0x64  }
0x1ca: {  	[sflag:s21] =	ssyncset.done $0x0  }
0x1cb: {  	[sflag:s21] =	ssyncadd.s32 $0xFFFFFF9C  }
0x1cc: {  	_ =	swait.ge [sflag:s21], $0x64  }
0x1cd: {  	[sflag:s21] =	ssyncset.done $0x0  }
0x1ce: {  	[sflag:s21] =	ssyncadd.s32 $0xFFFFFF9C  }
0x1cf: {  	_ =	swait.ge [sflag:s21], $0x64  }
0x1d0: {  	s24 =	simm.s32 $0x10000;
	s25 =	simm.s32 $0x2000;
	[sflag:s21] =	ssyncset.done $0x0  }
.LBB2_2:
0x1d1: {  	s26 =	sadd.s32 $0x12000, s25  }
0x1d2: {  	s28 =	sadd.s32 $0x2000, s25;
	[sflag:s21] =	ssyncadd.s32 $0xFFFFFF9C;
	s23 =	smov.u32 s24  }
0x1d3: {  	[tilespmem:s26], [sflag:$0x1] =	stream.indirect.gather [hbm4b:s2+s8], $0x1, s28, s8, $0xb8;
	v63 =	vld [tilespmem:$0x0]  }
0x1d4: {  	s29 =	sadd.s32 $0x2080, s25;
	s26 =	sadd.s32 $0x8000, s24;
	s28 =	sadd.s32 $0x12080, s25  }
0x1d5: {  	[tilespmem:s28], [sflag:$0x1] =	stream.indirect.gather [hbm4b:s2+s8], $0x1, s29, s8, $0xb8;
	v63 =	vld [tilespmem:$0x0]  }
0x1d6: {  	p0 =	sne.s32 s24, $0x30000;
	s24 =	sadd.s32 $0x12100, s25;
	s28 =	sadd.s32 $0x2100, s25  }
0x1d7: {  	[tilespmem:s24], [sflag:$0x1] =	stream.indirect.gather [hbm4b:s2+s8], $0x1, s28, s8, $0xb8;
	v63 =	vld [tilespmem:$0x0]  }
0x1d8: {  	s24 =	sadd.s32 $0x12180, s25;
	s28 =	sadd.s32 $0x2180, s25  }
0x1d9: {  	[tilespmem:s24], [sflag:$0x1] =	stream.indirect.gather [hbm4b:s2+s8], $0x1, s28, s8, $0xb8;
	v63 =	vld [tilespmem:$0x0]  }
0x1da: {  	s24 =	sadd.s32 $0x12200, s25;
	s28 =	sadd.s32 $0x2200, s25  }
0x1db: {  	[tilespmem:s24], [sflag:$0x1] =	stream.indirect.gather [hbm4b:s2+s8], $0x1, s28, s8, $0xb8;
	v63 =	vld [tilespmem:$0x0]  }
0x1dc: {  	s24 =	sadd.s32 $0x12280, s25;
	s28 =	sadd.s32 $0x2280, s25  }
0x1dd: {  	[tilespmem:s24], [sflag:$0x1] =	stream.indirect.gather [hbm4b:s2+s8], $0x1, s28, s8, $0xb8;
	v63 =	vld [tilespmem:$0x0]  }
0x1de: {  	s24 =	sadd.s32 $0x12300, s25;
	s28 =	sadd.s32 $0x2300, s25  }
0x1df: {  	[tilespmem:s24], [sflag:$0x1] =	stream.indirect.gather [hbm4b:s2+s8], $0x1, s28, s8, $0xb8;
	v63 =	vld [tilespmem:$0x0]  }
0x1e0: {  	s24 =	sadd.s32 $0x12380, s25;
	s28 =	sadd.s32 $0x2380, s25  }
0x1e1: {  	[tilespmem:s24], [sflag:$0x1] =	stream.indirect.gather [hbm4b:s2+s8], $0x1, s28, s8, $0xb8;
	v63 =	vld [tilespmem:$0x0]  }
0x1e2: {  	s24 =	sadd.s32 $0x12400, s25;
	s28 =	sadd.s32 $0x2400, s25  }
0x1e3: {  	[tilespmem:s24], [sflag:$0x1] =	stream.indirect.gather [hbm4b:s2+s8], $0x1, s28, s8, $0xb8;
	v63 =	vld [tilespmem:$0x0]  }
0x1e4: {  	s24 =	sadd.s32 $0x12480, s25;
	s28 =	sadd.s32 $0x2480, s25  }
0x1e5: {  	[tilespmem:s24], [sflag:$0x1] =	stream.indirect.gather [hbm4b:s2+s8], $0x1, s28, s8, $0xb8;
	v63 =	vld [tilespmem:$0x0]  }
0x1e6: {  	s24 =	sadd.s32 $0x12500, s25;
	s28 =	sadd.s32 $0x2500, s25  }
0x1e7: {  	[tilespmem:s24], [sflag:$0x1] =	stream.indirect.gather [hbm4b:s2+s8], $0x1, s28, s8, $0xb8;
	v63 =	vld [tilespmem:$0x0]  }
0x1e8: {  	s24 =	sadd.s32 $0x12580, s25;
	s28 =	sadd.s32 $0x2580, s25  }
0x1e9: {  	[tilespmem:s24], [sflag:$0x1] =	stream.indirect.gather [hbm4b:s2+s8], $0x1, s28, s8, $0xb8;
	v63 =	vld [tilespmem:$0x0]  }
0x1ea: {  	s24 =	sadd.s32 $0x12600, s25;
	s28 =	sadd.s32 $0x2600, s25  }
0x1eb: {  	[tilespmem:s24], [sflag:$0x1] =	stream.indirect.gather [hbm4b:s2+s8], $0x1, s28, s8, $0xb8;
	v63 =	vld [tilespmem:$0x0]  }
0x1ec: {  	s24 =	sadd.s32 $0x12680, s25;
	s28 =	sadd.s32 $0x2680, s25  }
0x1ed: {  	[tilespmem:s24], [sflag:$0x1] =	stream.indirect.gather [hbm4b:s2+s8], $0x1, s28, s8, $0xb8;
	v63 =	vld [tilespmem:$0x0]  }
0x1ee: {  	s24 =	sadd.s32 $0x12700, s25;
	s28 =	sadd.s32 $0x2700, s25  }
0x1ef: {  	[tilespmem:s24], [sflag:$0x1] =	stream.indirect.gather [hbm4b:s2+s8], $0x1, s28, s8, $0xb8;
	v63 =	vld [tilespmem:$0x0]  }
0x1f0: {  	s24 =	sadd.s32 $0x12780, s25;
	s28 =	sadd.s32 $0x2780, s25  }
0x1f1: {  	[tilespmem:s24], [sflag:$0x1] =	stream.indirect.gather [hbm4b:s2+s8], $0x1, s28, s8, $0xb8;
	v63 =	vld [tilespmem:$0x0]  }
0x1f2: {  	s24 =	sadd.s32 $0x12800, s25;
	s28 =	sadd.s32 $0x2800, s25  }
0x1f3: {  	[tilespmem:s24], [sflag:$0x1] =	stream.indirect.gather [hbm4b:s2+s8], $0x1, s28, s8, $0xb8;
	v63 =	vld [tilespmem:$0x0]  }
0x1f4: {  	s24 =	sadd.s32 $0x12880, s25;
	s28 =	sadd.s32 $0x2880, s25  }
0x1f5: {  	[tilespmem:s24], [sflag:$0x1] =	stream.indirect.gather [hbm4b:s2+s8], $0x1, s28, s8, $0xb8;
	v63 =	vld [tilespmem:$0x0]  }
0x1f6: {  	s24 =	sadd.s32 $0x12900, s25;
	s28 =	sadd.s32 $0x2900, s25  }
0x1f7: {  	[tilespmem:s24], [sflag:$0x1] =	stream.indirect.gather [hbm4b:s2+s8], $0x1, s28, s8, $0xb8;
	v63 =	vld [tilespmem:$0x0]  }
0x1f8: {  	s24 =	sadd.s32 $0x12980, s25;
	s28 =	sadd.s32 $0x2980, s25  }
0x1f9: {  	[tilespmem:s24], [sflag:$0x1] =	stream.indirect.gather [hbm4b:s2+s8], $0x1, s28, s8, $0xb8;
	v63 =	vld [tilespmem:$0x0]  }
0x1fa: {  	s24 =	sadd.s32 $0x12A00, s25;
	s28 =	sadd.s32 $0x2A00, s25  }
0x1fb: {  	[tilespmem:s24], [sflag:$0x1] =	stream.indirect.gather [hbm4b:s2+s8], $0x1, s28, s8, $0xb8;
	v63 =	vld [tilespmem:$0x0]  }
0x1fc: {  	s24 =	sadd.s32 $0x12A80, s25;
	s28 =	sadd.s32 $0x2A80, s25  }
0x1fd: {  	[tilespmem:s24], [sflag:$0x1] =	stream.indirect.gather [hbm4b:s2+s8], $0x1, s28, s8, $0xb8;
	v63 =	vld [tilespmem:$0x0]  }
0x1fe: {  	s24 =	sadd.s32 $0x12B00, s25;
	s28 =	sadd.s32 $0x2B00, s25  }
0x1ff: {  	[tilespmem:s24], [sflag:$0x1] =	stream.indirect.gather [hbm4b:s2+s8], $0x1, s28, s8, $0xb8;
	v63 =	vld [tilespmem:$0x0]  }
0x200: {  	s24 =	sadd.s32 $0x12B80, s25;
	s28 =	sadd.s32 $0x2B80, s25  }
0x201: {  	[tilespmem:s24], [sflag:$0x1] =	stream.indirect.gather [hbm4b:s2+s8], $0x1, s28, s8, $0xb8;
	v63 =	vld [tilespmem:$0x0]  }
0x202: {  	s24 =	sadd.s32 $0x12C00, s25;
	s28 =	sadd.s32 $0x2C00, s25  }
0x203: {  	[tilespmem:s24], [sflag:$0x1] =	stream.indirect.gather [hbm4b:s2+s8], $0x1, s28, s8, $0xb8;
	v63 =	vld [tilespmem:$0x0]  }
0x204: {  	s24 =	sadd.s32 $0x12C80, s25;
	s28 =	sadd.s32 $0x2C80, s25  }
0x205: {  	[tilespmem:s24], [sflag:$0x1] =	stream.indirect.gather [hbm4b:s2+s8], $0x1, s28, s8, $0xb8;
	v63 =	vld [tilespmem:$0x0]  }
0x206: {  	s24 =	sadd.s32 $0x12D00, s25;
	s28 =	sadd.s32 $0x2D00, s25  }
0x207: {  	[tilespmem:s24], [sflag:$0x1] =	stream.indirect.gather [hbm4b:s2+s8], $0x1, s28, s8, $0xb8;
	v63 =	vld [tilespmem:$0x0]  }
0x208: {  	s24 =	sadd.s32 $0x12D80, s25;
	s28 =	sadd.s32 $0x2D80, s25  }
0x209: {  	[tilespmem:s24], [sflag:$0x1] =	stream.indirect.gather [hbm4b:s2+s8], $0x1, s28, s8, $0xb8;
	v63 =	vld [tilespmem:$0x0]  }
0x20a: {  	s24 =	sadd.s32 $0x12E00, s25;
	s28 =	sadd.s32 $0x2E00, s25  }
0x20b: {  	[tilespmem:s24], [sflag:$0x1] =	stream.indirect.gather [hbm4b:s2+s8], $0x1, s28, s8, $0xb8;
	v63 =	vld [tilespmem:$0x0]  }
0x20c: {  	s24 =	sadd.s32 $0x12E80, s25;
	s28 =	sadd.s32 $0x2E80, s25  }
0x20d: {  	[tilespmem:s24], [sflag:$0x1] =	stream.indirect.gather [hbm4b:s2+s8], $0x1, s28, s8, $0xb8;
	v63 =	vld [tilespmem:$0x0]  }
0x20e: {  	s24 =	sadd.s32 $0x12F00, s25;
	s28 =	sadd.s32 $0x2F00, s25  }
0x20f: {  	[tilespmem:s24], [sflag:$0x1] =	stream.indirect.gather [hbm4b:s2+s8], $0x1, s28, s8, $0xb8;
	v63 =	vld [tilespmem:$0x0]  }
0x210: {  	s24 =	sadd.s32 $0x12F80, s25;
	s28 =	sadd.s32 $0x2F80, s25  }
0x211: {  	[tilespmem:s24], [sflag:$0x1] =	stream.indirect.gather [hbm4b:s2+s8], $0x1, s28, s8, $0xb8;
	v63 =	vld [tilespmem:$0x0]  }
0x212: {  	s24 =	sadd.s32 $0x13000, s25;
	s28 =	sadd.s32 $0x3000, s25  }
0x213: {  	[tilespmem:s24], [sflag:$0x1] =	stream.indirect.gather [hbm4b:s2+s8], $0x1, s28, s8, $0xb8;
	v63 =	vld [tilespmem:$0x0]  }
0x214: {  	s24 =	sadd.s32 $0x13080, s25;
	s28 =	sadd.s32 $0x3080, s25  }
0x215: {  	[tilespmem:s24], [sflag:$0x1] =	stream.indirect.gather [hbm4b:s2+s8], $0x1, s28, s8, $0xb8;
	v63 =	vld [tilespmem:$0x0]  }
0x216: {  	s24 =	sadd.s32 $0x13100, s25;
	s28 =	sadd.s32 $0x3100, s25  }
0x217: {  	[tilespmem:s24], [sflag:$0x1] =	stream.indirect.gather [hbm4b:s2+s8], $0x1, s28, s8, $0xb8;
	v63 =	vld [tilespmem:$0x0]  }
0x218: {  	s24 =	sadd.s32 $0x13180, s25;
	s28 =	sadd.s32 $0x3180, s25  }
0x219: {  	[tilespmem:s24], [sflag:$0x1] =	stream.indirect.gather [hbm4b:s2+s8], $0x1, s28, s8, $0xb8;
	v63 =	vld [tilespmem:$0x0]  }
0x21a: {  	s24 =	sadd.s32 $0x13200, s25;
	s28 =	sadd.s32 $0x3200, s25  }
0x21b: {  	[tilespmem:s24], [sflag:$0x1] =	stream.indirect.gather [hbm4b:s2+s8], $0x1, s28, s8, $0xb8;
	v63 =	vld [tilespmem:$0x0]  }
0x21c: {  	s24 =	sadd.s32 $0x13280, s25;
	s28 =	sadd.s32 $0x3280, s25  }
0x21d: {  	[tilespmem:s24], [sflag:$0x1] =	stream.indirect.gather [hbm4b:s2+s8], $0x1, s28, s8, $0xb8;
	v63 =	vld [tilespmem:$0x0]  }
0x21e: {  	s24 =	sadd.s32 $0x13300, s25;
	s28 =	sadd.s32 $0x3300, s25  }
0x21f: {  	[tilespmem:s24], [sflag:$0x1] =	stream.indirect.gather [hbm4b:s2+s8], $0x1, s28, s8, $0xb8;
	v63 =	vld [tilespmem:$0x0]  }
0x220: {  	s24 =	sadd.s32 $0x13380, s25;
	s28 =	sadd.s32 $0x3380, s25  }
0x221: {  	[tilespmem:s24], [sflag:$0x1] =	stream.indirect.gather [hbm4b:s2+s8], $0x1, s28, s8, $0xb8;
	v63 =	vld [tilespmem:$0x0]  }
0x222: {  	s24 =	sadd.s32 $0x13400, s25;
	s28 =	sadd.s32 $0x3400, s25  }
0x223: {  	[tilespmem:s24], [sflag:$0x1] =	stream.indirect.gather [hbm4b:s2+s8], $0x1, s28, s8, $0xb8;
	v63 =	vld [tilespmem:$0x0]  }
0x224: {  	s24 =	sadd.s32 $0x13480, s25;
	s28 =	sadd.s32 $0x3480, s25  }
0x225: {  	[tilespmem:s24], [sflag:$0x1] =	stream.indirect.gather [hbm4b:s2+s8], $0x1, s28, s8, $0xb8;
	v63 =	vld [tilespmem:$0x0]  }
0x226: {  	s24 =	sadd.s32 $0x13500, s25;
	s28 =	sadd.s32 $0x3500, s25  }
0x227: {  	[tilespmem:s24], [sflag:$0x1] =	stream.indirect.gather [hbm4b:s2+s8], $0x1, s28, s8, $0xb8;
	v63 =	vld [tilespmem:$0x0]  }
0x228: {  	s24 =	sadd.s32 $0x13580, s25;
	s28 =	sadd.s32 $0x3580, s25  }
0x229: {  	[tilespmem:s24], [sflag:$0x1] =	stream.indirect.gather [hbm4b:s2+s8], $0x1, s28, s8, $0xb8;
	v63 =	vld [tilespmem:$0x0]  }
0x22a: {  	s24 =	sadd.s32 $0x13600, s25;
	s28 =	sadd.s32 $0x3600, s25  }
0x22b: {  	[tilespmem:s24], [sflag:$0x1] =	stream.indirect.gather [hbm4b:s2+s8], $0x1, s28, s8, $0xb8;
	v63 =	vld [tilespmem:$0x0]  }
0x22c: {  	s24 =	sadd.s32 $0x13680, s25;
	s28 =	sadd.s32 $0x3680, s25  }
0x22d: {  	[tilespmem:s24], [sflag:$0x1] =	stream.indirect.gather [hbm4b:s2+s8], $0x1, s28, s8, $0xb8;
	v63 =	vld [tilespmem:$0x0]  }
0x22e: {  	s24 =	sadd.s32 $0x13700, s25;
	s28 =	sadd.s32 $0x3700, s25  }
0x22f: {  	[tilespmem:s24], [sflag:$0x1] =	stream.indirect.gather [hbm4b:s2+s8], $0x1, s28, s8, $0xb8;
	v63 =	vld [tilespmem:$0x0]  }
0x230: {  	s24 =	sadd.s32 $0x13780, s25;
	s28 =	sadd.s32 $0x3780, s25  }
0x231: {  	[tilespmem:s24], [sflag:$0x1] =	stream.indirect.gather [hbm4b:s2+s8], $0x1, s28, s8, $0xb8;
	v63 =	vld [tilespmem:$0x0]  }
0x232: {  	s24 =	sadd.s32 $0x13800, s25;
	s28 =	sadd.s32 $0x3800, s25  }
0x233: {  	[tilespmem:s24], [sflag:$0x1] =	stream.indirect.gather [hbm4b:s2+s8], $0x1, s28, s8, $0xb8;
	v63 =	vld [tilespmem:$0x0]  }
0x234: {  	s24 =	sadd.s32 $0x13880, s25;
	s28 =	sadd.s32 $0x3880, s25  }
0x235: {  	[tilespmem:s24], [sflag:$0x1] =	stream.indirect.gather [hbm4b:s2+s8], $0x1, s28, s8, $0xb8;
	v63 =	vld [tilespmem:$0x0]  }
0x236: {  	s24 =	sadd.s32 $0x13900, s25;
	s28 =	sadd.s32 $0x3900, s25  }
0x237: {  	[tilespmem:s24], [sflag:$0x1] =	stream.indirect.gather [hbm4b:s2+s8], $0x1, s28, s8, $0xb8;
	v63 =	vld [tilespmem:$0x0]  }
0x238: {  	s24 =	sadd.s32 $0x13980, s25;
	s28 =	sadd.s32 $0x3980, s25  }
0x239: {  	[tilespmem:s24], [sflag:$0x1] =	stream.indirect.gather [hbm4b:s2+s8], $0x1, s28, s8, $0xb8;
	v63 =	vld [tilespmem:$0x0]  }
0x23a: {  	s24 =	sadd.s32 $0x13A00, s25;
	s28 =	sadd.s32 $0x3A00, s25  }
0x23b: {  	[tilespmem:s24], [sflag:$0x1] =	stream.indirect.gather [hbm4b:s2+s8], $0x1, s28, s8, $0xb8;
	v63 =	vld [tilespmem:$0x0]  }
0x23c: {  	s24 =	sadd.s32 $0x13A80, s25;
	s28 =	sadd.s32 $0x3A80, s25  }
0x23d: {  	[tilespmem:s24], [sflag:$0x1] =	stream.indirect.gather [hbm4b:s2+s8], $0x1, s28, s8, $0xb8;
	v63 =	vld [tilespmem:$0x0]  }
0x23e: {  	s24 =	sadd.s32 $0x13B00, s25;
	s28 =	sadd.s32 $0x3B00, s25  }
0x23f: {  	[tilespmem:s24], [sflag:$0x1] =	stream.indirect.gather [hbm4b:s2+s8], $0x1, s28, s8, $0xb8;
	v63 =	vld [tilespmem:$0x0]  }
0x240: {  	s24 =	sadd.s32 $0x13B80, s25;
	s28 =	sadd.s32 $0x3B80, s25  }
0x241: {  	[tilespmem:s24], [sflag:$0x1] =	stream.indirect.gather [hbm4b:s2+s8], $0x1, s28, s8, $0xb8;
	v63 =	vld [tilespmem:$0x0]  }
0x242: {  	s24 =	sadd.s32 $0x13C00, s25;
	s28 =	sadd.s32 $0x3C00, s25  }
0x243: {  	[tilespmem:s24], [sflag:$0x1] =	stream.indirect.gather [hbm4b:s2+s8], $0x1, s28, s8, $0xb8;
	v63 =	vld [tilespmem:$0x0]  }
0x244: {  	s24 =	sadd.s32 $0x13C80, s25;
	s28 =	sadd.s32 $0x3C80, s25  }
0x245: {  	[tilespmem:s24], [sflag:$0x1] =	stream.indirect.gather [hbm4b:s2+s8], $0x1, s28, s8, $0xb8;
	v63 =	vld [tilespmem:$0x0]  }
0x246: {  	s24 =	sadd.s32 $0x13D00, s25;
	s28 =	sadd.s32 $0x3D00, s25  }
0x247: {  	[tilespmem:s24], [sflag:$0x1] =	stream.indirect.gather [hbm4b:s2+s8], $0x1, s28, s8, $0xb8;
	v63 =	vld [tilespmem:$0x0]  }
0x248: {  	s24 =	sadd.s32 $0x13D80, s25;
	s28 =	sadd.s32 $0x3D80, s25  }
0x249: {  	[tilespmem:s24], [sflag:$0x1] =	stream.indirect.gather [hbm4b:s2+s8], $0x1, s28, s8, $0xb8;
	v63 =	vld [tilespmem:$0x0]  }
0x24a: {  	s24 =	sadd.s32 $0x13E00, s25;
	s28 =	sadd.s32 $0x3E00, s25  }
0x24b: {  	[tilespmem:s24], [sflag:$0x1] =	stream.indirect.gather [hbm4b:s2+s8], $0x1, s28, s8, $0xb8;
	v63 =	vld [tilespmem:$0x0]  }
0x24c: {  	s24 =	sadd.s32 $0x13E80, s25;
	s28 =	sadd.s32 $0x3E80, s25  }
0x24d: {  	[tilespmem:s24], [sflag:$0x1] =	stream.indirect.gather [hbm4b:s2+s8], $0x1, s28, s8, $0xb8;
	v63 =	vld [tilespmem:$0x0]  }
0x24e: {  	s24 =	sadd.s32 $0x13F00, s25;
	s28 =	sadd.s32 $0x3F00, s25  }
0x24f: {  	[tilespmem:s24], [sflag:$0x1] =	stream.indirect.gather [hbm4b:s2+s8], $0x1, s28, s8, $0xb8;
	v63 =	vld [tilespmem:$0x0]  }
0x250: {  	s24 =	sadd.s32 $0x13F80, s25;
	s25 =	sadd.s32 $0x3F80, s25  }
0x251: {  	[tilespmem:s24], [sflag:$0x1] =	stream.indirect.gather [hbm4b:s2+s8], $0x1, s25, s8, $0xb8;
	v63 =	vld [tilespmem:$0x0]  }
0x252: {  	_ =	swait.ge [sflag:s21], $0x64  }
0x253: {  	[sflag:s21] =	ssyncset.done $0x0  }
0x254: {  	[sflag:s21] =	ssyncadd.s32 $0xFFFFFF9C  }
0x255: {  	_ =	swait.ge [sflag:s21], $0x64  }
0x256: {  	[sflag:s21] =	ssyncset.done $0x0  }
0x257: {  	[sflag:s21] =	ssyncadd.s32 $0xFFFFFF9C  }
0x258: {  	_ =	swait.ge [sflag:s21], $0x64  }
0x259: {  	[sflag:s21] =	ssyncset.done $0x0  }
0x25a: {  	[sflag:s21] =	ssyncadd.s32 $0xFFFFFF9C  }
0x25b: {  	_ =	swait.ge [sflag:s21], $0x64  }
0x25c: {  	[sflag:s21] =	ssyncset.done $0x0  }
0x25d: {  	[sflag:s21] =	ssyncadd.s32 $0xFFFFFF9C  }
0x25e: {  	_ =	swait.ge [sflag:s21], $0x64  }
0x25f: {  	[sflag:s21] =	ssyncset.done $0x0  }
0x260: {  	[sflag:s21] =	ssyncadd.s32 $0xFFFFFF9C  }
0x261: {  	_ =	swait.ge [sflag:s21], $0x64  }
0x262: {  	[sflag:s21] =	ssyncset.done $0x0  }
0x263: {  	[sflag:s21] =	ssyncadd.s32 $0xFFFFFF9C  }
0x264: {  	_ =	swait.ge [sflag:s21], $0x64  }
0x265: {  	[sflag:s21] =	ssyncset.done $0x0  }
0x266: {  	[sflag:s21] =	ssyncadd.s32 $0xFFFFFF9C  }
0x267: {  	_ =	swait.ge [sflag:s21], $0x64  }
0x268: {  	[sflag:s21] =	ssyncset.done $0x0  }
0x269: {  	[sflag:s21] =	ssyncadd.s32 $0xFFFFFF9C  }
0x26a: {  	_ =	swait.ge [sflag:s21], $0x64  }
0x26b: {  	[sflag:s21] =	ssyncset.done $0x0  }
0x26c: {  	[sflag:s21] =	ssyncadd.s32 $0xFFFFFF9C  }
0x26d: {  	_ =	swait.ge [sflag:s21], $0x64  }
0x26e: {  	[sflag:s21] =	ssyncset.done $0x0  }
0x26f: {  	[sflag:s21] =	ssyncadd.s32 $0xFFFFFF9C  }
0x270: {  	_ =	swait.ge [sflag:s21], $0x64  }
0x271: {  	[sflag:s21] =	ssyncset.done $0x0  }
0x272: {  	[sflag:s21] =	ssyncadd.s32 $0xFFFFFF9C  }
0x273: {  	_ =	swait.ge [sflag:s21], $0x64  }
0x274: {  	[sflag:s21] =	ssyncset.done $0x0  }
0x275: {  	[sflag:s21] =	ssyncadd.s32 $0xFFFFFF9C  }
0x276: {  	_ =	swait.ge [sflag:s21], $0x64  }
0x277: {  	[sflag:s21] =	ssyncset.done $0x0  }
0x278: {  	[sflag:s21] =	ssyncadd.s32 $0xFFFFFF9C  }
0x279: {  	_ =	swait.ge [sflag:s21], $0x64  }
0x27a: {  	[sflag:s21] =	ssyncset.done $0x0  }
0x27b: {  	[sflag:s21] =	ssyncadd.s32 $0xFFFFFF9C  }
0x27c: {  	_ =	swait.ge [sflag:s21], $0x64  }
0x27d: {  	[sflag:s21] =	ssyncset.done $0x0  }
0x27e: {  	[sflag:s21] =	ssyncadd.s32 $0xFFFFFF9C  }
0x27f: {  	_ =	swait.ge [sflag:s21], $0x64  }
0x280: {  	[sflag:s21] =	ssyncset.done $0x0  }
0x281: {  	[sflag:s21] =	ssyncadd.s32 $0xFFFFFF9C  }
0x282: {  	_ =	swait.ge [sflag:s21], $0x64  }
0x283: {  	[sflag:s21] =	ssyncset.done $0x0  }
0x284: {  	[sflag:s21] =	ssyncadd.s32 $0xFFFFFF9C  }
0x285: {  	_ =	swait.ge [sflag:s21], $0x64  }
0x286: {  	[sflag:s21] =	ssyncset.done $0x0  }
0x287: {  	[sflag:s21] =	ssyncadd.s32 $0xFFFFFF9C  }
0x288: {  	_ =	swait.ge [sflag:s21], $0x64  }
0x289: {  	[sflag:s21] =	ssyncset.done $0x0  }
0x28a: {  	[sflag:s21] =	ssyncadd.s32 $0xFFFFFF9C  }
0x28b: {  	_ =	swait.ge [sflag:s21], $0x64  }
0x28c: {  	[sflag:s21] =	ssyncset.done $0x0  }
0x28d: {  	[sflag:s21] =	ssyncadd.s32 $0xFFFFFF9C  }
0x28e: {  	_ =	swait.ge [sflag:s21], $0x64  }
0x28f: {  	[sflag:s21] =	ssyncset.done $0x0  }
0x290: {  	[sflag:s21] =	ssyncadd.s32 $0xFFFFFF9C  }
0x291: {  	_ =	swait.ge [sflag:s21], $0x64  }
0x292: {  	[sflag:s21] =	ssyncset.done $0x0  }
0x293: {  	[sflag:s21] =	ssyncadd.s32 $0xFFFFFF9C  }
0x294: {  	_ =	swait.ge [sflag:s21], $0x64  }
0x295: {  	[sflag:s21] =	ssyncset.done $0x0  }
0x296: {  	[sflag:s21] =	ssyncadd.s32 $0xFFFFFF9C  }
0x297: {  	_ =	swait.ge [sflag:s21], $0x64  }
0x298: {  	[sflag:s21] =	ssyncset.done $0x0  }
0x299: {  	[sflag:s21] =	ssyncadd.s32 $0xFFFFFF9C  }
0x29a: {  	_ =	swait.ge [sflag:s21], $0x64  }
0x29b: {  	[sflag:s21] =	ssyncset.done $0x0  }
0x29c: {  	[sflag:s21] =	ssyncadd.s32 $0xFFFFFF9C  }
0x29d: {  	_ =	swait.ge [sflag:s21], $0x64  }
0x29e: {  	[sflag:s21] =	ssyncset.done $0x0  }
0x29f: {  	[sflag:s21] =	ssyncadd.s32 $0xFFFFFF9C  }
0x2a0: {  	_ =	swait.ge [sflag:s21], $0x64  }
0x2a1: {  	[sflag:s21] =	ssyncset.done $0x0  }
0x2a2: {  	[sflag:s21] =	ssyncadd.s32 $0xFFFFFF9C  }
0x2a3: {  	_ =	swait.ge [sflag:s21], $0x64  }
0x2a4: {  	[sflag:s21] =	ssyncset.done $0x0  }
0x2a5: {  	[sflag:s21] =	ssyncadd.s32 $0xFFFFFF9C  }
0x2a6: {  	_ =	swait.ge [sflag:s21], $0x64  }
0x2a7: {  	[sflag:s21] =	ssyncset.done $0x0  }
0x2a8: {  	[sflag:s21] =	ssyncadd.s32 $0xFFFFFF9C  }
0x2a9: {  	_ =	swait.ge [sflag:s21], $0x64  }
0x2aa: {  	[sflag:s21] =	ssyncset.done $0x0  }
0x2ab: {  	[sflag:s21] =	ssyncadd.s32 $0xFFFFFF9C  }
0x2ac: {  	_ =	swait.ge [sflag:s21], $0x64  }
0x2ad: {  	[sflag:s21] =	ssyncset.done $0x0  }
0x2ae: {  	[sflag:s21] =	ssyncadd.s32 $0xFFFFFF9C  }
0x2af: {  	_ =	swait.ge [sflag:s21], $0x64  }
0x2b0: {  	[sflag:s21] =	ssyncset.done $0x0  }
0x2b1: {  	[sflag:s21] =	ssyncadd.s32 $0xFFFFFF9C  }
0x2b2: {  	_ =	swait.ge [sflag:s21], $0x64  }
0x2b3: {  	[sflag:s21] =	ssyncset.done $0x0  }
0x2b4: {  	[sflag:s21] =	ssyncadd.s32 $0xFFFFFF9C  }
0x2b5: {  	_ =	swait.ge [sflag:s21], $0x64  }
0x2b6: {  	[sflag:s21] =	ssyncset.done $0x0  }
0x2b7: {  	[sflag:s21] =	ssyncadd.s32 $0xFFFFFF9C  }
0x2b8: {  	_ =	swait.ge [sflag:s21], $0x64  }
0x2b9: {  	[sflag:s21] =	ssyncset.done $0x0  }
0x2ba: {  	[sflag:s21] =	ssyncadd.s32 $0xFFFFFF9C  }
0x2bb: {  	_ =	swait.ge [sflag:s21], $0x64  }
0x2bc: {  	[sflag:s21] =	ssyncset.done $0x0  }
0x2bd: {  	[sflag:s21] =	ssyncadd.s32 $0xFFFFFF9C  }
0x2be: {  	_ =	swait.ge [sflag:s21], $0x64  }
0x2bf: {  	[sflag:s21] =	ssyncset.done $0x0  }
0x2c0: {  	[sflag:s21] =	ssyncadd.s32 $0xFFFFFF9C  }
0x2c1: {  	_ =	swait.ge [sflag:s21], $0x64  }
0x2c2: {  	[sflag:s21] =	ssyncset.done $0x0  }
0x2c3: {  	[sflag:s21] =	ssyncadd.s32 $0xFFFFFF9C  }
0x2c4: {  	_ =	swait.ge [sflag:s21], $0x64  }
0x2c5: {  	[sflag:s21] =	ssyncset.done $0x0  }
0x2c6: {  	[sflag:s21] =	ssyncadd.s32 $0xFFFFFF9C  }
0x2c7: {  	_ =	swait.ge [sflag:s21], $0x64  }
0x2c8: {  	[sflag:s21] =	ssyncset.done $0x0  }
0x2c9: {  	[sflag:s21] =	ssyncadd.s32 $0xFFFFFF9C  }
0x2ca: {  	_ =	swait.ge [sflag:s21], $0x64  }
0x2cb: {  	[sflag:s21] =	ssyncset.done $0x0  }
0x2cc: {  	[sflag:s21] =	ssyncadd.s32 $0xFFFFFF9C  }
0x2cd: {  	_ =	swait.ge [sflag:s21], $0x64  }
0x2ce: {  	[sflag:s21] =	ssyncset.done $0x0  }
0x2cf: {  	[sflag:s21] =	ssyncadd.s32 $0xFFFFFF9C  }
0x2d0: {  	_ =	swait.ge [sflag:s21], $0x64  }
0x2d1: {  	[sflag:s21] =	ssyncset.done $0x0  }
0x2d2: {  	[sflag:s21] =	ssyncadd.s32 $0xFFFFFF9C  }
0x2d3: {  	_ =	swait.ge [sflag:s21], $0x64  }
0x2d4: {  	[sflag:s21] =	ssyncset.done $0x0  }
0x2d5: {  	[sflag:s21] =	ssyncadd.s32 $0xFFFFFF9C  }
0x2d6: {  	_ =	swait.ge [sflag:s21], $0x64  }
0x2d7: {  	[sflag:s21] =	ssyncset.done $0x0  }
0x2d8: {  	[sflag:s21] =	ssyncadd.s32 $0xFFFFFF9C  }
0x2d9: {  	_ =	swait.ge [sflag:s21], $0x64  }
0x2da: {  	[sflag:s21] =	ssyncset.done $0x0  }
0x2db: {  	[sflag:s21] =	ssyncadd.s32 $0xFFFFFF9C  }
0x2dc: {  	_ =	swait.ge [sflag:s21], $0x64  }
0x2dd: {  	[sflag:s21] =	ssyncset.done $0x0  }
0x2de: {  	[sflag:s21] =	ssyncadd.s32 $0xFFFFFF9C  }
0x2df: {  	_ =	swait.ge [sflag:s21], $0x64  }
0x2e0: {  	[sflag:s21] =	ssyncset.done $0x0  }
0x2e1: {  	[sflag:s21] =	ssyncadd.s32 $0xFFFFFF9C  }
0x2e2: {  	_ =	swait.ge [sflag:s21], $0x64  }
0x2e3: {  	[sflag:s21] =	ssyncset.done $0x0  }
0x2e4: {  	[sflag:s21] =	ssyncadd.s32 $0xFFFFFF9C  }
0x2e5: {  	_ =	swait.ge [sflag:s21], $0x64  }
0x2e6: {  	[sflag:s21] =	ssyncset.done $0x0  }
0x2e7: {  	[sflag:s21] =	ssyncadd.s32 $0xFFFFFF9C  }
0x2e8: {  	_ =	swait.ge [sflag:s21], $0x64  }
0x2e9: {  	[sflag:s21] =	ssyncset.done $0x0  }
0x2ea: {  	[sflag:s21] =	ssyncadd.s32 $0xFFFFFF9C  }
0x2eb: {  	_ =	swait.ge [sflag:s21], $0x64  }
0x2ec: {  	[sflag:s21] =	ssyncset.done $0x0  }
0x2ed: {  	[sflag:s21] =	ssyncadd.s32 $0xFFFFFF9C  }
0x2ee: {  	_ =	swait.ge [sflag:s21], $0x64  }
0x2ef: {  	[sflag:s21] =	ssyncset.done $0x0  }
0x2f0: {  	[sflag:s21] =	ssyncadd.s32 $0xFFFFFF9C  }
0x2f1: {  	_ =	swait.ge [sflag:s21], $0x64  }
0x2f2: {  	[sflag:s21] =	ssyncset.done $0x0  }
0x2f3: {  	[sflag:s21] =	ssyncadd.s32 $0xFFFFFF9C  }
0x2f4: {  	_ =	swait.ge [sflag:s21], $0x64  }
0x2f5: {  	[sflag:s21] =	ssyncset.done $0x0  }
0x2f6: {  	[sflag:s21] =	ssyncadd.s32 $0xFFFFFF9C  }
0x2f7: {  	_ =	swait.ge [sflag:s21], $0x64  }
0x2f8: {  	[sflag:s21] =	ssyncset.done $0x0  }
0x2f9: {  	[sflag:s21] =	ssyncadd.s32 $0xFFFFFF9C  }
0x2fa: {  	_ =	swait.ge [sflag:s21], $0x64  }
0x2fb: {  	[sflag:s21] =	ssyncset.done $0x0  }
0x2fc: {  	[sflag:s21] =	ssyncadd.s32 $0xFFFFFF9C  }
0x2fd: {  	_ =	swait.ge [sflag:s21], $0x64  }
0x2fe: {  	[sflag:s21] =	ssyncset.done $0x0  }
0x2ff: {  	[sflag:s21] =	ssyncadd.s32 $0xFFFFFF9C  }
0x300: {  	_ =	swait.ge [sflag:s21], $0x64  }
0x301: {  	[sflag:s21] =	ssyncset.done $0x0  }
0x302: {  	[sflag:s21] =	ssyncadd.s32 $0xFFFFFF9C  }
0x303: {  	_ =	swait.ge [sflag:s21], $0x64  }
0x304: {  	[sflag:s21] =	ssyncset.done $0x0  }
0x305: {  	[sflag:s21] =	ssyncadd.s32 $0xFFFFFF9C  }
0x306: {  	_ =	swait.ge [sflag:s21], $0x64  }
0x307: {  	[sflag:s21] =	ssyncset.done $0x0  }
0x308: {  	[sflag:s21] =	ssyncadd.s32 $0xFFFFFF9C  }
0x309: {  	_ =	swait.ge [sflag:s21], $0x64  }
0x30a: {  	[sflag:s21] =	ssyncset.done $0x0  }
0x30b: {  	[sflag:s21] =	ssyncadd.s32 $0xFFFFFF9C  }
.Ltmp0:
0x30c: {  	_ =	swait.ge [sflag:s21], $0x64;
	(pc) =	sbr.rel @p0 .LBB2_2-.Ltmp0, $4  }
0x30d: {  	[sflag:s21] =	ssyncset.done $0x0  }
0x30e: {  	[sflag:s21] =	ssyncadd.s32 $0xFFFFFF9C  }
0x30f: {  	_ =	swait.ge [sflag:s21], $0x64  }
0x310: {  	s25 =	sshra.s32 s23, $0x2;
	s24 =	smov.u32 s26;
	[sflag:s21] =	ssyncset.done $0x0  }
0x311: {  	s23 =	sadd.s32 $0x12000, s25;
	s24 =	sadd.s32 $0x2000, s25;
	[sflag:s21] =	ssyncadd.s32 $0xFFFFFF9C  }
0x312: {  	[tilespmem:s23], [sflag:$0x1] =	stream.indirect.gather [hbm4b:s2+s8], $0x1, s24, s8, $0xb8;
	v63 =	vld [tilespmem:$0x0]  }
0x313: {  	s28 =	sadd.s32 $0x12080, s25;
	s29 =	sadd.s32 $0x2080, s25  }
0x314: {  	[tilespmem:s28], [sflag:$0x1] =	stream.indirect.gather [hbm4b:s2+s8], $0x1, s29, s8, $0xb8;
	v63 =	vld [tilespmem:$0x0]  }
0x315: {  	s26 =	sadd.s32 $0x2100, s25;
	s24 =	sadd.s32 $0x12100, s25  }
0x316: {  	[tilespmem:s24], [sflag:$0x1] =	stream.indirect.gather [hbm4b:s2+s8], $0x1, s26, s8, $0xb8;
	v63 =	vld [tilespmem:$0x0]  }
0x317: {  	s28 =	sadd.s32 $0x12180, s25;
	s29 =	sadd.s32 $0x2180, s25  }
0x318: {  	[tilespmem:s28], [sflag:$0x1] =	stream.indirect.gather [hbm4b:s2+s8], $0x1, s29, s8, $0xb8;
	v63 =	vld [tilespmem:$0x0]  }
0x319: {  	s24 =	sadd.s32 $0x12200, s25;
	s26 =	sadd.s32 $0x2200, s25  }
0x31a: {  	[tilespmem:s24], [sflag:$0x1] =	stream.indirect.gather [hbm4b:s2+s8], $0x1, s26, s8, $0xb8;
	v63 =	vld [tilespmem:$0x0]  }
0x31b: {  	s28 =	sadd.s32 $0x12280, s25;
	s29 =	sadd.s32 $0x2280, s25  }
0x31c: {  	[tilespmem:s28], [sflag:$0x1] =	stream.indirect.gather [hbm4b:s2+s8], $0x1, s29, s8, $0xb8;
	v63 =	vld [tilespmem:$0x0]  }
0x31d: {  	s24 =	sadd.s32 $0x12300, s25;
	s26 =	sadd.s32 $0x2300, s25  }
0x31e: {  	[tilespmem:s24], [sflag:$0x1] =	stream.indirect.gather [hbm4b:s2+s8], $0x1, s26, s8, $0xb8;
	v63 =	vld [tilespmem:$0x0]  }
0x31f: {  	s28 =	sadd.s32 $0x12380, s25;
	s29 =	sadd.s32 $0x2380, s25  }
0x320: {  	[tilespmem:s28], [sflag:$0x1] =	stream.indirect.gather [hbm4b:s2+s8], $0x1, s29, s8, $0xb8;
	v63 =	vld [tilespmem:$0x0]  }
0x321: {  	s24 =	sadd.s32 $0x12400, s25;
	s26 =	sadd.s32 $0x2400, s25  }
0x322: {  	[tilespmem:s24], [sflag:$0x1] =	stream.indirect.gather [hbm4b:s2+s8], $0x1, s26, s8, $0xb8;
	v63 =	vld [tilespmem:$0x0]  }
0x323: {  	s28 =	sadd.s32 $0x12480, s25;
	s29 =	sadd.s32 $0x2480, s25  }
0x324: {  	[tilespmem:s28], [sflag:$0x1] =	stream.indirect.gather [hbm4b:s2+s8], $0x1, s29, s8, $0xb8;
	v63 =	vld [tilespmem:$0x0]  }
0x325: {  	s24 =	sadd.s32 $0x12500, s25;
	s26 =	sadd.s32 $0x2500, s25  }
0x326: {  	[tilespmem:s24], [sflag:$0x1] =	stream.indirect.gather [hbm4b:s2+s8], $0x1, s26, s8, $0xb8;
	v63 =	vld [tilespmem:$0x0]  }
0x327: {  	s28 =	sadd.s32 $0x12580, s25;
	s29 =	sadd.s32 $0x2580, s25  }
0x328: {  	[tilespmem:s28], [sflag:$0x1] =	stream.indirect.gather [hbm4b:s2+s8], $0x1, s29, s8, $0xb8;
	v63 =	vld [tilespmem:$0x0]  }
0x329: {  	s24 =	sadd.s32 $0x12600, s25;
	s26 =	sadd.s32 $0x2600, s25  }
0x32a: {  	[tilespmem:s24], [sflag:$0x1] =	stream.indirect.gather [hbm4b:s2+s8], $0x1, s26, s8, $0xb8;
	v63 =	vld [tilespmem:$0x0]  }
0x32b: {  	s28 =	sadd.s32 $0x12680, s25;
	s29 =	sadd.s32 $0x2680, s25  }
0x32c: {  	[tilespmem:s28], [sflag:$0x1] =	stream.indirect.gather [hbm4b:s2+s8], $0x1, s29, s8, $0xb8;
	v63 =	vld [tilespmem:$0x0]  }
0x32d: {  	s24 =	sadd.s32 $0x12700, s25;
	s26 =	sadd.s32 $0x2700, s25  }
0x32e: {  	[tilespmem:s24], [sflag:$0x1] =	stream.indirect.gather [hbm4b:s2+s8], $0x1, s26, s8, $0xb8;
	v63 =	vld [tilespmem:$0x0]  }
0x32f: {  	s28 =	sadd.s32 $0x12780, s25;
	s29 =	sadd.s32 $0x2780, s25  }
0x330: {  	[tilespmem:s28], [sflag:$0x1] =	stream.indirect.gather [hbm4b:s2+s8], $0x1, s29, s8, $0xb8;
	v63 =	vld [tilespmem:$0x0]  }
0x331: {  	s24 =	sadd.s32 $0x12800, s25;
	s26 =	sadd.s32 $0x2800, s25  }
0x332: {  	[tilespmem:s24], [sflag:$0x1] =	stream.indirect.gather [hbm4b:s2+s8], $0x1, s26, s8, $0xb8;
	v63 =	vld [tilespmem:$0x0]  }
0x333: {  	s28 =	sadd.s32 $0x12880, s25;
	s29 =	sadd.s32 $0x2880, s25  }
0x334: {  	[tilespmem:s28], [sflag:$0x1] =	stream.indirect.gather [hbm4b:s2+s8], $0x1, s29, s8, $0xb8;
	v63 =	vld [tilespmem:$0x0]  }
0x335: {  	s24 =	sadd.s32 $0x12900, s25;
	s26 =	sadd.s32 $0x2900, s25  }
0x336: {  	[tilespmem:s24], [sflag:$0x1] =	stream.indirect.gather [hbm4b:s2+s8], $0x1, s26, s8, $0xb8;
	v63 =	vld [tilespmem:$0x0]  }
0x337: {  	s28 =	sadd.s32 $0x12980, s25;
	s29 =	sadd.s32 $0x2980, s25  }
0x338: {  	[tilespmem:s28], [sflag:$0x1] =	stream.indirect.gather [hbm4b:s2+s8], $0x1, s29, s8, $0xb8;
	v63 =	vld [tilespmem:$0x0]  }
0x339: {  	s24 =	sadd.s32 $0x12A00, s25;
	s26 =	sadd.s32 $0x2A00, s25  }
0x33a: {  	[tilespmem:s24], [sflag:$0x1] =	stream.indirect.gather [hbm4b:s2+s8], $0x1, s26, s8, $0xb8;
	v63 =	vld [tilespmem:$0x0]  }
0x33b: {  	s28 =	sadd.s32 $0x12A80, s25;
	s29 =	sadd.s32 $0x2A80, s25  }
0x33c: {  	[tilespmem:s28], [sflag:$0x1] =	stream.indirect.gather [hbm4b:s2+s8], $0x1, s29, s8, $0xb8;
	v63 =	vld [tilespmem:$0x0]  }
0x33d: {  	s24 =	sadd.s32 $0x12B00, s25;
	s26 =	sadd.s32 $0x2B00, s25  }
0x33e: {  	[tilespmem:s24], [sflag:$0x1] =	stream.indirect.gather [hbm4b:s2+s8], $0x1, s26, s8, $0xb8;
	v63 =	vld [tilespmem:$0x0]  }
0x33f: {  	s28 =	sadd.s32 $0x12B80, s25;
	s29 =	sadd.s32 $0x2B80, s25  }
0x340: {  	[tilespmem:s28], [sflag:$0x1] =	stream.indirect.gather [hbm4b:s2+s8], $0x1, s29, s8, $0xb8;
	v63 =	vld [tilespmem:$0x0]  }
0x341: {  	s24 =	sadd.s32 $0x12C00, s25;
	s26 =	sadd.s32 $0x2C00, s25  }
0x342: {  	[tilespmem:s24], [sflag:$0x1] =	stream.indirect.gather [hbm4b:s2+s8], $0x1, s26, s8, $0xb8;
	v63 =	vld [tilespmem:$0x0]  }
0x343: {  	s28 =	sadd.s32 $0x12C80, s25;
	s29 =	sadd.s32 $0x2C80, s25  }
0x344: {  	[tilespmem:s28], [sflag:$0x1] =	stream.indirect.gather [hbm4b:s2+s8], $0x1, s29, s8, $0xb8;
	v63 =	vld [tilespmem:$0x0]  }
0x345: {  	s24 =	sadd.s32 $0x12D00, s25;
	s26 =	sadd.s32 $0x2D00, s25  }
0x346: {  	[tilespmem:s24], [sflag:$0x1] =	stream.indirect.gather [hbm4b:s2+s8], $0x1, s26, s8, $0xb8;
	v63 =	vld [tilespmem:$0x0]  }
0x347: {  	s28 =	sadd.s32 $0x12D80, s25;
	s29 =	sadd.s32 $0x2D80, s25  }
0x348: {  	[tilespmem:s28], [sflag:$0x1] =	stream.indirect.gather [hbm4b:s2+s8], $0x1, s29, s8, $0xb8;
	v63 =	vld [tilespmem:$0x0]  }
0x349: {  	s24 =	sadd.s32 $0x12E00, s25;
	s26 =	sadd.s32 $0x2E00, s25  }
0x34a: {  	[tilespmem:s24], [sflag:$0x1] =	stream.indirect.gather [hbm4b:s2+s8], $0x1, s26, s8, $0xb8;
	v63 =	vld [tilespmem:$0x0]  }
0x34b: {  	s28 =	sadd.s32 $0x12E80, s25;
	s29 =	sadd.s32 $0x2E80, s25  }
0x34c: {  	[tilespmem:s28], [sflag:$0x1] =	stream.indirect.gather [hbm4b:s2+s8], $0x1, s29, s8, $0xb8;
	v63 =	vld [tilespmem:$0x0]  }
0x34d: {  	s24 =	sadd.s32 $0x12F00, s25;
	s26 =	sadd.s32 $0x2F00, s25  }
0x34e: {  	[tilespmem:s24], [sflag:$0x1] =	stream.indirect.gather [hbm4b:s2+s8], $0x1, s26, s8, $0xb8;
	v63 =	vld [tilespmem:$0x0]  }
0x34f: {  	s28 =	sadd.s32 $0x12F80, s25;
	s29 =	sadd.s32 $0x2F80, s25  }
0x350: {  	[tilespmem:s28], [sflag:$0x1] =	stream.indirect.gather [hbm4b:s2+s8], $0x1, s29, s8, $0xb8;
	v63 =	vld [tilespmem:$0x0]  }
0x351: {  	s24 =	sadd.s32 $0x13000, s25;
	s26 =	sadd.s32 $0x3000, s25  }
0x352: {  	[tilespmem:s24], [sflag:$0x1] =	stream.indirect.gather [hbm4b:s2+s8], $0x1, s26, s8, $0xb8;
	v63 =	vld [tilespmem:$0x0]  }
0x353: {  	s28 =	sadd.s32 $0x13080, s25;
	s29 =	sadd.s32 $0x3080, s25  }
0x354: {  	[tilespmem:s28], [sflag:$0x1] =	stream.indirect.gather [hbm4b:s2+s8], $0x1, s29, s8, $0xb8;
	v63 =	vld [tilespmem:$0x0]  }
0x355: {  	s24 =	sadd.s32 $0x13100, s25;
	s26 =	sadd.s32 $0x3100, s25  }
0x356: {  	[tilespmem:s24], [sflag:$0x1] =	stream.indirect.gather [hbm4b:s2+s8], $0x1, s26, s8, $0xb8;
	v63 =	vld [tilespmem:$0x0]  }
0x357: {  	s28 =	sadd.s32 $0x13180, s25;
	s29 =	sadd.s32 $0x3180, s25  }
0x358: {  	[tilespmem:s28], [sflag:$0x1] =	stream.indirect.gather [hbm4b:s2+s8], $0x1, s29, s8, $0xb8;
	v63 =	vld [tilespmem:$0x0]  }
0x359: {  	s24 =	sadd.s32 $0x13200, s25;
	s26 =	sadd.s32 $0x3200, s25  }
0x35a: {  	[tilespmem:s24], [sflag:$0x1] =	stream.indirect.gather [hbm4b:s2+s8], $0x1, s26, s8, $0xb8;
	v63 =	vld [tilespmem:$0x0]  }
0x35b: {  	s28 =	sadd.s32 $0x13280, s25;
	s29 =	sadd.s32 $0x3280, s25  }
0x35c: {  	[tilespmem:s28], [sflag:$0x1] =	stream.indirect.gather [hbm4b:s2+s8], $0x1, s29, s8, $0xb8;
	v63 =	vld [tilespmem:$0x0]  }
0x35d: {  	s24 =	sadd.s32 $0x13300, s25;
	s26 =	sadd.s32 $0x3300, s25  }
0x35e: {  	[tilespmem:s24], [sflag:$0x1] =	stream.indirect.gather [hbm4b:s2+s8], $0x1, s26, s8, $0xb8;
	v63 =	vld [tilespmem:$0x0]  }
0x35f: {  	s28 =	sadd.s32 $0x13380, s25;
	s29 =	sadd.s32 $0x3380, s25  }
0x360: {  	[tilespmem:s28], [sflag:$0x1] =	stream.indirect.gather [hbm4b:s2+s8], $0x1, s29, s8, $0xb8;
	v63 =	vld [tilespmem:$0x0]  }
0x361: {  	s24 =	sadd.s32 $0x13400, s25;
	s26 =	sadd.s32 $0x3400, s25  }
0x362: {  	[tilespmem:s24], [sflag:$0x1] =	stream.indirect.gather [hbm4b:s2+s8], $0x1, s26, s8, $0xb8;
	v63 =	vld [tilespmem:$0x0]  }
0x363: {  	s28 =	sadd.s32 $0x13480, s25;
	s29 =	sadd.s32 $0x3480, s25  }
0x364: {  	[tilespmem:s28], [sflag:$0x1] =	stream.indirect.gather [hbm4b:s2+s8], $0x1, s29, s8, $0xb8;
	v63 =	vld [tilespmem:$0x0]  }
0x365: {  	s24 =	sadd.s32 $0x13500, s25;
	s26 =	sadd.s32 $0x3500, s25  }
0x366: {  	[tilespmem:s24], [sflag:$0x1] =	stream.indirect.gather [hbm4b:s2+s8], $0x1, s26, s8, $0xb8;
	v63 =	vld [tilespmem:$0x0]  }
0x367: {  	s28 =	sadd.s32 $0x13580, s25;
	s29 =	sadd.s32 $0x3580, s25  }
0x368: {  	[tilespmem:s28], [sflag:$0x1] =	stream.indirect.gather [hbm4b:s2+s8], $0x1, s29, s8, $0xb8;
	v63 =	vld [tilespmem:$0x0]  }
0x369: {  	s24 =	sadd.s32 $0x13600, s25;
	s26 =	sadd.s32 $0x3600, s25  }
0x36a: {  	[tilespmem:s24], [sflag:$0x1] =	stream.indirect.gather [hbm4b:s2+s8], $0x1, s26, s8, $0xb8;
	v63 =	vld [tilespmem:$0x0]  }
0x36b: {  	s28 =	sadd.s32 $0x13680, s25;
	s29 =	sadd.s32 $0x3680, s25  }
0x36c: {  	[tilespmem:s28], [sflag:$0x1] =	stream.indirect.gather [hbm4b:s2+s8], $0x1, s29, s8, $0xb8;
	v63 =	vld [tilespmem:$0x0]  }
0x36d: {  	s24 =	sadd.s32 $0x13700, s25;
	s26 =	sadd.s32 $0x3700, s25  }
0x36e: {  	[tilespmem:s24], [sflag:$0x1] =	stream.indirect.gather [hbm4b:s2+s8], $0x1, s26, s8, $0xb8;
	v63 =	vld [tilespmem:$0x0]  }
0x36f: {  	s28 =	sadd.s32 $0x13780, s25;
	s29 =	sadd.s32 $0x3780, s25  }
0x370: {  	[tilespmem:s28], [sflag:$0x1] =	stream.indirect.gather [hbm4b:s2+s8], $0x1, s29, s8, $0xb8;
	v63 =	vld [tilespmem:$0x0]  }
0x371: {  	s24 =	sadd.s32 $0x13800, s25;
	s26 =	sadd.s32 $0x3800, s25  }
0x372: {  	[tilespmem:s24], [sflag:$0x1] =	stream.indirect.gather [hbm4b:s2+s8], $0x1, s26, s8, $0xb8;
	v63 =	vld [tilespmem:$0x0]  }
0x373: {  	s28 =	sadd.s32 $0x13880, s25;
	s29 =	sadd.s32 $0x3880, s25  }
0x374: {  	[tilespmem:s28], [sflag:$0x1] =	stream.indirect.gather [hbm4b:s2+s8], $0x1, s29, s8, $0xb8;
	v63 =	vld [tilespmem:$0x0]  }
0x375: {  	s24 =	sadd.s32 $0x13900, s25;
	s26 =	sadd.s32 $0x3900, s25  }
0x376: {  	[tilespmem:s24], [sflag:$0x1] =	stream.indirect.gather [hbm4b:s2+s8], $0x1, s26, s8, $0xb8;
	v63 =	vld [tilespmem:$0x0]  }
0x377: {  	s28 =	sadd.s32 $0x13980, s25;
	s29 =	sadd.s32 $0x3980, s25  }
0x378: {  	[tilespmem:s28], [sflag:$0x1] =	stream.indirect.gather [hbm4b:s2+s8], $0x1, s29, s8, $0xb8;
	v63 =	vld [tilespmem:$0x0]  }
0x379: {  	s24 =	sadd.s32 $0x13A00, s25;
	s26 =	sadd.s32 $0x3A00, s25  }
0x37a: {  	[tilespmem:s24], [sflag:$0x1] =	stream.indirect.gather [hbm4b:s2+s8], $0x1, s26, s8, $0xb8;
	v63 =	vld [tilespmem:$0x0]  }
0x37b: {  	s28 =	sadd.s32 $0x13A80, s25;
	s29 =	sadd.s32 $0x3A80, s25  }
0x37c: {  	[tilespmem:s28], [sflag:$0x1] =	stream.indirect.gather [hbm4b:s2+s8], $0x1, s29, s8, $0xb8;
	v63 =	vld [tilespmem:$0x0]  }
0x37d: {  	s24 =	sadd.s32 $0x13B00, s25;
	s26 =	sadd.s32 $0x3B00, s25  }
0x37e: {  	[tilespmem:s24], [sflag:$0x1] =	stream.indirect.gather [hbm4b:s2+s8], $0x1, s26, s8, $0xb8;
	v63 =	vld [tilespmem:$0x0]  }
0x37f: {  	s28 =	sadd.s32 $0x13B80, s25;
	s29 =	sadd.s32 $0x3B80, s25  }
0x380: {  	[tilespmem:s28], [sflag:$0x1] =	stream.indirect.gather [hbm4b:s2+s8], $0x1, s29, s8, $0xb8;
	v63 =	vld [tilespmem:$0x0]  }
0x381: {  	s24 =	sadd.s32 $0x13C00, s25;
	s26 =	sadd.s32 $0x3C00, s25  }
0x382: {  	[tilespmem:s24], [sflag:$0x1] =	stream.indirect.gather [hbm4b:s2+s8], $0x1, s26, s8, $0xb8;
	v63 =	vld [tilespmem:$0x0]  }
0x383: {  	s28 =	sadd.s32 $0x13C80, s25;
	s29 =	sadd.s32 $0x3C80, s25  }
0x384: {  	[tilespmem:s28], [sflag:$0x1] =	stream.indirect.gather [hbm4b:s2+s8], $0x1, s29, s8, $0xb8;
	v63 =	vld [tilespmem:$0x0]  }
0x385: {  	s24 =	sadd.s32 $0x13D00, s25;
	s26 =	sadd.s32 $0x3D00, s25  }
0x386: {  	[tilespmem:s24], [sflag:$0x1] =	stream.indirect.gather [hbm4b:s2+s8], $0x1, s26, s8, $0xb8;
	v63 =	vld [tilespmem:$0x0]  }
0x387: {  	s28 =	sadd.s32 $0x13D80, s25;
	s29 =	sadd.s32 $0x3D80, s25  }
0x388: {  	[tilespmem:s28], [sflag:$0x1] =	stream.indirect.gather [hbm4b:s2+s8], $0x1, s29, s8, $0xb8;
	v63 =	vld [tilespmem:$0x0]  }
0x389: {  	s24 =	sadd.s32 $0x13E00, s25;
	s26 =	sadd.s32 $0x3E00, s25  }
0x38a: {  	[tilespmem:s24], [sflag:$0x1] =	stream.indirect.gather [hbm4b:s2+s8], $0x1, s26, s8, $0xb8;
	v63 =	vld [tilespmem:$0x0]  }
0x38b: {  	s28 =	sadd.s32 $0x13E80, s25;
	s29 =	sadd.s32 $0x3E80, s25  }
0x38c: {  	[tilespmem:s28], [sflag:$0x1] =	stream.indirect.gather [hbm4b:s2+s8], $0x1, s29, s8, $0xb8;
	v63 =	vld [tilespmem:$0x0]  }
0x38d: {  	s24 =	sadd.s32 $0x13F00, s25;
	s26 =	sadd.s32 $0x3F00, s25  }
0x38e: {  	[tilespmem:s24], [sflag:$0x1] =	stream.indirect.gather [hbm4b:s2+s8], $0x1, s26, s8, $0xb8;
	v63 =	vld [tilespmem:$0x0]  }
0x38f: {  	s28 =	sadd.s32 $0x13F80, s25;
	s29 =	sadd.s32 $0x3F80, s25  }
0x390: {  	[tilespmem:s28], [sflag:$0x1] =	stream.indirect.gather [hbm4b:s2+s8], $0x1, s29, s8, $0xb8;
	v63 =	vld [tilespmem:$0x0]  }
0x391: {  	_ =	swait.ge [sflag:s21], $0x64  }
0x392: {  	[sflag:s21] =	ssyncset.done $0x0  }
0x393: {  	[sflag:s21] =	ssyncadd.s32 $0xFFFFFF9C  }
0x394: {  	_ =	swait.ge [sflag:s21], $0x64  }
0x395: {  	[sflag:s21] =	ssyncset.done $0x0  }
0x396: {  	[sflag:s21] =	ssyncadd.s32 $0xFFFFFF9C  }
0x397: {  	_ =	swait.ge [sflag:s21], $0x64  }
0x398: {  	[sflag:s21] =	ssyncset.done $0x0  }
0x399: {  	[sflag:s21] =	ssyncadd.s32 $0xFFFFFF9C  }
0x39a: {  	_ =	swait.ge [sflag:s21], $0x64  }
0x39b: {  	[sflag:s21] =	ssyncset.done $0x0  }
0x39c: {  	[sflag:s21] =	ssyncadd.s32 $0xFFFFFF9C  }
0x39d: {  	_ =	swait.ge [sflag:s21], $0x64  }
0x39e: {  	[sflag:s21] =	ssyncset.done $0x0  }
0x39f: {  	[sflag:s21] =	ssyncadd.s32 $0xFFFFFF9C  }
0x3a0: {  	_ =	swait.ge [sflag:s21], $0x64  }
0x3a1: {  	[sflag:s21] =	ssyncset.done $0x0  }
0x3a2: {  	[sflag:s21] =	ssyncadd.s32 $0xFFFFFF9C  }
0x3a3: {  	_ =	swait.ge [sflag:s21], $0x64  }
0x3a4: {  	[sflag:s21] =	ssyncset.done $0x0  }
0x3a5: {  	[sflag:s21] =	ssyncadd.s32 $0xFFFFFF9C  }
0x3a6: {  	_ =	swait.ge [sflag:s21], $0x64  }
0x3a7: {  	[sflag:s21] =	ssyncset.done $0x0  }
0x3a8: {  	[sflag:s21] =	ssyncadd.s32 $0xFFFFFF9C  }
0x3a9: {  	_ =	swait.ge [sflag:s21], $0x64  }
0x3aa: {  	[sflag:s21] =	ssyncset.done $0x0  }
0x3ab: {  	[sflag:s21] =	ssyncadd.s32 $0xFFFFFF9C  }
0x3ac: {  	_ =	swait.ge [sflag:s21], $0x64  }
0x3ad: {  	[sflag:s21] =	ssyncset.done $0x0  }
0x3ae: {  	[sflag:s21] =	ssyncadd.s32 $0xFFFFFF9C  }
0x3af: {  	_ =	swait.ge [sflag:s21], $0x64  }
0x3b0: {  	[sflag:s21] =	ssyncset.done $0x0  }
0x3b1: {  	[sflag:s21] =	ssyncadd.s32 $0xFFFFFF9C  }
0x3b2: {  	_ =	swait.ge [sflag:s21], $0x64  }
0x3b3: {  	[sflag:s21] =	ssyncset.done $0x0  }
0x3b4: {  	[sflag:s21] =	ssyncadd.s32 $0xFFFFFF9C  }
0x3b5: {  	_ =	swait.ge [sflag:s21], $0x64  }
0x3b6: {  	[sflag:s21] =	ssyncset.done $0x0  }
0x3b7: {  	[sflag:s21] =	ssyncadd.s32 $0xFFFFFF9C  }
0x3b8: {  	_ =	swait.ge [sflag:s21], $0x64  }
0x3b9: {  	[sflag:s21] =	ssyncset.done $0x0  }
0x3ba: {  	[sflag:s21] =	ssyncadd.s32 $0xFFFFFF9C  }
0x3bb: {  	_ =	swait.ge [sflag:s21], $0x64  }
0x3bc: {  	[sflag:s21] =	ssyncset.done $0x0  }
0x3bd: {  	[sflag:s21] =	ssyncadd.s32 $0xFFFFFF9C  }
0x3be: {  	_ =	swait.ge [sflag:s21], $0x64  }
0x3bf: {  	[sflag:s21] =	ssyncset.done $0x0  }
0x3c0: {  	[sflag:s21] =	ssyncadd.s32 $0xFFFFFF9C  }
0x3c1: {  	_ =	swait.ge [sflag:s21], $0x64  }
0x3c2: {  	[sflag:s21] =	ssyncset.done $0x0  }
0x3c3: {  	[sflag:s21] =	ssyncadd.s32 $0xFFFFFF9C  }
0x3c4: {  	_ =	swait.ge [sflag:s21], $0x64  }
0x3c5: {  	[sflag:s21] =	ssyncset.done $0x0  }
0x3c6: {  	[sflag:s21] =	ssyncadd.s32 $0xFFFFFF9C  }
0x3c7: {  	_ =	swait.ge [sflag:s21], $0x64  }
0x3c8: {  	[sflag:s21] =	ssyncset.done $0x0  }
0x3c9: {  	[sflag:s21] =	ssyncadd.s32 $0xFFFFFF9C  }
0x3ca: {  	_ =	swait.ge [sflag:s21], $0x64  }
0x3cb: {  	[sflag:s21] =	ssyncset.done $0x0  }
0x3cc: {  	[sflag:s21] =	ssyncadd.s32 $0xFFFFFF9C  }
0x3cd: {  	_ =	swait.ge [sflag:s21], $0x64  }
0x3ce: {  	[sflag:s21] =	ssyncset.done $0x0  }
0x3cf: {  	[sflag:s21] =	ssyncadd.s32 $0xFFFFFF9C  }
0x3d0: {  	_ =	swait.ge [sflag:s21], $0x64  }
0x3d1: {  	[sflag:s21] =	ssyncset.done $0x0  }
0x3d2: {  	[sflag:s21] =	ssyncadd.s32 $0xFFFFFF9C  }
0x3d3: {  	_ =	swait.ge [sflag:s21], $0x64  }
0x3d4: {  	[sflag:s21] =	ssyncset.done $0x0  }
0x3d5: {  	[sflag:s21] =	ssyncadd.s32 $0xFFFFFF9C  }
0x3d6: {  	_ =	swait.ge [sflag:s21], $0x64  }
0x3d7: {  	[sflag:s21] =	ssyncset.done $0x0  }
0x3d8: {  	[sflag:s21] =	ssyncadd.s32 $0xFFFFFF9C  }
0x3d9: {  	_ =	swait.ge [sflag:s21], $0x64  }
0x3da: {  	[sflag:s21] =	ssyncset.done $0x0  }
0x3db: {  	[sflag:s21] =	ssyncadd.s32 $0xFFFFFF9C  }
0x3dc: {  	_ =	swait.ge [sflag:s21], $0x64  }
0x3dd: {  	[sflag:s21] =	ssyncset.done $0x0  }
0x3de: {  	[sflag:s21] =	ssyncadd.s32 $0xFFFFFF9C  }
0x3df: {  	_ =	swait.ge [sflag:s21], $0x64  }
0x3e0: {  	[sflag:s21] =	ssyncset.done $0x0  }
0x3e1: {  	[sflag:s21] =	ssyncadd.s32 $0xFFFFFF9C  }
0x3e2: {  	_ =	swait.ge [sflag:s21], $0x64  }
0x3e3: {  	[sflag:s21] =	ssyncset.done $0x0  }
0x3e4: {  	[sflag:s21] =	ssyncadd.s32 $0xFFFFFF9C  }
0x3e5: {  	_ =	swait.ge [sflag:s21], $0x64  }
0x3e6: {  	[sflag:s21] =	ssyncset.done $0x0  }
0x3e7: {  	[sflag:s21] =	ssyncadd.s32 $0xFFFFFF9C  }
0x3e8: {  	_ =	swait.ge [sflag:s21], $0x64  }
0x3e9: {  	[sflag:s21] =	ssyncset.done $0x0  }
0x3ea: {  	[sflag:s21] =	ssyncadd.s32 $0xFFFFFF9C  }
0x3eb: {  	_ =	swait.ge [sflag:s21], $0x64  }
0x3ec: {  	[sflag:s21] =	ssyncset.done $0x0  }
0x3ed: {  	[sflag:s21] =	ssyncadd.s32 $0xFFFFFF9C  }
0x3ee: {  	_ =	swait.ge [sflag:s21], $0x64  }
0x3ef: {  	[sflag:s21] =	ssyncset.done $0x0  }
0x3f0: {  	[sflag:s21] =	ssyncadd.s32 $0xFFFFFF9C  }
0x3f1: {  	_ =	swait.ge [sflag:s21], $0x64  }
0x3f2: {  	[sflag:s21] =	ssyncset.done $0x0  }
0x3f3: {  	[sflag:s21] =	ssyncadd.s32 $0xFFFFFF9C  }
0x3f4: {  	_ =	swait.ge [sflag:s21], $0x64  }
0x3f5: {  	[sflag:s21] =	ssyncset.done $0x0  }
0x3f6: {  	[sflag:s21] =	ssyncadd.s32 $0xFFFFFF9C  }
0x3f7: {  	_ =	swait.ge [sflag:s21], $0x64  }
0x3f8: {  	[sflag:s21] =	ssyncset.done $0x0  }
0x3f9: {  	[sflag:s21] =	ssyncadd.s32 $0xFFFFFF9C  }
0x3fa: {  	_ =	swait.ge [sflag:s21], $0x64  }
0x3fb: {  	[sflag:s21] =	ssyncset.done $0x0  }
0x3fc: {  	[sflag:s21] =	ssyncadd.s32 $0xFFFFFF9C  }
0x3fd: {  	_ =	swait.ge [sflag:s21], $0x64  }
0x3fe: {  	[sflag:s21] =	ssyncset.done $0x0  }
0x3ff: {  	[sflag:s21] =	ssyncadd.s32 $0xFFFFFF9C  }
0x400: {  	_ =	swait.ge [sflag:s21], $0x64  }
0x401: {  	[sflag:s21] =	ssyncset.done $0x0  }
0x402: {  	[sflag:s21] =	ssyncadd.s32 $0xFFFFFF9C  }
0x403: {  	_ =	swait.ge [sflag:s21], $0x64  }
0x404: {  	[sflag:s21] =	ssyncset.done $0x0  }
0x405: {  	[sflag:s21] =	ssyncadd.s32 $0xFFFFFF9C  }
0x406: {  	_ =	swait.ge [sflag:s21], $0x64  }
0x407: {  	[sflag:s21] =	ssyncset.done $0x0  }
0x408: {  	[sflag:s21] =	ssyncadd.s32 $0xFFFFFF9C  }
0x409: {  	_ =	swait.ge [sflag:s21], $0x64  }
0x40a: {  	[sflag:s21] =	ssyncset.done $0x0  }
0x40b: {  	[sflag:s21] =	ssyncadd.s32 $0xFFFFFF9C  }
0x40c: {  	_ =	swait.ge [sflag:s21], $0x64  }
0x40d: {  	[sflag:s21] =	ssyncset.done $0x0  }
0x40e: {  	[sflag:s21] =	ssyncadd.s32 $0xFFFFFF9C  }
0x40f: {  	_ =	swait.ge [sflag:s21], $0x64  }
0x410: {  	[sflag:s21] =	ssyncset.done $0x0  }
0x411: {  	[sflag:s21] =	ssyncadd.s32 $0xFFFFFF9C  }
0x412: {  	_ =	swait.ge [sflag:s21], $0x64  }
0x413: {  	[sflag:s21] =	ssyncset.done $0x0  }
0x414: {  	[sflag:s21] =	ssyncadd.s32 $0xFFFFFF9C  }
0x415: {  	_ =	swait.ge [sflag:s21], $0x64  }
0x416: {  	[sflag:s21] =	ssyncset.done $0x0  }
0x417: {  	[sflag:s21] =	ssyncadd.s32 $0xFFFFFF9C  }
0x418: {  	_ =	swait.ge [sflag:s21], $0x64  }
0x419: {  	[sflag:s21] =	ssyncset.done $0x0  }
0x41a: {  	[sflag:s21] =	ssyncadd.s32 $0xFFFFFF9C  }
0x41b: {  	_ =	swait.ge [sflag:s21], $0x64  }
0x41c: {  	[sflag:s21] =	ssyncset.done $0x0  }
0x41d: {  	[sflag:s21] =	ssyncadd.s32 $0xFFFFFF9C  }
0x41e: {  	_ =	swait.ge [sflag:s21], $0x64  }
0x41f: {  	[sflag:s21] =	ssyncset.done $0x0  }
0x420: {  	[sflag:s21] =	ssyncadd.s32 $0xFFFFFF9C  }
0x421: {  	_ =	swait.ge [sflag:s21], $0x64  }
0x422: {  	[sflag:s21] =	ssyncset.done $0x0  }
0x423: {  	[sflag:s21] =	ssyncadd.s32 $0xFFFFFF9C  }
0x424: {  	_ =	swait.ge [sflag:s21], $0x64  }
0x425: {  	[sflag:s21] =	ssyncset.done $0x0  }
0x426: {  	[sflag:s21] =	ssyncadd.s32 $0xFFFFFF9C  }
0x427: {  	_ =	swait.ge [sflag:s21], $0x64  }
0x428: {  	[sflag:s21] =	ssyncset.done $0x0  }
0x429: {  	[sflag:s21] =	ssyncadd.s32 $0xFFFFFF9C  }
0x42a: {  	_ =	swait.ge [sflag:s21], $0x64  }
0x42b: {  	[sflag:s21] =	ssyncset.done $0x0  }
0x42c: {  	[sflag:s21] =	ssyncadd.s32 $0xFFFFFF9C  }
0x42d: {  	_ =	swait.ge [sflag:s21], $0x64  }
0x42e: {  	[sflag:s21] =	ssyncset.done $0x0  }
0x42f: {  	[sflag:s21] =	ssyncadd.s32 $0xFFFFFF9C  }
0x430: {  	_ =	swait.ge [sflag:s21], $0x64  }
0x431: {  	[sflag:s21] =	ssyncset.done $0x0  }
0x432: {  	[sflag:s21] =	ssyncadd.s32 $0xFFFFFF9C  }
0x433: {  	_ =	swait.ge [sflag:s21], $0x64  }
0x434: {  	[sflag:s21] =	ssyncset.done $0x0  }
0x435: {  	[sflag:s21] =	ssyncadd.s32 $0xFFFFFF9C  }
0x436: {  	_ =	swait.ge [sflag:s21], $0x64  }
0x437: {  	[sflag:s21] =	ssyncset.done $0x0  }
0x438: {  	[sflag:s21] =	ssyncadd.s32 $0xFFFFFF9C  }
0x439: {  	_ =	swait.ge [sflag:s21], $0x64  }
0x43a: {  	[sflag:s21] =	ssyncset.done $0x0  }
0x43b: {  	[sflag:s21] =	ssyncadd.s32 $0xFFFFFF9C  }
0x43c: {  	_ =	swait.ge [sflag:s21], $0x64  }
0x43d: {  	[sflag:s21] =	ssyncset.done $0x0  }
0x43e: {  	[sflag:s21] =	ssyncadd.s32 $0xFFFFFF9C  }
0x43f: {  	_ =	swait.ge [sflag:s21], $0x64  }
0x440: {  	[sflag:s21] =	ssyncset.done $0x0  }
0x441: {  	[sflag:s21] =	ssyncadd.s32 $0xFFFFFF9C  }
0x442: {  	_ =	swait.ge [sflag:s21], $0x64  }
0x443: {  	[sflag:s21] =	ssyncset.done $0x0  }
0x444: {  	[sflag:s21] =	ssyncadd.s32 $0xFFFFFF9C  }
0x445: {  	_ =	swait.ge [sflag:s21], $0x64  }
0x446: {  	[sflag:s21] =	ssyncset.done $0x0  }
0x447: {  	[sflag:s21] =	ssyncadd.s32 $0xFFFFFF9C  }
0x448: {  	_ =	swait.ge [sflag:s21], $0x64  }
0x449: {  	[sflag:s21] =	ssyncset.done $0x0  }
0x44a: {  	[sflag:s21] =	ssyncadd.s32 $0xFFFFFF9C  }
0x44b: {  	_ =	swait.ge [sflag:s21], $0x64  }
0x44c: {  	[sflag:s21] =	ssyncset.done $0x0  }
0x44d: {  	[sflag:s21] =	ssyncadd.s32 $0xFFFFFF9C  }
0x44e: {  	_ =	swait.ge [sflag:s21], $0x64  }
0x44f: {  	[sflag:s21] =	ssyncset.done $0x0  }
0x450: {  	[sflag:s21] =	ssyncadd.s32 $0xFFFFFF9C  }
0x451: {  	_ =	swait.ge [sflag:s21], $0x64  }
0x452: {  	[sflag:s21] =	ssyncset.done $0x0  }
0x453: {  	[sflag:s21] =	ssyncadd.s32 $0xFFFFFF9C  }
0x454: {  	_ =	swait.ge [sflag:s21], $0x64  }
0x455: {  	[sflag:s21] =	ssyncset.done $0x0  }
0x456: {  	[sflag:s21] =	ssyncadd.s32 $0xFFFFFF9C  }
0x457: {  	_ =	swait.ge [sflag:s21], $0x64  }
0x458: {  	[sflag:s21] =	ssyncset.done $0x0  }
0x459: {  	[sflag:s21] =	ssyncadd.s32 $0xFFFFFF9C  }
0x45a: {  	_ =	swait.ge [sflag:s21], $0x64  }
0x45b: {  	[sflag:s21] =	ssyncset.done $0x0  }
0x45c: {  	[sflag:s21] =	ssyncadd.s32 $0xFFFFFF9C  }
0x45d: {  	_ =	swait.ge [sflag:s21], $0x64  }
0x45e: {  	[sflag:s21] =	ssyncset.done $0x0  }
0x45f: {  	[sflag:s21] =	ssyncadd.s32 $0xFFFFFF9C  }
0x460: {  	_ =	swait.ge [sflag:s21], $0x64  }
0x461: {  	[sflag:s21] =	ssyncset.done $0x0  }
0x462: {  	[sflag:s21] =	ssyncadd.s32 $0xFFFFFF9C  }
0x463: {  	_ =	swait.ge [sflag:s21], $0x64  }
0x464: {  	[sflag:s21] =	ssyncset.done $0x0  }
0x465: {  	[sflag:s21] =	ssyncadd.s32 $0xFFFFFF9C  }
0x466: {  	_ =	swait.ge [sflag:s21], $0x64  }
0x467: {  	[sflag:s21] =	ssyncset.done $0x0  }
0x468: {  	[sflag:s21] =	ssyncadd.s32 $0xFFFFFF9C  }
0x469: {  	_ =	swait.ge [sflag:s21], $0x64  }
0x46a: {  	[sflag:s21] =	ssyncset.done $0x0  }
0x46b: {  	[sflag:s21] =	ssyncadd.s32 $0xFFFFFF9C  }
0x46c: {  	_ =	swait.ge [sflag:s21], $0x64  }
0x46d: {  	[sflag:s21] =	ssyncset.done $0x0  }
0x46e: {  	[sflag:s21] =	ssyncadd.s32 $0xFFFFFF9C  }
0x46f: {  	_ =	swait.ge [sflag:s21], $0x64  }
0x470: {  	[sflag:s21] =	ssyncset.done $0x0  }
0x471: {  	[sflag:s21] =	ssyncadd.s32 $0xFFFFFF9C  }
0x472: {  	_ =	swait.ge [sflag:s21], $0x64  }
0x473: {  	[sflag:s21] =	ssyncset.done $0x0  }
0x474: {  	[sflag:s21] =	ssyncadd.s32 $0xFFFFFF9C  }
0x475: {  	_ =	swait.ge [sflag:s21], $0x64  }
0x476: {  	[sflag:s21] =	ssyncset.done $0x0  }
0x477: {  	[sflag:s21] =	ssyncadd.s32 $0xFFFFFF9C  }
0x478: {  	_ =	swait.ge [sflag:s21], $0x64  }
0x479: {  	[sflag:s21] =	ssyncset.done $0x0  }
0x47a: {  	[sflag:s21] =	ssyncadd.s32 $0xFFFFFF9C  }
0x47b: {  	_ =	swait.ge [sflag:s21], $0x64  }
0x47c: {  	[sflag:s21] =	ssyncset.done $0x0  }
0x47d: {  	[sflag:s21] =	ssyncadd.s32 $0xFFFFFF9C  }
0x47e: {  	_ =	swait.ge [sflag:s21], $0x64  }
0x47f: {  	[sflag:s21] =	ssyncset.done $0x0  }
0x480: {  	[sflag:s21] =	ssyncadd.s32 $0xFFFFFF9C  }
0x481: {  	_ =	swait.ge [sflag:s21], $0x64  }
0x482: {  	[sflag:s21] =	ssyncset.done $0x0  }
0x483: {  	[sflag:s21] =	ssyncadd.s32 $0xFFFFFF9C  }
0x484: {  	_ =	swait.ge [sflag:s21], $0x64  }
0x485: {  	[sflag:s21] =	ssyncset.done $0x0  }
0x486: {  	[sflag:s21] =	ssyncadd.s32 $0xFFFFFF9C  }
0x487: {  	_ =	swait.ge [sflag:s21], $0x64  }
0x488: {  	[sflag:s21] =	ssyncset.done $0x0  }
0x489: {  	[sflag:s21] =	ssyncadd.s32 $0xFFFFFF9C  }
0x48a: {  	_ =	swait.ge [sflag:s21], $0x64  }
0x48b: {  	[sflag:s21] =	ssyncset.done $0x0  }
0x48c: {  	[sflag:s21] =	ssyncadd.s32 $0xFFFFFF9C  }
0x48d: {  	_ =	swait.ge [sflag:s21], $0x64  }
0x48e: {  	[sflag:s21] =	ssyncset.done $0x0  }
0x48f: {  	[sflag:s21] =	ssyncadd.s32 $0xFFFFFF9C  }
0x490: {  	_ =	swait.ge [sflag:s21], $0x64  }
0x491: {  	[sflag:s21] =	ssyncset.done $0x0  }
0x492: {  	[sflag:s21] =	ssyncadd.s32 $0xFFFFFF9C  }
0x493: {  	_ =	swait.ge [sflag:s21], $0x64  }
0x494: {  	[sflag:s21] =	ssyncset.done $0x0  }
0x495: {  	[sflag:s21] =	ssyncadd.s32 $0xFFFFFF9C  }
0x496: {  	_ =	swait.ge [sflag:s21], $0x64  }
0x497: {  	[sflag:s21] =	ssyncset.done $0x0  }
0x498: {  	[sflag:s21] =	ssyncadd.s32 $0xFFFFFF9C  }
0x499: {  	_ =	swait.ge [sflag:s21], $0x64  }
0x49a: {  	[sflag:s21] =	ssyncset.done $0x0  }
0x49b: {  	[sflag:s21] =	ssyncadd.s32 $0xFFFFFF9C  }
0x49c: {  	_ =	swait.ge [sflag:s21], $0x64  }
0x49d: {  	[sflag:s21] =	ssyncset.done $0x0  }
0x49e: {  	[sflag:s21] =	ssyncadd.s32 $0xFFFFFF9C  }
0x49f: {  	_ =	swait.ge [sflag:s21], $0x64  }
0x4a0: {  	[sflag:s21] =	ssyncset.done $0x0  }
0x4a1: {  	[sflag:s21] =	ssyncadd.s32 $0xFFFFFF9C  }
0x4a2: {  	_ =	swait.ge [sflag:s21], $0x64  }
0x4a3: {  	[sflag:s21] =	ssyncset.done $0x0  }
0x4a4: {  	[sflag:s21] =	ssyncadd.s32 $0xFFFFFF9C  }
0x4a5: {  	_ =	swait.ge [sflag:s21], $0x64  }
0x4a6: {  	[sflag:s21] =	ssyncset.done $0x0  }
0x4a7: {  	[sflag:s21] =	ssyncadd.s32 $0xFFFFFF9C  }
0x4a8: {  	_ =	swait.ge [sflag:s21], $0x64  }
0x4a9: {  	[sflag:s21] =	ssyncset.done $0x0  }
0x4aa: {  	[sflag:s21] =	ssyncadd.s32 $0xFFFFFF9C  }
0x4ab: {  	_ =	swait.ge [sflag:s21], $0x64  }
0x4ac: {  	[sflag:s21] =	ssyncset.done $0x0  }
0x4ad: {  	[sflag:s21] =	ssyncadd.s32 $0xFFFFFF9C  }
0x4ae: {  	_ =	swait.ge [sflag:s21], $0x64  }
0x4af: {  	[sflag:s21] =	ssyncset.done $0x0  }
0x4b0: {  	[sflag:s21] =	ssyncadd.s32 $0xFFFFFF9C  }
0x4b1: {  	_ =	swait.ge [sflag:s21], $0x64  }
0x4b2: {  	[sflag:s21] =	ssyncset.done $0x0  }
0x4b3: {  	[sflag:s21] =	ssyncadd.s32 $0xFFFFFF9C  }
0x4b4: {  	_ =	swait.ge [sflag:s21], $0x64  }
0x4b5: {  	[sflag:s21] =	ssyncset.done $0x0  }
0x4b6: {  	[sflag:s21] =	ssyncadd.s32 $0xFFFFFF9C  }
0x4b7: {  	_ =	swait.ge [sflag:s21], $0x64  }
0x4b8: {  	[sflag:s21] =	ssyncset.done $0x0  }
0x4b9: {  	[sflag:s21] =	ssyncadd.s32 $0xFFFFFF9C  }
0x4ba: {  	_ =	swait.ge [sflag:s21], $0x64  }
0x4bb: {  	[sflag:s21] =	ssyncset.done $0x0  }
0x4bc: {  	[sflag:s21] =	ssyncadd.s32 $0xFFFFFF9C  }
0x4bd: {  	_ =	swait.ge [sflag:s21], $0x64  }
0x4be: {  	[sflag:s21] =	ssyncset.done $0x0  }
0x4bf: {  	[sflag:s21] =	ssyncadd.s32 $0xFFFFFF9C  }
0x4c0: {  	_ =	swait.ge [sflag:s21], $0x64  }
0x4c1: {  	[sflag:s21] =	ssyncset.done $0x0  }
0x4c2: {  	[sflag:s21] =	ssyncadd.s32 $0xFFFFFF9C  }
0x4c3: {  	_ =	swait.ge [sflag:s21], $0x64  }
0x4c4: {  	[sflag:s21] =	ssyncset.done $0x0  }
0x4c5: {  	[sflag:s21] =	ssyncadd.s32 $0xFFFFFF9C  }
0x4c6: {  	_ =	swait.ge [sflag:s21], $0x64  }
0x4c7: {  	[sflag:s21] =	ssyncset.done $0x0  }
0x4c8: {  	[sflag:s21] =	ssyncadd.s32 $0xFFFFFF9C  }
0x4c9: {  	_ =	swait.ge [sflag:s21], $0x64  }
0x4ca: {  	[sflag:s21] =	ssyncset.done $0x0  }
0x4cb: {  	[sflag:s21] =	ssyncadd.s32 $0xFFFFFF9C  }
0x4cc: {  	_ =	swait.ge [sflag:s21], $0x64  }
0x4cd: {  	[sflag:s21] =	ssyncset.done $0x0  }
0x4ce: {  	[sflag:s21] =	ssyncadd.s32 $0xFFFFFF9C  }
0x4cf: {  	_ =	swait.ge [sflag:s21], $0x64  }
0x4d0: {  	[sflag:s21] =	ssyncset.done $0x0  }
0x4d1: {  	[sflag:s21] =	ssyncadd.s32 $0xFFFFFF9C  }
0x4d2: {  	_ =	swait.ge [sflag:s21], $0x64  }
0x4d3: {  	[sflag:s21] =	ssyncset.done $0x0  }
0x4d4: {  	[sflag:s21] =	ssyncadd.s32 $0xFFFFFF9C  }
0x4d5: {  	_ =	swait.ge [sflag:s21], $0x64  }
0x4d6: {  	[sflag:s21] =	ssyncset.done $0x0  }
0x4d7: {  	[sflag:s21] =	ssyncadd.s32 $0xFFFFFF9C  }
0x4d8: {  	_ =	swait.ge [sflag:s21], $0x64  }
0x4d9: {  	[sflag:s21] =	ssyncset.done $0x0  }
0x4da: {  	[sflag:s21] =	ssyncadd.s32 $0xFFFFFF9C  }
0x4db: {  	_ =	swait.ge [sflag:s21], $0x64  }
0x4dc: {  	[sflag:s21] =	ssyncset.done $0x0  }
0x4dd: {  	[sflag:s21] =	ssyncadd.s32 $0xFFFFFF9C  }
0x4de: {  	_ =	swait.ge [sflag:s21], $0x64  }
0x4df: {  	[sflag:s21] =	ssyncset.done $0x0  }
0x4e0: {  	[sflag:s21] =	ssyncadd.s32 $0xFFFFFF9C  }
0x4e1: {  	_ =	swait.ge [sflag:s21], $0x64  }
0x4e2: {  	[sflag:s21] =	ssyncset.done $0x0  }
0x4e3: {  	[sflag:s21] =	ssyncadd.s32 $0xFFFFFF9C  }
0x4e4: {  	_ =	swait.ge [sflag:s21], $0x64  }
0x4e5: {  	[sflag:s21] =	ssyncset.done $0x0  }
0x4e6: {  	[sflag:s21] =	ssyncadd.s32 $0xFFFFFF9C  }
0x4e7: {  	_ =	swait.ge [sflag:s21], $0x64  }
0x4e8: {  	[sflag:s21] =	ssyncset.done $0x0  }
0x4e9: {  	[sflag:s21] =	ssyncadd.s32 $0xFFFFFF9C  }
0x4ea: {  	_ =	swait.ge [sflag:s21], $0x64  }
0x4eb: {  	[sflag:s21] =	ssyncset.done $0x0  }
0x4ec: {  	[sflag:s21] =	ssyncadd.s32 $0xFFFFFF9C  }
0x4ed: {  	_ =	swait.ge [sflag:s21], $0x64  }
0x4ee: {  	[sflag:s21] =	ssyncset.done $0x0  }
0x4ef: {  	[sflag:s21] =	ssyncadd.s32 $0xFFFFFF9C  }
0x4f0: {  	_ =	swait.ge [sflag:s21], $0x64  }
0x4f1: {  	[sflag:s21] =	ssyncset.done $0x0  }
0x4f2: {  	[sflag:s21] =	ssyncadd.s32 $0xFFFFFF9C  }
0x4f3: {  	_ =	swait.ge [sflag:s21], $0x64  }
0x4f4: {  	[sflag:s21] =	ssyncset.done $0x0  }
0x4f5: {  	[sflag:s21] =	ssyncadd.s32 $0xFFFFFF9C  }
0x4f6: {  	_ =	swait.ge [sflag:s21], $0x64  }
0x4f7: {  	[sflag:s21] =	ssyncset.done $0x0  }
0x4f8: {  	[sflag:s21] =	ssyncadd.s32 $0xFFFFFF9C  }
0x4f9: {  	_ =	swait.ge [sflag:s21], $0x64  }
0x4fa: {  	[sflag:s21] =	ssyncset.done $0x0  }
0x4fb: {  	[sflag:s21] =	ssyncadd.s32 $0xFFFFFF9C  }
0x4fc: {  	_ =	swait.ge [sflag:s21], $0x64  }
0x4fd: {  	[sflag:s21] =	ssyncset.done $0x0  }
0x4fe: {  	[sflag:s21] =	ssyncadd.s32 $0xFFFFFF9C  }
0x4ff: {  	_ =	swait.ge [sflag:s21], $0x64  }
0x500: {  	[sflag:s21] =	ssyncset.done $0x0  }
0x501: {  	[sflag:s21] =	ssyncadd.s32 $0xFFFFFF9C  }
0x502: {  	_ =	swait.ge [sflag:s21], $0x64  }
0x503: {  	[sflag:s21] =	ssyncset.done $0x0  }
0x504: {  	[sflag:s21] =	ssyncadd.s32 $0xFFFFFF9C  }
0x505: {  	_ =	swait.ge [sflag:s21], $0x64  }
0x506: {  	[sflag:s21] =	ssyncset.done $0x0  }
0x507: {  	[sflag:s21] =	ssyncadd.s32 $0xFFFFFF9C  }
0x508: {  	_ =	swait.ge [sflag:s21], $0x64  }
0x509: {  	[sflag:s21] =	ssyncset.done $0x0  }
0x50a: {  	[sflag:s21] =	ssyncadd.s32 $0xFFFFFF9C  }
0x50b: {  	_ =	swait.ge [sflag:s21], $0x64  }
0x50c: {  	[sflag:s21] =	ssyncset.done $0x0  }
0x50d: {  	[sflag:s21] =	ssyncadd.s32 $0xFFFFFF9C  }
0x50e: {  	s22 =	sadd.s32 $0x1, s22;
	_ =	swait.ge [sflag:s21], $0x64  }
0x50f: {  	p0 =	sne.s32 s22, s6;
	[sflag:s21] =	ssyncset.done $0x0  }
.Ltmp1:
0x510: {  	[sflag:s21] =	ssyncadd.s32 $0xFFFFFF9C;
	(pc) =	sbr.rel @p0 .LBB2_1-.Ltmp1, $4  }
0x511: {  	[hbm4b:s5+s3] =	stream.linear.scatter [tilespmem:s9], [sflag:$0x2], $0x10000, $0x38;
	v63 =	vld [tilespmem:$0x0]  }
0x512: {  	_ =	swait.ge [sflag:s7], $0x10000  }
0x513: {  	[sflag:s7] =	ssyncset.done $0x0  }
0x514: {  	[sflag:s7] =	ssyncadd.s32 $0xFFFF0000  }
0x515: {  	_ =	sfence.sel $0x180000  }
0x516: {  	[bflag:$0x0] =	sbarrier.arrive $0xFFFF  }
0x517: {  	_ =	strace $0x90000047  }
0x518: {  	s0 =	stileid.u32;
	[bflag:$0x2] =	sbarrier.arrive $0xFFFF  }
0x519: {  	p0 =	sne.s32 s0, $0x0;
	s0 =	rddreg [dreg:$0x2]  }
0x51a: {  	s0 =	sadd.s32 @!p0 $0x100000, s0  }
0x51b: {  	[sflag:s0] =	ssyncadd.tile.s32 @!p0 $0x1;
	_ =	shalt  }
.Lfunc_end2:
_tile_overlayer_lowered:
.L_overlay_start_2:
0x51c: {  	(tag) =	ssettag $0x2  }
0x51d: {  	s0 =	rddreg [dreg:$0x0];
	s2 =	stileid.u32  }
0x51e: {  	s1 =	rddreg [dreg:$0x1];
	p0 =	sne.s32 s2, $0x0  }
0x51f: {  	s3 =	rddreg [dreg:$0x2];
	[bflag:$0x3] =	sbarrier.arrive $0xFFFF;
	s2 =	simm.s32 @!p0 $0x1C02  }
0x520: {  	[timem:s3], [sflag:s2] =	dma.local @!p0 [hbm:s0], s1  }
0x521: {  	s0 =	simm.s32 @!p0 $0x2  }
0x522: {  	_ =	swait.ge @!p0 [sflag:s0], s1  }
0x523: {  	s1 =	ssub.s32 @!p0 $0x0, s1;
	[sflag:s0] =	ssyncset.done @!p0 $0x0  }
0x524: {  	[sflag:s0] =	ssyncadd.s32 @!p0 s1  }
0x525: {  	[bflag:$0x3] =	sbarrier.arrive $0xFFFF  }
0x526: {  	_ =	shalt  }

</sc_bundles>
